<compile_context>
chip_gen: v7x
topology: tpu7x:2x2x1
jax: 0.10.2.dev20260603
libtpu: 0.0.44.dev20260713+nightly
codegen_flags: <defaults>
</compile_context>

<pallas_src>
import functools

import jax
import jax.numpy as jnp
import numpy as np
from jax import lax
from jax.experimental import pallas as pl
from jax.experimental.pallas import tpu as pltpu
from jax.experimental.pallas import tpu_sc as plsc

N_FIELDS = 26
VOCAB = 100000
EMB = 32
BATCH = 4096
NI = N_FIELDS + 1
DTOT = NI * EMB

NC, NS = 2, 16
NW = NC * NS
ROWS_TOT = BATCH * N_FIELDS
CHUNK = 128
NCHUNK = ROWS_TOT // (NW * CHUNK)


SAMP = BATCH // NW
RPW = SAMP * N_FIELDS


def _sc_gather(table, lsi):

    @functools.partial(
        pl.kernel,
        mesh=plsc.VectorSubcoreMesh(core_axis_name="c", subcore_axis_name="s"),
        out_type=jax.ShapeDtypeStruct((NW * RPW, EMB), jnp.float32),
        scratch_types=[
            pltpu.VMEM((N_FIELDS, SAMP), jnp.int32),
            pltpu.VMEM((RPW,), jnp.int32),
            pltpu.VMEM((RPW, EMB), jnp.float32),
            pltpu.SemaphoreType.DMA,
        ],
        compiler_params=pltpu.CompilerParams(
            use_tc_tiling_on_sc=False, needs_layout_passes=False),
    )
    def k(table_hbm, lsi_hbm, out_hbm, idx2_v, idxt_v, rows_v, sem):
        wid = lax.axis_index("s") * NC + lax.axis_index("c")
        pltpu.sync_copy(lsi_hbm.at[:, pl.ds(wid * SAMP, SAMP)], idx2_v)
        lane_sc = lax.iota(jnp.int32, 16) * N_FIELDS
        for kf in range(N_FIELDS):
            for g in range(SAMP // 16):
                v = idx2_v[kf, pl.ds(g * 16, 16)] + (kf * VOCAB)
                plsc.store_scatter(
                    idxt_v, [lane_sc + (g * 16 * N_FIELDS + kf)], v)
        half = NCHUNK // 2
        for lo in (0, half):
            cps = [
                pltpu.async_copy(
                    table_hbm.at[idxt_v.at[pl.ds(c * CHUNK, CHUNK)]],
                    rows_v.at[pl.ds(c * CHUNK, CHUNK)], sem)
                for c in range(lo, lo + half)
            ]
            for cp in cps:
                cp.wait()
        pltpu.sync_copy(rows_v, out_hbm.at[pl.ds(wid * RPW, RPW)])

    return k(table, lsi)


def _tc_body(dx, emb, w0, b0, w1, b1, w2, b2, blocksum, wtop, tb0, wt1, tb1,
             wt2, tb2, out):
    f32 = jnp.float32
    bf16 = jnp.bfloat16
    x = jnp.maximum(jnp.dot(dx[...], w0[...], preferred_element_type=f32)
                    + b0[...], 0.0)
    x = jnp.maximum(jnp.dot(x.astype(bf16), w1[...],
                            preferred_element_type=f32) + b1[...], 0.0)
    x = jnp.maximum(jnp.dot(x.astype(bf16), w2[...],
                            preferred_element_type=f32) + b2[...], 0.0)
    xb = x.astype(bf16)
    t = jnp.concatenate([xb, emb[...]], axis=1)
    s_mat = blocksum[...]
    parts = [xb]
    for o in range(1, NI):
        s = o * EMB
        rolled = jnp.concatenate([t[:, DTOT - s:], t[:, :DTOT - s]], axis=1)
        zo = jnp.dot(t * rolled, s_mat, preferred_element_type=f32)
        parts.append(zo.astype(bf16))
    r = jnp.concatenate(parts, axis=1)
    h = jnp.maximum(jnp.dot(r, wtop[...], preferred_element_type=f32)
                    + tb0[...], 0.0)
    h = jnp.maximum(jnp.dot(h.astype(bf16), wt1[...],
                            preferred_element_type=f32) + tb1[...], 0.0)
    h = jnp.dot(h.astype(bf16), wt2[...], preferred_element_type=f32) \
        + tb2[...]
    out[...] = 1.0 / (1.0 + jnp.exp(-h))


def _expand_top_w(wt0):
    npairs = NI * (NI - 1) // 2
    sel = np.zeros((NI * N_FIELDS, npairs), dtype=np.float32)
    for o in range(1, NI):
        for i in range(NI):
            j = i - o
            if j >= 0:
                sel[(o - 1) * NI + i, i * (i - 1) // 2 + j] = 1.0
    wz = jnp.dot(jnp.asarray(sel), wt0[:, EMB:].T,
                 preferred_element_type=jnp.float32)
    return jnp.concatenate([wt0[:, :EMB].T, wz], axis=0)


def _tc_forward(dense_x, emb2d, bot_params, top_params, interpret=False):
    (w0, b0), (w1, b1), (w2, b2) = bot_params
    (t0, tb0), (t1, tb1), (t2, tb2) = top_params
    wtop = _expand_top_w(t0)
    bf16 = jnp.bfloat16
    blocksum = jnp.asarray(
        np.repeat(np.eye(NI, dtype=np.float32), EMB, axis=0)).astype(bf16)
    bt = 512
    grid = (BATCH // bt,)
    full = lambda a: pl.BlockSpec(a.shape, lambda i: (0,) * a.ndim)
    args = (
        dense_x, emb2d.astype(bf16),
        w0.T, b0.reshape(1, -1), w1.T.astype(bf16), b1.reshape(1, -1),
        w2.T.astype(bf16), b2.reshape(1, -1),
        blocksum, wtop.astype(bf16), tb0.reshape(1, -1),
        t1.T.astype(bf16), tb1.reshape(1, -1),
        t2.T.astype(bf16), tb2.reshape(1, -1),
    )
    in_specs = [
        pl.BlockSpec((bt, 13), lambda i: (i, 0)),
        pl.BlockSpec((bt, DTOT - EMB), lambda i: (i, 0)),
    ] + [full(a) for a in args[2:]]
    return pl.pallas_call(
        _tc_body,
        grid=grid,
        in_specs=in_specs,
        out_specs=pl.BlockSpec((bt, 1), lambda i: (i, 0)),
        out_shape=jax.ShapeDtypeStruct((BATCH, 1), jnp.float32),
        interpret=interpret,
    )(*args)


def kernel(dense_x, emb_tables, bot_params, top_params, lS_o, lS_i):
    del lS_o
    table = emb_tables.reshape(N_FIELDS * VOCAB, EMB)
    gathered = _sc_gather(table, lS_i)
    emb2d = gathered.reshape(BATCH, N_FIELDS * EMB)
    return _tc_forward(dense_x, emb2d, bot_params, top_params)

# --- scband reference (transcript-rebuilt; emitter-appended) ---
"""Pipeline reference for scband-dlrm-net-56977036149187 (READ-ONLY COPY).

The authoritative reference and input builder live on the scoring server;
editing this copy changes nothing except your own understanding.
"""

import jax, jax.numpy as jnp
import numpy as np

N_FIELDS = 26
VOCAB = 100000
EMB_DIM = 32
BATCH = 4096
LN_BOT = [13, 256, 64, 32]
LN_TOP = [383, 512, 256, 1]


def _make_mlp(ln, kbase):
    params = []
    for i in range(len(ln) - 1):
        n, m = ln[i], ln[i + 1]
        W = jax.random.normal(jax.random.fold_in(kbase, i), (m, n), dtype=jnp.float32) * np.sqrt(2.0 / (m + n))
        b = jax.random.normal(jax.random.fold_in(kbase, 100 + i), (m,), dtype=jnp.float32) * np.sqrt(1.0 / m)
        params.append((W, b))
    return params


def setup_inputs(seed: int = 0) -> dict:
    key = jax.random.key(seed)
    ks = jax.random.split(key, 8)
    dense_x = jax.random.normal(ks[0], (BATCH, 13), dtype=jnp.float32)
    lS_i = jax.random.randint(ks[1], (N_FIELDS, BATCH), 0, VOCAB, dtype=jnp.int32)
    # offsets: one index per bag per sample (pooling factor 1), per field
    lS_o = jnp.tile(jnp.arange(BATCH, dtype=jnp.int32)[None, :], (N_FIELDS, 1))
    bound = float(np.sqrt(1.0 / VOCAB))
    emb_tables = jax.random.uniform(ks[2], (N_FIELDS, VOCAB, EMB_DIM), minval=-bound, maxval=bound, dtype=jnp.float32)
    bot_params = _make_mlp(LN_BOT, ks[3])
    top_params = _make_mlp(LN_TOP, ks[4])
    return {"dense_x": dense_x, "emb_tables": emb_tables, "bot_params": bot_params,
            "top_params": top_params, "lS_o": lS_o, "lS_i": lS_i}


def _apply_mlp(x, params, sigmoid_layer):
    for i, (W, b) in enumerate(params):
        x = x @ W.T + b
        x = jax.nn.sigmoid(x) if i == sigmoid_layer else jax.nn.relu(x)
    return x


def _forward(dense_x, emb_tables, bot_params, top_params, lS_o, lS_i):
    # bottom MLP (sigmoid_bot = -1 -> all ReLU)
    x = _apply_mlp(dense_x, bot_params, -1)
    # EmbeddingBag(mode='sum') per sparse field
    ly = []
    positions = jnp.arange(lS_i.shape[1])
    for k in range(N_FIELDS):
        bag_ids = jnp.searchsorted(lS_o[k], positions, side='right') - 1
        gathered = jnp.take(emb_tables[k], lS_i[k], axis=0)
        V = jax.ops.segment_sum(gathered, bag_ids, num_segments=BATCH)
        ly.append(V)
    # dot interaction
    d = x.shape[1]
    T = jnp.concatenate([x] + ly, axis=1).reshape(BATCH, -1, d)
    Z = jnp.einsum('bij,bkj->bik', T, T)
    ni = T.shape[1]
    li = np.array([i for i in range(ni) for j in range(i)])
    lj = np.array([j for i in range(ni) for j in range(i)])
    Zflat = Z[:, li, lj]
    R = jnp.concatenate([x, Zflat], axis=1)
    # top MLP (sigmoid at last layer, sigmoid_top = 2)
    p = _apply_mlp(R, top_params, len(LN_TOP) - 2)
    return p


def reference(dense_x, emb_tables, bot_params, top_params, lS_o, lS_i):
    return _forward(dense_x, emb_tables, bot_params, top_params, lS_o, lS_i)

if __name__ == "__main__":
    import jax
    _d = setup_inputs()
    print(jax.jit(kernel)(*tuple(_d.values())))

</pallas_src>

<mosaic_0001>
#map = affine_map<(d0, d1) -> (0, 0)>
module attributes {stable_mosaic.version = 14 : i64} {
  func.func @k(%arg0: i32, %arg1: i32, %arg2: memref<2600000x32xf32, #tpu.memory_space<hbm>>, %arg3: memref<26x4096xi32, #tpu.memory_space<hbm>>, %arg4: memref<106496x32xf32, #tpu.memory_space<hbm>>, %arg5: memref<26x128xi32, #tpu.memory_space<vmem>>, %arg6: memref<3328xi32, #tpu.memory_space<vmem>>, %arg7: memref<3328x32xf32, #tpu.memory_space<vmem>>, %arg8: memref<!tpu.dma_semaphore, #tpu.memory_space<semaphore_mem>>) attributes {dimension_semantics = [#tpu.dimension_semantics<core_parallel>, #tpu.dimension_semantics<subcore_parallel>], iteration_bounds = array<i64: 2, 16>, scalar_prefetch = 0 : i64, scratch_operands = 4 : i64, tpu.core_type = #tpu.core_type<sc_vector_subcore>, window_params = [{transform_indices = #map}, {transform_indices = #map}, {transform_indices = #map}]} {
    %mul3A = arith.constant 2 : i32
    %mul3A_0 = arith.muli %arg1, %mul3A : i32
    %add3A = arith.addi %mul3A_0, %arg0 : i32
    %mul3A_1 = arith.constant 128 : i32
    %mul3A_2 = arith.muli %add3A, %mul3A_1 : i32
    "tpu.region"() ({
      %run_scoped3A = tpu.sem_alloc : memref<!tpu.dma_semaphore, #tpu.memory_space<semaphore_mem>>
      %dma_start3A_2501 = arith.constant 0 : i32
      %dma_start3A_2502 = tpu.memref_slice %arg3[%dma_start3A_2501, %mul3A_2] : memref<26x4096xi32, #tpu.memory_space<hbm>> -> memref<26x128xi32, #tpu.memory_space<hbm>>
      %dma_start3A_2503 = arith.constant 0 : i32
      %dma_start3A_2504 = tpu.memref_slice %arg3[%dma_start3A_2503, %mul3A_2] : memref<26x4096xi32, #tpu.memory_space<hbm>> -> memref<26x128xi32, #tpu.memory_space<hbm>>
      tpu.enqueue_dma source(%dma_start3A_2504 : memref<26x128xi32, #tpu.memory_space<hbm>>) target(%arg5 : memref<26x128xi32, #tpu.memory_space<vmem>>) target_semaphore(%run_scoped3A : memref<!tpu.dma_semaphore, #tpu.memory_space<semaphore_mem>>)
      %dma_wait3A_2505 = arith.constant 0 : i32
      %dma_wait3A_2506 = tpu.memref_slice %arg3[%dma_wait3A_2505, %mul3A_2] : memref<26x4096xi32, #tpu.memory_space<hbm>> -> memref<26x128xi32, #tpu.memory_space<hbm>>
      %dma_wait3A_2507 = arith.constant 0 : i32
      %dma_wait3A_2508 = tpu.memref_slice %arg3[%dma_wait3A_2507, %mul3A_2] : memref<26x4096xi32, #tpu.memory_space<hbm>> -> memref<26x128xi32, #tpu.memory_space<hbm>>
      tpu.wait_dma2 semaphore(%run_scoped3A : memref<!tpu.dma_semaphore, #tpu.memory_space<semaphore_mem>>) src(%dma_wait3A_2508 : memref<26x128xi32, #tpu.memory_space<hbm>>) dst(%arg5 : memref<26x128xi32, #tpu.memory_space<vmem>>)
      tpu.yield
    }) : () -> ()
    %iota3A = tpu.iota {dimensions = array<i32: 0>} : vector<16xi32>
    %mul3A_3 = arith.constant 26 : i32
    %mul3A_4 = vector.broadcast %mul3A_3 : i32 to vector<16xi32>
    %mul3A_5 = arith.muli %iota3A, %mul3A_4 : vector<16xi32>
    %get3A = arith.constant 0 : i32
    %get3A_6 = arith.index_cast %get3A : i32 to index
    %get3A_7 = arith.constant 0 : index
    %get3A_8 = tpu.vector_load %arg5[%get3A_6, %get3A_7] {strides = array<i32>} : memref<26x128xi32, #tpu.memory_space<vmem>>, vector<16xi32>,
    %add3A_9 = arith.constant 0 : i32
    %add3A_10 = vector.broadcast %add3A_9 : i32 to vector<16xi32>
    %add3A_11 = arith.addi %get3A_8, %add3A_10 : vector<16xi32>
    %add3A_12 = arith.constant 0 : i32
    %add3A_13 = vector.broadcast %add3A_12 : i32 to vector<16xi32>
    %add3A_14 = arith.addi %mul3A_5, %add3A_13 : vector<16xi32>
    tpu.vector_store_idx %arg6[%add3A_14], %add3A_11 : memref<3328xi32, #tpu.memory_space<vmem>>[vector<16xi32>], vector<16xi32>,
    %get3A_15 = arith.constant 0 : i32
    %get3A_16 = arith.index_cast %get3A_15 : i32 to index
    %get3A_17 = arith.constant 16 : index
    %get3A_18 = tpu.vector_load %arg5[%get3A_16, %get3A_17] {strides = array<i32>} : memref<26x128xi32, #tpu.memory_space<vmem>>, vector<16xi32>,
    %add3A_19 = arith.constant 0 : i32
    %add3A_20 = vector.broadcast %add3A_19 : i32 to vector<16xi32>
    %add3A_21 = arith.addi %get3A_18, %add3A_20 : vector<16xi32>
    %add3A_22 = arith.constant 416 : i32
    %add3A_23 = vector.broadcast %add3A_22 : i32 to vector<16xi32>
    %add3A_24 = arith.addi %mul3A_5, %add3A_23 : vector<16xi32>
    tpu.vector_store_idx %arg6[%add3A_24], %add3A_21 : memref<3328xi32, #tpu.memory_space<vmem>>[vector<16xi32>], vector<16xi32>,
    %get3A_25 = arith.constant 0 : i32
    %get3A_26 = arith.index_cast %get3A_25 : i32 to index
    %get3A_27 = arith.constant 32 : index
    %get3A_28 = tpu.vector_load %arg5[%get3A_26, %get3A_27] {strides = array<i32>} : memref<26x128xi32, #tpu.memory_space<vmem>>, vector<16xi32>,
    %add3A_29 = arith.constant 0 : i32
    %add3A_30 = vector.broadcast %add3A_29 : i32 to vector<16xi32>
    %add3A_31 = arith.addi %get3A_28, %add3A_30 : vector<16xi32>
    %add3A_32 = arith.constant 832 : i32
    %add3A_33 = vector.broadcast %add3A_32 : i32 to vector<16xi32>
    %add3A_34 = arith.addi %mul3A_5, %add3A_33 : vector<16xi32>
    tpu.vector_store_idx %arg6[%add3A_34], %add3A_31 : memref<3328xi32, #tpu.memory_space<vmem>>[vector<16xi32>], vector<16xi32>,
    %get3A_35 = arith.constant 0 : i32
    %get3A_36 = arith.index_cast %get3A_35 : i32 to index
    %get3A_37 = arith.constant 48 : index
    %get3A_38 = tpu.vector_load %arg5[%get3A_36, %get3A_37] {strides = array<i32>} : memref<26x128xi32, #tpu.memory_space<vmem>>, vector<16xi32>,
    %add3A_39 = arith.constant 0 : i32
    %add3A_40 = vector.broadcast %add3A_39 : i32 to vector<16xi32>
    %add3A_41 = arith.addi %get3A_38, %add3A_40 : vector<16xi32>
    %add3A_42 = arith.constant 1248 : i32
    %add3A_43 = vector.broadcast %add3A_42 : i32 to vector<16xi32>
    %add3A_44 = arith.addi %mul3A_5, %add3A_43 : vector<16xi32>
    tpu.vector_store_idx %arg6[%add3A_44], %add3A_41 : memref<3328xi32, #tpu.memory_space<vmem>>[vector<16xi32>], vector<16xi32>,
    %get3A_45 = arith.constant 0 : i32
    %get3A_46 = arith.index_cast %get3A_45 : i32 to index
    %get3A_47 = arith.constant 64 : index
    %get3A_48 = tpu.vector_load %arg5[%get3A_46, %get3A_47] {strides = array<i32>} : memref<26x128xi32, #tpu.memory_space<vmem>>, vector<16xi32>,
    %add3A_49 = arith.constant 0 : i32
    %add3A_50 = vector.broadcast %add3A_49 : i32 to vector<16xi32>
    %add3A_51 = arith.addi %get3A_48, %add3A_50 : vector<16xi32>
    %add3A_52 = arith.constant 1664 : i32
    %add3A_53 = vector.broadcast %add3A_52 : i32 to vector<16xi32>
    %add3A_54 = arith.addi %mul3A_5, %add3A_53 : vector<16xi32>
    tpu.vector_store_idx %arg6[%add3A_54], %add3A_51 : memref<3328xi32, #tpu.memory_space<vmem>>[vector<16xi32>], vector<16xi32>,
    %get3A_55 = arith.constant 0 : i32
    %get3A_56 = arith.index_cast %get3A_55 : i32 to index
    %get3A_57 = arith.constant 80 : index
    %get3A_58 = tpu.vector_load %arg5[%get3A_56, %get3A_57] {strides = array<i32>} : memref<26x128xi32, #tpu.memory_space<vmem>>, vector<16xi32>,
    %add3A_59 = arith.constant 0 : i32
    %add3A_60 = vector.broadcast %add3A_59 : i32 to vector<16xi32>
    %add3A_61 = arith.addi %get3A_58, %add3A_60 : vector<16xi32>
    %add3A_62 = arith.constant 2080 : i32
    %add3A_63 = vector.broadcast %add3A_62 : i32 to vector<16xi32>
    %add3A_64 = arith.addi %mul3A_5, %add3A_63 : vector<16xi32>
    tpu.vector_store_idx %arg6[%add3A_64], %add3A_61 : memref<3328xi32, #tpu.memory_space<vmem>>[vector<16xi32>], vector<16xi32>,
    %get3A_65 = arith.constant 0 : i32
    %get3A_66 = arith.index_cast %get3A_65 : i32 to index
    %get3A_67 = arith.constant 96 : index
    %get3A_68 = tpu.vector_load %arg5[%get3A_66, %get3A_67] {strides = array<i32>} : memref<26x128xi32, #tpu.memory_space<vmem>>, vector<16xi32>,
    %add3A_69 = arith.constant 0 : i32
    %add3A_70 = vector.broadcast %add3A_69 : i32 to vector<16xi32>
    %add3A_71 = arith.addi %get3A_68, %add3A_70 : vector<16xi32>
    %add3A_72 = arith.constant 2496 : i32
    %add3A_73 = vector.broadcast %add3A_72 : i32 to vector<16xi32>
    %add3A_74 = arith.addi %mul3A_5, %add3A_73 : vector<16xi32>
    tpu.vector_store_idx %arg6[%add3A_74], %add3A_71 : memref<3328xi32, #tpu.memory_space<vmem>>[vector<16xi32>], vector<16xi32>,
    %get3A_75 = arith.constant 0 : i32
    %get3A_76 = arith.index_cast %get3A_75 : i32 to index
    %get3A_77 = arith.constant 112 : index
    %get3A_78 = tpu.vector_load %arg5[%get3A_76, %get3A_77] {strides = array<i32>} : memref<26x128xi32, #tpu.memory_space<vmem>>, vector<16xi32>,
    %add3A_79 = arith.constant 0 : i32
    %add3A_80 = vector.broadcast %add3A_79 : i32 to vector<16xi32>
    %add3A_81 = arith.addi %get3A_78, %add3A_80 : vector<16xi32>
    %add3A_82 = arith.constant 2912 : i32
    %add3A_83 = vector.broadcast %add3A_82 : i32 to vector<16xi32>
    %add3A_84 = arith.addi %mul3A_5, %add3A_83 : vector<16xi32>
    tpu.vector_store_idx %arg6[%add3A_84], %add3A_81 : memref<3328xi32, #tpu.memory_space<vmem>>[vector<16xi32>], vector<16xi32>,
    %get3A_85 = arith.constant 1 : i32
    %get3A_86 = arith.index_cast %get3A_85 : i32 to index
    %get3A_87 = arith.constant 0 : index
    %get3A_88 = tpu.vector_load %arg5[%get3A_86, %get3A_87] {strides = array<i32>} : memref<26x128xi32, #tpu.memory_space<vmem>>, vector<16xi32>,
    %add3A_89 = arith.constant 100000 : i32
    %add3A_90 = vector.broadcast %add3A_89 : i32 to vector<16xi32>
    %add3A_91 = arith.addi %get3A_88, %add3A_90 : vector<16xi32>
    %add3A_92 = arith.constant 1 : i32
    %add3A_93 = vector.broadcast %add3A_92 : i32 to vector<16xi32>
    %add3A_94 = arith.addi %mul3A_5, %add3A_93 : vector<16xi32>
    tpu.vector_store_idx %arg6[%add3A_94], %add3A_91 : memref<3328xi32, #tpu.memory_space<vmem>>[vector<16xi32>], vector<16xi32>,
    %get3A_95 = arith.constant 1 : i32
    %get3A_96 = arith.index_cast %get3A_95 : i32 to index
    %get3A_97 = arith.constant 16 : index
    %get3A_98 = tpu.vector_load %arg5[%get3A_96, %get3A_97] {strides = array<i32>} : memref<26x128xi32, #tpu.memory_space<vmem>>, vector<16xi32>,
    %add3A_99 = arith.constant 100000 : i32
    %add3A_100 = vector.broadcast %add3A_99 : i32 to vector<16xi32>
    %add3A_101 = arith.addi %get3A_98, %add3A_100 : vector<16xi32>
    %add3A_102 = arith.constant 417 : i32
    %add3A_103 = vector.broadcast %add3A_102 : i32 to vector<16xi32>
    %add3A_104 = arith.addi %mul3A_5, %add3A_103 : vector<16xi32>
    tpu.vector_store_idx %arg6[%add3A_104], %add3A_101 : memref<3328xi32, #tpu.memory_space<vmem>>[vector<16xi32>], vector<16xi32>,
    %get3A_105 = arith.constant 1 : i32
    %get3A_106 = arith.index_cast %get3A_105 : i32 to index
    %get3A_107 = arith.constant 32 : index
    %get3A_108 = tpu.vector_load %arg5[%get3A_106, %get3A_107] {strides = array<i32>} : memref<26x128xi32, #tpu.memory_space<vmem>>, vector<16xi32>,
    %add3A_109 = arith.constant 100000 : i32
    %add3A_110 = vector.broadcast %add3A_109 : i32 to vector<16xi32>
    %add3A_111 = arith.addi %get3A_108, %add3A_110 : vector<16xi32>
    %add3A_112 = arith.constant 833 : i32
    %add3A_113 = vector.broadcast %add3A_112 : i32 to vector<16xi32>
    %add3A_114 = arith.addi %mul3A_5, %add3A_113 : vector<16xi32>
    tpu.vector_store_idx %arg6[%add3A_114], %add3A_111 : memref<3328xi32, #tpu.memory_space<vmem>>[vector<16xi32>], vector<16xi32>,
    %get3A_115 = arith.constant 1 : i32
    %get3A_116 = arith.index_cast %get3A_115 : i32 to index
    %get3A_117 = arith.constant 48 : index
    %get3A_118 = tpu.vector_load %arg5[%get3A_116, %get3A_117] {strides = array<i32>} : memref<26x128xi32, #tpu.memory_space<vmem>>, vector<16xi32>,
    %add3A_119 = arith.constant 100000 : i32
    %add3A_120 = vector.broadcast %add3A_119 : i32 to vector<16xi32>
    %add3A_121 = arith.addi %get3A_118, %add3A_120 : vector<16xi32>
    %add3A_122 = arith.constant 1249 : i32
    %add3A_123 = vector.broadcast %add3A_122 : i32 to vector<16xi32>
    %add3A_124 = arith.addi %mul3A_5, %add3A_123 : vector<16xi32>
    tpu.vector_store_idx %arg6[%add3A_124], %add3A_121 : memref<3328xi32, #tpu.memory_space<vmem>>[vector<16xi32>], vector<16xi32>,
    %get3A_125 = arith.constant 1 : i32
    %get3A_126 = arith.index_cast %get3A_125 : i32 to index
    %get3A_127 = arith.constant 64 : index
    %get3A_128 = tpu.vector_load %arg5[%get3A_126, %get3A_127] {strides = array<i32>} : memref<26x128xi32, #tpu.memory_space<vmem>>, vector<16xi32>,
    %add3A_129 = arith.constant 100000 : i32
    %add3A_130 = vector.broadcast %add3A_129 : i32 to vector<16xi32>
    %add3A_131 = arith.addi %get3A_128, %add3A_130 : vector<16xi32>
    %add3A_132 = arith.constant 1665 : i32
    %add3A_133 = vector.broadcast %add3A_132 : i32 to vector<16xi32>
    %add3A_134 = arith.addi %mul3A_5, %add3A_133 : vector<16xi32>
    tpu.vector_store_idx %arg6[%add3A_134], %add3A_131 : memref<3328xi32, #tpu.memory_space<vmem>>[vector<16xi32>], vector<16xi32>,
    %get3A_135 = arith.constant 1 : i32
    %get3A_136 = arith.index_cast %get3A_135 : i32 to index
    %get3A_137 = arith.constant 80 : index
    %get3A_138 = tpu.vector_load %arg5[%get3A_136, %get3A_137] {strides = array<i32>} : memref<26x128xi32, #tpu.memory_space<vmem>>, vector<16xi32>,
    %add3A_139 = arith.constant 100000 : i32
    %add3A_140 = vector.broadcast %add3A_139 : i32 to vector<16xi32>
    %add3A_141 = arith.addi %get3A_138, %add3A_140 : vector<16xi32>
    %add3A_142 = arith.constant 2081 : i32
    %add3A_143 = vector.broadcast %add3A_142 : i32 to vector<16xi32>
    %add3A_144 = arith.addi %mul3A_5, %add3A_143 : vector<16xi32>
    tpu.vector_store_idx %arg6[%add3A_144], %add3A_141 : memref<3328xi32, #tpu.memory_space<vmem>>[vector<16xi32>], vector<16xi32>,
    %get3A_145 = arith.constant 1 : i32
    %get3A_146 = arith.index_cast %get3A_145 : i32 to index
    %get3A_147 = arith.constant 96 : index
    %get3A_148 = tpu.vector_load %arg5[%get3A_146, %get3A_147] {strides = array<i32>} : memref<26x128xi32, #tpu.memory_space<vmem>>, vector<16xi32>,
    %add3A_149 = arith.constant 100000 : i32
    %add3A_150 = vector.broadcast %add3A_149 : i32 to vector<16xi32>
    %add3A_151 = arith.addi %get3A_148, %add3A_150 : vector<16xi32>
    %add3A_152 = arith.constant 2497 : i32
    %add3A_153 = vector.broadcast %add3A_152 : i32 to vector<16xi32>
    %add3A_154 = arith.addi %mul3A_5, %add3A_153 : vector<16xi32>
    tpu.vector_store_idx %arg6[%add3A_154], %add3A_151 : memref<3328xi32, #tpu.memory_space<vmem>>[vector<16xi32>], vector<16xi32>,
    %get3A_155 = arith.constant 1 : i32
    %get3A_156 = arith.index_cast %get3A_155 : i32 to index
    %get3A_157 = arith.constant 112 : index
    %get3A_158 = tpu.vector_load %arg5[%get3A_156, %get3A_157] {strides = array<i32>} : memref<26x128xi32, #tpu.memory_space<vmem>>, vector<16xi32>,
    %add3A_159 = arith.constant 100000 : i32
    %add3A_160 = vector.broadcast %add3A_159 : i32 to vector<16xi32>
    %add3A_161 = arith.addi %get3A_158, %add3A_160 : vector<16xi32>
    %add3A_162 = arith.constant 2913 : i32
    %add3A_163 = vector.broadcast %add3A_162 : i32 to vector<16xi32>
    %add3A_164 = arith.addi %mul3A_5, %add3A_163 : vector<16xi32>
    tpu.vector_store_idx %arg6[%add3A_164], %add3A_161 : memref<3328xi32, #tpu.memory_space<vmem>>[vector<16xi32>], vector<16xi32>,
    %get3A_165 = arith.constant 2 : i32
    %get3A_166 = arith.index_cast %get3A_165 : i32 to index
    %get3A_167 = arith.constant 0 : index
    %get3A_168 = tpu.vector_load %arg5[%get3A_166, %get3A_167] {strides = array<i32>} : memref<26x128xi32, #tpu.memory_space<vmem>>, vector<16xi32>,
    %add3A_169 = arith.constant 200000 : i32
    %add3A_170 = vector.broadcast %add3A_169 : i32 to vector<16xi32>
    %add3A_171 = arith.addi %get3A_168, %add3A_170 : vector<16xi32>
    %add3A_172 = arith.constant 2 : i32
    %add3A_173 = vector.broadcast %add3A_172 : i32 to vector<16xi32>
    %add3A_174 = arith.addi %mul3A_5, %add3A_173 : vector<16xi32>
    tpu.vector_store_idx %arg6[%add3A_174], %add3A_171 : memref<3328xi32, #tpu.memory_space<vmem>>[vector<16xi32>], vector<16xi32>,
    %get3A_175 = arith.constant 2 : i32
    %get3A_176 = arith.index_cast %get3A_175 : i32 to index
    %get3A_177 = arith.constant 16 : index
    %get3A_178 = tpu.vector_load %arg5[%get3A_176, %get3A_177] {strides = array<i32>} : memref<26x128xi32, #tpu.memory_space<vmem>>, vector<16xi32>,
    %add3A_179 = arith.constant 200000 : i32
    %add3A_180 = vector.broadcast %add3A_179 : i32 to vector<16xi32>
    %add3A_181 = arith.addi %get3A_178, %add3A_180 : vector<16xi32>
    %add3A_182 = arith.constant 418 : i32
    %add3A_183 = vector.broadcast %add3A_182 : i32 to vector<16xi32>
    %add3A_184 = arith.addi %mul3A_5, %add3A_183 : vector<16xi32>
    tpu.vector_store_idx %arg6[%add3A_184], %add3A_181 : memref<3328xi32, #tpu.memory_space<vmem>>[vector<16xi32>], vector<16xi32>,
    %get3A_185 = arith.constant 2 : i32
    %get3A_186 = arith.index_cast %get3A_185 : i32 to index
    %get3A_187 = arith.constant 32 : index
    %get3A_188 = tpu.vector_load %arg5[%get3A_186, %get3A_187] {strides = array<i32>} : memref<26x128xi32, #tpu.memory_space<vmem>>, vector<16xi32>,
    %add3A_189 = arith.constant 200000 : i32
    %add3A_190 = vector.broadcast %add3A_189 : i32 to vector<16xi32>
    %add3A_191 = arith.addi %get3A_188, %add3A_190 : vector<16xi32>
    %add3A_192 = arith.constant 834 : i32
    %add3A_193 = vector.broadcast %add3A_192 : i32 to vector<16xi32>
    %add3A_194 = arith.addi %mul3A_5, %add3A_193 : vector<16xi32>
    tpu.vector_store_idx %arg6[%add3A_194], %add3A_191 : memref<3328xi32, #tpu.memory_space<vmem>>[vector<16xi32>], vector<16xi32>,
    %get3A_195 = arith.constant 2 : i32
    %get3A_196 = arith.index_cast %get3A_195 : i32 to index
    %get3A_197 = arith.constant 48 : index
    %get3A_198 = tpu.vector_load %arg5[%get3A_196, %get3A_197] {strides = array<i32>} : memref<26x128xi32, #tpu.memory_space<vmem>>, vector<16xi32>,
    %add3A_199 = arith.constant 200000 : i32
    %add3A_200 = vector.broadcast %add3A_199 : i32 to vector<16xi32>
    %add3A_201 = arith.addi %get3A_198, %add3A_200 : vector<16xi32>
    %add3A_202 = arith.constant 1250 : i32
    %add3A_203 = vector.broadcast %add3A_202 : i32 to vector<16xi32>
    %add3A_204 = arith.addi %mul3A_5, %add3A_203 : vector<16xi32>
    tpu.vector_store_idx %arg6[%add3A_204], %add3A_201 : memref<3328xi32, #tpu.memory_space<vmem>>[vector<16xi32>], vector<16xi32>,
    %get3A_205 = arith.constant 2 : i32
    %get3A_206 = arith.index_cast %get3A_205 : i32 to index
    %get3A_207 = arith.constant 64 : index
    %get3A_208 = tpu.vector_load %arg5[%get3A_206, %get3A_207] {strides = array<i32>} : memref<26x128xi32, #tpu.memory_space<vmem>>, vector<16xi32>,
    %add3A_209 = arith.constant 200000 : i32
    %add3A_210 = vector.broadcast %add3A_209 : i32 to vector<16xi32>
    %add3A_211 = arith.addi %get3A_208, %add3A_210 : vector<16xi32>
    %add3A_212 = arith.constant 1666 : i32
    %add3A_213 = vector.broadcast %add3A_212 : i32 to vector<16xi32>
    %add3A_214 = arith.addi %mul3A_5, %add3A_213 : vector<16xi32>
    tpu.vector_store_idx %arg6[%add3A_214], %add3A_211 : memref<3328xi32, #tpu.memory_space<vmem>>[vector<16xi32>], vector<16xi32>,
    %get3A_215 = arith.constant 2 : i32
    %get3A_216 = arith.index_cast %get3A_215 : i32 to index
    %get3A_217 = arith.constant 80 : index
    %get3A_218 = tpu.vector_load %arg5[%get3A_216, %get3A_217] {strides = array<i32>} : memref<26x128xi32, #tpu.memory_space<vmem>>, vector<16xi32>,
    %add3A_219 = arith.constant 200000 : i32
    %add3A_220 = vector.broadcast %add3A_219 : i32 to vector<16xi32>
    %add3A_221 = arith.addi %get3A_218, %add3A_220 : vector<16xi32>
    %add3A_222 = arith.constant 2082 : i32
    %add3A_223 = vector.broadcast %add3A_222 : i32 to vector<16xi32>
    %add3A_224 = arith.addi %mul3A_5, %add3A_223 : vector<16xi32>
    tpu.vector_store_idx %arg6[%add3A_224], %add3A_221 : memref<3328xi32, #tpu.memory_space<vmem>>[vector<16xi32>], vector<16xi32>,
    %get3A_225 = arith.constant 2 : i32
    %get3A_226 = arith.index_cast %get3A_225 : i32 to index
    %get3A_227 = arith.constant 96 : index
    %get3A_228 = tpu.vector_load %arg5[%get3A_226, %get3A_227] {strides = array<i32>} : memref<26x128xi32, #tpu.memory_space<vmem>>, vector<16xi32>,
    %add3A_229 = arith.constant 200000 : i32
    %add3A_230 = vector.broadcast %add3A_229 : i32 to vector<16xi32>
    %add3A_231 = arith.addi %get3A_228, %add3A_230 : vector<16xi32>
    %add3A_232 = arith.constant 2498 : i32
    %add3A_233 = vector.broadcast %add3A_232 : i32 to vector<16xi32>
    %add3A_234 = arith.addi %mul3A_5, %add3A_233 : vector<16xi32>
    tpu.vector_store_idx %arg6[%add3A_234], %add3A_231 : memref<3328xi32, #tpu.memory_space<vmem>>[vector<16xi32>], vector<16xi32>,
    %get3A_235 = arith.constant 2 : i32
    %get3A_236 = arith.index_cast %get3A_235 : i32 to index
    %get3A_237 = arith.constant 112 : index
    %get3A_238 = tpu.vector_load %arg5[%get3A_236, %get3A_237] {strides = array<i32>} : memref<26x128xi32, #tpu.memory_space<vmem>>, vector<16xi32>,
    %add3A_239 = arith.constant 200000 : i32
    %add3A_240 = vector.broadcast %add3A_239 : i32 to vector<16xi32>
    %add3A_241 = arith.addi %get3A_238, %add3A_240 : vector<16xi32>
    %add3A_242 = arith.constant 2914 : i32
    %add3A_243 = vector.broadcast %add3A_242 : i32 to vector<16xi32>
    %add3A_244 = arith.addi %mul3A_5, %add3A_243 : vector<16xi32>
    tpu.vector_store_idx %arg6[%add3A_244], %add3A_241 : memref<3328xi32, #tpu.memory_space<vmem>>[vector<16xi32>], vector<16xi32>,
    %get3A_245 = arith.constant 3 : i32
    %get3A_246 = arith.index_cast %get3A_245 : i32 to index
    %get3A_247 = arith.constant 0 : index
    %get3A_248 = tpu.vector_load %arg5[%get3A_246, %get3A_247] {strides = array<i32>} : memref<26x128xi32, #tpu.memory_space<vmem>>, vector<16xi32>,
    %add3A_249 = arith.constant 300000 : i32
    %add3A_250 = vector.broadcast %add3A_249 : i32 to vector<16xi32>
    %add3A_251 = arith.addi %get3A_248, %add3A_250 : vector<16xi32>
    %add3A_252 = arith.constant 3 : i32
    %add3A_253 = vector.broadcast %add3A_252 : i32 to vector<16xi32>
    %add3A_254 = arith.addi %mul3A_5, %add3A_253 : vector<16xi32>
    tpu.vector_store_idx %arg6[%add3A_254], %add3A_251 : memref<3328xi32, #tpu.memory_space<vmem>>[vector<16xi32>], vector<16xi32>,
    %get3A_255 = arith.constant 3 : i32
    %get3A_256 = arith.index_cast %get3A_255 : i32 to index
    %get3A_257 = arith.constant 16 : index
    %get3A_258 = tpu.vector_load %arg5[%get3A_256, %get3A_257] {strides = array<i32>} : memref<26x128xi32, #tpu.memory_space<vmem>>, vector<16xi32>,
    %add3A_259 = arith.constant 300000 : i32
    %add3A_260 = vector.broadcast %add3A_259 : i32 to vector<16xi32>
    %add3A_261 = arith.addi %get3A_258, %add3A_260 : vector<16xi32>
    %add3A_262 = arith.constant 419 : i32
    %add3A_263 = vector.broadcast %add3A_262 : i32 to vector<16xi32>
    %add3A_264 = arith.addi %mul3A_5, %add3A_263 : vector<16xi32>
    tpu.vector_store_idx %arg6[%add3A_264], %add3A_261 : memref<3328xi32, #tpu.memory_space<vmem>>[vector<16xi32>], vector<16xi32>,
    %get3A_265 = arith.constant 3 : i32
    %get3A_266 = arith.index_cast %get3A_265 : i32 to index
    %get3A_267 = arith.constant 32 : index
    %get3A_268 = tpu.vector_load %arg5[%get3A_266, %get3A_267] {strides = array<i32>} : memref<26x128xi32, #tpu.memory_space<vmem>>, vector<16xi32>,
    %add3A_269 = arith.constant 300000 : i32
    %add3A_270 = vector.broadcast %add3A_269 : i32 to vector<16xi32>
    %add3A_271 = arith.addi %get3A_268, %add3A_270 : vector<16xi32>
    %add3A_272 = arith.constant 835 : i32
    %add3A_273 = vector.broadcast %add3A_272 : i32 to vector<16xi32>
    %add3A_274 = arith.addi %mul3A_5, %add3A_273 : vector<16xi32>
    tpu.vector_store_idx %arg6[%add3A_274], %add3A_271 : memref<3328xi32, #tpu.memory_space<vmem>>[vector<16xi32>], vector<16xi32>,
    %get3A_275 = arith.constant 3 : i32
    %get3A_276 = arith.index_cast %get3A_275 : i32 to index
    %get3A_277 = arith.constant 48 : index
    %get3A_278 = tpu.vector_load %arg5[%get3A_276, %get3A_277] {strides = array<i32>} : memref<26x128xi32, #tpu.memory_space<vmem>>, vector<16xi32>,
    %add3A_279 = arith.constant 300000 : i32
    %add3A_280 = vector.broadcast %add3A_279 : i32 to vector<16xi32>
    %add3A_281 = arith.addi %get3A_278, %add3A_280 : vector<16xi32>
    %add3A_282 = arith.constant 1251 : i32
    %add3A_283 = vector.broadcast %add3A_282 : i32 to vector<16xi32>
    %add3A_284 = arith.addi %mul3A_5, %add3A_283 : vector<16xi32>
    tpu.vector_store_idx %arg6[%add3A_284], %add3A_281 : memref<3328xi32, #tpu.memory_space<vmem>>[vector<16xi32>], vector<16xi32>,
    %get3A_285 = arith.constant 3 : i32
    %get3A_286 = arith.index_cast %get3A_285 : i32 to index
    %get3A_287 = arith.constant 64 : index
    %get3A_288 = tpu.vector_load %arg5[%get3A_286, %get3A_287] {strides = array<i32>} : memref<26x128xi32, #tpu.memory_space<vmem>>, vector<16xi32>,
    %add3A_289 = arith.constant 300000 : i32
    %add3A_290 = vector.broadcast %add3A_289 : i32 to vector<16xi32>
    %add3A_291 = arith.addi %get3A_288, %add3A_290 : vector<16xi32>
    %add3A_292 = arith.constant 1667 : i32
    %add3A_293 = vector.broadcast %add3A_292 : i32 to vector<16xi32>
    %add3A_294 = arith.addi %mul3A_5, %add3A_293 : vector<16xi32>
    tpu.vector_store_idx %arg6[%add3A_294], %add3A_291 : memref<3328xi32, #tpu.memory_space<vmem>>[vector<16xi32>], vector<16xi32>,
    %get3A_295 = arith.constant 3 : i32
    %get3A_296 = arith.index_cast %get3A_295 : i32 to index
    %get3A_297 = arith.constant 80 : index
    %get3A_298 = tpu.vector_load %arg5[%get3A_296, %get3A_297] {strides = array<i32>} : memref<26x128xi32, #tpu.memory_space<vmem>>, vector<16xi32>,
    %add3A_299 = arith.constant 300000 : i32
    %add3A_300 = vector.broadcast %add3A_299 : i32 to vector<16xi32>
    %add3A_301 = arith.addi %get3A_298, %add3A_300 : vector<16xi32>
    %add3A_302 = arith.constant 2083 : i32
    %add3A_303 = vector.broadcast %add3A_302 : i32 to vector<16xi32>
    %add3A_304 = arith.addi %mul3A_5, %add3A_303 : vector<16xi32>
    tpu.vector_store_idx %arg6[%add3A_304], %add3A_301 : memref<3328xi32, #tpu.memory_space<vmem>>[vector<16xi32>], vector<16xi32>,
    %get3A_305 = arith.constant 3 : i32
    %get3A_306 = arith.index_cast %get3A_305 : i32 to index
    %get3A_307 = arith.constant 96 : index
    %get3A_308 = tpu.vector_load %arg5[%get3A_306, %get3A_307] {strides = array<i32>} : memref<26x128xi32, #tpu.memory_space<vmem>>, vector<16xi32>,
    %add3A_309 = arith.constant 300000 : i32
    %add3A_310 = vector.broadcast %add3A_309 : i32 to vector<16xi32>
    %add3A_311 = arith.addi %get3A_308, %add3A_310 : vector<16xi32>
    %add3A_312 = arith.constant 2499 : i32
    %add3A_313 = vector.broadcast %add3A_312 : i32 to vector<16xi32>
    %add3A_314 = arith.addi %mul3A_5, %add3A_313 : vector<16xi32>
    tpu.vector_store_idx %arg6[%add3A_314], %add3A_311 : memref<3328xi32, #tpu.memory_space<vmem>>[vector<16xi32>], vector<16xi32>,
    %get3A_315 = arith.constant 3 : i32
    %get3A_316 = arith.index_cast %get3A_315 : i32 to index
    %get3A_317 = arith.constant 112 : index
    %get3A_318 = tpu.vector_load %arg5[%get3A_316, %get3A_317] {strides = array<i32>} : memref<26x128xi32, #tpu.memory_space<vmem>>, vector<16xi32>,
    %add3A_319 = arith.constant 300000 : i32
    %add3A_320 = vector.broadcast %add3A_319 : i32 to vector<16xi32>
    %add3A_321 = arith.addi %get3A_318, %add3A_320 : vector<16xi32>
    %add3A_322 = arith.constant 2915 : i32
    %add3A_323 = vector.broadcast %add3A_322 : i32 to vector<16xi32>
    %add3A_324 = arith.addi %mul3A_5, %add3A_323 : vector<16xi32>
    tpu.vector_store_idx %arg6[%add3A_324], %add3A_321 : memref<3328xi32, #tpu.memory_space<vmem>>[vector<16xi32>], vector<16xi32>,
    %get3A_325 = arith.constant 4 : i32
    %get3A_326 = arith.index_cast %get3A_325 : i32 to index
    %get3A_327 = arith.constant 0 : index
    %get3A_328 = tpu.vector_load %arg5[%get3A_326, %get3A_327] {strides = array<i32>} : memref<26x128xi32, #tpu.memory_space<vmem>>, vector<16xi32>,
    %add3A_329 = arith.constant 400000 : i32
    %add3A_330 = vector.broadcast %add3A_329 : i32 to vector<16xi32>
    %add3A_331 = arith.addi %get3A_328, %add3A_330 : vector<16xi32>
    %add3A_332 = arith.constant 4 : i32
    %add3A_333 = vector.broadcast %add3A_332 : i32 to vector<16xi32>
    %add3A_334 = arith.addi %mul3A_5, %add3A_333 : vector<16xi32>
    tpu.vector_store_idx %arg6[%add3A_334], %add3A_331 : memref<3328xi32, #tpu.memory_space<vmem>>[vector<16xi32>], vector<16xi32>,
    %get3A_335 = arith.constant 4 : i32
    %get3A_336 = arith.index_cast %get3A_335 : i32 to index
    %get3A_337 = arith.constant 16 : index
    %get3A_338 = tpu.vector_load %arg5[%get3A_336, %get3A_337] {strides = array<i32>} : memref<26x128xi32, #tpu.memory_space<vmem>>, vector<16xi32>,
    %add3A_339 = arith.constant 400000 : i32
    %add3A_340 = vector.broadcast %add3A_339 : i32 to vector<16xi32>
    %add3A_341 = arith.addi %get3A_338, %add3A_340 : vector<16xi32>
    %add3A_342 = arith.constant 420 : i32
    %add3A_343 = vector.broadcast %add3A_342 : i32 to vector<16xi32>
    %add3A_344 = arith.addi %mul3A_5, %add3A_343 : vector<16xi32>
    tpu.vector_store_idx %arg6[%add3A_344], %add3A_341 : memref<3328xi32, #tpu.memory_space<vmem>>[vector<16xi32>], vector<16xi32>,
    %get3A_345 = arith.constant 4 : i32
    %get3A_346 = arith.index_cast %get3A_345 : i32 to index
    %get3A_347 = arith.constant 32 : index
    %get3A_348 = tpu.vector_load %arg5[%get3A_346, %get3A_347] {strides = array<i32>} : memref<26x128xi32, #tpu.memory_space<vmem>>, vector<16xi32>,
    %add3A_349 = arith.constant 400000 : i32
    %add3A_350 = vector.broadcast %add3A_349 : i32 to vector<16xi32>
    %add3A_351 = arith.addi %get3A_348, %add3A_350 : vector<16xi32>
    %add3A_352 = arith.constant 836 : i32
    %add3A_353 = vector.broadcast %add3A_352 : i32 to vector<16xi32>
    %add3A_354 = arith.addi %mul3A_5, %add3A_353 : vector<16xi32>
    tpu.vector_store_idx %arg6[%add3A_354], %add3A_351 : memref<3328xi32, #tpu.memory_space<vmem>>[vector<16xi32>], vector<16xi32>,
    %get3A_355 = arith.constant 4 : i32
    %get3A_356 = arith.index_cast %get3A_355 : i32 to index
    %get3A_357 = arith.constant 48 : index
    %get3A_358 = tpu.vector_load %arg5[%get3A_356, %get3A_357] {strides = array<i32>} : memref<26x128xi32, #tpu.memory_space<vmem>>, vector<16xi32>,
    %add3A_359 = arith.constant 400000 : i32
    %add3A_360 = vector.broadcast %add3A_359 : i32 to vector<16xi32>
    %add3A_361 = arith.addi %get3A_358, %add3A_360 : vector<16xi32>
    %add3A_362 = arith.constant 1252 : i32
    %add3A_363 = vector.broadcast %add3A_362 : i32 to vector<16xi32>
    %add3A_364 = arith.addi %mul3A_5, %add3A_363 : vector<16xi32>
    tpu.vector_store_idx %arg6[%add3A_364], %add3A_361 : memref<3328xi32, #tpu.memory_space<vmem>>[vector<16xi32>], vector<16xi32>,
    %get3A_365 = arith.constant 4 : i32
    %get3A_366 = arith.index_cast %get3A_365 : i32 to index
    %get3A_367 = arith.constant 64 : index
    %get3A_368 = tpu.vector_load %arg5[%get3A_366, %get3A_367] {strides = array<i32>} : memref<26x128xi32, #tpu.memory_space<vmem>>, vector<16xi32>,
    %add3A_369 = arith.constant 400000 : i32
    %add3A_370 = vector.broadcast %add3A_369 : i32 to vector<16xi32>
    %add3A_371 = arith.addi %get3A_368, %add3A_370 : vector<16xi32>
    %add3A_372 = arith.constant 1668 : i32
    %add3A_373 = vector.broadcast %add3A_372 : i32 to vector<16xi32>
    %add3A_374 = arith.addi %mul3A_5, %add3A_373 : vector<16xi32>
    tpu.vector_store_idx %arg6[%add3A_374], %add3A_371 : memref<3328xi32, #tpu.memory_space<vmem>>[vector<16xi32>], vector<16xi32>,
    %get3A_375 = arith.constant 4 : i32
    %get3A_376 = arith.index_cast %get3A_375 : i32 to index
    %get3A_377 = arith.constant 80 : index
    %get3A_378 = tpu.vector_load %arg5[%get3A_376, %get3A_377] {strides = array<i32>} : memref<26x128xi32, #tpu.memory_space<vmem>>, vector<16xi32>,
    %add3A_379 = arith.constant 400000 : i32
    %add3A_380 = vector.broadcast %add3A_379 : i32 to vector<16xi32>
    %add3A_381 = arith.addi %get3A_378, %add3A_380 : vector<16xi32>
    %add3A_382 = arith.constant 2084 : i32
    %add3A_383 = vector.broadcast %add3A_382 : i32 to vector<16xi32>
    %add3A_384 = arith.addi %mul3A_5, %add3A_383 : vector<16xi32>
    tpu.vector_store_idx %arg6[%add3A_384], %add3A_381 : memref<3328xi32, #tpu.memory_space<vmem>>[vector<16xi32>], vector<16xi32>,
    %get3A_385 = arith.constant 4 : i32
    %get3A_386 = arith.index_cast %get3A_385 : i32 to index
    %get3A_387 = arith.constant 96 : index
    %get3A_388 = tpu.vector_load %arg5[%get3A_386, %get3A_387] {strides = array<i32>} : memref<26x128xi32, #tpu.memory_space<vmem>>, vector<16xi32>,
    %add3A_389 = arith.constant 400000 : i32
    %add3A_390 = vector.broadcast %add3A_389 : i32 to vector<16xi32>
    %add3A_391 = arith.addi %get3A_388, %add3A_390 : vector<16xi32>
    %add3A_392 = arith.constant 2500 : i32
    %add3A_393 = vector.broadcast %add3A_392 : i32 to vector<16xi32>
    %add3A_394 = arith.addi %mul3A_5, %add3A_393 : vector<16xi32>
    tpu.vector_store_idx %arg6[%add3A_394], %add3A_391 : memref<3328xi32, #tpu.memory_space<vmem>>[vector<16xi32>], vector<16xi32>,
    %get3A_395 = arith.constant 4 : i32
    %get3A_396 = arith.index_cast %get3A_395 : i32 to index
    %get3A_397 = arith.constant 112 : index
    %get3A_398 = tpu.vector_load %arg5[%get3A_396, %get3A_397] {strides = array<i32>} : memref<26x128xi32, #tpu.memory_space<vmem>>, vector<16xi32>,
    %add3A_399 = arith.constant 400000 : i32
    %add3A_400 = vector.broadcast %add3A_399 : i32 to vector<16xi32>
    %add3A_401 = arith.addi %get3A_398, %add3A_400 : vector<16xi32>
    %add3A_402 = arith.constant 2916 : i32
    %add3A_403 = vector.broadcast %add3A_402 : i32 to vector<16xi32>
    %add3A_404 = arith.addi %mul3A_5, %add3A_403 : vector<16xi32>
    tpu.vector_store_idx %arg6[%add3A_404], %add3A_401 : memref<3328xi32, #tpu.memory_space<vmem>>[vector<16xi32>], vector<16xi32>,
    %get3A_405 = arith.constant 5 : i32
    %get3A_406 = arith.index_cast %get3A_405 : i32 to index
    %get3A_407 = arith.constant 0 : index
    %get3A_408 = tpu.vector_load %arg5[%get3A_406, %get3A_407] {strides = array<i32>} : memref<26x128xi32, #tpu.memory_space<vmem>>, vector<16xi32>,
    %add3A_409 = arith.constant 500000 : i32
    %add3A_410 = vector.broadcast %add3A_409 : i32 to vector<16xi32>
    %add3A_411 = arith.addi %get3A_408, %add3A_410 : vector<16xi32>
    %add3A_412 = arith.constant 5 : i32
    %add3A_413 = vector.broadcast %add3A_412 : i32 to vector<16xi32>
    %add3A_414 = arith.addi %mul3A_5, %add3A_413 : vector<16xi32>
    tpu.vector_store_idx %arg6[%add3A_414], %add3A_411 : memref<3328xi32, #tpu.memory_space<vmem>>[vector<16xi32>], vector<16xi32>,
    %get3A_415 = arith.constant 5 : i32
    %get3A_416 = arith.index_cast %get3A_415 : i32 to index
    %get3A_417 = arith.constant 16 : index
    %get3A_418 = tpu.vector_load %arg5[%get3A_416, %get3A_417] {strides = array<i32>} : memref<26x128xi32, #tpu.memory_space<vmem>>, vector<16xi32>,
    %add3A_419 = arith.constant 500000 : i32
    %add3A_420 = vector.broadcast %add3A_419 : i32 to vector<16xi32>
    %add3A_421 = arith.addi %get3A_418, %add3A_420 : vector<16xi32>
    %add3A_422 = arith.constant 421 : i32
    %add3A_423 = vector.broadcast %add3A_422 : i32 to vector<16xi32>
    %add3A_424 = arith.addi %mul3A_5, %add3A_423 : vector<16xi32>
    tpu.vector_store_idx %arg6[%add3A_424], %add3A_421 : memref<3328xi32, #tpu.memory_space<vmem>>[vector<16xi32>], vector<16xi32>,
    %get3A_425 = arith.constant 5 : i32
    %get3A_426 = arith.index_cast %get3A_425 : i32 to index
    %get3A_427 = arith.constant 32 : index
    %get3A_428 = tpu.vector_load %arg5[%get3A_426, %get3A_427] {strides = array<i32>} : memref<26x128xi32, #tpu.memory_space<vmem>>, vector<16xi32>,
    %add3A_429 = arith.constant 500000 : i32
    %add3A_430 = vector.broadcast %add3A_429 : i32 to vector<16xi32>
    %add3A_431 = arith.addi %get3A_428, %add3A_430 : vector<16xi32>
    %add3A_432 = arith.constant 837 : i32
    %add3A_433 = vector.broadcast %add3A_432 : i32 to vector<16xi32>
    %add3A_434 = arith.addi %mul3A_5, %add3A_433 : vector<16xi32>
    tpu.vector_store_idx %arg6[%add3A_434], %add3A_431 : memref<3328xi32, #tpu.memory_space<vmem>>[vector<16xi32>], vector<16xi32>,
    %get3A_435 = arith.constant 5 : i32
    %get3A_436 = arith.index_cast %get3A_435 : i32 to index
    %get3A_437 = arith.constant 48 : index
    %get3A_438 = tpu.vector_load %arg5[%get3A_436, %get3A_437] {strides = array<i32>} : memref<26x128xi32, #tpu.memory_space<vmem>>, vector<16xi32>,
    %add3A_439 = arith.constant 500000 : i32
    %add3A_440 = vector.broadcast %add3A_439 : i32 to vector<16xi32>
    %add3A_441 = arith.addi %get3A_438, %add3A_440 : vector<16xi32>
    %add3A_442 = arith.constant 1253 : i32
    %add3A_443 = vector.broadcast %add3A_442 : i32 to vector<16xi32>
    %add3A_444 = arith.addi %mul3A_5, %add3A_443 : vector<16xi32>
    tpu.vector_store_idx %arg6[%add3A_444], %add3A_441 : memref<3328xi32, #tpu.memory_space<vmem>>[vector<16xi32>], vector<16xi32>,
    %get3A_445 = arith.constant 5 : i32
    %get3A_446 = arith.index_cast %get3A_445 : i32 to index
    %get3A_447 = arith.constant 64 : index
    %get3A_448 = tpu.vector_load %arg5[%get3A_446, %get3A_447] {strides = array<i32>} : memref<26x128xi32, #tpu.memory_space<vmem>>, vector<16xi32>,
    %add3A_449 = arith.constant 500000 : i32
    %add3A_450 = vector.broadcast %add3A_449 : i32 to vector<16xi32>
    %add3A_451 = arith.addi %get3A_448, %add3A_450 : vector<16xi32>
    %add3A_452 = arith.constant 1669 : i32
    %add3A_453 = vector.broadcast %add3A_452 : i32 to vector<16xi32>
    %add3A_454 = arith.addi %mul3A_5, %add3A_453 : vector<16xi32>
    tpu.vector_store_idx %arg6[%add3A_454], %add3A_451 : memref<3328xi32, #tpu.memory_space<vmem>>[vector<16xi32>], vector<16xi32>,
    %get3A_455 = arith.constant 5 : i32
    %get3A_456 = arith.index_cast %get3A_455 : i32 to index
    %get3A_457 = arith.constant 80 : index
    %get3A_458 = tpu.vector_load %arg5[%get3A_456, %get3A_457] {strides = array<i32>} : memref<26x128xi32, #tpu.memory_space<vmem>>, vector<16xi32>,
    %add3A_459 = arith.constant 500000 : i32
    %add3A_460 = vector.broadcast %add3A_459 : i32 to vector<16xi32>
    %add3A_461 = arith.addi %get3A_458, %add3A_460 : vector<16xi32>
    %add3A_462 = arith.constant 2085 : i32
    %add3A_463 = vector.broadcast %add3A_462 : i32 to vector<16xi32>
    %add3A_464 = arith.addi %mul3A_5, %add3A_463 : vector<16xi32>
    tpu.vector_store_idx %arg6[%add3A_464], %add3A_461 : memref<3328xi32, #tpu.memory_space<vmem>>[vector<16xi32>], vector<16xi32>,
    %get3A_465 = arith.constant 5 : i32
    %get3A_466 = arith.index_cast %get3A_465 : i32 to index
    %get3A_467 = arith.constant 96 : index
    %get3A_468 = tpu.vector_load %arg5[%get3A_466, %get3A_467] {strides = array<i32>} : memref<26x128xi32, #tpu.memory_space<vmem>>, vector<16xi32>,
    %add3A_469 = arith.constant 500000 : i32
    %add3A_470 = vector.broadcast %add3A_469 : i32 to vector<16xi32>
    %add3A_471 = arith.addi %get3A_468, %add3A_470 : vector<16xi32>
    %add3A_472 = arith.constant 2501 : i32
    %add3A_473 = vector.broadcast %add3A_472 : i32 to vector<16xi32>
    %add3A_474 = arith.addi %mul3A_5, %add3A_473 : vector<16xi32>
    tpu.vector_store_idx %arg6[%add3A_474], %add3A_471 : memref<3328xi32, #tpu.memory_space<vmem>>[vector<16xi32>], vector<16xi32>,
    %get3A_475 = arith.constant 5 : i32
    %get3A_476 = arith.index_cast %get3A_475 : i32 to index
    %get3A_477 = arith.constant 112 : index
    %get3A_478 = tpu.vector_load %arg5[%get3A_476, %get3A_477] {strides = array<i32>} : memref<26x128xi32, #tpu.memory_space<vmem>>, vector<16xi32>,
    %add3A_479 = arith.constant 500000 : i32
    %add3A_480 = vector.broadcast %add3A_479 : i32 to vector<16xi32>
    %add3A_481 = arith.addi %get3A_478, %add3A_480 : vector<16xi32>
    %add3A_482 = arith.constant 2917 : i32
    %add3A_483 = vector.broadcast %add3A_482 : i32 to vector<16xi32>
    %add3A_484 = arith.addi %mul3A_5, %add3A_483 : vector<16xi32>
    tpu.vector_store_idx %arg6[%add3A_484], %add3A_481 : memref<3328xi32, #tpu.memory_space<vmem>>[vector<16xi32>], vector<16xi32>,
    %get3A_485 = arith.constant 6 : i32
    %get3A_486 = arith.index_cast %get3A_485 : i32 to index
    %get3A_487 = arith.constant 0 : index
    %get3A_488 = tpu.vector_load %arg5[%get3A_486, %get3A_487] {strides = array<i32>} : memref<26x128xi32, #tpu.memory_space<vmem>>, vector<16xi32>,
    %add3A_489 = arith.constant 600000 : i32
    %add3A_490 = vector.broadcast %add3A_489 : i32 to vector<16xi32>
    %add3A_491 = arith.addi %get3A_488, %add3A_490 : vector<16xi32>
    %add3A_492 = arith.constant 6 : i32
    %add3A_493 = vector.broadcast %add3A_492 : i32 to vector<16xi32>
    %add3A_494 = arith.addi %mul3A_5, %add3A_493 : vector<16xi32>
    tpu.vector_store_idx %arg6[%add3A_494], %add3A_491 : memref<3328xi32, #tpu.memory_space<vmem>>[vector<16xi32>], vector<16xi32>,
    %get3A_495 = arith.constant 6 : i32
    %get3A_496 = arith.index_cast %get3A_495 : i32 to index
    %get3A_497 = arith.constant 16 : index
    %get3A_498 = tpu.vector_load %arg5[%get3A_496, %get3A_497] {strides = array<i32>} : memref<26x128xi32, #tpu.memory_space<vmem>>, vector<16xi32>,
    %add3A_499 = arith.constant 600000 : i32
    %add3A_500 = vector.broadcast %add3A_499 : i32 to vector<16xi32>
    %add3A_501 = arith.addi %get3A_498, %add3A_500 : vector<16xi32>
    %add3A_502 = arith.constant 422 : i32
    %add3A_503 = vector.broadcast %add3A_502 : i32 to vector<16xi32>
    %add3A_504 = arith.addi %mul3A_5, %add3A_503 : vector<16xi32>
    tpu.vector_store_idx %arg6[%add3A_504], %add3A_501 : memref<3328xi32, #tpu.memory_space<vmem>>[vector<16xi32>], vector<16xi32>,
    %get3A_505 = arith.constant 6 : i32
    %get3A_506 = arith.index_cast %get3A_505 : i32 to index
    %get3A_507 = arith.constant 32 : index
    %get3A_508 = tpu.vector_load %arg5[%get3A_506, %get3A_507] {strides = array<i32>} : memref<26x128xi32, #tpu.memory_space<vmem>>, vector<16xi32>,
    %add3A_509 = arith.constant 600000 : i32
    %add3A_510 = vector.broadcast %add3A_509 : i32 to vector<16xi32>
    %add3A_511 = arith.addi %get3A_508, %add3A_510 : vector<16xi32>
    %add3A_512 = arith.constant 838 : i32
    %add3A_513 = vector.broadcast %add3A_512 : i32 to vector<16xi32>
    %add3A_514 = arith.addi %mul3A_5, %add3A_513 : vector<16xi32>
    tpu.vector_store_idx %arg6[%add3A_514], %add3A_511 : memref<3328xi32, #tpu.memory_space<vmem>>[vector<16xi32>], vector<16xi32>,
    %get3A_515 = arith.constant 6 : i32
    %get3A_516 = arith.index_cast %get3A_515 : i32 to index
    %get3A_517 = arith.constant 48 : index
    %get3A_518 = tpu.vector_load %arg5[%get3A_516, %get3A_517] {strides = array<i32>} : memref<26x128xi32, #tpu.memory_space<vmem>>, vector<16xi32>,
    %add3A_519 = arith.constant 600000 : i32
    %add3A_520 = vector.broadcast %add3A_519 : i32 to vector<16xi32>
    %add3A_521 = arith.addi %get3A_518, %add3A_520 : vector<16xi32>
    %add3A_522 = arith.constant 1254 : i32
    %add3A_523 = vector.broadcast %add3A_522 : i32 to vector<16xi32>
    %add3A_524 = arith.addi %mul3A_5, %add3A_523 : vector<16xi32>
    tpu.vector_store_idx %arg6[%add3A_524], %add3A_521 : memref<3328xi32, #tpu.memory_space<vmem>>[vector<16xi32>], vector<16xi32>,
    %get3A_525 = arith.constant 6 : i32
    %get3A_526 = arith.index_cast %get3A_525 : i32 to index
    %get3A_527 = arith.constant 64 : index
    %get3A_528 = tpu.vector_load %arg5[%get3A_526, %get3A_527] {strides = array<i32>} : memref<26x128xi32, #tpu.memory_space<vmem>>, vector<16xi32>,
    %add3A_529 = arith.constant 600000 : i32
    %add3A_530 = vector.broadcast %add3A_529 : i32 to vector<16xi32>
    %add3A_531 = arith.addi %get3A_528, %add3A_530 : vector<16xi32>
    %add3A_532 = arith.constant 1670 : i32
    %add3A_533 = vector.broadcast %add3A_532 : i32 to vector<16xi32>
    %add3A_534 = arith.addi %mul3A_5, %add3A_533 : vector<16xi32>
    tpu.vector_store_idx %arg6[%add3A_534], %add3A_531 : memref<3328xi32, #tpu.memory_space<vmem>>[vector<16xi32>], vector<16xi32>,
    %get3A_535 = arith.constant 6 : i32
    %get3A_536 = arith.index_cast %get3A_535 : i32 to index
    %get3A_537 = arith.constant 80 : index
    %get3A_538 = tpu.vector_load %arg5[%get3A_536, %get3A_537] {strides = array<i32>} : memref<26x128xi32, #tpu.memory_space<vmem>>, vector<16xi32>,
    %add3A_539 = arith.constant 600000 : i32
    %add3A_540 = vector.broadcast %add3A_539 : i32 to vector<16xi32>
    %add3A_541 = arith.addi %get3A_538, %add3A_540 : vector<16xi32>
    %add3A_542 = arith.constant 2086 : i32
    %add3A_543 = vector.broadcast %add3A_542 : i32 to vector<16xi32>
    %add3A_544 = arith.addi %mul3A_5, %add3A_543 : vector<16xi32>
    tpu.vector_store_idx %arg6[%add3A_544], %add3A_541 : memref<3328xi32, #tpu.memory_space<vmem>>[vector<16xi32>], vector<16xi32>,
    %get3A_545 = arith.constant 6 : i32
    %get3A_546 = arith.index_cast %get3A_545 : i32 to index
    %get3A_547 = arith.constant 96 : index
    %get3A_548 = tpu.vector_load %arg5[%get3A_546, %get3A_547] {strides = array<i32>} : memref<26x128xi32, #tpu.memory_space<vmem>>, vector<16xi32>,
    %add3A_549 = arith.constant 600000 : i32
    %add3A_550 = vector.broadcast %add3A_549 : i32 to vector<16xi32>
    %add3A_551 = arith.addi %get3A_548, %add3A_550 : vector<16xi32>
    %add3A_552 = arith.constant 2502 : i32
    %add3A_553 = vector.broadcast %add3A_552 : i32 to vector<16xi32>
    %add3A_554 = arith.addi %mul3A_5, %add3A_553 : vector<16xi32>
    tpu.vector_store_idx %arg6[%add3A_554], %add3A_551 : memref<3328xi32, #tpu.memory_space<vmem>>[vector<16xi32>], vector<16xi32>,
    %get3A_555 = arith.constant 6 : i32
    %get3A_556 = arith.index_cast %get3A_555 : i32 to index
    %get3A_557 = arith.constant 112 : index
    %get3A_558 = tpu.vector_load %arg5[%get3A_556, %get3A_557] {strides = array<i32>} : memref<26x128xi32, #tpu.memory_space<vmem>>, vector<16xi32>,
    %add3A_559 = arith.constant 600000 : i32
    %add3A_560 = vector.broadcast %add3A_559 : i32 to vector<16xi32>
    %add3A_561 = arith.addi %get3A_558, %add3A_560 : vector<16xi32>
    %add3A_562 = arith.constant 2918 : i32
    %add3A_563 = vector.broadcast %add3A_562 : i32 to vector<16xi32>
    %add3A_564 = arith.addi %mul3A_5, %add3A_563 : vector<16xi32>
    tpu.vector_store_idx %arg6[%add3A_564], %add3A_561 : memref<3328xi32, #tpu.memory_space<vmem>>[vector<16xi32>], vector<16xi32>,
    %get3A_565 = arith.constant 7 : i32
    %get3A_566 = arith.index_cast %get3A_565 : i32 to index
    %get3A_567 = arith.constant 0 : index
    %get3A_568 = tpu.vector_load %arg5[%get3A_566, %get3A_567] {strides = array<i32>} : memref<26x128xi32, #tpu.memory_space<vmem>>, vector<16xi32>,
    %add3A_569 = arith.constant 700000 : i32
    %add3A_570 = vector.broadcast %add3A_569 : i32 to vector<16xi32>
    %add3A_571 = arith.addi %get3A_568, %add3A_570 : vector<16xi32>
    %add3A_572 = arith.constant 7 : i32
    %add3A_573 = vector.broadcast %add3A_572 : i32 to vector<16xi32>
    %add3A_574 = arith.addi %mul3A_5, %add3A_573 : vector<16xi32>
    tpu.vector_store_idx %arg6[%add3A_574], %add3A_571 : memref<3328xi32, #tpu.memory_space<vmem>>[vector<16xi32>], vector<16xi32>,
    %get3A_575 = arith.constant 7 : i32
    %get3A_576 = arith.index_cast %get3A_575 : i32 to index
    %get3A_577 = arith.constant 16 : index
    %get3A_578 = tpu.vector_load %arg5[%get3A_576, %get3A_577] {strides = array<i32>} : memref<26x128xi32, #tpu.memory_space<vmem>>, vector<16xi32>,
    %add3A_579 = arith.constant 700000 : i32
    %add3A_580 = vector.broadcast %add3A_579 : i32 to vector<16xi32>
    %add3A_581 = arith.addi %get3A_578, %add3A_580 : vector<16xi32>
    %add3A_582 = arith.constant 423 : i32
    %add3A_583 = vector.broadcast %add3A_582 : i32 to vector<16xi32>
    %add3A_584 = arith.addi %mul3A_5, %add3A_583 : vector<16xi32>
    tpu.vector_store_idx %arg6[%add3A_584], %add3A_581 : memref<3328xi32, #tpu.memory_space<vmem>>[vector<16xi32>], vector<16xi32>,
    %get3A_585 = arith.constant 7 : i32
    %get3A_586 = arith.index_cast %get3A_585 : i32 to index
    %get3A_587 = arith.constant 32 : index
    %get3A_588 = tpu.vector_load %arg5[%get3A_586, %get3A_587] {strides = array<i32>} : memref<26x128xi32, #tpu.memory_space<vmem>>, vector<16xi32>,
    %add3A_589 = arith.constant 700000 : i32
    %add3A_590 = vector.broadcast %add3A_589 : i32 to vector<16xi32>
    %add3A_591 = arith.addi %get3A_588, %add3A_590 : vector<16xi32>
    %add3A_592 = arith.constant 839 : i32
    %add3A_593 = vector.broadcast %add3A_592 : i32 to vector<16xi32>
    %add3A_594 = arith.addi %mul3A_5, %add3A_593 : vector<16xi32>
    tpu.vector_store_idx %arg6[%add3A_594], %add3A_591 : memref<3328xi32, #tpu.memory_space<vmem>>[vector<16xi32>], vector<16xi32>,
    %get3A_595 = arith.constant 7 : i32
    %get3A_596 = arith.index_cast %get3A_595 : i32 to index
    %get3A_597 = arith.constant 48 : index
    %get3A_598 = tpu.vector_load %arg5[%get3A_596, %get3A_597] {strides = array<i32>} : memref<26x128xi32, #tpu.memory_space<vmem>>, vector<16xi32>,
    %add3A_599 = arith.constant 700000 : i32
    %add3A_600 = vector.broadcast %add3A_599 : i32 to vector<16xi32>
    %add3A_601 = arith.addi %get3A_598, %add3A_600 : vector<16xi32>
    %add3A_602 = arith.constant 1255 : i32
    %add3A_603 = vector.broadcast %add3A_602 : i32 to vector<16xi32>
    %add3A_604 = arith.addi %mul3A_5, %add3A_603 : vector<16xi32>
    tpu.vector_store_idx %arg6[%add3A_604], %add3A_601 : memref<3328xi32, #tpu.memory_space<vmem>>[vector<16xi32>], vector<16xi32>,
    %get3A_605 = arith.constant 7 : i32
    %get3A_606 = arith.index_cast %get3A_605 : i32 to index
    %get3A_607 = arith.constant 64 : index
    %get3A_608 = tpu.vector_load %arg5[%get3A_606, %get3A_607] {strides = array<i32>} : memref<26x128xi32, #tpu.memory_space<vmem>>, vector<16xi32>,
    %add3A_609 = arith.constant 700000 : i32
    %add3A_610 = vector.broadcast %add3A_609 : i32 to vector<16xi32>
    %add3A_611 = arith.addi %get3A_608, %add3A_610 : vector<16xi32>
    %add3A_612 = arith.constant 1671 : i32
    %add3A_613 = vector.broadcast %add3A_612 : i32 to vector<16xi32>
    %add3A_614 = arith.addi %mul3A_5, %add3A_613 : vector<16xi32>
    tpu.vector_store_idx %arg6[%add3A_614], %add3A_611 : memref<3328xi32, #tpu.memory_space<vmem>>[vector<16xi32>], vector<16xi32>,
    %get3A_615 = arith.constant 7 : i32
    %get3A_616 = arith.index_cast %get3A_615 : i32 to index
    %get3A_617 = arith.constant 80 : index
    %get3A_618 = tpu.vector_load %arg5[%get3A_616, %get3A_617] {strides = array<i32>} : memref<26x128xi32, #tpu.memory_space<vmem>>, vector<16xi32>,
    %add3A_619 = arith.constant 700000 : i32
    %add3A_620 = vector.broadcast %add3A_619 : i32 to vector<16xi32>
    %add3A_621 = arith.addi %get3A_618, %add3A_620 : vector<16xi32>
    %add3A_622 = arith.constant 2087 : i32
    %add3A_623 = vector.broadcast %add3A_622 : i32 to vector<16xi32>
    %add3A_624 = arith.addi %mul3A_5, %add3A_623 : vector<16xi32>
    tpu.vector_store_idx %arg6[%add3A_624], %add3A_621 : memref<3328xi32, #tpu.memory_space<vmem>>[vector<16xi32>], vector<16xi32>,
    %get3A_625 = arith.constant 7 : i32
    %get3A_626 = arith.index_cast %get3A_625 : i32 to index
    %get3A_627 = arith.constant 96 : index
    %get3A_628 = tpu.vector_load %arg5[%get3A_626, %get3A_627] {strides = array<i32>} : memref<26x128xi32, #tpu.memory_space<vmem>>, vector<16xi32>,
    %add3A_629 = arith.constant 700000 : i32
    %add3A_630 = vector.broadcast %add3A_629 : i32 to vector<16xi32>
    %add3A_631 = arith.addi %get3A_628, %add3A_630 : vector<16xi32>
    %add3A_632 = arith.constant 2503 : i32
    %add3A_633 = vector.broadcast %add3A_632 : i32 to vector<16xi32>
    %add3A_634 = arith.addi %mul3A_5, %add3A_633 : vector<16xi32>
    tpu.vector_store_idx %arg6[%add3A_634], %add3A_631 : memref<3328xi32, #tpu.memory_space<vmem>>[vector<16xi32>], vector<16xi32>,
    %get3A_635 = arith.constant 7 : i32
    %get3A_636 = arith.index_cast %get3A_635 : i32 to index
    %get3A_637 = arith.constant 112 : index
    %get3A_638 = tpu.vector_load %arg5[%get3A_636, %get3A_637] {strides = array<i32>} : memref<26x128xi32, #tpu.memory_space<vmem>>, vector<16xi32>,
    %add3A_639 = arith.constant 700000 : i32
    %add3A_640 = vector.broadcast %add3A_639 : i32 to vector<16xi32>
    %add3A_641 = arith.addi %get3A_638, %add3A_640 : vector<16xi32>
    %add3A_642 = arith.constant 2919 : i32
    %add3A_643 = vector.broadcast %add3A_642 : i32 to vector<16xi32>
    %add3A_644 = arith.addi %mul3A_5, %add3A_643 : vector<16xi32>
    tpu.vector_store_idx %arg6[%add3A_644], %add3A_641 : memref<3328xi32, #tpu.memory_space<vmem>>[vector<16xi32>], vector<16xi32>,
    %get3A_645 = arith.constant 8 : i32
    %get3A_646 = arith.index_cast %get3A_645 : i32 to index
    %get3A_647 = arith.constant 0 : index
    %get3A_648 = tpu.vector_load %arg5[%get3A_646, %get3A_647] {strides = array<i32>} : memref<26x128xi32, #tpu.memory_space<vmem>>, vector<16xi32>,
    %add3A_649 = arith.constant 800000 : i32
    %add3A_650 = vector.broadcast %add3A_649 : i32 to vector<16xi32>
    %add3A_651 = arith.addi %get3A_648, %add3A_650 : vector<16xi32>
    %add3A_652 = arith.constant 8 : i32
    %add3A_653 = vector.broadcast %add3A_652 : i32 to vector<16xi32>
    %add3A_654 = arith.addi %mul3A_5, %add3A_653 : vector<16xi32>
    tpu.vector_store_idx %arg6[%add3A_654], %add3A_651 : memref<3328xi32, #tpu.memory_space<vmem>>[vector<16xi32>], vector<16xi32>,
    %get3A_655 = arith.constant 8 : i32
    %get3A_656 = arith.index_cast %get3A_655 : i32 to index
    %get3A_657 = arith.constant 16 : index
    %get3A_658 = tpu.vector_load %arg5[%get3A_656, %get3A_657] {strides = array<i32>} : memref<26x128xi32, #tpu.memory_space<vmem>>, vector<16xi32>,
    %add3A_659 = arith.constant 800000 : i32
    %add3A_660 = vector.broadcast %add3A_659 : i32 to vector<16xi32>
    %add3A_661 = arith.addi %get3A_658, %add3A_660 : vector<16xi32>
    %add3A_662 = arith.constant 424 : i32
    %add3A_663 = vector.broadcast %add3A_662 : i32 to vector<16xi32>
    %add3A_664 = arith.addi %mul3A_5, %add3A_663 : vector<16xi32>
    tpu.vector_store_idx %arg6[%add3A_664], %add3A_661 : memref<3328xi32, #tpu.memory_space<vmem>>[vector<16xi32>], vector<16xi32>,
    %get3A_665 = arith.constant 8 : i32
    %get3A_666 = arith.index_cast %get3A_665 : i32 to index
    %get3A_667 = arith.constant 32 : index
    %get3A_668 = tpu.vector_load %arg5[%get3A_666, %get3A_667] {strides = array<i32>} : memref<26x128xi32, #tpu.memory_space<vmem>>, vector<16xi32>,
    %add3A_669 = arith.constant 800000 : i32
    %add3A_670 = vector.broadcast %add3A_669 : i32 to vector<16xi32>
    %add3A_671 = arith.addi %get3A_668, %add3A_670 : vector<16xi32>
    %add3A_672 = arith.constant 840 : i32
    %add3A_673 = vector.broadcast %add3A_672 : i32 to vector<16xi32>
    %add3A_674 = arith.addi %mul3A_5, %add3A_673 : vector<16xi32>
    tpu.vector_store_idx %arg6[%add3A_674], %add3A_671 : memref<3328xi32, #tpu.memory_space<vmem>>[vector<16xi32>], vector<16xi32>,
    %get3A_675 = arith.constant 8 : i32
    %get3A_676 = arith.index_cast %get3A_675 : i32 to index
    %get3A_677 = arith.constant 48 : index
    %get3A_678 = tpu.vector_load %arg5[%get3A_676, %get3A_677] {strides = array<i32>} : memref<26x128xi32, #tpu.memory_space<vmem>>, vector<16xi32>,
    %add3A_679 = arith.constant 800000 : i32
    %add3A_680 = vector.broadcast %add3A_679 : i32 to vector<16xi32>
    %add3A_681 = arith.addi %get3A_678, %add3A_680 : vector<16xi32>
    %add3A_682 = arith.constant 1256 : i32
    %add3A_683 = vector.broadcast %add3A_682 : i32 to vector<16xi32>
    %add3A_684 = arith.addi %mul3A_5, %add3A_683 : vector<16xi32>
    tpu.vector_store_idx %arg6[%add3A_684], %add3A_681 : memref<3328xi32, #tpu.memory_space<vmem>>[vector<16xi32>], vector<16xi32>,
    %get3A_685 = arith.constant 8 : i32
    %get3A_686 = arith.index_cast %get3A_685 : i32 to index
    %get3A_687 = arith.constant 64 : index
    %get3A_688 = tpu.vector_load %arg5[%get3A_686, %get3A_687] {strides = array<i32>} : memref<26x128xi32, #tpu.memory_space<vmem>>, vector<16xi32>,
    %add3A_689 = arith.constant 800000 : i32
    %add3A_690 = vector.broadcast %add3A_689 : i32 to vector<16xi32>
    %add3A_691 = arith.addi %get3A_688, %add3A_690 : vector<16xi32>
    %add3A_692 = arith.constant 1672 : i32
    %add3A_693 = vector.broadcast %add3A_692 : i32 to vector<16xi32>
    %add3A_694 = arith.addi %mul3A_5, %add3A_693 : vector<16xi32>
    tpu.vector_store_idx %arg6[%add3A_694], %add3A_691 : memref<3328xi32, #tpu.memory_space<vmem>>[vector<16xi32>], vector<16xi32>,
    %get3A_695 = arith.constant 8 : i32
    %get3A_696 = arith.index_cast %get3A_695 : i32 to index
    %get3A_697 = arith.constant 80 : index
    %get3A_698 = tpu.vector_load %arg5[%get3A_696, %get3A_697] {strides = array<i32>} : memref<26x128xi32, #tpu.memory_space<vmem>>, vector<16xi32>,
    %add3A_699 = arith.constant 800000 : i32
    %add3A_700 = vector.broadcast %add3A_699 : i32 to vector<16xi32>
    %add3A_701 = arith.addi %get3A_698, %add3A_700 : vector<16xi32>
    %add3A_702 = arith.constant 2088 : i32
    %add3A_703 = vector.broadcast %add3A_702 : i32 to vector<16xi32>
    %add3A_704 = arith.addi %mul3A_5, %add3A_703 : vector<16xi32>
    tpu.vector_store_idx %arg6[%add3A_704], %add3A_701 : memref<3328xi32, #tpu.memory_space<vmem>>[vector<16xi32>], vector<16xi32>,
    %get3A_705 = arith.constant 8 : i32
    %get3A_706 = arith.index_cast %get3A_705 : i32 to index
    %get3A_707 = arith.constant 96 : index
    %get3A_708 = tpu.vector_load %arg5[%get3A_706, %get3A_707] {strides = array<i32>} : memref<26x128xi32, #tpu.memory_space<vmem>>, vector<16xi32>,
    %add3A_709 = arith.constant 800000 : i32
    %add3A_710 = vector.broadcast %add3A_709 : i32 to vector<16xi32>
    %add3A_711 = arith.addi %get3A_708, %add3A_710 : vector<16xi32>
    %add3A_712 = arith.constant 2504 : i32
    %add3A_713 = vector.broadcast %add3A_712 : i32 to vector<16xi32>
    %add3A_714 = arith.addi %mul3A_5, %add3A_713 : vector<16xi32>
    tpu.vector_store_idx %arg6[%add3A_714], %add3A_711 : memref<3328xi32, #tpu.memory_space<vmem>>[vector<16xi32>], vector<16xi32>,
    %get3A_715 = arith.constant 8 : i32
    %get3A_716 = arith.index_cast %get3A_715 : i32 to index
    %get3A_717 = arith.constant 112 : index
    %get3A_718 = tpu.vector_load %arg5[%get3A_716, %get3A_717] {strides = array<i32>} : memref<26x128xi32, #tpu.memory_space<vmem>>, vector<16xi32>,
    %add3A_719 = arith.constant 800000 : i32
    %add3A_720 = vector.broadcast %add3A_719 : i32 to vector<16xi32>
    %add3A_721 = arith.addi %get3A_718, %add3A_720 : vector<16xi32>
    %add3A_722 = arith.constant 2920 : i32
    %add3A_723 = vector.broadcast %add3A_722 : i32 to vector<16xi32>
    %add3A_724 = arith.addi %mul3A_5, %add3A_723 : vector<16xi32>
    tpu.vector_store_idx %arg6[%add3A_724], %add3A_721 : memref<3328xi32, #tpu.memory_space<vmem>>[vector<16xi32>], vector<16xi32>,
    %get3A_725 = arith.constant 9 : i32
    %get3A_726 = arith.index_cast %get3A_725 : i32 to index
    %get3A_727 = arith.constant 0 : index
    %get3A_728 = tpu.vector_load %arg5[%get3A_726, %get3A_727] {strides = array<i32>} : memref<26x128xi32, #tpu.memory_space<vmem>>, vector<16xi32>,
    %add3A_729 = arith.constant 900000 : i32
    %add3A_730 = vector.broadcast %add3A_729 : i32 to vector<16xi32>
    %add3A_731 = arith.addi %get3A_728, %add3A_730 : vector<16xi32>
    %add3A_732 = arith.constant 9 : i32
    %add3A_733 = vector.broadcast %add3A_732 : i32 to vector<16xi32>
    %add3A_734 = arith.addi %mul3A_5, %add3A_733 : vector<16xi32>
    tpu.vector_store_idx %arg6[%add3A_734], %add3A_731 : memref<3328xi32, #tpu.memory_space<vmem>>[vector<16xi32>], vector<16xi32>,
    %get3A_735 = arith.constant 9 : i32
    %get3A_736 = arith.index_cast %get3A_735 : i32 to index
    %get3A_737 = arith.constant 16 : index
    %get3A_738 = tpu.vector_load %arg5[%get3A_736, %get3A_737] {strides = array<i32>} : memref<26x128xi32, #tpu.memory_space<vmem>>, vector<16xi32>,
    %add3A_739 = arith.constant 900000 : i32
    %add3A_740 = vector.broadcast %add3A_739 : i32 to vector<16xi32>
    %add3A_741 = arith.addi %get3A_738, %add3A_740 : vector<16xi32>
    %add3A_742 = arith.constant 425 : i32
    %add3A_743 = vector.broadcast %add3A_742 : i32 to vector<16xi32>
    %add3A_744 = arith.addi %mul3A_5, %add3A_743 : vector<16xi32>
    tpu.vector_store_idx %arg6[%add3A_744], %add3A_741 : memref<3328xi32, #tpu.memory_space<vmem>>[vector<16xi32>], vector<16xi32>,
    %get3A_745 = arith.constant 9 : i32
    %get3A_746 = arith.index_cast %get3A_745 : i32 to index
    %get3A_747 = arith.constant 32 : index
    %get3A_748 = tpu.vector_load %arg5[%get3A_746, %get3A_747] {strides = array<i32>} : memref<26x128xi32, #tpu.memory_space<vmem>>, vector<16xi32>,
    %add3A_749 = arith.constant 900000 : i32
    %add3A_750 = vector.broadcast %add3A_749 : i32 to vector<16xi32>
    %add3A_751 = arith.addi %get3A_748, %add3A_750 : vector<16xi32>
    %add3A_752 = arith.constant 841 : i32
    %add3A_753 = vector.broadcast %add3A_752 : i32 to vector<16xi32>
    %add3A_754 = arith.addi %mul3A_5, %add3A_753 : vector<16xi32>
    tpu.vector_store_idx %arg6[%add3A_754], %add3A_751 : memref<3328xi32, #tpu.memory_space<vmem>>[vector<16xi32>], vector<16xi32>,
    %get3A_755 = arith.constant 9 : i32
    %get3A_756 = arith.index_cast %get3A_755 : i32 to index
    %get3A_757 = arith.constant 48 : index
    %get3A_758 = tpu.vector_load %arg5[%get3A_756, %get3A_757] {strides = array<i32>} : memref<26x128xi32, #tpu.memory_space<vmem>>, vector<16xi32>,
    %add3A_759 = arith.constant 900000 : i32
    %add3A_760 = vector.broadcast %add3A_759 : i32 to vector<16xi32>
    %add3A_761 = arith.addi %get3A_758, %add3A_760 : vector<16xi32>
    %add3A_762 = arith.constant 1257 : i32
    %add3A_763 = vector.broadcast %add3A_762 : i32 to vector<16xi32>
    %add3A_764 = arith.addi %mul3A_5, %add3A_763 : vector<16xi32>
    tpu.vector_store_idx %arg6[%add3A_764], %add3A_761 : memref<3328xi32, #tpu.memory_space<vmem>>[vector<16xi32>], vector<16xi32>,
    %get3A_765 = arith.constant 9 : i32
    %get3A_766 = arith.index_cast %get3A_765 : i32 to index
    %get3A_767 = arith.constant 64 : index
    %get3A_768 = tpu.vector_load %arg5[%get3A_766, %get3A_767] {strides = array<i32>} : memref<26x128xi32, #tpu.memory_space<vmem>>, vector<16xi32>,
    %add3A_769 = arith.constant 900000 : i32
    %add3A_770 = vector.broadcast %add3A_769 : i32 to vector<16xi32>
    %add3A_771 = arith.addi %get3A_768, %add3A_770 : vector<16xi32>
    %add3A_772 = arith.constant 1673 : i32
    %add3A_773 = vector.broadcast %add3A_772 : i32 to vector<16xi32>
    %add3A_774 = arith.addi %mul3A_5, %add3A_773 : vector<16xi32>
    tpu.vector_store_idx %arg6[%add3A_774], %add3A_771 : memref<3328xi32, #tpu.memory_space<vmem>>[vector<16xi32>], vector<16xi32>,
    %get3A_775 = arith.constant 9 : i32
    %get3A_776 = arith.index_cast %get3A_775 : i32 to index
    %get3A_777 = arith.constant 80 : index
    %get3A_778 = tpu.vector_load %arg5[%get3A_776, %get3A_777] {strides = array<i32>} : memref<26x128xi32, #tpu.memory_space<vmem>>, vector<16xi32>,
    %add3A_779 = arith.constant 900000 : i32
    %add3A_780 = vector.broadcast %add3A_779 : i32 to vector<16xi32>
    %add3A_781 = arith.addi %get3A_778, %add3A_780 : vector<16xi32>
    %add3A_782 = arith.constant 2089 : i32
    %add3A_783 = vector.broadcast %add3A_782 : i32 to vector<16xi32>
    %add3A_784 = arith.addi %mul3A_5, %add3A_783 : vector<16xi32>
    tpu.vector_store_idx %arg6[%add3A_784], %add3A_781 : memref<3328xi32, #tpu.memory_space<vmem>>[vector<16xi32>], vector<16xi32>,
    %get3A_785 = arith.constant 9 : i32
    %get3A_786 = arith.index_cast %get3A_785 : i32 to index
    %get3A_787 = arith.constant 96 : index
    %get3A_788 = tpu.vector_load %arg5[%get3A_786, %get3A_787] {strides = array<i32>} : memref<26x128xi32, #tpu.memory_space<vmem>>, vector<16xi32>,
    %add3A_789 = arith.constant 900000 : i32
    %add3A_790 = vector.broadcast %add3A_789 : i32 to vector<16xi32>
    %add3A_791 = arith.addi %get3A_788, %add3A_790 : vector<16xi32>
    %add3A_792 = arith.constant 2505 : i32
    %add3A_793 = vector.broadcast %add3A_792 : i32 to vector<16xi32>
    %add3A_794 = arith.addi %mul3A_5, %add3A_793 : vector<16xi32>
    tpu.vector_store_idx %arg6[%add3A_794], %add3A_791 : memref<3328xi32, #tpu.memory_space<vmem>>[vector<16xi32>], vector<16xi32>,
    %get3A_795 = arith.constant 9 : i32
    %get3A_796 = arith.index_cast %get3A_795 : i32 to index
    %get3A_797 = arith.constant 112 : index
    %get3A_798 = tpu.vector_load %arg5[%get3A_796, %get3A_797] {strides = array<i32>} : memref<26x128xi32, #tpu.memory_space<vmem>>, vector<16xi32>,
    %add3A_799 = arith.constant 900000 : i32
    %add3A_800 = vector.broadcast %add3A_799 : i32 to vector<16xi32>
    %add3A_801 = arith.addi %get3A_798, %add3A_800 : vector<16xi32>
    %add3A_802 = arith.constant 2921 : i32
    %add3A_803 = vector.broadcast %add3A_802 : i32 to vector<16xi32>
    %add3A_804 = arith.addi %mul3A_5, %add3A_803 : vector<16xi32>
    tpu.vector_store_idx %arg6[%add3A_804], %add3A_801 : memref<3328xi32, #tpu.memory_space<vmem>>[vector<16xi32>], vector<16xi32>,
    %get3A_805 = arith.constant 10 : i32
    %get3A_806 = arith.index_cast %get3A_805 : i32 to index
    %get3A_807 = arith.constant 0 : index
    %get3A_808 = tpu.vector_load %arg5[%get3A_806, %get3A_807] {strides = array<i32>} : memref<26x128xi32, #tpu.memory_space<vmem>>, vector<16xi32>,
    %add3A_809 = arith.constant 1000000 : i32
    %add3A_810 = vector.broadcast %add3A_809 : i32 to vector<16xi32>
    %add3A_811 = arith.addi %get3A_808, %add3A_810 : vector<16xi32>
    %add3A_812 = arith.constant 10 : i32
    %add3A_813 = vector.broadcast %add3A_812 : i32 to vector<16xi32>
    %add3A_814 = arith.addi %mul3A_5, %add3A_813 : vector<16xi32>
    tpu.vector_store_idx %arg6[%add3A_814], %add3A_811 : memref<3328xi32, #tpu.memory_space<vmem>>[vector<16xi32>], vector<16xi32>,
    %get3A_815 = arith.constant 10 : i32
    %get3A_816 = arith.index_cast %get3A_815 : i32 to index
    %get3A_817 = arith.constant 16 : index
    %get3A_818 = tpu.vector_load %arg5[%get3A_816, %get3A_817] {strides = array<i32>} : memref<26x128xi32, #tpu.memory_space<vmem>>, vector<16xi32>,
    %add3A_819 = arith.constant 1000000 : i32
    %add3A_820 = vector.broadcast %add3A_819 : i32 to vector<16xi32>
    %add3A_821 = arith.addi %get3A_818, %add3A_820 : vector<16xi32>
    %add3A_822 = arith.constant 426 : i32
    %add3A_823 = vector.broadcast %add3A_822 : i32 to vector<16xi32>
    %add3A_824 = arith.addi %mul3A_5, %add3A_823 : vector<16xi32>
    tpu.vector_store_idx %arg6[%add3A_824], %add3A_821 : memref<3328xi32, #tpu.memory_space<vmem>>[vector<16xi32>], vector<16xi32>,
    %get3A_825 = arith.constant 10 : i32
    %get3A_826 = arith.index_cast %get3A_825 : i32 to index
    %get3A_827 = arith.constant 32 : index
    %get3A_828 = tpu.vector_load %arg5[%get3A_826, %get3A_827] {strides = array<i32>} : memref<26x128xi32, #tpu.memory_space<vmem>>, vector<16xi32>,
    %add3A_829 = arith.constant 1000000 : i32
    %add3A_830 = vector.broadcast %add3A_829 : i32 to vector<16xi32>
    %add3A_831 = arith.addi %get3A_828, %add3A_830 : vector<16xi32>
    %add3A_832 = arith.constant 842 : i32
    %add3A_833 = vector.broadcast %add3A_832 : i32 to vector<16xi32>
    %add3A_834 = arith.addi %mul3A_5, %add3A_833 : vector<16xi32>
    tpu.vector_store_idx %arg6[%add3A_834], %add3A_831 : memref<3328xi32, #tpu.memory_space<vmem>>[vector<16xi32>], vector<16xi32>,
    %get3A_835 = arith.constant 10 : i32
    %get3A_836 = arith.index_cast %get3A_835 : i32 to index
    %get3A_837 = arith.constant 48 : index
    %get3A_838 = tpu.vector_load %arg5[%get3A_836, %get3A_837] {strides = array<i32>} : memref<26x128xi32, #tpu.memory_space<vmem>>, vector<16xi32>,
    %add3A_839 = arith.constant 1000000 : i32
    %add3A_840 = vector.broadcast %add3A_839 : i32 to vector<16xi32>
    %add3A_841 = arith.addi %get3A_838, %add3A_840 : vector<16xi32>
    %add3A_842 = arith.constant 1258 : i32
    %add3A_843 = vector.broadcast %add3A_842 : i32 to vector<16xi32>
    %add3A_844 = arith.addi %mul3A_5, %add3A_843 : vector<16xi32>
    tpu.vector_store_idx %arg6[%add3A_844], %add3A_841 : memref<3328xi32, #tpu.memory_space<vmem>>[vector<16xi32>], vector<16xi32>,
    %get3A_845 = arith.constant 10 : i32
    %get3A_846 = arith.index_cast %get3A_845 : i32 to index
    %get3A_847 = arith.constant 64 : index
    %get3A_848 = tpu.vector_load %arg5[%get3A_846, %get3A_847] {strides = array<i32>} : memref<26x128xi32, #tpu.memory_space<vmem>>, vector<16xi32>,
    %add3A_849 = arith.constant 1000000 : i32
    %add3A_850 = vector.broadcast %add3A_849 : i32 to vector<16xi32>
    %add3A_851 = arith.addi %get3A_848, %add3A_850 : vector<16xi32>
    %add3A_852 = arith.constant 1674 : i32
    %add3A_853 = vector.broadcast %add3A_852 : i32 to vector<16xi32>
    %add3A_854 = arith.addi %mul3A_5, %add3A_853 : vector<16xi32>
    tpu.vector_store_idx %arg6[%add3A_854], %add3A_851 : memref<3328xi32, #tpu.memory_space<vmem>>[vector<16xi32>], vector<16xi32>,
    %get3A_855 = arith.constant 10 : i32
    %get3A_856 = arith.index_cast %get3A_855 : i32 to index
    %get3A_857 = arith.constant 80 : index
    %get3A_858 = tpu.vector_load %arg5[%get3A_856, %get3A_857] {strides = array<i32>} : memref<26x128xi32, #tpu.memory_space<vmem>>, vector<16xi32>,
    %add3A_859 = arith.constant 1000000 : i32
    %add3A_860 = vector.broadcast %add3A_859 : i32 to vector<16xi32>
    %add3A_861 = arith.addi %get3A_858, %add3A_860 : vector<16xi32>
    %add3A_862 = arith.constant 2090 : i32
    %add3A_863 = vector.broadcast %add3A_862 : i32 to vector<16xi32>
    %add3A_864 = arith.addi %mul3A_5, %add3A_863 : vector<16xi32>
    tpu.vector_store_idx %arg6[%add3A_864], %add3A_861 : memref<3328xi32, #tpu.memory_space<vmem>>[vector<16xi32>], vector<16xi32>,
    %get3A_865 = arith.constant 10 : i32
    %get3A_866 = arith.index_cast %get3A_865 : i32 to index
    %get3A_867 = arith.constant 96 : index
    %get3A_868 = tpu.vector_load %arg5[%get3A_866, %get3A_867] {strides = array<i32>} : memref<26x128xi32, #tpu.memory_space<vmem>>, vector<16xi32>,
    %add3A_869 = arith.constant 1000000 : i32
    %add3A_870 = vector.broadcast %add3A_869 : i32 to vector<16xi32>
    %add3A_871 = arith.addi %get3A_868, %add3A_870 : vector<16xi32>
    %add3A_872 = arith.constant 2506 : i32
    %add3A_873 = vector.broadcast %add3A_872 : i32 to vector<16xi32>
    %add3A_874 = arith.addi %mul3A_5, %add3A_873 : vector<16xi32>
    tpu.vector_store_idx %arg6[%add3A_874], %add3A_871 : memref<3328xi32, #tpu.memory_space<vmem>>[vector<16xi32>], vector<16xi32>,
    %get3A_875 = arith.constant 10 : i32
    %get3A_876 = arith.index_cast %get3A_875 : i32 to index
    %get3A_877 = arith.constant 112 : index
    %get3A_878 = tpu.vector_load %arg5[%get3A_876, %get3A_877] {strides = array<i32>} : memref<26x128xi32, #tpu.memory_space<vmem>>, vector<16xi32>,
    %add3A_879 = arith.constant 1000000 : i32
    %add3A_880 = vector.broadcast %add3A_879 : i32 to vector<16xi32>
    %add3A_881 = arith.addi %get3A_878, %add3A_880 : vector<16xi32>
    %add3A_882 = arith.constant 2922 : i32
    %add3A_883 = vector.broadcast %add3A_882 : i32 to vector<16xi32>
    %add3A_884 = arith.addi %mul3A_5, %add3A_883 : vector<16xi32>
    tpu.vector_store_idx %arg6[%add3A_884], %add3A_881 : memref<3328xi32, #tpu.memory_space<vmem>>[vector<16xi32>], vector<16xi32>,
    %get3A_885 = arith.constant 11 : i32
    %get3A_886 = arith.index_cast %get3A_885 : i32 to index
    %get3A_887 = arith.constant 0 : index
    %get3A_888 = tpu.vector_load %arg5[%get3A_886, %get3A_887] {strides = array<i32>} : memref<26x128xi32, #tpu.memory_space<vmem>>, vector<16xi32>,
    %add3A_889 = arith.constant 1100000 : i32
    %add3A_890 = vector.broadcast %add3A_889 : i32 to vector<16xi32>
    %add3A_891 = arith.addi %get3A_888, %add3A_890 : vector<16xi32>
    %add3A_892 = arith.constant 11 : i32
    %add3A_893 = vector.broadcast %add3A_892 : i32 to vector<16xi32>
    %add3A_894 = arith.addi %mul3A_5, %add3A_893 : vector<16xi32>
    tpu.vector_store_idx %arg6[%add3A_894], %add3A_891 : memref<3328xi32, #tpu.memory_space<vmem>>[vector<16xi32>], vector<16xi32>,
    %get3A_895 = arith.constant 11 : i32
    %get3A_896 = arith.index_cast %get3A_895 : i32 to index
    %get3A_897 = arith.constant 16 : index
    %get3A_898 = tpu.vector_load %arg5[%get3A_896, %get3A_897] {strides = array<i32>} : memref<26x128xi32, #tpu.memory_space<vmem>>, vector<16xi32>,
    %add3A_899 = arith.constant 1100000 : i32
    %add3A_900 = vector.broadcast %add3A_899 : i32 to vector<16xi32>
    %add3A_901 = arith.addi %get3A_898, %add3A_900 : vector<16xi32>
    %add3A_902 = arith.constant 427 : i32
    %add3A_903 = vector.broadcast %add3A_902 : i32 to vector<16xi32>
    %add3A_904 = arith.addi %mul3A_5, %add3A_903 : vector<16xi32>
    tpu.vector_store_idx %arg6[%add3A_904], %add3A_901 : memref<3328xi32, #tpu.memory_space<vmem>>[vector<16xi32>], vector<16xi32>,
    %get3A_905 = arith.constant 11 : i32
    %get3A_906 = arith.index_cast %get3A_905 : i32 to index
    %get3A_907 = arith.constant 32 : index
    %get3A_908 = tpu.vector_load %arg5[%get3A_906, %get3A_907] {strides = array<i32>} : memref<26x128xi32, #tpu.memory_space<vmem>>, vector<16xi32>,
    %add3A_909 = arith.constant 1100000 : i32
    %add3A_910 = vector.broadcast %add3A_909 : i32 to vector<16xi32>
    %add3A_911 = arith.addi %get3A_908, %add3A_910 : vector<16xi32>
    %add3A_912 = arith.constant 843 : i32
    %add3A_913 = vector.broadcast %add3A_912 : i32 to vector<16xi32>
    %add3A_914 = arith.addi %mul3A_5, %add3A_913 : vector<16xi32>
    tpu.vector_store_idx %arg6[%add3A_914], %add3A_911 : memref<3328xi32, #tpu.memory_space<vmem>>[vector<16xi32>], vector<16xi32>,
    %get3A_915 = arith.constant 11 : i32
    %get3A_916 = arith.index_cast %get3A_915 : i32 to index
    %get3A_917 = arith.constant 48 : index
    %get3A_918 = tpu.vector_load %arg5[%get3A_916, %get3A_917] {strides = array<i32>} : memref<26x128xi32, #tpu.memory_space<vmem>>, vector<16xi32>,
    %add3A_919 = arith.constant 1100000 : i32
    %add3A_920 = vector.broadcast %add3A_919 : i32 to vector<16xi32>
    %add3A_921 = arith.addi %get3A_918, %add3A_920 : vector<16xi32>
    %add3A_922 = arith.constant 1259 : i32
    %add3A_923 = vector.broadcast %add3A_922 : i32 to vector<16xi32>
    %add3A_924 = arith.addi %mul3A_5, %add3A_923 : vector<16xi32>
    tpu.vector_store_idx %arg6[%add3A_924], %add3A_921 : memref<3328xi32, #tpu.memory_space<vmem>>[vector<16xi32>], vector<16xi32>,
    %get3A_925 = arith.constant 11 : i32
    %get3A_926 = arith.index_cast %get3A_925 : i32 to index
    %get3A_927 = arith.constant 64 : index
    %get3A_928 = tpu.vector_load %arg5[%get3A_926, %get3A_927] {strides = array<i32>} : memref<26x128xi32, #tpu.memory_space<vmem>>, vector<16xi32>,
    %add3A_929 = arith.constant 1100000 : i32
    %add3A_930 = vector.broadcast %add3A_929 : i32 to vector<16xi32>
    %add3A_931 = arith.addi %get3A_928, %add3A_930 : vector<16xi32>
    %add3A_932 = arith.constant 1675 : i32
    %add3A_933 = vector.broadcast %add3A_932 : i32 to vector<16xi32>
    %add3A_934 = arith.addi %mul3A_5, %add3A_933 : vector<16xi32>
    tpu.vector_store_idx %arg6[%add3A_934], %add3A_931 : memref<3328xi32, #tpu.memory_space<vmem>>[vector<16xi32>], vector<16xi32>,
    %get3A_935 = arith.constant 11 : i32
    %get3A_936 = arith.index_cast %get3A_935 : i32 to index
    %get3A_937 = arith.constant 80 : index
    %get3A_938 = tpu.vector_load %arg5[%get3A_936, %get3A_937] {strides = array<i32>} : memref<26x128xi32, #tpu.memory_space<vmem>>, vector<16xi32>,
    %add3A_939 = arith.constant 1100000 : i32
    %add3A_940 = vector.broadcast %add3A_939 : i32 to vector<16xi32>
    %add3A_941 = arith.addi %get3A_938, %add3A_940 : vector<16xi32>
    %add3A_942 = arith.constant 2091 : i32
    %add3A_943 = vector.broadcast %add3A_942 : i32 to vector<16xi32>
    %add3A_944 = arith.addi %mul3A_5, %add3A_943 : vector<16xi32>
    tpu.vector_store_idx %arg6[%add3A_944], %add3A_941 : memref<3328xi32, #tpu.memory_space<vmem>>[vector<16xi32>], vector<16xi32>,
    %get3A_945 = arith.constant 11 : i32
    %get3A_946 = arith.index_cast %get3A_945 : i32 to index
    %get3A_947 = arith.constant 96 : index
    %get3A_948 = tpu.vector_load %arg5[%get3A_946, %get3A_947] {strides = array<i32>} : memref<26x128xi32, #tpu.memory_space<vmem>>, vector<16xi32>,
    %add3A_949 = arith.constant 1100000 : i32
    %add3A_950 = vector.broadcast %add3A_949 : i32 to vector<16xi32>
    %add3A_951 = arith.addi %get3A_948, %add3A_950 : vector<16xi32>
    %add3A_952 = arith.constant 2507 : i32
    %add3A_953 = vector.broadcast %add3A_952 : i32 to vector<16xi32>
    %add3A_954 = arith.addi %mul3A_5, %add3A_953 : vector<16xi32>
    tpu.vector_store_idx %arg6[%add3A_954], %add3A_951 : memref<3328xi32, #tpu.memory_space<vmem>>[vector<16xi32>], vector<16xi32>,
    %get3A_955 = arith.constant 11 : i32
    %get3A_956 = arith.index_cast %get3A_955 : i32 to index
    %get3A_957 = arith.constant 112 : index
    %get3A_958 = tpu.vector_load %arg5[%get3A_956, %get3A_957] {strides = array<i32>} : memref<26x128xi32, #tpu.memory_space<vmem>>, vector<16xi32>,
    %add3A_959 = arith.constant 1100000 : i32
    %add3A_960 = vector.broadcast %add3A_959 : i32 to vector<16xi32>
    %add3A_961 = arith.addi %get3A_958, %add3A_960 : vector<16xi32>
    %add3A_962 = arith.constant 2923 : i32
    %add3A_963 = vector.broadcast %add3A_962 : i32 to vector<16xi32>
    %add3A_964 = arith.addi %mul3A_5, %add3A_963 : vector<16xi32>
    tpu.vector_store_idx %arg6[%add3A_964], %add3A_961 : memref<3328xi32, #tpu.memory_space<vmem>>[vector<16xi32>], vector<16xi32>,
    %get3A_965 = arith.constant 12 : i32
    %get3A_966 = arith.index_cast %get3A_965 : i32 to index
    %get3A_967 = arith.constant 0 : index
    %get3A_968 = tpu.vector_load %arg5[%get3A_966, %get3A_967] {strides = array<i32>} : memref<26x128xi32, #tpu.memory_space<vmem>>, vector<16xi32>,
    %add3A_969 = arith.constant 1200000 : i32
    %add3A_970 = vector.broadcast %add3A_969 : i32 to vector<16xi32>
    %add3A_971 = arith.addi %get3A_968, %add3A_970 : vector<16xi32>
    %add3A_972 = arith.constant 12 : i32
    %add3A_973 = vector.broadcast %add3A_972 : i32 to vector<16xi32>
    %add3A_974 = arith.addi %mul3A_5, %add3A_973 : vector<16xi32>
    tpu.vector_store_idx %arg6[%add3A_974], %add3A_971 : memref<3328xi32, #tpu.memory_space<vmem>>[vector<16xi32>], vector<16xi32>,
    %get3A_975 = arith.constant 12 : i32
    %get3A_976 = arith.index_cast %get3A_975 : i32 to index
    %get3A_977 = arith.constant 16 : index
    %get3A_978 = tpu.vector_load %arg5[%get3A_976, %get3A_977] {strides = array<i32>} : memref<26x128xi32, #tpu.memory_space<vmem>>, vector<16xi32>,
    %add3A_979 = arith.constant 1200000 : i32
    %add3A_980 = vector.broadcast %add3A_979 : i32 to vector<16xi32>
    %add3A_981 = arith.addi %get3A_978, %add3A_980 : vector<16xi32>
    %add3A_982 = arith.constant 428 : i32
    %add3A_983 = vector.broadcast %add3A_982 : i32 to vector<16xi32>
    %add3A_984 = arith.addi %mul3A_5, %add3A_983 : vector<16xi32>
    tpu.vector_store_idx %arg6[%add3A_984], %add3A_981 : memref<3328xi32, #tpu.memory_space<vmem>>[vector<16xi32>], vector<16xi32>,
    %get3A_985 = arith.constant 12 : i32
    %get3A_986 = arith.index_cast %get3A_985 : i32 to index
    %get3A_987 = arith.constant 32 : index
    %get3A_988 = tpu.vector_load %arg5[%get3A_986, %get3A_987] {strides = array<i32>} : memref<26x128xi32, #tpu.memory_space<vmem>>, vector<16xi32>,
    %add3A_989 = arith.constant 1200000 : i32
    %add3A_990 = vector.broadcast %add3A_989 : i32 to vector<16xi32>
    %add3A_991 = arith.addi %get3A_988, %add3A_990 : vector<16xi32>
    %add3A_992 = arith.constant 844 : i32
    %add3A_993 = vector.broadcast %add3A_992 : i32 to vector<16xi32>
    %add3A_994 = arith.addi %mul3A_5, %add3A_993 : vector<16xi32>
    tpu.vector_store_idx %arg6[%add3A_994], %add3A_991 : memref<3328xi32, #tpu.memory_space<vmem>>[vector<16xi32>], vector<16xi32>,
    %get3A_995 = arith.constant 12 : i32
    %get3A_996 = arith.index_cast %get3A_995 : i32 to index
    %get3A_997 = arith.constant 48 : index
    %get3A_998 = tpu.vector_load %arg5[%get3A_996, %get3A_997] {strides = array<i32>} : memref<26x128xi32, #tpu.memory_space<vmem>>, vector<16xi32>,
    %add3A_999 = arith.constant 1200000 : i32
    %add3A_1000 = vector.broadcast %add3A_999 : i32 to vector<16xi32>
    %add3A_1001 = arith.addi %get3A_998, %add3A_1000 : vector<16xi32>
    %add3A_1002 = arith.constant 1260 : i32
    %add3A_1003 = vector.broadcast %add3A_1002 : i32 to vector<16xi32>
    %add3A_1004 = arith.addi %mul3A_5, %add3A_1003 : vector<16xi32>
    tpu.vector_store_idx %arg6[%add3A_1004], %add3A_1001 : memref<3328xi32, #tpu.memory_space<vmem>>[vector<16xi32>], vector<16xi32>,
    %get3A_1005 = arith.constant 12 : i32
    %get3A_1006 = arith.index_cast %get3A_1005 : i32 to index
    %get3A_1007 = arith.constant 64 : index
    %get3A_1008 = tpu.vector_load %arg5[%get3A_1006, %get3A_1007] {strides = array<i32>} : memref<26x128xi32, #tpu.memory_space<vmem>>, vector<16xi32>,
    %add3A_1009 = arith.constant 1200000 : i32
    %add3A_1010 = vector.broadcast %add3A_1009 : i32 to vector<16xi32>
    %add3A_1011 = arith.addi %get3A_1008, %add3A_1010 : vector<16xi32>
    %add3A_1012 = arith.constant 1676 : i32
    %add3A_1013 = vector.broadcast %add3A_1012 : i32 to vector<16xi32>
    %add3A_1014 = arith.addi %mul3A_5, %add3A_1013 : vector<16xi32>
    tpu.vector_store_idx %arg6[%add3A_1014], %add3A_1011 : memref<3328xi32, #tpu.memory_space<vmem>>[vector<16xi32>], vector<16xi32>,
    %get3A_1015 = arith.constant 12 : i32
    %get3A_1016 = arith.index_cast %get3A_1015 : i32 to index
    %get3A_1017 = arith.constant 80 : index
    %get3A_1018 = tpu.vector_load %arg5[%get3A_1016, %get3A_1017] {strides = array<i32>} : memref<26x128xi32, #tpu.memory_space<vmem>>, vector<16xi32>,
    %add3A_1019 = arith.constant 1200000 : i32
    %add3A_1020 = vector.broadcast %add3A_1019 : i32 to vector<16xi32>
    %add3A_1021 = arith.addi %get3A_1018, %add3A_1020 : vector<16xi32>
    %add3A_1022 = arith.constant 2092 : i32
    %add3A_1023 = vector.broadcast %add3A_1022 : i32 to vector<16xi32>
    %add3A_1024 = arith.addi %mul3A_5, %add3A_1023 : vector<16xi32>
    tpu.vector_store_idx %arg6[%add3A_1024], %add3A_1021 : memref<3328xi32, #tpu.memory_space<vmem>>[vector<16xi32>], vector<16xi32>,
    %get3A_1025 = arith.constant 12 : i32
    %get3A_1026 = arith.index_cast %get3A_1025 : i32 to index
    %get3A_1027 = arith.constant 96 : index
    %get3A_1028 = tpu.vector_load %arg5[%get3A_1026, %get3A_1027] {strides = array<i32>} : memref<26x128xi32, #tpu.memory_space<vmem>>, vector<16xi32>,
    %add3A_1029 = arith.constant 1200000 : i32
    %add3A_1030 = vector.broadcast %add3A_1029 : i32 to vector<16xi32>
    %add3A_1031 = arith.addi %get3A_1028, %add3A_1030 : vector<16xi32>
    %add3A_1032 = arith.constant 2508 : i32
    %add3A_1033 = vector.broadcast %add3A_1032 : i32 to vector<16xi32>
    %add3A_1034 = arith.addi %mul3A_5, %add3A_1033 : vector<16xi32>
    tpu.vector_store_idx %arg6[%add3A_1034], %add3A_1031 : memref<3328xi32, #tpu.memory_space<vmem>>[vector<16xi32>], vector<16xi32>,
    %get3A_1035 = arith.constant 12 : i32
    %get3A_1036 = arith.index_cast %get3A_1035 : i32 to index
    %get3A_1037 = arith.constant 112 : index
    %get3A_1038 = tpu.vector_load %arg5[%get3A_1036, %get3A_1037] {strides = array<i32>} : memref<26x128xi32, #tpu.memory_space<vmem>>, vector<16xi32>,
    %add3A_1039 = arith.constant 1200000 : i32
    %add3A_1040 = vector.broadcast %add3A_1039 : i32 to vector<16xi32>
    %add3A_1041 = arith.addi %get3A_1038, %add3A_1040 : vector<16xi32>
    %add3A_1042 = arith.constant 2924 : i32
    %add3A_1043 = vector.broadcast %add3A_1042 : i32 to vector<16xi32>
    %add3A_1044 = arith.addi %mul3A_5, %add3A_1043 : vector<16xi32>
    tpu.vector_store_idx %arg6[%add3A_1044], %add3A_1041 : memref<3328xi32, #tpu.memory_space<vmem>>[vector<16xi32>], vector<16xi32>,
    %get3A_1045 = arith.constant 13 : i32
    %get3A_1046 = arith.index_cast %get3A_1045 : i32 to index
    %get3A_1047 = arith.constant 0 : index
    %get3A_1048 = tpu.vector_load %arg5[%get3A_1046, %get3A_1047] {strides = array<i32>} : memref<26x128xi32, #tpu.memory_space<vmem>>, vector<16xi32>,
    %add3A_1049 = arith.constant 1300000 : i32
    %add3A_1050 = vector.broadcast %add3A_1049 : i32 to vector<16xi32>
    %add3A_1051 = arith.addi %get3A_1048, %add3A_1050 : vector<16xi32>
    %add3A_1052 = arith.constant 13 : i32
    %add3A_1053 = vector.broadcast %add3A_1052 : i32 to vector<16xi32>
    %add3A_1054 = arith.addi %mul3A_5, %add3A_1053 : vector<16xi32>
    tpu.vector_store_idx %arg6[%add3A_1054], %add3A_1051 : memref<3328xi32, #tpu.memory_space<vmem>>[vector<16xi32>], vector<16xi32>,
    %get3A_1055 = arith.constant 13 : i32
    %get3A_1056 = arith.index_cast %get3A_1055 : i32 to index
    %get3A_1057 = arith.constant 16 : index
    %get3A_1058 = tpu.vector_load %arg5[%get3A_1056, %get3A_1057] {strides = array<i32>} : memref<26x128xi32, #tpu.memory_space<vmem>>, vector<16xi32>,
    %add3A_1059 = arith.constant 1300000 : i32
    %add3A_1060 = vector.broadcast %add3A_1059 : i32 to vector<16xi32>
    %add3A_1061 = arith.addi %get3A_1058, %add3A_1060 : vector<16xi32>
    %add3A_1062 = arith.constant 429 : i32
    %add3A_1063 = vector.broadcast %add3A_1062 : i32 to vector<16xi32>
    %add3A_1064 = arith.addi %mul3A_5, %add3A_1063 : vector<16xi32>
    tpu.vector_store_idx %arg6[%add3A_1064], %add3A_1061 : memref<3328xi32, #tpu.memory_space<vmem>>[vector<16xi32>], vector<16xi32>,
    %get3A_1065 = arith.constant 13 : i32
    %get3A_1066 = arith.index_cast %get3A_1065 : i32 to index
    %get3A_1067 = arith.constant 32 : index
    %get3A_1068 = tpu.vector_load %arg5[%get3A_1066, %get3A_1067] {strides = array<i32>} : memref<26x128xi32, #tpu.memory_space<vmem>>, vector<16xi32>,
    %add3A_1069 = arith.constant 1300000 : i32
    %add3A_1070 = vector.broadcast %add3A_1069 : i32 to vector<16xi32>
    %add3A_1071 = arith.addi %get3A_1068, %add3A_1070 : vector<16xi32>
    %add3A_1072 = arith.constant 845 : i32
    %add3A_1073 = vector.broadcast %add3A_1072 : i32 to vector<16xi32>
    %add3A_1074 = arith.addi %mul3A_5, %add3A_1073 : vector<16xi32>
    tpu.vector_store_idx %arg6[%add3A_1074], %add3A_1071 : memref<3328xi32, #tpu.memory_space<vmem>>[vector<16xi32>], vector<16xi32>,
    %get3A_1075 = arith.constant 13 : i32
    %get3A_1076 = arith.index_cast %get3A_1075 : i32 to index
    %get3A_1077 = arith.constant 48 : index
    %get3A_1078 = tpu.vector_load %arg5[%get3A_1076, %get3A_1077] {strides = array<i32>} : memref<26x128xi32, #tpu.memory_space<vmem>>, vector<16xi32>,
    %add3A_1079 = arith.constant 1300000 : i32
    %add3A_1080 = vector.broadcast %add3A_1079 : i32 to vector<16xi32>
    %add3A_1081 = arith.addi %get3A_1078, %add3A_1080 : vector<16xi32>
    %add3A_1082 = arith.constant 1261 : i32
    %add3A_1083 = vector.broadcast %add3A_1082 : i32 to vector<16xi32>
    %add3A_1084 = arith.addi %mul3A_5, %add3A_1083 : vector<16xi32>
    tpu.vector_store_idx %arg6[%add3A_1084], %add3A_1081 : memref<3328xi32, #tpu.memory_space<vmem>>[vector<16xi32>], vector<16xi32>,
    %get3A_1085 = arith.constant 13 : i32
    %get3A_1086 = arith.index_cast %get3A_1085 : i32 to index
    %get3A_1087 = arith.constant 64 : index
    %get3A_1088 = tpu.vector_load %arg5[%get3A_1086, %get3A_1087] {strides = array<i32>} : memref<26x128xi32, #tpu.memory_space<vmem>>, vector<16xi32>,
    %add3A_1089 = arith.constant 1300000 : i32
    %add3A_1090 = vector.broadcast %add3A_1089 : i32 to vector<16xi32>
    %add3A_1091 = arith.addi %get3A_1088, %add3A_1090 : vector<16xi32>
    %add3A_1092 = arith.constant 1677 : i32
    %add3A_1093 = vector.broadcast %add3A_1092 : i32 to vector<16xi32>
    %add3A_1094 = arith.addi %mul3A_5, %add3A_1093 : vector<16xi32>
    tpu.vector_store_idx %arg6[%add3A_1094], %add3A_1091 : memref<3328xi32, #tpu.memory_space<vmem>>[vector<16xi32>], vector<16xi32>,
    %get3A_1095 = arith.constant 13 : i32
    %get3A_1096 = arith.index_cast %get3A_1095 : i32 to index
    %get3A_1097 = arith.constant 80 : index
    %get3A_1098 = tpu.vector_load %arg5[%get3A_1096, %get3A_1097] {strides = array<i32>} : memref<26x128xi32, #tpu.memory_space<vmem>>, vector<16xi32>,
    %add3A_1099 = arith.constant 1300000 : i32
    %add3A_1100 = vector.broadcast %add3A_1099 : i32 to vector<16xi32>
    %add3A_1101 = arith.addi %get3A_1098, %add3A_1100 : vector<16xi32>
    %add3A_1102 = arith.constant 2093 : i32
    %add3A_1103 = vector.broadcast %add3A_1102 : i32 to vector<16xi32>
    %add3A_1104 = arith.addi %mul3A_5, %add3A_1103 : vector<16xi32>
    tpu.vector_store_idx %arg6[%add3A_1104], %add3A_1101 : memref<3328xi32, #tpu.memory_space<vmem>>[vector<16xi32>], vector<16xi32>,
    %get3A_1105 = arith.constant 13 : i32
    %get3A_1106 = arith.index_cast %get3A_1105 : i32 to index
    %get3A_1107 = arith.constant 96 : index
    %get3A_1108 = tpu.vector_load %arg5[%get3A_1106, %get3A_1107] {strides = array<i32>} : memref<26x128xi32, #tpu.memory_space<vmem>>, vector<16xi32>,
    %add3A_1109 = arith.constant 1300000 : i32
    %add3A_1110 = vector.broadcast %add3A_1109 : i32 to vector<16xi32>
    %add3A_1111 = arith.addi %get3A_1108, %add3A_1110 : vector<16xi32>
    %add3A_1112 = arith.constant 2509 : i32
    %add3A_1113 = vector.broadcast %add3A_1112 : i32 to vector<16xi32>
    %add3A_1114 = arith.addi %mul3A_5, %add3A_1113 : vector<16xi32>
    tpu.vector_store_idx %arg6[%add3A_1114], %add3A_1111 : memref<3328xi32, #tpu.memory_space<vmem>>[vector<16xi32>], vector<16xi32>,
    %get3A_1115 = arith.constant 13 : i32
    %get3A_1116 = arith.index_cast %get3A_1115 : i32 to index
    %get3A_1117 = arith.constant 112 : index
    %get3A_1118 = tpu.vector_load %arg5[%get3A_1116, %get3A_1117] {strides = array<i32>} : memref<26x128xi32, #tpu.memory_space<vmem>>, vector<16xi32>,
    %add3A_1119 = arith.constant 1300000 : i32
    %add3A_1120 = vector.broadcast %add3A_1119 : i32 to vector<16xi32>
    %add3A_1121 = arith.addi %get3A_1118, %add3A_1120 : vector<16xi32>
    %add3A_1122 = arith.constant 2925 : i32
    %add3A_1123 = vector.broadcast %add3A_1122 : i32 to vector<16xi32>
    %add3A_1124 = arith.addi %mul3A_5, %add3A_1123 : vector<16xi32>
    tpu.vector_store_idx %arg6[%add3A_1124], %add3A_1121 : memref<3328xi32, #tpu.memory_space<vmem>>[vector<16xi32>], vector<16xi32>,
    %get3A_1125 = arith.constant 14 : i32
    %get3A_1126 = arith.index_cast %get3A_1125 : i32 to index
    %get3A_1127 = arith.constant 0 : index
    %get3A_1128 = tpu.vector_load %arg5[%get3A_1126, %get3A_1127] {strides = array<i32>} : memref<26x128xi32, #tpu.memory_space<vmem>>, vector<16xi32>,
    %add3A_1129 = arith.constant 1400000 : i32
    %add3A_1130 = vector.broadcast %add3A_1129 : i32 to vector<16xi32>
    %add3A_1131 = arith.addi %get3A_1128, %add3A_1130 : vector<16xi32>
    %add3A_1132 = arith.constant 14 : i32
    %add3A_1133 = vector.broadcast %add3A_1132 : i32 to vector<16xi32>
    %add3A_1134 = arith.addi %mul3A_5, %add3A_1133 : vector<16xi32>
    tpu.vector_store_idx %arg6[%add3A_1134], %add3A_1131 : memref<3328xi32, #tpu.memory_space<vmem>>[vector<16xi32>], vector<16xi32>,
    %get3A_1135 = arith.constant 14 : i32
    %get3A_1136 = arith.index_cast %get3A_1135 : i32 to index
    %get3A_1137 = arith.constant 16 : index
    %get3A_1138 = tpu.vector_load %arg5[%get3A_1136, %get3A_1137] {strides = array<i32>} : memref<26x128xi32, #tpu.memory_space<vmem>>, vector<16xi32>,
    %add3A_1139 = arith.constant 1400000 : i32
    %add3A_1140 = vector.broadcast %add3A_1139 : i32 to vector<16xi32>
    %add3A_1141 = arith.addi %get3A_1138, %add3A_1140 : vector<16xi32>
    %add3A_1142 = arith.constant 430 : i32
    %add3A_1143 = vector.broadcast %add3A_1142 : i32 to vector<16xi32>
    %add3A_1144 = arith.addi %mul3A_5, %add3A_1143 : vector<16xi32>
    tpu.vector_store_idx %arg6[%add3A_1144], %add3A_1141 : memref<3328xi32, #tpu.memory_space<vmem>>[vector<16xi32>], vector<16xi32>,
    %get3A_1145 = arith.constant 14 : i32
    %get3A_1146 = arith.index_cast %get3A_1145 : i32 to index
    %get3A_1147 = arith.constant 32 : index
    %get3A_1148 = tpu.vector_load %arg5[%get3A_1146, %get3A_1147] {strides = array<i32>} : memref<26x128xi32, #tpu.memory_space<vmem>>, vector<16xi32>,
    %add3A_1149 = arith.constant 1400000 : i32
    %add3A_1150 = vector.broadcast %add3A_1149 : i32 to vector<16xi32>
    %add3A_1151 = arith.addi %get3A_1148, %add3A_1150 : vector<16xi32>
    %add3A_1152 = arith.constant 846 : i32
    %add3A_1153 = vector.broadcast %add3A_1152 : i32 to vector<16xi32>
    %add3A_1154 = arith.addi %mul3A_5, %add3A_1153 : vector<16xi32>
    tpu.vector_store_idx %arg6[%add3A_1154], %add3A_1151 : memref<3328xi32, #tpu.memory_space<vmem>>[vector<16xi32>], vector<16xi32>,
    %get3A_1155 = arith.constant 14 : i32
    %get3A_1156 = arith.index_cast %get3A_1155 : i32 to index
    %get3A_1157 = arith.constant 48 : index
    %get3A_1158 = tpu.vector_load %arg5[%get3A_1156, %get3A_1157] {strides = array<i32>} : memref<26x128xi32, #tpu.memory_space<vmem>>, vector<16xi32>,
    %add3A_1159 = arith.constant 1400000 : i32
    %add3A_1160 = vector.broadcast %add3A_1159 : i32 to vector<16xi32>
    %add3A_1161 = arith.addi %get3A_1158, %add3A_1160 : vector<16xi32>
    %add3A_1162 = arith.constant 1262 : i32
    %add3A_1163 = vector.broadcast %add3A_1162 : i32 to vector<16xi32>
    %add3A_1164 = arith.addi %mul3A_5, %add3A_1163 : vector<16xi32>
    tpu.vector_store_idx %arg6[%add3A_1164], %add3A_1161 : memref<3328xi32, #tpu.memory_space<vmem>>[vector<16xi32>], vector<16xi32>,
    %get3A_1165 = arith.constant 14 : i32
    %get3A_1166 = arith.index_cast %get3A_1165 : i32 to index
    %get3A_1167 = arith.constant 64 : index
    %get3A_1168 = tpu.vector_load %arg5[%get3A_1166, %get3A_1167] {strides = array<i32>} : memref<26x128xi32, #tpu.memory_space<vmem>>, vector<16xi32>,
    %add3A_1169 = arith.constant 1400000 : i32
    %add3A_1170 = vector.broadcast %add3A_1169 : i32 to vector<16xi32>
    %add3A_1171 = arith.addi %get3A_1168, %add3A_1170 : vector<16xi32>
    %add3A_1172 = arith.constant 1678 : i32
    %add3A_1173 = vector.broadcast %add3A_1172 : i32 to vector<16xi32>
    %add3A_1174 = arith.addi %mul3A_5, %add3A_1173 : vector<16xi32>
    tpu.vector_store_idx %arg6[%add3A_1174], %add3A_1171 : memref<3328xi32, #tpu.memory_space<vmem>>[vector<16xi32>], vector<16xi32>,
    %get3A_1175 = arith.constant 14 : i32
    %get3A_1176 = arith.index_cast %get3A_1175 : i32 to index
    %get3A_1177 = arith.constant 80 : index
    %get3A_1178 = tpu.vector_load %arg5[%get3A_1176, %get3A_1177] {strides = array<i32>} : memref<26x128xi32, #tpu.memory_space<vmem>>, vector<16xi32>,
    %add3A_1179 = arith.constant 1400000 : i32
    %add3A_1180 = vector.broadcast %add3A_1179 : i32 to vector<16xi32>
    %add3A_1181 = arith.addi %get3A_1178, %add3A_1180 : vector<16xi32>
    %add3A_1182 = arith.constant 2094 : i32
    %add3A_1183 = vector.broadcast %add3A_1182 : i32 to vector<16xi32>
    %add3A_1184 = arith.addi %mul3A_5, %add3A_1183 : vector<16xi32>
    tpu.vector_store_idx %arg6[%add3A_1184], %add3A_1181 : memref<3328xi32, #tpu.memory_space<vmem>>[vector<16xi32>], vector<16xi32>,
    %get3A_1185 = arith.constant 14 : i32
    %get3A_1186 = arith.index_cast %get3A_1185 : i32 to index
    %get3A_1187 = arith.constant 96 : index
    %get3A_1188 = tpu.vector_load %arg5[%get3A_1186, %get3A_1187] {strides = array<i32>} : memref<26x128xi32, #tpu.memory_space<vmem>>, vector<16xi32>,
    %add3A_1189 = arith.constant 1400000 : i32
    %add3A_1190 = vector.broadcast %add3A_1189 : i32 to vector<16xi32>
    %add3A_1191 = arith.addi %get3A_1188, %add3A_1190 : vector<16xi32>
    %add3A_1192 = arith.constant 2510 : i32
    %add3A_1193 = vector.broadcast %add3A_1192 : i32 to vector<16xi32>
    %add3A_1194 = arith.addi %mul3A_5, %add3A_1193 : vector<16xi32>
    tpu.vector_store_idx %arg6[%add3A_1194], %add3A_1191 : memref<3328xi32, #tpu.memory_space<vmem>>[vector<16xi32>], vector<16xi32>,
    %get3A_1195 = arith.constant 14 : i32
    %get3A_1196 = arith.index_cast %get3A_1195 : i32 to index
    %get3A_1197 = arith.constant 112 : index
    %get3A_1198 = tpu.vector_load %arg5[%get3A_1196, %get3A_1197] {strides = array<i32>} : memref<26x128xi32, #tpu.memory_space<vmem>>, vector<16xi32>,
    %add3A_1199 = arith.constant 1400000 : i32
    %add3A_1200 = vector.broadcast %add3A_1199 : i32 to vector<16xi32>
    %add3A_1201 = arith.addi %get3A_1198, %add3A_1200 : vector<16xi32>
    %add3A_1202 = arith.constant 2926 : i32
    %add3A_1203 = vector.broadcast %add3A_1202 : i32 to vector<16xi32>
    %add3A_1204 = arith.addi %mul3A_5, %add3A_1203 : vector<16xi32>
    tpu.vector_store_idx %arg6[%add3A_1204], %add3A_1201 : memref<3328xi32, #tpu.memory_space<vmem>>[vector<16xi32>], vector<16xi32>,
    %get3A_1205 = arith.constant 15 : i32
    %get3A_1206 = arith.index_cast %get3A_1205 : i32 to index
    %get3A_1207 = arith.constant 0 : index
    %get3A_1208 = tpu.vector_load %arg5[%get3A_1206, %get3A_1207] {strides = array<i32>} : memref<26x128xi32, #tpu.memory_space<vmem>>, vector<16xi32>,
    %add3A_1209 = arith.constant 1500000 : i32
    %add3A_1210 = vector.broadcast %add3A_1209 : i32 to vector<16xi32>
    %add3A_1211 = arith.addi %get3A_1208, %add3A_1210 : vector<16xi32>
    %add3A_1212 = arith.constant 15 : i32
    %add3A_1213 = vector.broadcast %add3A_1212 : i32 to vector<16xi32>
    %add3A_1214 = arith.addi %mul3A_5, %add3A_1213 : vector<16xi32>
    tpu.vector_store_idx %arg6[%add3A_1214], %add3A_1211 : memref<3328xi32, #tpu.memory_space<vmem>>[vector<16xi32>], vector<16xi32>,
    %get3A_1215 = arith.constant 15 : i32
    %get3A_1216 = arith.index_cast %get3A_1215 : i32 to index
    %get3A_1217 = arith.constant 16 : index
    %get3A_1218 = tpu.vector_load %arg5[%get3A_1216, %get3A_1217] {strides = array<i32>} : memref<26x128xi32, #tpu.memory_space<vmem>>, vector<16xi32>,
    %add3A_1219 = arith.constant 1500000 : i32
    %add3A_1220 = vector.broadcast %add3A_1219 : i32 to vector<16xi32>
    %add3A_1221 = arith.addi %get3A_1218, %add3A_1220 : vector<16xi32>
    %add3A_1222 = arith.constant 431 : i32
    %add3A_1223 = vector.broadcast %add3A_1222 : i32 to vector<16xi32>
    %add3A_1224 = arith.addi %mul3A_5, %add3A_1223 : vector<16xi32>
    tpu.vector_store_idx %arg6[%add3A_1224], %add3A_1221 : memref<3328xi32, #tpu.memory_space<vmem>>[vector<16xi32>], vector<16xi32>,
    %get3A_1225 = arith.constant 15 : i32
    %get3A_1226 = arith.index_cast %get3A_1225 : i32 to index
    %get3A_1227 = arith.constant 32 : index
    %get3A_1228 = tpu.vector_load %arg5[%get3A_1226, %get3A_1227] {strides = array<i32>} : memref<26x128xi32, #tpu.memory_space<vmem>>, vector<16xi32>,
    %add3A_1229 = arith.constant 1500000 : i32
    %add3A_1230 = vector.broadcast %add3A_1229 : i32 to vector<16xi32>
    %add3A_1231 = arith.addi %get3A_1228, %add3A_1230 : vector<16xi32>
    %add3A_1232 = arith.constant 847 : i32
    %add3A_1233 = vector.broadcast %add3A_1232 : i32 to vector<16xi32>
    %add3A_1234 = arith.addi %mul3A_5, %add3A_1233 : vector<16xi32>
    tpu.vector_store_idx %arg6[%add3A_1234], %add3A_1231 : memref<3328xi32, #tpu.memory_space<vmem>>[vector<16xi32>], vector<16xi32>,
    %get3A_1235 = arith.constant 15 : i32
    %get3A_1236 = arith.index_cast %get3A_1235 : i32 to index
    %get3A_1237 = arith.constant 48 : index
    %get3A_1238 = tpu.vector_load %arg5[%get3A_1236, %get3A_1237] {strides = array<i32>} : memref<26x128xi32, #tpu.memory_space<vmem>>, vector<16xi32>,
    %add3A_1239 = arith.constant 1500000 : i32
    %add3A_1240 = vector.broadcast %add3A_1239 : i32 to vector<16xi32>
    %add3A_1241 = arith.addi %get3A_1238, %add3A_1240 : vector<16xi32>
    %add3A_1242 = arith.constant 1263 : i32
    %add3A_1243 = vector.broadcast %add3A_1242 : i32 to vector<16xi32>
    %add3A_1244 = arith.addi %mul3A_5, %add3A_1243 : vector<16xi32>
    tpu.vector_store_idx %arg6[%add3A_1244], %add3A_1241 : memref<3328xi32, #tpu.memory_space<vmem>>[vector<16xi32>], vector<16xi32>,
    %get3A_1245 = arith.constant 15 : i32
    %get3A_1246 = arith.index_cast %get3A_1245 : i32 to index
    %get3A_1247 = arith.constant 64 : index
    %get3A_1248 = tpu.vector_load %arg5[%get3A_1246, %get3A_1247] {strides = array<i32>} : memref<26x128xi32, #tpu.memory_space<vmem>>, vector<16xi32>,
    %add3A_1249 = arith.constant 1500000 : i32
    %add3A_1250 = vector.broadcast %add3A_1249 : i32 to vector<16xi32>
    %add3A_1251 = arith.addi %get3A_1248, %add3A_1250 : vector<16xi32>
    %add3A_1252 = arith.constant 1679 : i32
    %add3A_1253 = vector.broadcast %add3A_1252 : i32 to vector<16xi32>
    %add3A_1254 = arith.addi %mul3A_5, %add3A_1253 : vector<16xi32>
    tpu.vector_store_idx %arg6[%add3A_1254], %add3A_1251 : memref<3328xi32, #tpu.memory_space<vmem>>[vector<16xi32>], vector<16xi32>,
    %get3A_1255 = arith.constant 15 : i32
    %get3A_1256 = arith.index_cast %get3A_1255 : i32 to index
    %get3A_1257 = arith.constant 80 : index
    %get3A_1258 = tpu.vector_load %arg5[%get3A_1256, %get3A_1257] {strides = array<i32>} : memref<26x128xi32, #tpu.memory_space<vmem>>, vector<16xi32>,
    %add3A_1259 = arith.constant 1500000 : i32
    %add3A_1260 = vector.broadcast %add3A_1259 : i32 to vector<16xi32>
    %add3A_1261 = arith.addi %get3A_1258, %add3A_1260 : vector<16xi32>
    %add3A_1262 = arith.constant 2095 : i32
    %add3A_1263 = vector.broadcast %add3A_1262 : i32 to vector<16xi32>
    %add3A_1264 = arith.addi %mul3A_5, %add3A_1263 : vector<16xi32>
    tpu.vector_store_idx %arg6[%add3A_1264], %add3A_1261 : memref<3328xi32, #tpu.memory_space<vmem>>[vector<16xi32>], vector<16xi32>,
    %get3A_1265 = arith.constant 15 : i32
    %get3A_1266 = arith.index_cast %get3A_1265 : i32 to index
    %get3A_1267 = arith.constant 96 : index
    %get3A_1268 = tpu.vector_load %arg5[%get3A_1266, %get3A_1267] {strides = array<i32>} : memref<26x128xi32, #tpu.memory_space<vmem>>, vector<16xi32>,
    %add3A_1269 = arith.constant 1500000 : i32
    %add3A_1270 = vector.broadcast %add3A_1269 : i32 to vector<16xi32>
    %add3A_1271 = arith.addi %get3A_1268, %add3A_1270 : vector<16xi32>
    %add3A_1272 = arith.constant 2511 : i32
    %add3A_1273 = vector.broadcast %add3A_1272 : i32 to vector<16xi32>
    %add3A_1274 = arith.addi %mul3A_5, %add3A_1273 : vector<16xi32>
    tpu.vector_store_idx %arg6[%add3A_1274], %add3A_1271 : memref<3328xi32, #tpu.memory_space<vmem>>[vector<16xi32>], vector<16xi32>,
    %get3A_1275 = arith.constant 15 : i32
    %get3A_1276 = arith.index_cast %get3A_1275 : i32 to index
    %get3A_1277 = arith.constant 112 : index
    %get3A_1278 = tpu.vector_load %arg5[%get3A_1276, %get3A_1277] {strides = array<i32>} : memref<26x128xi32, #tpu.memory_space<vmem>>, vector<16xi32>,
    %add3A_1279 = arith.constant 1500000 : i32
    %add3A_1280 = vector.broadcast %add3A_1279 : i32 to vector<16xi32>
    %add3A_1281 = arith.addi %get3A_1278, %add3A_1280 : vector<16xi32>
    %add3A_1282 = arith.constant 2927 : i32
    %add3A_1283 = vector.broadcast %add3A_1282 : i32 to vector<16xi32>
    %add3A_1284 = arith.addi %mul3A_5, %add3A_1283 : vector<16xi32>
    tpu.vector_store_idx %arg6[%add3A_1284], %add3A_1281 : memref<3328xi32, #tpu.memory_space<vmem>>[vector<16xi32>], vector<16xi32>,
    %get3A_1285 = arith.constant 16 : i32
    %get3A_1286 = arith.index_cast %get3A_1285 : i32 to index
    %get3A_1287 = arith.constant 0 : index
    %get3A_1288 = tpu.vector_load %arg5[%get3A_1286, %get3A_1287] {strides = array<i32>} : memref<26x128xi32, #tpu.memory_space<vmem>>, vector<16xi32>,
    %add3A_1289 = arith.constant 1600000 : i32
    %add3A_1290 = vector.broadcast %add3A_1289 : i32 to vector<16xi32>
    %add3A_1291 = arith.addi %get3A_1288, %add3A_1290 : vector<16xi32>
    %add3A_1292 = arith.constant 16 : i32
    %add3A_1293 = vector.broadcast %add3A_1292 : i32 to vector<16xi32>
    %add3A_1294 = arith.addi %mul3A_5, %add3A_1293 : vector<16xi32>
    tpu.vector_store_idx %arg6[%add3A_1294], %add3A_1291 : memref<3328xi32, #tpu.memory_space<vmem>>[vector<16xi32>], vector<16xi32>,
    %get3A_1295 = arith.constant 16 : i32
    %get3A_1296 = arith.index_cast %get3A_1295 : i32 to index
    %get3A_1297 = arith.constant 16 : index
    %get3A_1298 = tpu.vector_load %arg5[%get3A_1296, %get3A_1297] {strides = array<i32>} : memref<26x128xi32, #tpu.memory_space<vmem>>, vector<16xi32>,
    %add3A_1299 = arith.constant 1600000 : i32
    %add3A_1300 = vector.broadcast %add3A_1299 : i32 to vector<16xi32>
    %add3A_1301 = arith.addi %get3A_1298, %add3A_1300 : vector<16xi32>
    %add3A_1302 = arith.constant 432 : i32
    %add3A_1303 = vector.broadcast %add3A_1302 : i32 to vector<16xi32>
    %add3A_1304 = arith.addi %mul3A_5, %add3A_1303 : vector<16xi32>
    tpu.vector_store_idx %arg6[%add3A_1304], %add3A_1301 : memref<3328xi32, #tpu.memory_space<vmem>>[vector<16xi32>], vector<16xi32>,
    %get3A_1305 = arith.constant 16 : i32
    %get3A_1306 = arith.index_cast %get3A_1305 : i32 to index
    %get3A_1307 = arith.constant 32 : index
    %get3A_1308 = tpu.vector_load %arg5[%get3A_1306, %get3A_1307] {strides = array<i32>} : memref<26x128xi32, #tpu.memory_space<vmem>>, vector<16xi32>,
    %add3A_1309 = arith.constant 1600000 : i32
    %add3A_1310 = vector.broadcast %add3A_1309 : i32 to vector<16xi32>
    %add3A_1311 = arith.addi %get3A_1308, %add3A_1310 : vector<16xi32>
    %add3A_1312 = arith.constant 848 : i32
    %add3A_1313 = vector.broadcast %add3A_1312 : i32 to vector<16xi32>
    %add3A_1314 = arith.addi %mul3A_5, %add3A_1313 : vector<16xi32>
    tpu.vector_store_idx %arg6[%add3A_1314], %add3A_1311 : memref<3328xi32, #tpu.memory_space<vmem>>[vector<16xi32>], vector<16xi32>,
    %get3A_1315 = arith.constant 16 : i32
    %get3A_1316 = arith.index_cast %get3A_1315 : i32 to index
    %get3A_1317 = arith.constant 48 : index
    %get3A_1318 = tpu.vector_load %arg5[%get3A_1316, %get3A_1317] {strides = array<i32>} : memref<26x128xi32, #tpu.memory_space<vmem>>, vector<16xi32>,
    %add3A_1319 = arith.constant 1600000 : i32
    %add3A_1320 = vector.broadcast %add3A_1319 : i32 to vector<16xi32>
    %add3A_1321 = arith.addi %get3A_1318, %add3A_1320 : vector<16xi32>
    %add3A_1322 = arith.constant 1264 : i32
    %add3A_1323 = vector.broadcast %add3A_1322 : i32 to vector<16xi32>
    %add3A_1324 = arith.addi %mul3A_5, %add3A_1323 : vector<16xi32>
    tpu.vector_store_idx %arg6[%add3A_1324], %add3A_1321 : memref<3328xi32, #tpu.memory_space<vmem>>[vector<16xi32>], vector<16xi32>,
    %get3A_1325 = arith.constant 16 : i32
    %get3A_1326 = arith.index_cast %get3A_1325 : i32 to index
    %get3A_1327 = arith.constant 64 : index
    %get3A_1328 = tpu.vector_load %arg5[%get3A_1326, %get3A_1327] {strides = array<i32>} : memref<26x128xi32, #tpu.memory_space<vmem>>, vector<16xi32>,
    %add3A_1329 = arith.constant 1600000 : i32
    %add3A_1330 = vector.broadcast %add3A_1329 : i32 to vector<16xi32>
    %add3A_1331 = arith.addi %get3A_1328, %add3A_1330 : vector<16xi32>
    %add3A_1332 = arith.constant 1680 : i32
    %add3A_1333 = vector.broadcast %add3A_1332 : i32 to vector<16xi32>
    %add3A_1334 = arith.addi %mul3A_5, %add3A_1333 : vector<16xi32>
    tpu.vector_store_idx %arg6[%add3A_1334], %add3A_1331 : memref<3328xi32, #tpu.memory_space<vmem>>[vector<16xi32>], vector<16xi32>,
    %get3A_1335 = arith.constant 16 : i32
    %get3A_1336 = arith.index_cast %get3A_1335 : i32 to index
    %get3A_1337 = arith.constant 80 : index
    %get3A_1338 = tpu.vector_load %arg5[%get3A_1336, %get3A_1337] {strides = array<i32>} : memref<26x128xi32, #tpu.memory_space<vmem>>, vector<16xi32>,
    %add3A_1339 = arith.constant 1600000 : i32
    %add3A_1340 = vector.broadcast %add3A_1339 : i32 to vector<16xi32>
    %add3A_1341 = arith.addi %get3A_1338, %add3A_1340 : vector<16xi32>
    %add3A_1342 = arith.constant 2096 : i32
    %add3A_1343 = vector.broadcast %add3A_1342 : i32 to vector<16xi32>
    %add3A_1344 = arith.addi %mul3A_5, %add3A_1343 : vector<16xi32>
    tpu.vector_store_idx %arg6[%add3A_1344], %add3A_1341 : memref<3328xi32, #tpu.memory_space<vmem>>[vector<16xi32>], vector<16xi32>,
    %get3A_1345 = arith.constant 16 : i32
    %get3A_1346 = arith.index_cast %get3A_1345 : i32 to index
    %get3A_1347 = arith.constant 96 : index
    %get3A_1348 = tpu.vector_load %arg5[%get3A_1346, %get3A_1347] {strides = array<i32>} : memref<26x128xi32, #tpu.memory_space<vmem>>, vector<16xi32>,
    %add3A_1349 = arith.constant 1600000 : i32
    %add3A_1350 = vector.broadcast %add3A_1349 : i32 to vector<16xi32>
    %add3A_1351 = arith.addi %get3A_1348, %add3A_1350 : vector<16xi32>
    %add3A_1352 = arith.constant 2512 : i32
    %add3A_1353 = vector.broadcast %add3A_1352 : i32 to vector<16xi32>
    %add3A_1354 = arith.addi %mul3A_5, %add3A_1353 : vector<16xi32>
    tpu.vector_store_idx %arg6[%add3A_1354], %add3A_1351 : memref<3328xi32, #tpu.memory_space<vmem>>[vector<16xi32>], vector<16xi32>,
    %get3A_1355 = arith.constant 16 : i32
    %get3A_1356 = arith.index_cast %get3A_1355 : i32 to index
    %get3A_1357 = arith.constant 112 : index
    %get3A_1358 = tpu.vector_load %arg5[%get3A_1356, %get3A_1357] {strides = array<i32>} : memref<26x128xi32, #tpu.memory_space<vmem>>, vector<16xi32>,
    %add3A_1359 = arith.constant 1600000 : i32
    %add3A_1360 = vector.broadcast %add3A_1359 : i32 to vector<16xi32>
    %add3A_1361 = arith.addi %get3A_1358, %add3A_1360 : vector<16xi32>
    %add3A_1362 = arith.constant 2928 : i32
    %add3A_1363 = vector.broadcast %add3A_1362 : i32 to vector<16xi32>
    %add3A_1364 = arith.addi %mul3A_5, %add3A_1363 : vector<16xi32>
    tpu.vector_store_idx %arg6[%add3A_1364], %add3A_1361 : memref<3328xi32, #tpu.memory_space<vmem>>[vector<16xi32>], vector<16xi32>,
    %get3A_1365 = arith.constant 17 : i32
    %get3A_1366 = arith.index_cast %get3A_1365 : i32 to index
    %get3A_1367 = arith.constant 0 : index
    %get3A_1368 = tpu.vector_load %arg5[%get3A_1366, %get3A_1367] {strides = array<i32>} : memref<26x128xi32, #tpu.memory_space<vmem>>, vector<16xi32>,
    %add3A_1369 = arith.constant 1700000 : i32
    %add3A_1370 = vector.broadcast %add3A_1369 : i32 to vector<16xi32>
    %add3A_1371 = arith.addi %get3A_1368, %add3A_1370 : vector<16xi32>
    %add3A_1372 = arith.constant 17 : i32
    %add3A_1373 = vector.broadcast %add3A_1372 : i32 to vector<16xi32>
    %add3A_1374 = arith.addi %mul3A_5, %add3A_1373 : vector<16xi32>
    tpu.vector_store_idx %arg6[%add3A_1374], %add3A_1371 : memref<3328xi32, #tpu.memory_space<vmem>>[vector<16xi32>], vector<16xi32>,
    %get3A_1375 = arith.constant 17 : i32
    %get3A_1376 = arith.index_cast %get3A_1375 : i32 to index
    %get3A_1377 = arith.constant 16 : index
    %get3A_1378 = tpu.vector_load %arg5[%get3A_1376, %get3A_1377] {strides = array<i32>} : memref<26x128xi32, #tpu.memory_space<vmem>>, vector<16xi32>,
    %add3A_1379 = arith.constant 1700000 : i32
    %add3A_1380 = vector.broadcast %add3A_1379 : i32 to vector<16xi32>
    %add3A_1381 = arith.addi %get3A_1378, %add3A_1380 : vector<16xi32>
    %add3A_1382 = arith.constant 433 : i32
    %add3A_1383 = vector.broadcast %add3A_1382 : i32 to vector<16xi32>
    %add3A_1384 = arith.addi %mul3A_5, %add3A_1383 : vector<16xi32>
    tpu.vector_store_idx %arg6[%add3A_1384], %add3A_1381 : memref<3328xi32, #tpu.memory_space<vmem>>[vector<16xi32>], vector<16xi32>,
    %get3A_1385 = arith.constant 17 : i32
    %get3A_1386 = arith.index_cast %get3A_1385 : i32 to index
    %get3A_1387 = arith.constant 32 : index
    %get3A_1388 = tpu.vector_load %arg5[%get3A_1386, %get3A_1387] {strides = array<i32>} : memref<26x128xi32, #tpu.memory_space<vmem>>, vector<16xi32>,
    %add3A_1389 = arith.constant 1700000 : i32
    %add3A_1390 = vector.broadcast %add3A_1389 : i32 to vector<16xi32>
    %add3A_1391 = arith.addi %get3A_1388, %add3A_1390 : vector<16xi32>
    %add3A_1392 = arith.constant 849 : i32
    %add3A_1393 = vector.broadcast %add3A_1392 : i32 to vector<16xi32>
    %add3A_1394 = arith.addi %mul3A_5, %add3A_1393 : vector<16xi32>
    tpu.vector_store_idx %arg6[%add3A_1394], %add3A_1391 : memref<3328xi32, #tpu.memory_space<vmem>>[vector<16xi32>], vector<16xi32>,
    %get3A_1395 = arith.constant 17 : i32
    %get3A_1396 = arith.index_cast %get3A_1395 : i32 to index
    %get3A_1397 = arith.constant 48 : index
    %get3A_1398 = tpu.vector_load %arg5[%get3A_1396, %get3A_1397] {strides = array<i32>} : memref<26x128xi32, #tpu.memory_space<vmem>>, vector<16xi32>,
    %add3A_1399 = arith.constant 1700000 : i32
    %add3A_1400 = vector.broadcast %add3A_1399 : i32 to vector<16xi32>
    %add3A_1401 = arith.addi %get3A_1398, %add3A_1400 : vector<16xi32>
    %add3A_1402 = arith.constant 1265 : i32
    %add3A_1403 = vector.broadcast %add3A_1402 : i32 to vector<16xi32>
    %add3A_1404 = arith.addi %mul3A_5, %add3A_1403 : vector<16xi32>
    tpu.vector_store_idx %arg6[%add3A_1404], %add3A_1401 : memref<3328xi32, #tpu.memory_space<vmem>>[vector<16xi32>], vector<16xi32>,
    %get3A_1405 = arith.constant 17 : i32
    %get3A_1406 = arith.index_cast %get3A_1405 : i32 to index
    %get3A_1407 = arith.constant 64 : index
    %get3A_1408 = tpu.vector_load %arg5[%get3A_1406, %get3A_1407] {strides = array<i32>} : memref<26x128xi32, #tpu.memory_space<vmem>>, vector<16xi32>,
    %add3A_1409 = arith.constant 1700000 : i32
    %add3A_1410 = vector.broadcast %add3A_1409 : i32 to vector<16xi32>
    %add3A_1411 = arith.addi %get3A_1408, %add3A_1410 : vector<16xi32>
    %add3A_1412 = arith.constant 1681 : i32
    %add3A_1413 = vector.broadcast %add3A_1412 : i32 to vector<16xi32>
    %add3A_1414 = arith.addi %mul3A_5, %add3A_1413 : vector<16xi32>
    tpu.vector_store_idx %arg6[%add3A_1414], %add3A_1411 : memref<3328xi32, #tpu.memory_space<vmem>>[vector<16xi32>], vector<16xi32>,
    %get3A_1415 = arith.constant 17 : i32
    %get3A_1416 = arith.index_cast %get3A_1415 : i32 to index
    %get3A_1417 = arith.constant 80 : index
    %get3A_1418 = tpu.vector_load %arg5[%get3A_1416, %get3A_1417] {strides = array<i32>} : memref<26x128xi32, #tpu.memory_space<vmem>>, vector<16xi32>,
    %add3A_1419 = arith.constant 1700000 : i32
    %add3A_1420 = vector.broadcast %add3A_1419 : i32 to vector<16xi32>
    %add3A_1421 = arith.addi %get3A_1418, %add3A_1420 : vector<16xi32>
    %add3A_1422 = arith.constant 2097 : i32
    %add3A_1423 = vector.broadcast %add3A_1422 : i32 to vector<16xi32>
    %add3A_1424 = arith.addi %mul3A_5, %add3A_1423 : vector<16xi32>
    tpu.vector_store_idx %arg6[%add3A_1424], %add3A_1421 : memref<3328xi32, #tpu.memory_space<vmem>>[vector<16xi32>], vector<16xi32>,
    %get3A_1425 = arith.constant 17 : i32
    %get3A_1426 = arith.index_cast %get3A_1425 : i32 to index
    %get3A_1427 = arith.constant 96 : index
    %get3A_1428 = tpu.vector_load %arg5[%get3A_1426, %get3A_1427] {strides = array<i32>} : memref<26x128xi32, #tpu.memory_space<vmem>>, vector<16xi32>,
    %add3A_1429 = arith.constant 1700000 : i32
    %add3A_1430 = vector.broadcast %add3A_1429 : i32 to vector<16xi32>
    %add3A_1431 = arith.addi %get3A_1428, %add3A_1430 : vector<16xi32>
    %add3A_1432 = arith.constant 2513 : i32
    %add3A_1433 = vector.broadcast %add3A_1432 : i32 to vector<16xi32>
    %add3A_1434 = arith.addi %mul3A_5, %add3A_1433 : vector<16xi32>
    tpu.vector_store_idx %arg6[%add3A_1434], %add3A_1431 : memref<3328xi32, #tpu.memory_space<vmem>>[vector<16xi32>], vector<16xi32>,
    %get3A_1435 = arith.constant 17 : i32
    %get3A_1436 = arith.index_cast %get3A_1435 : i32 to index
    %get3A_1437 = arith.constant 112 : index
    %get3A_1438 = tpu.vector_load %arg5[%get3A_1436, %get3A_1437] {strides = array<i32>} : memref<26x128xi32, #tpu.memory_space<vmem>>, vector<16xi32>,
    %add3A_1439 = arith.constant 1700000 : i32
    %add3A_1440 = vector.broadcast %add3A_1439 : i32 to vector<16xi32>
    %add3A_1441 = arith.addi %get3A_1438, %add3A_1440 : vector<16xi32>
    %add3A_1442 = arith.constant 2929 : i32
    %add3A_1443 = vector.broadcast %add3A_1442 : i32 to vector<16xi32>
    %add3A_1444 = arith.addi %mul3A_5, %add3A_1443 : vector<16xi32>
    tpu.vector_store_idx %arg6[%add3A_1444], %add3A_1441 : memref<3328xi32, #tpu.memory_space<vmem>>[vector<16xi32>], vector<16xi32>,
    %get3A_1445 = arith.constant 18 : i32
    %get3A_1446 = arith.index_cast %get3A_1445 : i32 to index
    %get3A_1447 = arith.constant 0 : index
    %get3A_1448 = tpu.vector_load %arg5[%get3A_1446, %get3A_1447] {strides = array<i32>} : memref<26x128xi32, #tpu.memory_space<vmem>>, vector<16xi32>,
    %add3A_1449 = arith.constant 1800000 : i32
    %add3A_1450 = vector.broadcast %add3A_1449 : i32 to vector<16xi32>
    %add3A_1451 = arith.addi %get3A_1448, %add3A_1450 : vector<16xi32>
    %add3A_1452 = arith.constant 18 : i32
    %add3A_1453 = vector.broadcast %add3A_1452 : i32 to vector<16xi32>
    %add3A_1454 = arith.addi %mul3A_5, %add3A_1453 : vector<16xi32>
    tpu.vector_store_idx %arg6[%add3A_1454], %add3A_1451 : memref<3328xi32, #tpu.memory_space<vmem>>[vector<16xi32>], vector<16xi32>,
    %get3A_1455 = arith.constant 18 : i32
    %get3A_1456 = arith.index_cast %get3A_1455 : i32 to index
    %get3A_1457 = arith.constant 16 : index
    %get3A_1458 = tpu.vector_load %arg5[%get3A_1456, %get3A_1457] {strides = array<i32>} : memref<26x128xi32, #tpu.memory_space<vmem>>, vector<16xi32>,
    %add3A_1459 = arith.constant 1800000 : i32
    %add3A_1460 = vector.broadcast %add3A_1459 : i32 to vector<16xi32>
    %add3A_1461 = arith.addi %get3A_1458, %add3A_1460 : vector<16xi32>
    %add3A_1462 = arith.constant 434 : i32
    %add3A_1463 = vector.broadcast %add3A_1462 : i32 to vector<16xi32>
    %add3A_1464 = arith.addi %mul3A_5, %add3A_1463 : vector<16xi32>
    tpu.vector_store_idx %arg6[%add3A_1464], %add3A_1461 : memref<3328xi32, #tpu.memory_space<vmem>>[vector<16xi32>], vector<16xi32>,
    %get3A_1465 = arith.constant 18 : i32
    %get3A_1466 = arith.index_cast %get3A_1465 : i32 to index
    %get3A_1467 = arith.constant 32 : index
    %get3A_1468 = tpu.vector_load %arg5[%get3A_1466, %get3A_1467] {strides = array<i32>} : memref<26x128xi32, #tpu.memory_space<vmem>>, vector<16xi32>,
    %add3A_1469 = arith.constant 1800000 : i32
    %add3A_1470 = vector.broadcast %add3A_1469 : i32 to vector<16xi32>
    %add3A_1471 = arith.addi %get3A_1468, %add3A_1470 : vector<16xi32>
    %add3A_1472 = arith.constant 850 : i32
    %add3A_1473 = vector.broadcast %add3A_1472 : i32 to vector<16xi32>
    %add3A_1474 = arith.addi %mul3A_5, %add3A_1473 : vector<16xi32>
    tpu.vector_store_idx %arg6[%add3A_1474], %add3A_1471 : memref<3328xi32, #tpu.memory_space<vmem>>[vector<16xi32>], vector<16xi32>,
    %get3A_1475 = arith.constant 18 : i32
    %get3A_1476 = arith.index_cast %get3A_1475 : i32 to index
    %get3A_1477 = arith.constant 48 : index
    %get3A_1478 = tpu.vector_load %arg5[%get3A_1476, %get3A_1477] {strides = array<i32>} : memref<26x128xi32, #tpu.memory_space<vmem>>, vector<16xi32>,
    %add3A_1479 = arith.constant 1800000 : i32
    %add3A_1480 = vector.broadcast %add3A_1479 : i32 to vector<16xi32>
    %add3A_1481 = arith.addi %get3A_1478, %add3A_1480 : vector<16xi32>
    %add3A_1482 = arith.constant 1266 : i32
    %add3A_1483 = vector.broadcast %add3A_1482 : i32 to vector<16xi32>
    %add3A_1484 = arith.addi %mul3A_5, %add3A_1483 : vector<16xi32>
    tpu.vector_store_idx %arg6[%add3A_1484], %add3A_1481 : memref<3328xi32, #tpu.memory_space<vmem>>[vector<16xi32>], vector<16xi32>,
    %get3A_1485 = arith.constant 18 : i32
    %get3A_1486 = arith.index_cast %get3A_1485 : i32 to index
    %get3A_1487 = arith.constant 64 : index
    %get3A_1488 = tpu.vector_load %arg5[%get3A_1486, %get3A_1487] {strides = array<i32>} : memref<26x128xi32, #tpu.memory_space<vmem>>, vector<16xi32>,
    %add3A_1489 = arith.constant 1800000 : i32
    %add3A_1490 = vector.broadcast %add3A_1489 : i32 to vector<16xi32>
    %add3A_1491 = arith.addi %get3A_1488, %add3A_1490 : vector<16xi32>
    %add3A_1492 = arith.constant 1682 : i32
    %add3A_1493 = vector.broadcast %add3A_1492 : i32 to vector<16xi32>
    %add3A_1494 = arith.addi %mul3A_5, %add3A_1493 : vector<16xi32>
    tpu.vector_store_idx %arg6[%add3A_1494], %add3A_1491 : memref<3328xi32, #tpu.memory_space<vmem>>[vector<16xi32>], vector<16xi32>,
    %get3A_1495 = arith.constant 18 : i32
    %get3A_1496 = arith.index_cast %get3A_1495 : i32 to index
    %get3A_1497 = arith.constant 80 : index
    %get3A_1498 = tpu.vector_load %arg5[%get3A_1496, %get3A_1497] {strides = array<i32>} : memref<26x128xi32, #tpu.memory_space<vmem>>, vector<16xi32>,
    %add3A_1499 = arith.constant 1800000 : i32
    %add3A_1500 = vector.broadcast %add3A_1499 : i32 to vector<16xi32>
    %add3A_1501 = arith.addi %get3A_1498, %add3A_1500 : vector<16xi32>
    %add3A_1502 = arith.constant 2098 : i32
    %add3A_1503 = vector.broadcast %add3A_1502 : i32 to vector<16xi32>
    %add3A_1504 = arith.addi %mul3A_5, %add3A_1503 : vector<16xi32>
    tpu.vector_store_idx %arg6[%add3A_1504], %add3A_1501 : memref<3328xi32, #tpu.memory_space<vmem>>[vector<16xi32>], vector<16xi32>,
    %get3A_1505 = arith.constant 18 : i32
    %get3A_1506 = arith.index_cast %get3A_1505 : i32 to index
    %get3A_1507 = arith.constant 96 : index
    %get3A_1508 = tpu.vector_load %arg5[%get3A_1506, %get3A_1507] {strides = array<i32>} : memref<26x128xi32, #tpu.memory_space<vmem>>, vector<16xi32>,
    %add3A_1509 = arith.constant 1800000 : i32
    %add3A_1510 = vector.broadcast %add3A_1509 : i32 to vector<16xi32>
    %add3A_1511 = arith.addi %get3A_1508, %add3A_1510 : vector<16xi32>
    %add3A_1512 = arith.constant 2514 : i32
    %add3A_1513 = vector.broadcast %add3A_1512 : i32 to vector<16xi32>
    %add3A_1514 = arith.addi %mul3A_5, %add3A_1513 : vector<16xi32>
    tpu.vector_store_idx %arg6[%add3A_1514], %add3A_1511 : memref<3328xi32, #tpu.memory_space<vmem>>[vector<16xi32>], vector<16xi32>,
    %get3A_1515 = arith.constant 18 : i32
    %get3A_1516 = arith.index_cast %get3A_1515 : i32 to index
    %get3A_1517 = arith.constant 112 : index
    %get3A_1518 = tpu.vector_load %arg5[%get3A_1516, %get3A_1517] {strides = array<i32>} : memref<26x128xi32, #tpu.memory_space<vmem>>, vector<16xi32>,
    %add3A_1519 = arith.constant 1800000 : i32
    %add3A_1520 = vector.broadcast %add3A_1519 : i32 to vector<16xi32>
    %add3A_1521 = arith.addi %get3A_1518, %add3A_1520 : vector<16xi32>
    %add3A_1522 = arith.constant 2930 : i32
    %add3A_1523 = vector.broadcast %add3A_1522 : i32 to vector<16xi32>
    %add3A_1524 = arith.addi %mul3A_5, %add3A_1523 : vector<16xi32>
    tpu.vector_store_idx %arg6[%add3A_1524], %add3A_1521 : memref<3328xi32, #tpu.memory_space<vmem>>[vector<16xi32>], vector<16xi32>,
    %get3A_1525 = arith.constant 19 : i32
    %get3A_1526 = arith.index_cast %get3A_1525 : i32 to index
    %get3A_1527 = arith.constant 0 : index
    %get3A_1528 = tpu.vector_load %arg5[%get3A_1526, %get3A_1527] {strides = array<i32>} : memref<26x128xi32, #tpu.memory_space<vmem>>, vector<16xi32>,
    %add3A_1529 = arith.constant 1900000 : i32
    %add3A_1530 = vector.broadcast %add3A_1529 : i32 to vector<16xi32>
    %add3A_1531 = arith.addi %get3A_1528, %add3A_1530 : vector<16xi32>
    %add3A_1532 = arith.constant 19 : i32
    %add3A_1533 = vector.broadcast %add3A_1532 : i32 to vector<16xi32>
    %add3A_1534 = arith.addi %mul3A_5, %add3A_1533 : vector<16xi32>
    tpu.vector_store_idx %arg6[%add3A_1534], %add3A_1531 : memref<3328xi32, #tpu.memory_space<vmem>>[vector<16xi32>], vector<16xi32>,
    %get3A_1535 = arith.constant 19 : i32
    %get3A_1536 = arith.index_cast %get3A_1535 : i32 to index
    %get3A_1537 = arith.constant 16 : index
    %get3A_1538 = tpu.vector_load %arg5[%get3A_1536, %get3A_1537] {strides = array<i32>} : memref<26x128xi32, #tpu.memory_space<vmem>>, vector<16xi32>,
    %add3A_1539 = arith.constant 1900000 : i32
    %add3A_1540 = vector.broadcast %add3A_1539 : i32 to vector<16xi32>
    %add3A_1541 = arith.addi %get3A_1538, %add3A_1540 : vector<16xi32>
    %add3A_1542 = arith.constant 435 : i32
    %add3A_1543 = vector.broadcast %add3A_1542 : i32 to vector<16xi32>
    %add3A_1544 = arith.addi %mul3A_5, %add3A_1543 : vector<16xi32>
    tpu.vector_store_idx %arg6[%add3A_1544], %add3A_1541 : memref<3328xi32, #tpu.memory_space<vmem>>[vector<16xi32>], vector<16xi32>,
    %get3A_1545 = arith.constant 19 : i32
    %get3A_1546 = arith.index_cast %get3A_1545 : i32 to index
    %get3A_1547 = arith.constant 32 : index
    %get3A_1548 = tpu.vector_load %arg5[%get3A_1546, %get3A_1547] {strides = array<i32>} : memref<26x128xi32, #tpu.memory_space<vmem>>, vector<16xi32>,
    %add3A_1549 = arith.constant 1900000 : i32
    %add3A_1550 = vector.broadcast %add3A_1549 : i32 to vector<16xi32>
    %add3A_1551 = arith.addi %get3A_1548, %add3A_1550 : vector<16xi32>
    %add3A_1552 = arith.constant 851 : i32
    %add3A_1553 = vector.broadcast %add3A_1552 : i32 to vector<16xi32>
    %add3A_1554 = arith.addi %mul3A_5, %add3A_1553 : vector<16xi32>
    tpu.vector_store_idx %arg6[%add3A_1554], %add3A_1551 : memref<3328xi32, #tpu.memory_space<vmem>>[vector<16xi32>], vector<16xi32>,
    %get3A_1555 = arith.constant 19 : i32
    %get3A_1556 = arith.index_cast %get3A_1555 : i32 to index
    %get3A_1557 = arith.constant 48 : index
    %get3A_1558 = tpu.vector_load %arg5[%get3A_1556, %get3A_1557] {strides = array<i32>} : memref<26x128xi32, #tpu.memory_space<vmem>>, vector<16xi32>,
    %add3A_1559 = arith.constant 1900000 : i32
    %add3A_1560 = vector.broadcast %add3A_1559 : i32 to vector<16xi32>
    %add3A_1561 = arith.addi %get3A_1558, %add3A_1560 : vector<16xi32>
    %add3A_1562 = arith.constant 1267 : i32
    %add3A_1563 = vector.broadcast %add3A_1562 : i32 to vector<16xi32>
    %add3A_1564 = arith.addi %mul3A_5, %add3A_1563 : vector<16xi32>
    tpu.vector_store_idx %arg6[%add3A_1564], %add3A_1561 : memref<3328xi32, #tpu.memory_space<vmem>>[vector<16xi32>], vector<16xi32>,
    %get3A_1565 = arith.constant 19 : i32
    %get3A_1566 = arith.index_cast %get3A_1565 : i32 to index
    %get3A_1567 = arith.constant 64 : index
    %get3A_1568 = tpu.vector_load %arg5[%get3A_1566, %get3A_1567] {strides = array<i32>} : memref<26x128xi32, #tpu.memory_space<vmem>>, vector<16xi32>,
    %add3A_1569 = arith.constant 1900000 : i32
    %add3A_1570 = vector.broadcast %add3A_1569 : i32 to vector<16xi32>
    %add3A_1571 = arith.addi %get3A_1568, %add3A_1570 : vector<16xi32>
    %add3A_1572 = arith.constant 1683 : i32
    %add3A_1573 = vector.broadcast %add3A_1572 : i32 to vector<16xi32>
    %add3A_1574 = arith.addi %mul3A_5, %add3A_1573 : vector<16xi32>
    tpu.vector_store_idx %arg6[%add3A_1574], %add3A_1571 : memref<3328xi32, #tpu.memory_space<vmem>>[vector<16xi32>], vector<16xi32>,
    %get3A_1575 = arith.constant 19 : i32
    %get3A_1576 = arith.index_cast %get3A_1575 : i32 to index
    %get3A_1577 = arith.constant 80 : index
    %get3A_1578 = tpu.vector_load %arg5[%get3A_1576, %get3A_1577] {strides = array<i32>} : memref<26x128xi32, #tpu.memory_space<vmem>>, vector<16xi32>,
    %add3A_1579 = arith.constant 1900000 : i32
    %add3A_1580 = vector.broadcast %add3A_1579 : i32 to vector<16xi32>
    %add3A_1581 = arith.addi %get3A_1578, %add3A_1580 : vector<16xi32>
    %add3A_1582 = arith.constant 2099 : i32
    %add3A_1583 = vector.broadcast %add3A_1582 : i32 to vector<16xi32>
    %add3A_1584 = arith.addi %mul3A_5, %add3A_1583 : vector<16xi32>
    tpu.vector_store_idx %arg6[%add3A_1584], %add3A_1581 : memref<3328xi32, #tpu.memory_space<vmem>>[vector<16xi32>], vector<16xi32>,
    %get3A_1585 = arith.constant 19 : i32
    %get3A_1586 = arith.index_cast %get3A_1585 : i32 to index
    %get3A_1587 = arith.constant 96 : index
    %get3A_1588 = tpu.vector_load %arg5[%get3A_1586, %get3A_1587] {strides = array<i32>} : memref<26x128xi32, #tpu.memory_space<vmem>>, vector<16xi32>,
    %add3A_1589 = arith.constant 1900000 : i32
    %add3A_1590 = vector.broadcast %add3A_1589 : i32 to vector<16xi32>
    %add3A_1591 = arith.addi %get3A_1588, %add3A_1590 : vector<16xi32>
    %add3A_1592 = arith.constant 2515 : i32
    %add3A_1593 = vector.broadcast %add3A_1592 : i32 to vector<16xi32>
    %add3A_1594 = arith.addi %mul3A_5, %add3A_1593 : vector<16xi32>
    tpu.vector_store_idx %arg6[%add3A_1594], %add3A_1591 : memref<3328xi32, #tpu.memory_space<vmem>>[vector<16xi32>], vector<16xi32>,
    %get3A_1595 = arith.constant 19 : i32
    %get3A_1596 = arith.index_cast %get3A_1595 : i32 to index
    %get3A_1597 = arith.constant 112 : index
    %get3A_1598 = tpu.vector_load %arg5[%get3A_1596, %get3A_1597] {strides = array<i32>} : memref<26x128xi32, #tpu.memory_space<vmem>>, vector<16xi32>,
    %add3A_1599 = arith.constant 1900000 : i32
    %add3A_1600 = vector.broadcast %add3A_1599 : i32 to vector<16xi32>
    %add3A_1601 = arith.addi %get3A_1598, %add3A_1600 : vector<16xi32>
    %add3A_1602 = arith.constant 2931 : i32
    %add3A_1603 = vector.broadcast %add3A_1602 : i32 to vector<16xi32>
    %add3A_1604 = arith.addi %mul3A_5, %add3A_1603 : vector<16xi32>
    tpu.vector_store_idx %arg6[%add3A_1604], %add3A_1601 : memref<3328xi32, #tpu.memory_space<vmem>>[vector<16xi32>], vector<16xi32>,
    %get3A_1605 = arith.constant 20 : i32
    %get3A_1606 = arith.index_cast %get3A_1605 : i32 to index
    %get3A_1607 = arith.constant 0 : index
    %get3A_1608 = tpu.vector_load %arg5[%get3A_1606, %get3A_1607] {strides = array<i32>} : memref<26x128xi32, #tpu.memory_space<vmem>>, vector<16xi32>,
    %add3A_1609 = arith.constant 2000000 : i32
    %add3A_1610 = vector.broadcast %add3A_1609 : i32 to vector<16xi32>
    %add3A_1611 = arith.addi %get3A_1608, %add3A_1610 : vector<16xi32>
    %add3A_1612 = arith.constant 20 : i32
    %add3A_1613 = vector.broadcast %add3A_1612 : i32 to vector<16xi32>
    %add3A_1614 = arith.addi %mul3A_5, %add3A_1613 : vector<16xi32>
    tpu.vector_store_idx %arg6[%add3A_1614], %add3A_1611 : memref<3328xi32, #tpu.memory_space<vmem>>[vector<16xi32>], vector<16xi32>,
    %get3A_1615 = arith.constant 20 : i32
    %get3A_1616 = arith.index_cast %get3A_1615 : i32 to index
    %get3A_1617 = arith.constant 16 : index
    %get3A_1618 = tpu.vector_load %arg5[%get3A_1616, %get3A_1617] {strides = array<i32>} : memref<26x128xi32, #tpu.memory_space<vmem>>, vector<16xi32>,
    %add3A_1619 = arith.constant 2000000 : i32
    %add3A_1620 = vector.broadcast %add3A_1619 : i32 to vector<16xi32>
    %add3A_1621 = arith.addi %get3A_1618, %add3A_1620 : vector<16xi32>
    %add3A_1622 = arith.constant 436 : i32
    %add3A_1623 = vector.broadcast %add3A_1622 : i32 to vector<16xi32>
    %add3A_1624 = arith.addi %mul3A_5, %add3A_1623 : vector<16xi32>
    tpu.vector_store_idx %arg6[%add3A_1624], %add3A_1621 : memref<3328xi32, #tpu.memory_space<vmem>>[vector<16xi32>], vector<16xi32>,
    %get3A_1625 = arith.constant 20 : i32
    %get3A_1626 = arith.index_cast %get3A_1625 : i32 to index
    %get3A_1627 = arith.constant 32 : index
    %get3A_1628 = tpu.vector_load %arg5[%get3A_1626, %get3A_1627] {strides = array<i32>} : memref<26x128xi32, #tpu.memory_space<vmem>>, vector<16xi32>,
    %add3A_1629 = arith.constant 2000000 : i32
    %add3A_1630 = vector.broadcast %add3A_1629 : i32 to vector<16xi32>
    %add3A_1631 = arith.addi %get3A_1628, %add3A_1630 : vector<16xi32>
    %add3A_1632 = arith.constant 852 : i32
    %add3A_1633 = vector.broadcast %add3A_1632 : i32 to vector<16xi32>
    %add3A_1634 = arith.addi %mul3A_5, %add3A_1633 : vector<16xi32>
    tpu.vector_store_idx %arg6[%add3A_1634], %add3A_1631 : memref<3328xi32, #tpu.memory_space<vmem>>[vector<16xi32>], vector<16xi32>,
    %get3A_1635 = arith.constant 20 : i32
    %get3A_1636 = arith.index_cast %get3A_1635 : i32 to index
    %get3A_1637 = arith.constant 48 : index
    %get3A_1638 = tpu.vector_load %arg5[%get3A_1636, %get3A_1637] {strides = array<i32>} : memref<26x128xi32, #tpu.memory_space<vmem>>, vector<16xi32>,
    %add3A_1639 = arith.constant 2000000 : i32
    %add3A_1640 = vector.broadcast %add3A_1639 : i32 to vector<16xi32>
    %add3A_1641 = arith.addi %get3A_1638, %add3A_1640 : vector<16xi32>
    %add3A_1642 = arith.constant 1268 : i32
    %add3A_1643 = vector.broadcast %add3A_1642 : i32 to vector<16xi32>
    %add3A_1644 = arith.addi %mul3A_5, %add3A_1643 : vector<16xi32>
    tpu.vector_store_idx %arg6[%add3A_1644], %add3A_1641 : memref<3328xi32, #tpu.memory_space<vmem>>[vector<16xi32>], vector<16xi32>,
    %get3A_1645 = arith.constant 20 : i32
    %get3A_1646 = arith.index_cast %get3A_1645 : i32 to index
    %get3A_1647 = arith.constant 64 : index
    %get3A_1648 = tpu.vector_load %arg5[%get3A_1646, %get3A_1647] {strides = array<i32>} : memref<26x128xi32, #tpu.memory_space<vmem>>, vector<16xi32>,
    %add3A_1649 = arith.constant 2000000 : i32
    %add3A_1650 = vector.broadcast %add3A_1649 : i32 to vector<16xi32>
    %add3A_1651 = arith.addi %get3A_1648, %add3A_1650 : vector<16xi32>
    %add3A_1652 = arith.constant 1684 : i32
    %add3A_1653 = vector.broadcast %add3A_1652 : i32 to vector<16xi32>
    %add3A_1654 = arith.addi %mul3A_5, %add3A_1653 : vector<16xi32>
    tpu.vector_store_idx %arg6[%add3A_1654], %add3A_1651 : memref<3328xi32, #tpu.memory_space<vmem>>[vector<16xi32>], vector<16xi32>,
    %get3A_1655 = arith.constant 20 : i32
    %get3A_1656 = arith.index_cast %get3A_1655 : i32 to index
    %get3A_1657 = arith.constant 80 : index
    %get3A_1658 = tpu.vector_load %arg5[%get3A_1656, %get3A_1657] {strides = array<i32>} : memref<26x128xi32, #tpu.memory_space<vmem>>, vector<16xi32>,
    %add3A_1659 = arith.constant 2000000 : i32
    %add3A_1660 = vector.broadcast %add3A_1659 : i32 to vector<16xi32>
    %add3A_1661 = arith.addi %get3A_1658, %add3A_1660 : vector<16xi32>
    %add3A_1662 = arith.constant 2100 : i32
    %add3A_1663 = vector.broadcast %add3A_1662 : i32 to vector<16xi32>
    %add3A_1664 = arith.addi %mul3A_5, %add3A_1663 : vector<16xi32>
    tpu.vector_store_idx %arg6[%add3A_1664], %add3A_1661 : memref<3328xi32, #tpu.memory_space<vmem>>[vector<16xi32>], vector<16xi32>,
    %get3A_1665 = arith.constant 20 : i32
    %get3A_1666 = arith.index_cast %get3A_1665 : i32 to index
    %get3A_1667 = arith.constant 96 : index
    %get3A_1668 = tpu.vector_load %arg5[%get3A_1666, %get3A_1667] {strides = array<i32>} : memref<26x128xi32, #tpu.memory_space<vmem>>, vector<16xi32>,
    %add3A_1669 = arith.constant 2000000 : i32
    %add3A_1670 = vector.broadcast %add3A_1669 : i32 to vector<16xi32>
    %add3A_1671 = arith.addi %get3A_1668, %add3A_1670 : vector<16xi32>
    %add3A_1672 = arith.constant 2516 : i32
    %add3A_1673 = vector.broadcast %add3A_1672 : i32 to vector<16xi32>
    %add3A_1674 = arith.addi %mul3A_5, %add3A_1673 : vector<16xi32>
    tpu.vector_store_idx %arg6[%add3A_1674], %add3A_1671 : memref<3328xi32, #tpu.memory_space<vmem>>[vector<16xi32>], vector<16xi32>,
    %get3A_1675 = arith.constant 20 : i32
    %get3A_1676 = arith.index_cast %get3A_1675 : i32 to index
    %get3A_1677 = arith.constant 112 : index
    %get3A_1678 = tpu.vector_load %arg5[%get3A_1676, %get3A_1677] {strides = array<i32>} : memref<26x128xi32, #tpu.memory_space<vmem>>, vector<16xi32>,
    %add3A_1679 = arith.constant 2000000 : i32
    %add3A_1680 = vector.broadcast %add3A_1679 : i32 to vector<16xi32>
    %add3A_1681 = arith.addi %get3A_1678, %add3A_1680 : vector<16xi32>
    %add3A_1682 = arith.constant 2932 : i32
    %add3A_1683 = vector.broadcast %add3A_1682 : i32 to vector<16xi32>
    %add3A_1684 = arith.addi %mul3A_5, %add3A_1683 : vector<16xi32>
    tpu.vector_store_idx %arg6[%add3A_1684], %add3A_1681 : memref<3328xi32, #tpu.memory_space<vmem>>[vector<16xi32>], vector<16xi32>,
    %get3A_1685 = arith.constant 21 : i32
    %get3A_1686 = arith.index_cast %get3A_1685 : i32 to index
    %get3A_1687 = arith.constant 0 : index
    %get3A_1688 = tpu.vector_load %arg5[%get3A_1686, %get3A_1687] {strides = array<i32>} : memref<26x128xi32, #tpu.memory_space<vmem>>, vector<16xi32>,
    %add3A_1689 = arith.constant 2100000 : i32
    %add3A_1690 = vector.broadcast %add3A_1689 : i32 to vector<16xi32>
    %add3A_1691 = arith.addi %get3A_1688, %add3A_1690 : vector<16xi32>
    %add3A_1692 = arith.constant 21 : i32
    %add3A_1693 = vector.broadcast %add3A_1692 : i32 to vector<16xi32>
    %add3A_1694 = arith.addi %mul3A_5, %add3A_1693 : vector<16xi32>
    tpu.vector_store_idx %arg6[%add3A_1694], %add3A_1691 : memref<3328xi32, #tpu.memory_space<vmem>>[vector<16xi32>], vector<16xi32>,
    %get3A_1695 = arith.constant 21 : i32
    %get3A_1696 = arith.index_cast %get3A_1695 : i32 to index
    %get3A_1697 = arith.constant 16 : index
    %get3A_1698 = tpu.vector_load %arg5[%get3A_1696, %get3A_1697] {strides = array<i32>} : memref<26x128xi32, #tpu.memory_space<vmem>>, vector<16xi32>,
    %add3A_1699 = arith.constant 2100000 : i32
    %add3A_1700 = vector.broadcast %add3A_1699 : i32 to vector<16xi32>
    %add3A_1701 = arith.addi %get3A_1698, %add3A_1700 : vector<16xi32>
    %add3A_1702 = arith.constant 437 : i32
    %add3A_1703 = vector.broadcast %add3A_1702 : i32 to vector<16xi32>
    %add3A_1704 = arith.addi %mul3A_5, %add3A_1703 : vector<16xi32>
    tpu.vector_store_idx %arg6[%add3A_1704], %add3A_1701 : memref<3328xi32, #tpu.memory_space<vmem>>[vector<16xi32>], vector<16xi32>,
    %get3A_1705 = arith.constant 21 : i32
    %get3A_1706 = arith.index_cast %get3A_1705 : i32 to index
    %get3A_1707 = arith.constant 32 : index
    %get3A_1708 = tpu.vector_load %arg5[%get3A_1706, %get3A_1707] {strides = array<i32>} : memref<26x128xi32, #tpu.memory_space<vmem>>, vector<16xi32>,
    %add3A_1709 = arith.constant 2100000 : i32
    %add3A_1710 = vector.broadcast %add3A_1709 : i32 to vector<16xi32>
    %add3A_1711 = arith.addi %get3A_1708, %add3A_1710 : vector<16xi32>
    %add3A_1712 = arith.constant 853 : i32
    %add3A_1713 = vector.broadcast %add3A_1712 : i32 to vector<16xi32>
    %add3A_1714 = arith.addi %mul3A_5, %add3A_1713 : vector<16xi32>
    tpu.vector_store_idx %arg6[%add3A_1714], %add3A_1711 : memref<3328xi32, #tpu.memory_space<vmem>>[vector<16xi32>], vector<16xi32>,
    %get3A_1715 = arith.constant 21 : i32
    %get3A_1716 = arith.index_cast %get3A_1715 : i32 to index
    %get3A_1717 = arith.constant 48 : index
    %get3A_1718 = tpu.vector_load %arg5[%get3A_1716, %get3A_1717] {strides = array<i32>} : memref<26x128xi32, #tpu.memory_space<vmem>>, vector<16xi32>,
    %add3A_1719 = arith.constant 2100000 : i32
    %add3A_1720 = vector.broadcast %add3A_1719 : i32 to vector<16xi32>
    %add3A_1721 = arith.addi %get3A_1718, %add3A_1720 : vector<16xi32>
    %add3A_1722 = arith.constant 1269 : i32
    %add3A_1723 = vector.broadcast %add3A_1722 : i32 to vector<16xi32>
    %add3A_1724 = arith.addi %mul3A_5, %add3A_1723 : vector<16xi32>
    tpu.vector_store_idx %arg6[%add3A_1724], %add3A_1721 : memref<3328xi32, #tpu.memory_space<vmem>>[vector<16xi32>], vector<16xi32>,
    %get3A_1725 = arith.constant 21 : i32
    %get3A_1726 = arith.index_cast %get3A_1725 : i32 to index
    %get3A_1727 = arith.constant 64 : index
    %get3A_1728 = tpu.vector_load %arg5[%get3A_1726, %get3A_1727] {strides = array<i32>} : memref<26x128xi32, #tpu.memory_space<vmem>>, vector<16xi32>,
    %add3A_1729 = arith.constant 2100000 : i32
    %add3A_1730 = vector.broadcast %add3A_1729 : i32 to vector<16xi32>
    %add3A_1731 = arith.addi %get3A_1728, %add3A_1730 : vector<16xi32>
    %add3A_1732 = arith.constant 1685 : i32
    %add3A_1733 = vector.broadcast %add3A_1732 : i32 to vector<16xi32>
    %add3A_1734 = arith.addi %mul3A_5, %add3A_1733 : vector<16xi32>
    tpu.vector_store_idx %arg6[%add3A_1734], %add3A_1731 : memref<3328xi32, #tpu.memory_space<vmem>>[vector<16xi32>], vector<16xi32>,
    %get3A_1735 = arith.constant 21 : i32
    %get3A_1736 = arith.index_cast %get3A_1735 : i32 to index
    %get3A_1737 = arith.constant 80 : index
    %get3A_1738 = tpu.vector_load %arg5[%get3A_1736, %get3A_1737] {strides = array<i32>} : memref<26x128xi32, #tpu.memory_space<vmem>>, vector<16xi32>,
    %add3A_1739 = arith.constant 2100000 : i32
    %add3A_1740 = vector.broadcast %add3A_1739 : i32 to vector<16xi32>
    %add3A_1741 = arith.addi %get3A_1738, %add3A_1740 : vector<16xi32>
    %add3A_1742 = arith.constant 2101 : i32
    %add3A_1743 = vector.broadcast %add3A_1742 : i32 to vector<16xi32>
    %add3A_1744 = arith.addi %mul3A_5, %add3A_1743 : vector<16xi32>
    tpu.vector_store_idx %arg6[%add3A_1744], %add3A_1741 : memref<3328xi32, #tpu.memory_space<vmem>>[vector<16xi32>], vector<16xi32>,
    %get3A_1745 = arith.constant 21 : i32
    %get3A_1746 = arith.index_cast %get3A_1745 : i32 to index
    %get3A_1747 = arith.constant 96 : index
    %get3A_1748 = tpu.vector_load %arg5[%get3A_1746, %get3A_1747] {strides = array<i32>} : memref<26x128xi32, #tpu.memory_space<vmem>>, vector<16xi32>,
    %add3A_1749 = arith.constant 2100000 : i32
    %add3A_1750 = vector.broadcast %add3A_1749 : i32 to vector<16xi32>
    %add3A_1751 = arith.addi %get3A_1748, %add3A_1750 : vector<16xi32>
    %add3A_1752 = arith.constant 2517 : i32
    %add3A_1753 = vector.broadcast %add3A_1752 : i32 to vector<16xi32>
    %add3A_1754 = arith.addi %mul3A_5, %add3A_1753 : vector<16xi32>
    tpu.vector_store_idx %arg6[%add3A_1754], %add3A_1751 : memref<3328xi32, #tpu.memory_space<vmem>>[vector<16xi32>], vector<16xi32>,
    %get3A_1755 = arith.constant 21 : i32
    %get3A_1756 = arith.index_cast %get3A_1755 : i32 to index
    %get3A_1757 = arith.constant 112 : index
    %get3A_1758 = tpu.vector_load %arg5[%get3A_1756, %get3A_1757] {strides = array<i32>} : memref<26x128xi32, #tpu.memory_space<vmem>>, vector<16xi32>,
    %add3A_1759 = arith.constant 2100000 : i32
    %add3A_1760 = vector.broadcast %add3A_1759 : i32 to vector<16xi32>
    %add3A_1761 = arith.addi %get3A_1758, %add3A_1760 : vector<16xi32>
    %add3A_1762 = arith.constant 2933 : i32
    %add3A_1763 = vector.broadcast %add3A_1762 : i32 to vector<16xi32>
    %add3A_1764 = arith.addi %mul3A_5, %add3A_1763 : vector<16xi32>
    tpu.vector_store_idx %arg6[%add3A_1764], %add3A_1761 : memref<3328xi32, #tpu.memory_space<vmem>>[vector<16xi32>], vector<16xi32>,
    %get3A_1765 = arith.constant 22 : i32
    %get3A_1766 = arith.index_cast %get3A_1765 : i32 to index
    %get3A_1767 = arith.constant 0 : index
    %get3A_1768 = tpu.vector_load %arg5[%get3A_1766, %get3A_1767] {strides = array<i32>} : memref<26x128xi32, #tpu.memory_space<vmem>>, vector<16xi32>,
    %add3A_1769 = arith.constant 2200000 : i32
    %add3A_1770 = vector.broadcast %add3A_1769 : i32 to vector<16xi32>
    %add3A_1771 = arith.addi %get3A_1768, %add3A_1770 : vector<16xi32>
    %add3A_1772 = arith.constant 22 : i32
    %add3A_1773 = vector.broadcast %add3A_1772 : i32 to vector<16xi32>
    %add3A_1774 = arith.addi %mul3A_5, %add3A_1773 : vector<16xi32>
    tpu.vector_store_idx %arg6[%add3A_1774], %add3A_1771 : memref<3328xi32, #tpu.memory_space<vmem>>[vector<16xi32>], vector<16xi32>,
    %get3A_1775 = arith.constant 22 : i32
    %get3A_1776 = arith.index_cast %get3A_1775 : i32 to index
    %get3A_1777 = arith.constant 16 : index
    %get3A_1778 = tpu.vector_load %arg5[%get3A_1776, %get3A_1777] {strides = array<i32>} : memref<26x128xi32, #tpu.memory_space<vmem>>, vector<16xi32>,
    %add3A_1779 = arith.constant 2200000 : i32
    %add3A_1780 = vector.broadcast %add3A_1779 : i32 to vector<16xi32>
    %add3A_1781 = arith.addi %get3A_1778, %add3A_1780 : vector<16xi32>
    %add3A_1782 = arith.constant 438 : i32
    %add3A_1783 = vector.broadcast %add3A_1782 : i32 to vector<16xi32>
    %add3A_1784 = arith.addi %mul3A_5, %add3A_1783 : vector<16xi32>
    tpu.vector_store_idx %arg6[%add3A_1784], %add3A_1781 : memref<3328xi32, #tpu.memory_space<vmem>>[vector<16xi32>], vector<16xi32>,
    %get3A_1785 = arith.constant 22 : i32
    %get3A_1786 = arith.index_cast %get3A_1785 : i32 to index
    %get3A_1787 = arith.constant 32 : index
    %get3A_1788 = tpu.vector_load %arg5[%get3A_1786, %get3A_1787] {strides = array<i32>} : memref<26x128xi32, #tpu.memory_space<vmem>>, vector<16xi32>,
    %add3A_1789 = arith.constant 2200000 : i32
    %add3A_1790 = vector.broadcast %add3A_1789 : i32 to vector<16xi32>
    %add3A_1791 = arith.addi %get3A_1788, %add3A_1790 : vector<16xi32>
    %add3A_1792 = arith.constant 854 : i32
    %add3A_1793 = vector.broadcast %add3A_1792 : i32 to vector<16xi32>
    %add3A_1794 = arith.addi %mul3A_5, %add3A_1793 : vector<16xi32>
    tpu.vector_store_idx %arg6[%add3A_1794], %add3A_1791 : memref<3328xi32, #tpu.memory_space<vmem>>[vector<16xi32>], vector<16xi32>,
    %get3A_1795 = arith.constant 22 : i32
    %get3A_1796 = arith.index_cast %get3A_1795 : i32 to index
    %get3A_1797 = arith.constant 48 : index
    %get3A_1798 = tpu.vector_load %arg5[%get3A_1796, %get3A_1797] {strides = array<i32>} : memref<26x128xi32, #tpu.memory_space<vmem>>, vector<16xi32>,
    %add3A_1799 = arith.constant 2200000 : i32
    %add3A_1800 = vector.broadcast %add3A_1799 : i32 to vector<16xi32>
    %add3A_1801 = arith.addi %get3A_1798, %add3A_1800 : vector<16xi32>
    %add3A_1802 = arith.constant 1270 : i32
    %add3A_1803 = vector.broadcast %add3A_1802 : i32 to vector<16xi32>
    %add3A_1804 = arith.addi %mul3A_5, %add3A_1803 : vector<16xi32>
    tpu.vector_store_idx %arg6[%add3A_1804], %add3A_1801 : memref<3328xi32, #tpu.memory_space<vmem>>[vector<16xi32>], vector<16xi32>,
    %get3A_1805 = arith.constant 22 : i32
    %get3A_1806 = arith.index_cast %get3A_1805 : i32 to index
    %get3A_1807 = arith.constant 64 : index
    %get3A_1808 = tpu.vector_load %arg5[%get3A_1806, %get3A_1807] {strides = array<i32>} : memref<26x128xi32, #tpu.memory_space<vmem>>, vector<16xi32>,
    %add3A_1809 = arith.constant 2200000 : i32
    %add3A_1810 = vector.broadcast %add3A_1809 : i32 to vector<16xi32>
    %add3A_1811 = arith.addi %get3A_1808, %add3A_1810 : vector<16xi32>
    %add3A_1812 = arith.constant 1686 : i32
    %add3A_1813 = vector.broadcast %add3A_1812 : i32 to vector<16xi32>
    %add3A_1814 = arith.addi %mul3A_5, %add3A_1813 : vector<16xi32>
    tpu.vector_store_idx %arg6[%add3A_1814], %add3A_1811 : memref<3328xi32, #tpu.memory_space<vmem>>[vector<16xi32>], vector<16xi32>,
    %get3A_1815 = arith.constant 22 : i32
    %get3A_1816 = arith.index_cast %get3A_1815 : i32 to index
    %get3A_1817 = arith.constant 80 : index
    %get3A_1818 = tpu.vector_load %arg5[%get3A_1816, %get3A_1817] {strides = array<i32>} : memref<26x128xi32, #tpu.memory_space<vmem>>, vector<16xi32>,
    %add3A_1819 = arith.constant 2200000 : i32
    %add3A_1820 = vector.broadcast %add3A_1819 : i32 to vector<16xi32>
    %add3A_1821 = arith.addi %get3A_1818, %add3A_1820 : vector<16xi32>
    %add3A_1822 = arith.constant 2102 : i32
    %add3A_1823 = vector.broadcast %add3A_1822 : i32 to vector<16xi32>
    %add3A_1824 = arith.addi %mul3A_5, %add3A_1823 : vector<16xi32>
    tpu.vector_store_idx %arg6[%add3A_1824], %add3A_1821 : memref<3328xi32, #tpu.memory_space<vmem>>[vector<16xi32>], vector<16xi32>,
    %get3A_1825 = arith.constant 22 : i32
    %get3A_1826 = arith.index_cast %get3A_1825 : i32 to index
    %get3A_1827 = arith.constant 96 : index
    %get3A_1828 = tpu.vector_load %arg5[%get3A_1826, %get3A_1827] {strides = array<i32>} : memref<26x128xi32, #tpu.memory_space<vmem>>, vector<16xi32>,
    %add3A_1829 = arith.constant 2200000 : i32
    %add3A_1830 = vector.broadcast %add3A_1829 : i32 to vector<16xi32>
    %add3A_1831 = arith.addi %get3A_1828, %add3A_1830 : vector<16xi32>
    %add3A_1832 = arith.constant 2518 : i32
    %add3A_1833 = vector.broadcast %add3A_1832 : i32 to vector<16xi32>
    %add3A_1834 = arith.addi %mul3A_5, %add3A_1833 : vector<16xi32>
    tpu.vector_store_idx %arg6[%add3A_1834], %add3A_1831 : memref<3328xi32, #tpu.memory_space<vmem>>[vector<16xi32>], vector<16xi32>,
    %get3A_1835 = arith.constant 22 : i32
    %get3A_1836 = arith.index_cast %get3A_1835 : i32 to index
    %get3A_1837 = arith.constant 112 : index
    %get3A_1838 = tpu.vector_load %arg5[%get3A_1836, %get3A_1837] {strides = array<i32>} : memref<26x128xi32, #tpu.memory_space<vmem>>, vector<16xi32>,
    %add3A_1839 = arith.constant 2200000 : i32
    %add3A_1840 = vector.broadcast %add3A_1839 : i32 to vector<16xi32>
    %add3A_1841 = arith.addi %get3A_1838, %add3A_1840 : vector<16xi32>
    %add3A_1842 = arith.constant 2934 : i32
    %add3A_1843 = vector.broadcast %add3A_1842 : i32 to vector<16xi32>
    %add3A_1844 = arith.addi %mul3A_5, %add3A_1843 : vector<16xi32>
    tpu.vector_store_idx %arg6[%add3A_1844], %add3A_1841 : memref<3328xi32, #tpu.memory_space<vmem>>[vector<16xi32>], vector<16xi32>,
    %get3A_1845 = arith.constant 23 : i32
    %get3A_1846 = arith.index_cast %get3A_1845 : i32 to index
    %get3A_1847 = arith.constant 0 : index
    %get3A_1848 = tpu.vector_load %arg5[%get3A_1846, %get3A_1847] {strides = array<i32>} : memref<26x128xi32, #tpu.memory_space<vmem>>, vector<16xi32>,
    %add3A_1849 = arith.constant 2300000 : i32
    %add3A_1850 = vector.broadcast %add3A_1849 : i32 to vector<16xi32>
    %add3A_1851 = arith.addi %get3A_1848, %add3A_1850 : vector<16xi32>
    %add3A_1852 = arith.constant 23 : i32
    %add3A_1853 = vector.broadcast %add3A_1852 : i32 to vector<16xi32>
    %add3A_1854 = arith.addi %mul3A_5, %add3A_1853 : vector<16xi32>
    tpu.vector_store_idx %arg6[%add3A_1854], %add3A_1851 : memref<3328xi32, #tpu.memory_space<vmem>>[vector<16xi32>], vector<16xi32>,
    %get3A_1855 = arith.constant 23 : i32
    %get3A_1856 = arith.index_cast %get3A_1855 : i32 to index
    %get3A_1857 = arith.constant 16 : index
    %get3A_1858 = tpu.vector_load %arg5[%get3A_1856, %get3A_1857] {strides = array<i32>} : memref<26x128xi32, #tpu.memory_space<vmem>>, vector<16xi32>,
    %add3A_1859 = arith.constant 2300000 : i32
    %add3A_1860 = vector.broadcast %add3A_1859 : i32 to vector<16xi32>
    %add3A_1861 = arith.addi %get3A_1858, %add3A_1860 : vector<16xi32>
    %add3A_1862 = arith.constant 439 : i32
    %add3A_1863 = vector.broadcast %add3A_1862 : i32 to vector<16xi32>
    %add3A_1864 = arith.addi %mul3A_5, %add3A_1863 : vector<16xi32>
    tpu.vector_store_idx %arg6[%add3A_1864], %add3A_1861 : memref<3328xi32, #tpu.memory_space<vmem>>[vector<16xi32>], vector<16xi32>,
    %get3A_1865 = arith.constant 23 : i32
    %get3A_1866 = arith.index_cast %get3A_1865 : i32 to index
    %get3A_1867 = arith.constant 32 : index
    %get3A_1868 = tpu.vector_load %arg5[%get3A_1866, %get3A_1867] {strides = array<i32>} : memref<26x128xi32, #tpu.memory_space<vmem>>, vector<16xi32>,
    %add3A_1869 = arith.constant 2300000 : i32
    %add3A_1870 = vector.broadcast %add3A_1869 : i32 to vector<16xi32>
    %add3A_1871 = arith.addi %get3A_1868, %add3A_1870 : vector<16xi32>
    %add3A_1872 = arith.constant 855 : i32
    %add3A_1873 = vector.broadcast %add3A_1872 : i32 to vector<16xi32>
    %add3A_1874 = arith.addi %mul3A_5, %add3A_1873 : vector<16xi32>
    tpu.vector_store_idx %arg6[%add3A_1874], %add3A_1871 : memref<3328xi32, #tpu.memory_space<vmem>>[vector<16xi32>], vector<16xi32>,
    %get3A_1875 = arith.constant 23 : i32
    %get3A_1876 = arith.index_cast %get3A_1875 : i32 to index
    %get3A_1877 = arith.constant 48 : index
    %get3A_1878 = tpu.vector_load %arg5[%get3A_1876, %get3A_1877] {strides = array<i32>} : memref<26x128xi32, #tpu.memory_space<vmem>>, vector<16xi32>,
    %add3A_1879 = arith.constant 2300000 : i32
    %add3A_1880 = vector.broadcast %add3A_1879 : i32 to vector<16xi32>
    %add3A_1881 = arith.addi %get3A_1878, %add3A_1880 : vector<16xi32>
    %add3A_1882 = arith.constant 1271 : i32
    %add3A_1883 = vector.broadcast %add3A_1882 : i32 to vector<16xi32>
    %add3A_1884 = arith.addi %mul3A_5, %add3A_1883 : vector<16xi32>
    tpu.vector_store_idx %arg6[%add3A_1884], %add3A_1881 : memref<3328xi32, #tpu.memory_space<vmem>>[vector<16xi32>], vector<16xi32>,
    %get3A_1885 = arith.constant 23 : i32
    %get3A_1886 = arith.index_cast %get3A_1885 : i32 to index
    %get3A_1887 = arith.constant 64 : index
    %get3A_1888 = tpu.vector_load %arg5[%get3A_1886, %get3A_1887] {strides = array<i32>} : memref<26x128xi32, #tpu.memory_space<vmem>>, vector<16xi32>,
    %add3A_1889 = arith.constant 2300000 : i32
    %add3A_1890 = vector.broadcast %add3A_1889 : i32 to vector<16xi32>
    %add3A_1891 = arith.addi %get3A_1888, %add3A_1890 : vector<16xi32>
    %add3A_1892 = arith.constant 1687 : i32
    %add3A_1893 = vector.broadcast %add3A_1892 : i32 to vector<16xi32>
    %add3A_1894 = arith.addi %mul3A_5, %add3A_1893 : vector<16xi32>
    tpu.vector_store_idx %arg6[%add3A_1894], %add3A_1891 : memref<3328xi32, #tpu.memory_space<vmem>>[vector<16xi32>], vector<16xi32>,
    %get3A_1895 = arith.constant 23 : i32
    %get3A_1896 = arith.index_cast %get3A_1895 : i32 to index
    %get3A_1897 = arith.constant 80 : index
    %get3A_1898 = tpu.vector_load %arg5[%get3A_1896, %get3A_1897] {strides = array<i32>} : memref<26x128xi32, #tpu.memory_space<vmem>>, vector<16xi32>,
    %add3A_1899 = arith.constant 2300000 : i32
    %add3A_1900 = vector.broadcast %add3A_1899 : i32 to vector<16xi32>
    %add3A_1901 = arith.addi %get3A_1898, %add3A_1900 : vector<16xi32>
    %add3A_1902 = arith.constant 2103 : i32
    %add3A_1903 = vector.broadcast %add3A_1902 : i32 to vector<16xi32>
    %add3A_1904 = arith.addi %mul3A_5, %add3A_1903 : vector<16xi32>
    tpu.vector_store_idx %arg6[%add3A_1904], %add3A_1901 : memref<3328xi32, #tpu.memory_space<vmem>>[vector<16xi32>], vector<16xi32>,
    %get3A_1905 = arith.constant 23 : i32
    %get3A_1906 = arith.index_cast %get3A_1905 : i32 to index
    %get3A_1907 = arith.constant 96 : index
    %get3A_1908 = tpu.vector_load %arg5[%get3A_1906, %get3A_1907] {strides = array<i32>} : memref<26x128xi32, #tpu.memory_space<vmem>>, vector<16xi32>,
    %add3A_1909 = arith.constant 2300000 : i32
    %add3A_1910 = vector.broadcast %add3A_1909 : i32 to vector<16xi32>
    %add3A_1911 = arith.addi %get3A_1908, %add3A_1910 : vector<16xi32>
    %add3A_1912 = arith.constant 2519 : i32
    %add3A_1913 = vector.broadcast %add3A_1912 : i32 to vector<16xi32>
    %add3A_1914 = arith.addi %mul3A_5, %add3A_1913 : vector<16xi32>
    tpu.vector_store_idx %arg6[%add3A_1914], %add3A_1911 : memref<3328xi32, #tpu.memory_space<vmem>>[vector<16xi32>], vector<16xi32>,
    %get3A_1915 = arith.constant 23 : i32
    %get3A_1916 = arith.index_cast %get3A_1915 : i32 to index
    %get3A_1917 = arith.constant 112 : index
    %get3A_1918 = tpu.vector_load %arg5[%get3A_1916, %get3A_1917] {strides = array<i32>} : memref<26x128xi32, #tpu.memory_space<vmem>>, vector<16xi32>,
    %add3A_1919 = arith.constant 2300000 : i32
    %add3A_1920 = vector.broadcast %add3A_1919 : i32 to vector<16xi32>
    %add3A_1921 = arith.addi %get3A_1918, %add3A_1920 : vector<16xi32>
    %add3A_1922 = arith.constant 2935 : i32
    %add3A_1923 = vector.broadcast %add3A_1922 : i32 to vector<16xi32>
    %add3A_1924 = arith.addi %mul3A_5, %add3A_1923 : vector<16xi32>
    tpu.vector_store_idx %arg6[%add3A_1924], %add3A_1921 : memref<3328xi32, #tpu.memory_space<vmem>>[vector<16xi32>], vector<16xi32>,
    %get3A_1925 = arith.constant 24 : i32
    %get3A_1926 = arith.index_cast %get3A_1925 : i32 to index
    %get3A_1927 = arith.constant 0 : index
    %get3A_1928 = tpu.vector_load %arg5[%get3A_1926, %get3A_1927] {strides = array<i32>} : memref<26x128xi32, #tpu.memory_space<vmem>>, vector<16xi32>,
    %add3A_1929 = arith.constant 2400000 : i32
    %add3A_1930 = vector.broadcast %add3A_1929 : i32 to vector<16xi32>
    %add3A_1931 = arith.addi %get3A_1928, %add3A_1930 : vector<16xi32>
    %add3A_1932 = arith.constant 24 : i32
    %add3A_1933 = vector.broadcast %add3A_1932 : i32 to vector<16xi32>
    %add3A_1934 = arith.addi %mul3A_5, %add3A_1933 : vector<16xi32>
    tpu.vector_store_idx %arg6[%add3A_1934], %add3A_1931 : memref<3328xi32, #tpu.memory_space<vmem>>[vector<16xi32>], vector<16xi32>,
    %get3A_1935 = arith.constant 24 : i32
    %get3A_1936 = arith.index_cast %get3A_1935 : i32 to index
    %get3A_1937 = arith.constant 16 : index
    %get3A_1938 = tpu.vector_load %arg5[%get3A_1936, %get3A_1937] {strides = array<i32>} : memref<26x128xi32, #tpu.memory_space<vmem>>, vector<16xi32>,
    %add3A_1939 = arith.constant 2400000 : i32
    %add3A_1940 = vector.broadcast %add3A_1939 : i32 to vector<16xi32>
    %add3A_1941 = arith.addi %get3A_1938, %add3A_1940 : vector<16xi32>
    %add3A_1942 = arith.constant 440 : i32
    %add3A_1943 = vector.broadcast %add3A_1942 : i32 to vector<16xi32>
    %add3A_1944 = arith.addi %mul3A_5, %add3A_1943 : vector<16xi32>
    tpu.vector_store_idx %arg6[%add3A_1944], %add3A_1941 : memref<3328xi32, #tpu.memory_space<vmem>>[vector<16xi32>], vector<16xi32>,
    %get3A_1945 = arith.constant 24 : i32
    %get3A_1946 = arith.index_cast %get3A_1945 : i32 to index
    %get3A_1947 = arith.constant 32 : index
    %get3A_1948 = tpu.vector_load %arg5[%get3A_1946, %get3A_1947] {strides = array<i32>} : memref<26x128xi32, #tpu.memory_space<vmem>>, vector<16xi32>,
    %add3A_1949 = arith.constant 2400000 : i32
    %add3A_1950 = vector.broadcast %add3A_1949 : i32 to vector<16xi32>
    %add3A_1951 = arith.addi %get3A_1948, %add3A_1950 : vector<16xi32>
    %add3A_1952 = arith.constant 856 : i32
    %add3A_1953 = vector.broadcast %add3A_1952 : i32 to vector<16xi32>
    %add3A_1954 = arith.addi %mul3A_5, %add3A_1953 : vector<16xi32>
    tpu.vector_store_idx %arg6[%add3A_1954], %add3A_1951 : memref<3328xi32, #tpu.memory_space<vmem>>[vector<16xi32>], vector<16xi32>,
    %get3A_1955 = arith.constant 24 : i32
    %get3A_1956 = arith.index_cast %get3A_1955 : i32 to index
    %get3A_1957 = arith.constant 48 : index
    %get3A_1958 = tpu.vector_load %arg5[%get3A_1956, %get3A_1957] {strides = array<i32>} : memref<26x128xi32, #tpu.memory_space<vmem>>, vector<16xi32>,
    %add3A_1959 = arith.constant 2400000 : i32
    %add3A_1960 = vector.broadcast %add3A_1959 : i32 to vector<16xi32>
    %add3A_1961 = arith.addi %get3A_1958, %add3A_1960 : vector<16xi32>
    %add3A_1962 = arith.constant 1272 : i32
    %add3A_1963 = vector.broadcast %add3A_1962 : i32 to vector<16xi32>
    %add3A_1964 = arith.addi %mul3A_5, %add3A_1963 : vector<16xi32>
    tpu.vector_store_idx %arg6[%add3A_1964], %add3A_1961 : memref<3328xi32, #tpu.memory_space<vmem>>[vector<16xi32>], vector<16xi32>,
    %get3A_1965 = arith.constant 24 : i32
    %get3A_1966 = arith.index_cast %get3A_1965 : i32 to index
    %get3A_1967 = arith.constant 64 : index
    %get3A_1968 = tpu.vector_load %arg5[%get3A_1966, %get3A_1967] {strides = array<i32>} : memref<26x128xi32, #tpu.memory_space<vmem>>, vector<16xi32>,
    %add3A_1969 = arith.constant 2400000 : i32
    %add3A_1970 = vector.broadcast %add3A_1969 : i32 to vector<16xi32>
    %add3A_1971 = arith.addi %get3A_1968, %add3A_1970 : vector<16xi32>
    %add3A_1972 = arith.constant 1688 : i32
    %add3A_1973 = vector.broadcast %add3A_1972 : i32 to vector<16xi32>
    %add3A_1974 = arith.addi %mul3A_5, %add3A_1973 : vector<16xi32>
    tpu.vector_store_idx %arg6[%add3A_1974], %add3A_1971 : memref<3328xi32, #tpu.memory_space<vmem>>[vector<16xi32>], vector<16xi32>,
    %get3A_1975 = arith.constant 24 : i32
    %get3A_1976 = arith.index_cast %get3A_1975 : i32 to index
    %get3A_1977 = arith.constant 80 : index
    %get3A_1978 = tpu.vector_load %arg5[%get3A_1976, %get3A_1977] {strides = array<i32>} : memref<26x128xi32, #tpu.memory_space<vmem>>, vector<16xi32>,
    %add3A_1979 = arith.constant 2400000 : i32
    %add3A_1980 = vector.broadcast %add3A_1979 : i32 to vector<16xi32>
    %add3A_1981 = arith.addi %get3A_1978, %add3A_1980 : vector<16xi32>
    %add3A_1982 = arith.constant 2104 : i32
    %add3A_1983 = vector.broadcast %add3A_1982 : i32 to vector<16xi32>
    %add3A_1984 = arith.addi %mul3A_5, %add3A_1983 : vector<16xi32>
    tpu.vector_store_idx %arg6[%add3A_1984], %add3A_1981 : memref<3328xi32, #tpu.memory_space<vmem>>[vector<16xi32>], vector<16xi32>,
    %get3A_1985 = arith.constant 24 : i32
    %get3A_1986 = arith.index_cast %get3A_1985 : i32 to index
    %get3A_1987 = arith.constant 96 : index
    %get3A_1988 = tpu.vector_load %arg5[%get3A_1986, %get3A_1987] {strides = array<i32>} : memref<26x128xi32, #tpu.memory_space<vmem>>, vector<16xi32>,
    %add3A_1989 = arith.constant 2400000 : i32
    %add3A_1990 = vector.broadcast %add3A_1989 : i32 to vector<16xi32>
    %add3A_1991 = arith.addi %get3A_1988, %add3A_1990 : vector<16xi32>
    %add3A_1992 = arith.constant 2520 : i32
    %add3A_1993 = vector.broadcast %add3A_1992 : i32 to vector<16xi32>
    %add3A_1994 = arith.addi %mul3A_5, %add3A_1993 : vector<16xi32>
    tpu.vector_store_idx %arg6[%add3A_1994], %add3A_1991 : memref<3328xi32, #tpu.memory_space<vmem>>[vector<16xi32>], vector<16xi32>,
    %get3A_1995 = arith.constant 24 : i32
    %get3A_1996 = arith.index_cast %get3A_1995 : i32 to index
    %get3A_1997 = arith.constant 112 : index
    %get3A_1998 = tpu.vector_load %arg5[%get3A_1996, %get3A_1997] {strides = array<i32>} : memref<26x128xi32, #tpu.memory_space<vmem>>, vector<16xi32>,
    %add3A_1999 = arith.constant 2400000 : i32
    %add3A_2000 = vector.broadcast %add3A_1999 : i32 to vector<16xi32>
    %add3A_2001 = arith.addi %get3A_1998, %add3A_2000 : vector<16xi32>
    %add3A_2002 = arith.constant 2936 : i32
    %add3A_2003 = vector.broadcast %add3A_2002 : i32 to vector<16xi32>
    %add3A_2004 = arith.addi %mul3A_5, %add3A_2003 : vector<16xi32>
    tpu.vector_store_idx %arg6[%add3A_2004], %add3A_2001 : memref<3328xi32, #tpu.memory_space<vmem>>[vector<16xi32>], vector<16xi32>,
    %get3A_2005 = arith.constant 25 : i32
    %get3A_2006 = arith.index_cast %get3A_2005 : i32 to index
    %get3A_2007 = arith.constant 0 : index
    %get3A_2008 = tpu.vector_load %arg5[%get3A_2006, %get3A_2007] {strides = array<i32>} : memref<26x128xi32, #tpu.memory_space<vmem>>, vector<16xi32>,
    %add3A_2009 = arith.constant 2500000 : i32
    %add3A_2010 = vector.broadcast %add3A_2009 : i32 to vector<16xi32>
    %add3A_2011 = arith.addi %get3A_2008, %add3A_2010 : vector<16xi32>
    %add3A_2012 = arith.constant 25 : i32
    %add3A_2013 = vector.broadcast %add3A_2012 : i32 to vector<16xi32>
    %add3A_2014 = arith.addi %mul3A_5, %add3A_2013 : vector<16xi32>
    tpu.vector_store_idx %arg6[%add3A_2014], %add3A_2011 : memref<3328xi32, #tpu.memory_space<vmem>>[vector<16xi32>], vector<16xi32>,
    %get3A_2015 = arith.constant 25 : i32
    %get3A_2016 = arith.index_cast %get3A_2015 : i32 to index
    %get3A_2017 = arith.constant 16 : index
    %get3A_2018 = tpu.vector_load %arg5[%get3A_2016, %get3A_2017] {strides = array<i32>} : memref<26x128xi32, #tpu.memory_space<vmem>>, vector<16xi32>,
    %add3A_2019 = arith.constant 2500000 : i32
    %add3A_2020 = vector.broadcast %add3A_2019 : i32 to vector<16xi32>
    %add3A_2021 = arith.addi %get3A_2018, %add3A_2020 : vector<16xi32>
    %add3A_2022 = arith.constant 441 : i32
    %add3A_2023 = vector.broadcast %add3A_2022 : i32 to vector<16xi32>
    %add3A_2024 = arith.addi %mul3A_5, %add3A_2023 : vector<16xi32>
    tpu.vector_store_idx %arg6[%add3A_2024], %add3A_2021 : memref<3328xi32, #tpu.memory_space<vmem>>[vector<16xi32>], vector<16xi32>,
    %get3A_2025 = arith.constant 25 : i32
    %get3A_2026 = arith.index_cast %get3A_2025 : i32 to index
    %get3A_2027 = arith.constant 32 : index
    %get3A_2028 = tpu.vector_load %arg5[%get3A_2026, %get3A_2027] {strides = array<i32>} : memref<26x128xi32, #tpu.memory_space<vmem>>, vector<16xi32>,
    %add3A_2029 = arith.constant 2500000 : i32
    %add3A_2030 = vector.broadcast %add3A_2029 : i32 to vector<16xi32>
    %add3A_2031 = arith.addi %get3A_2028, %add3A_2030 : vector<16xi32>
    %add3A_2032 = arith.constant 857 : i32
    %add3A_2033 = vector.broadcast %add3A_2032 : i32 to vector<16xi32>
    %add3A_2034 = arith.addi %mul3A_5, %add3A_2033 : vector<16xi32>
    tpu.vector_store_idx %arg6[%add3A_2034], %add3A_2031 : memref<3328xi32, #tpu.memory_space<vmem>>[vector<16xi32>], vector<16xi32>,
    %get3A_2035 = arith.constant 25 : i32
    %get3A_2036 = arith.index_cast %get3A_2035 : i32 to index
    %get3A_2037 = arith.constant 48 : index
    %get3A_2038 = tpu.vector_load %arg5[%get3A_2036, %get3A_2037] {strides = array<i32>} : memref<26x128xi32, #tpu.memory_space<vmem>>, vector<16xi32>,
    %add3A_2039 = arith.constant 2500000 : i32
    %add3A_2040 = vector.broadcast %add3A_2039 : i32 to vector<16xi32>
    %add3A_2041 = arith.addi %get3A_2038, %add3A_2040 : vector<16xi32>
    %add3A_2042 = arith.constant 1273 : i32
    %add3A_2043 = vector.broadcast %add3A_2042 : i32 to vector<16xi32>
    %add3A_2044 = arith.addi %mul3A_5, %add3A_2043 : vector<16xi32>
    tpu.vector_store_idx %arg6[%add3A_2044], %add3A_2041 : memref<3328xi32, #tpu.memory_space<vmem>>[vector<16xi32>], vector<16xi32>,
    %get3A_2045 = arith.constant 25 : i32
    %get3A_2046 = arith.index_cast %get3A_2045 : i32 to index
    %get3A_2047 = arith.constant 64 : index
    %get3A_2048 = tpu.vector_load %arg5[%get3A_2046, %get3A_2047] {strides = array<i32>} : memref<26x128xi32, #tpu.memory_space<vmem>>, vector<16xi32>,
    %add3A_2049 = arith.constant 2500000 : i32
    %add3A_2050 = vector.broadcast %add3A_2049 : i32 to vector<16xi32>
    %add3A_2051 = arith.addi %get3A_2048, %add3A_2050 : vector<16xi32>
    %add3A_2052 = arith.constant 1689 : i32
    %add3A_2053 = vector.broadcast %add3A_2052 : i32 to vector<16xi32>
    %add3A_2054 = arith.addi %mul3A_5, %add3A_2053 : vector<16xi32>
    tpu.vector_store_idx %arg6[%add3A_2054], %add3A_2051 : memref<3328xi32, #tpu.memory_space<vmem>>[vector<16xi32>], vector<16xi32>,
    %get3A_2055 = arith.constant 25 : i32
    %get3A_2056 = arith.index_cast %get3A_2055 : i32 to index
    %get3A_2057 = arith.constant 80 : index
    %get3A_2058 = tpu.vector_load %arg5[%get3A_2056, %get3A_2057] {strides = array<i32>} : memref<26x128xi32, #tpu.memory_space<vmem>>, vector<16xi32>,
    %add3A_2059 = arith.constant 2500000 : i32
    %add3A_2060 = vector.broadcast %add3A_2059 : i32 to vector<16xi32>
    %add3A_2061 = arith.addi %get3A_2058, %add3A_2060 : vector<16xi32>
    %add3A_2062 = arith.constant 2105 : i32
    %add3A_2063 = vector.broadcast %add3A_2062 : i32 to vector<16xi32>
    %add3A_2064 = arith.addi %mul3A_5, %add3A_2063 : vector<16xi32>
    tpu.vector_store_idx %arg6[%add3A_2064], %add3A_2061 : memref<3328xi32, #tpu.memory_space<vmem>>[vector<16xi32>], vector<16xi32>,
    %get3A_2065 = arith.constant 25 : i32
    %get3A_2066 = arith.index_cast %get3A_2065 : i32 to index
    %get3A_2067 = arith.constant 96 : index
    %get3A_2068 = tpu.vector_load %arg5[%get3A_2066, %get3A_2067] {strides = array<i32>} : memref<26x128xi32, #tpu.memory_space<vmem>>, vector<16xi32>,
    %add3A_2069 = arith.constant 2500000 : i32
    %add3A_2070 = vector.broadcast %add3A_2069 : i32 to vector<16xi32>
    %add3A_2071 = arith.addi %get3A_2068, %add3A_2070 : vector<16xi32>
    %add3A_2072 = arith.constant 2521 : i32
    %add3A_2073 = vector.broadcast %add3A_2072 : i32 to vector<16xi32>
    %add3A_2074 = arith.addi %mul3A_5, %add3A_2073 : vector<16xi32>
    tpu.vector_store_idx %arg6[%add3A_2074], %add3A_2071 : memref<3328xi32, #tpu.memory_space<vmem>>[vector<16xi32>], vector<16xi32>,
    %get3A_2075 = arith.constant 25 : i32
    %get3A_2076 = arith.index_cast %get3A_2075 : i32 to index
    %get3A_2077 = arith.constant 112 : index
    %get3A_2078 = tpu.vector_load %arg5[%get3A_2076, %get3A_2077] {strides = array<i32>} : memref<26x128xi32, #tpu.memory_space<vmem>>, vector<16xi32>,
    %add3A_2079 = arith.constant 2500000 : i32
    %add3A_2080 = vector.broadcast %add3A_2079 : i32 to vector<16xi32>
    %add3A_2081 = arith.addi %get3A_2078, %add3A_2080 : vector<16xi32>
    %add3A_2082 = arith.constant 2937 : i32
    %add3A_2083 = vector.broadcast %add3A_2082 : i32 to vector<16xi32>
    %add3A_2084 = arith.addi %mul3A_5, %add3A_2083 : vector<16xi32>
    tpu.vector_store_idx %arg6[%add3A_2084], %add3A_2081 : memref<3328xi32, #tpu.memory_space<vmem>>[vector<16xi32>], vector<16xi32>,
    %dma_start3A = arith.constant 0 : i32
    %dma_start3A_2085 = arith.constant 0 : i32
    %dma_start3A_2086 = tpu.memref_slice %arg7[%dma_start3A, %dma_start3A_2085] : memref<3328x32xf32, #tpu.memory_space<vmem>> -> memref<128x32xf32, #tpu.memory_space<vmem>>
    %dma_start3A_2087 = arith.constant 0 : i32
    %dma_start3A_2088 = tpu.memref_slice %arg6[%dma_start3A_2087] : memref<3328xi32, #tpu.memory_space<vmem>> -> memref<128xi32, #tpu.memory_space<vmem>>
    %dma_start3A_2089 = arith.constant 0 : i32
    %dma_start3A_2090 = arith.constant 0 : i32
    %dma_start3A_2091 = tpu.memref_slice %arg2[%dma_start3A_2089, %dma_start3A_2090] : memref<2600000x32xf32, #tpu.memory_space<hbm>> -> memref<2600000x32xf32, #tpu.memory_space<hbm>>
    tpu.enqueue_indirect_dma source(%dma_start3A_2091 : memref<2600000x32xf32, #tpu.memory_space<hbm>>) target(%dma_start3A_2086 : memref<128x32xf32, #tpu.memory_space<vmem>>) offsets(%dma_start3A_2088 : memref<128xi32, #tpu.memory_space<vmem>>) semaphore(%arg8 : memref<!tpu.dma_semaphore, #tpu.memory_space<semaphore_mem>>)
    %dma_start3A_2092 = arith.constant 128 : i32
    %dma_start3A_2093 = arith.constant 0 : i32
    %dma_start3A_2094 = tpu.memref_slice %arg7[%dma_start3A_2092, %dma_start3A_2093] : memref<3328x32xf32, #tpu.memory_space<vmem>> -> memref<128x32xf32, #tpu.memory_space<vmem>>
    %dma_start3A_2095 = arith.constant 128 : i32
    %dma_start3A_2096 = tpu.memref_slice %arg6[%dma_start3A_2095] : memref<3328xi32, #tpu.memory_space<vmem>> -> memref<128xi32, #tpu.memory_space<vmem>>
    %dma_start3A_2097 = arith.constant 0 : i32
    %dma_start3A_2098 = arith.constant 0 : i32
    %dma_start3A_2099 = tpu.memref_slice %arg2[%dma_start3A_2097, %dma_start3A_2098] : memref<2600000x32xf32, #tpu.memory_space<hbm>> -> memref<2600000x32xf32, #tpu.memory_space<hbm>>
    tpu.enqueue_indirect_dma source(%dma_start3A_2099 : memref<2600000x32xf32, #tpu.memory_space<hbm>>) target(%dma_start3A_2094 : memref<128x32xf32, #tpu.memory_space<vmem>>) offsets(%dma_start3A_2096 : memref<128xi32, #tpu.memory_space<vmem>>) semaphore(%arg8 : memref<!tpu.dma_semaphore, #tpu.memory_space<semaphore_mem>>)
    %dma_start3A_2100 = arith.constant 256 : i32
    %dma_start3A_2101 = arith.constant 0 : i32
    %dma_start3A_2102 = tpu.memref_slice %arg7[%dma_start3A_2100, %dma_start3A_2101] : memref<3328x32xf32, #tpu.memory_space<vmem>> -> memref<128x32xf32, #tpu.memory_space<vmem>>
    %dma_start3A_2103 = arith.constant 256 : i32
    %dma_start3A_2104 = tpu.memref_slice %arg6[%dma_start3A_2103] : memref<3328xi32, #tpu.memory_space<vmem>> -> memref<128xi32, #tpu.memory_space<vmem>>
    %dma_start3A_2105 = arith.constant 0 : i32
    %dma_start3A_2106 = arith.constant 0 : i32
    %dma_start3A_2107 = tpu.memref_slice %arg2[%dma_start3A_2105, %dma_start3A_2106] : memref<2600000x32xf32, #tpu.memory_space<hbm>> -> memref<2600000x32xf32, #tpu.memory_space<hbm>>
    tpu.enqueue_indirect_dma source(%dma_start3A_2107 : memref<2600000x32xf32, #tpu.memory_space<hbm>>) target(%dma_start3A_2102 : memref<128x32xf32, #tpu.memory_space<vmem>>) offsets(%dma_start3A_2104 : memref<128xi32, #tpu.memory_space<vmem>>) semaphore(%arg8 : memref<!tpu.dma_semaphore, #tpu.memory_space<semaphore_mem>>)
    %dma_start3A_2108 = arith.constant 384 : i32
    %dma_start3A_2109 = arith.constant 0 : i32
    %dma_start3A_2110 = tpu.memref_slice %arg7[%dma_start3A_2108, %dma_start3A_2109] : memref<3328x32xf32, #tpu.memory_space<vmem>> -> memref<128x32xf32, #tpu.memory_space<vmem>>
    %dma_start3A_2111 = arith.constant 384 : i32
    %dma_start3A_2112 = tpu.memref_slice %arg6[%dma_start3A_2111] : memref<3328xi32, #tpu.memory_space<vmem>> -> memref<128xi32, #tpu.memory_space<vmem>>
    %dma_start3A_2113 = arith.constant 0 : i32
    %dma_start3A_2114 = arith.constant 0 : i32
    %dma_start3A_2115 = tpu.memref_slice %arg2[%dma_start3A_2113, %dma_start3A_2114] : memref<2600000x32xf32, #tpu.memory_space<hbm>> -> memref<2600000x32xf32, #tpu.memory_space<hbm>>
    tpu.enqueue_indirect_dma source(%dma_start3A_2115 : memref<2600000x32xf32, #tpu.memory_space<hbm>>) target(%dma_start3A_2110 : memref<128x32xf32, #tpu.memory_space<vmem>>) offsets(%dma_start3A_2112 : memref<128xi32, #tpu.memory_space<vmem>>) semaphore(%arg8 : memref<!tpu.dma_semaphore, #tpu.memory_space<semaphore_mem>>)
    %dma_start3A_2116 = arith.constant 512 : i32
    %dma_start3A_2117 = arith.constant 0 : i32
    %dma_start3A_2118 = tpu.memref_slice %arg7[%dma_start3A_2116, %dma_start3A_2117] : memref<3328x32xf32, #tpu.memory_space<vmem>> -> memref<128x32xf32, #tpu.memory_space<vmem>>
    %dma_start3A_2119 = arith.constant 512 : i32
    %dma_start3A_2120 = tpu.memref_slice %arg6[%dma_start3A_2119] : memref<3328xi32, #tpu.memory_space<vmem>> -> memref<128xi32, #tpu.memory_space<vmem>>
    %dma_start3A_2121 = arith.constant 0 : i32
    %dma_start3A_2122 = arith.constant 0 : i32
    %dma_start3A_2123 = tpu.memref_slice %arg2[%dma_start3A_2121, %dma_start3A_2122] : memref<2600000x32xf32, #tpu.memory_space<hbm>> -> memref<2600000x32xf32, #tpu.memory_space<hbm>>
    tpu.enqueue_indirect_dma source(%dma_start3A_2123 : memref<2600000x32xf32, #tpu.memory_space<hbm>>) target(%dma_start3A_2118 : memref<128x32xf32, #tpu.memory_space<vmem>>) offsets(%dma_start3A_2120 : memref<128xi32, #tpu.memory_space<vmem>>) semaphore(%arg8 : memref<!tpu.dma_semaphore, #tpu.memory_space<semaphore_mem>>)
    %dma_start3A_2124 = arith.constant 640 : i32
    %dma_start3A_2125 = arith.constant 0 : i32
    %dma_start3A_2126 = tpu.memref_slice %arg7[%dma_start3A_2124, %dma_start3A_2125] : memref<3328x32xf32, #tpu.memory_space<vmem>> -> memref<128x32xf32, #tpu.memory_space<vmem>>
    %dma_start3A_2127 = arith.constant 640 : i32
    %dma_start3A_2128 = tpu.memref_slice %arg6[%dma_start3A_2127] : memref<3328xi32, #tpu.memory_space<vmem>> -> memref<128xi32, #tpu.memory_space<vmem>>
    %dma_start3A_2129 = arith.constant 0 : i32
    %dma_start3A_2130 = arith.constant 0 : i32
    %dma_start3A_2131 = tpu.memref_slice %arg2[%dma_start3A_2129, %dma_start3A_2130] : memref<2600000x32xf32, #tpu.memory_space<hbm>> -> memref<2600000x32xf32, #tpu.memory_space<hbm>>
    tpu.enqueue_indirect_dma source(%dma_start3A_2131 : memref<2600000x32xf32, #tpu.memory_space<hbm>>) target(%dma_start3A_2126 : memref<128x32xf32, #tpu.memory_space<vmem>>) offsets(%dma_start3A_2128 : memref<128xi32, #tpu.memory_space<vmem>>) semaphore(%arg8 : memref<!tpu.dma_semaphore, #tpu.memory_space<semaphore_mem>>)
    %dma_start3A_2132 = arith.constant 768 : i32
    %dma_start3A_2133 = arith.constant 0 : i32
    %dma_start3A_2134 = tpu.memref_slice %arg7[%dma_start3A_2132, %dma_start3A_2133] : memref<3328x32xf32, #tpu.memory_space<vmem>> -> memref<128x32xf32, #tpu.memory_space<vmem>>
    %dma_start3A_2135 = arith.constant 768 : i32
    %dma_start3A_2136 = tpu.memref_slice %arg6[%dma_start3A_2135] : memref<3328xi32, #tpu.memory_space<vmem>> -> memref<128xi32, #tpu.memory_space<vmem>>
    %dma_start3A_2137 = arith.constant 0 : i32
    %dma_start3A_2138 = arith.constant 0 : i32
    %dma_start3A_2139 = tpu.memref_slice %arg2[%dma_start3A_2137, %dma_start3A_2138] : memref<2600000x32xf32, #tpu.memory_space<hbm>> -> memref<2600000x32xf32, #tpu.memory_space<hbm>>
    tpu.enqueue_indirect_dma source(%dma_start3A_2139 : memref<2600000x32xf32, #tpu.memory_space<hbm>>) target(%dma_start3A_2134 : memref<128x32xf32, #tpu.memory_space<vmem>>) offsets(%dma_start3A_2136 : memref<128xi32, #tpu.memory_space<vmem>>) semaphore(%arg8 : memref<!tpu.dma_semaphore, #tpu.memory_space<semaphore_mem>>)
    %dma_start3A_2140 = arith.constant 896 : i32
    %dma_start3A_2141 = arith.constant 0 : i32
    %dma_start3A_2142 = tpu.memref_slice %arg7[%dma_start3A_2140, %dma_start3A_2141] : memref<3328x32xf32, #tpu.memory_space<vmem>> -> memref<128x32xf32, #tpu.memory_space<vmem>>
    %dma_start3A_2143 = arith.constant 896 : i32
    %dma_start3A_2144 = tpu.memref_slice %arg6[%dma_start3A_2143] : memref<3328xi32, #tpu.memory_space<vmem>> -> memref<128xi32, #tpu.memory_space<vmem>>
    %dma_start3A_2145 = arith.constant 0 : i32
    %dma_start3A_2146 = arith.constant 0 : i32
    %dma_start3A_2147 = tpu.memref_slice %arg2[%dma_start3A_2145, %dma_start3A_2146] : memref<2600000x32xf32, #tpu.memory_space<hbm>> -> memref<2600000x32xf32, #tpu.memory_space<hbm>>
    tpu.enqueue_indirect_dma source(%dma_start3A_2147 : memref<2600000x32xf32, #tpu.memory_space<hbm>>) target(%dma_start3A_2142 : memref<128x32xf32, #tpu.memory_space<vmem>>) offsets(%dma_start3A_2144 : memref<128xi32, #tpu.memory_space<vmem>>) semaphore(%arg8 : memref<!tpu.dma_semaphore, #tpu.memory_space<semaphore_mem>>)
    %dma_start3A_2148 = arith.constant 1024 : i32
    %dma_start3A_2149 = arith.constant 0 : i32
    %dma_start3A_2150 = tpu.memref_slice %arg7[%dma_start3A_2148, %dma_start3A_2149] : memref<3328x32xf32, #tpu.memory_space<vmem>> -> memref<128x32xf32, #tpu.memory_space<vmem>>
    %dma_start3A_2151 = arith.constant 1024 : i32
    %dma_start3A_2152 = tpu.memref_slice %arg6[%dma_start3A_2151] : memref<3328xi32, #tpu.memory_space<vmem>> -> memref<128xi32, #tpu.memory_space<vmem>>
    %dma_start3A_2153 = arith.constant 0 : i32
    %dma_start3A_2154 = arith.constant 0 : i32
    %dma_start3A_2155 = tpu.memref_slice %arg2[%dma_start3A_2153, %dma_start3A_2154] : memref<2600000x32xf32, #tpu.memory_space<hbm>> -> memref<2600000x32xf32, #tpu.memory_space<hbm>>
    tpu.enqueue_indirect_dma source(%dma_start3A_2155 : memref<2600000x32xf32, #tpu.memory_space<hbm>>) target(%dma_start3A_2150 : memref<128x32xf32, #tpu.memory_space<vmem>>) offsets(%dma_start3A_2152 : memref<128xi32, #tpu.memory_space<vmem>>) semaphore(%arg8 : memref<!tpu.dma_semaphore, #tpu.memory_space<semaphore_mem>>)
    %dma_start3A_2156 = arith.constant 1152 : i32
    %dma_start3A_2157 = arith.constant 0 : i32
    %dma_start3A_2158 = tpu.memref_slice %arg7[%dma_start3A_2156, %dma_start3A_2157] : memref<3328x32xf32, #tpu.memory_space<vmem>> -> memref<128x32xf32, #tpu.memory_space<vmem>>
    %dma_start3A_2159 = arith.constant 1152 : i32
    %dma_start3A_2160 = tpu.memref_slice %arg6[%dma_start3A_2159] : memref<3328xi32, #tpu.memory_space<vmem>> -> memref<128xi32, #tpu.memory_space<vmem>>
    %dma_start3A_2161 = arith.constant 0 : i32
    %dma_start3A_2162 = arith.constant 0 : i32
    %dma_start3A_2163 = tpu.memref_slice %arg2[%dma_start3A_2161, %dma_start3A_2162] : memref<2600000x32xf32, #tpu.memory_space<hbm>> -> memref<2600000x32xf32, #tpu.memory_space<hbm>>
    tpu.enqueue_indirect_dma source(%dma_start3A_2163 : memref<2600000x32xf32, #tpu.memory_space<hbm>>) target(%dma_start3A_2158 : memref<128x32xf32, #tpu.memory_space<vmem>>) offsets(%dma_start3A_2160 : memref<128xi32, #tpu.memory_space<vmem>>) semaphore(%arg8 : memref<!tpu.dma_semaphore, #tpu.memory_space<semaphore_mem>>)
    %dma_start3A_2164 = arith.constant 1280 : i32
    %dma_start3A_2165 = arith.constant 0 : i32
    %dma_start3A_2166 = tpu.memref_slice %arg7[%dma_start3A_2164, %dma_start3A_2165] : memref<3328x32xf32, #tpu.memory_space<vmem>> -> memref<128x32xf32, #tpu.memory_space<vmem>>
    %dma_start3A_2167 = arith.constant 1280 : i32
    %dma_start3A_2168 = tpu.memref_slice %arg6[%dma_start3A_2167] : memref<3328xi32, #tpu.memory_space<vmem>> -> memref<128xi32, #tpu.memory_space<vmem>>
    %dma_start3A_2169 = arith.constant 0 : i32
    %dma_start3A_2170 = arith.constant 0 : i32
    %dma_start3A_2171 = tpu.memref_slice %arg2[%dma_start3A_2169, %dma_start3A_2170] : memref<2600000x32xf32, #tpu.memory_space<hbm>> -> memref<2600000x32xf32, #tpu.memory_space<hbm>>
    tpu.enqueue_indirect_dma source(%dma_start3A_2171 : memref<2600000x32xf32, #tpu.memory_space<hbm>>) target(%dma_start3A_2166 : memref<128x32xf32, #tpu.memory_space<vmem>>) offsets(%dma_start3A_2168 : memref<128xi32, #tpu.memory_space<vmem>>) semaphore(%arg8 : memref<!tpu.dma_semaphore, #tpu.memory_space<semaphore_mem>>)
    %dma_start3A_2172 = arith.constant 1408 : i32
    %dma_start3A_2173 = arith.constant 0 : i32
    %dma_start3A_2174 = tpu.memref_slice %arg7[%dma_start3A_2172, %dma_start3A_2173] : memref<3328x32xf32, #tpu.memory_space<vmem>> -> memref<128x32xf32, #tpu.memory_space<vmem>>
    %dma_start3A_2175 = arith.constant 1408 : i32
    %dma_start3A_2176 = tpu.memref_slice %arg6[%dma_start3A_2175] : memref<3328xi32, #tpu.memory_space<vmem>> -> memref<128xi32, #tpu.memory_space<vmem>>
    %dma_start3A_2177 = arith.constant 0 : i32
    %dma_start3A_2178 = arith.constant 0 : i32
    %dma_start3A_2179 = tpu.memref_slice %arg2[%dma_start3A_2177, %dma_start3A_2178] : memref<2600000x32xf32, #tpu.memory_space<hbm>> -> memref<2600000x32xf32, #tpu.memory_space<hbm>>
    tpu.enqueue_indirect_dma source(%dma_start3A_2179 : memref<2600000x32xf32, #tpu.memory_space<hbm>>) target(%dma_start3A_2174 : memref<128x32xf32, #tpu.memory_space<vmem>>) offsets(%dma_start3A_2176 : memref<128xi32, #tpu.memory_space<vmem>>) semaphore(%arg8 : memref<!tpu.dma_semaphore, #tpu.memory_space<semaphore_mem>>)
    %dma_start3A_2180 = arith.constant 1536 : i32
    %dma_start3A_2181 = arith.constant 0 : i32
    %dma_start3A_2182 = tpu.memref_slice %arg7[%dma_start3A_2180, %dma_start3A_2181] : memref<3328x32xf32, #tpu.memory_space<vmem>> -> memref<128x32xf32, #tpu.memory_space<vmem>>
    %dma_start3A_2183 = arith.constant 1536 : i32
    %dma_start3A_2184 = tpu.memref_slice %arg6[%dma_start3A_2183] : memref<3328xi32, #tpu.memory_space<vmem>> -> memref<128xi32, #tpu.memory_space<vmem>>
    %dma_start3A_2185 = arith.constant 0 : i32
    %dma_start3A_2186 = arith.constant 0 : i32
    %dma_start3A_2187 = tpu.memref_slice %arg2[%dma_start3A_2185, %dma_start3A_2186] : memref<2600000x32xf32, #tpu.memory_space<hbm>> -> memref<2600000x32xf32, #tpu.memory_space<hbm>>
    tpu.enqueue_indirect_dma source(%dma_start3A_2187 : memref<2600000x32xf32, #tpu.memory_space<hbm>>) target(%dma_start3A_2182 : memref<128x32xf32, #tpu.memory_space<vmem>>) offsets(%dma_start3A_2184 : memref<128xi32, #tpu.memory_space<vmem>>) semaphore(%arg8 : memref<!tpu.dma_semaphore, #tpu.memory_space<semaphore_mem>>)
    %dma_wait3A = arith.constant 0 : i32
    %dma_wait3A_2188 = arith.constant 0 : i32
    %dma_wait3A_2189 = tpu.memref_slice %arg7[%dma_wait3A, %dma_wait3A_2188] : memref<3328x32xf32, #tpu.memory_space<vmem>> -> memref<128x32xf32, #tpu.memory_space<vmem>>
    %dma_wait3A_2190 = arith.constant 0 : i32
    %dma_wait3A_2191 = tpu.memref_slice %arg6[%dma_wait3A_2190] : memref<3328xi32, #tpu.memory_space<vmem>> -> memref<128xi32, #tpu.memory_space<vmem>>
    %dma_wait3A_2192 = arith.constant 0 : i32
    %dma_wait3A_2193 = arith.constant 0 : i32
    %dma_wait3A_2194 = tpu.memref_slice %arg2[%dma_wait3A_2192, %dma_wait3A_2193] : memref<2600000x32xf32, #tpu.memory_space<hbm>> -> memref<2600000x32xf32, #tpu.memory_space<hbm>>
    tpu.wait_indirect_dma semaphore(%arg8 : memref<!tpu.dma_semaphore, #tpu.memory_space<semaphore_mem>>) src(%dma_wait3A_2194 : memref<2600000x32xf32, #tpu.memory_space<hbm>>) dst(%dma_wait3A_2189 : memref<128x32xf32, #tpu.memory_space<vmem>>)
    %dma_wait3A_2195 = arith.constant 128 : i32
    %dma_wait3A_2196 = arith.constant 0 : i32
    %dma_wait3A_2197 = tpu.memref_slice %arg7[%dma_wait3A_2195, %dma_wait3A_2196] : memref<3328x32xf32, #tpu.memory_space<vmem>> -> memref<128x32xf32, #tpu.memory_space<vmem>>
    %dma_wait3A_2198 = arith.constant 128 : i32
    %dma_wait3A_2199 = tpu.memref_slice %arg6[%dma_wait3A_2198] : memref<3328xi32, #tpu.memory_space<vmem>> -> memref<128xi32, #tpu.memory_space<vmem>>
    %dma_wait3A_2200 = arith.constant 0 : i32
    %dma_wait3A_2201 = arith.constant 0 : i32
    %dma_wait3A_2202 = tpu.memref_slice %arg2[%dma_wait3A_2200, %dma_wait3A_2201] : memref<2600000x32xf32, #tpu.memory_space<hbm>> -> memref<2600000x32xf32, #tpu.memory_space<hbm>>
    tpu.wait_indirect_dma semaphore(%arg8 : memref<!tpu.dma_semaphore, #tpu.memory_space<semaphore_mem>>) src(%dma_wait3A_2202 : memref<2600000x32xf32, #tpu.memory_space<hbm>>) dst(%dma_wait3A_2197 : memref<128x32xf32, #tpu.memory_space<vmem>>)
    %dma_wait3A_2203 = arith.constant 256 : i32
    %dma_wait3A_2204 = arith.constant 0 : i32
    %dma_wait3A_2205 = tpu.memref_slice %arg7[%dma_wait3A_2203, %dma_wait3A_2204] : memref<3328x32xf32, #tpu.memory_space<vmem>> -> memref<128x32xf32, #tpu.memory_space<vmem>>
    %dma_wait3A_2206 = arith.constant 256 : i32
    %dma_wait3A_2207 = tpu.memref_slice %arg6[%dma_wait3A_2206] : memref<3328xi32, #tpu.memory_space<vmem>> -> memref<128xi32, #tpu.memory_space<vmem>>
    %dma_wait3A_2208 = arith.constant 0 : i32
    %dma_wait3A_2209 = arith.constant 0 : i32
    %dma_wait3A_2210 = tpu.memref_slice %arg2[%dma_wait3A_2208, %dma_wait3A_2209] : memref<2600000x32xf32, #tpu.memory_space<hbm>> -> memref<2600000x32xf32, #tpu.memory_space<hbm>>
    tpu.wait_indirect_dma semaphore(%arg8 : memref<!tpu.dma_semaphore, #tpu.memory_space<semaphore_mem>>) src(%dma_wait3A_2210 : memref<2600000x32xf32, #tpu.memory_space<hbm>>) dst(%dma_wait3A_2205 : memref<128x32xf32, #tpu.memory_space<vmem>>)
    %dma_wait3A_2211 = arith.constant 384 : i32
    %dma_wait3A_2212 = arith.constant 0 : i32
    %dma_wait3A_2213 = tpu.memref_slice %arg7[%dma_wait3A_2211, %dma_wait3A_2212] : memref<3328x32xf32, #tpu.memory_space<vmem>> -> memref<128x32xf32, #tpu.memory_space<vmem>>
    %dma_wait3A_2214 = arith.constant 384 : i32
    %dma_wait3A_2215 = tpu.memref_slice %arg6[%dma_wait3A_2214] : memref<3328xi32, #tpu.memory_space<vmem>> -> memref<128xi32, #tpu.memory_space<vmem>>
    %dma_wait3A_2216 = arith.constant 0 : i32
    %dma_wait3A_2217 = arith.constant 0 : i32
    %dma_wait3A_2218 = tpu.memref_slice %arg2[%dma_wait3A_2216, %dma_wait3A_2217] : memref<2600000x32xf32, #tpu.memory_space<hbm>> -> memref<2600000x32xf32, #tpu.memory_space<hbm>>
    tpu.wait_indirect_dma semaphore(%arg8 : memref<!tpu.dma_semaphore, #tpu.memory_space<semaphore_mem>>) src(%dma_wait3A_2218 : memref<2600000x32xf32, #tpu.memory_space<hbm>>) dst(%dma_wait3A_2213 : memref<128x32xf32, #tpu.memory_space<vmem>>)
    %dma_wait3A_2219 = arith.constant 512 : i32
    %dma_wait3A_2220 = arith.constant 0 : i32
    %dma_wait3A_2221 = tpu.memref_slice %arg7[%dma_wait3A_2219, %dma_wait3A_2220] : memref<3328x32xf32, #tpu.memory_space<vmem>> -> memref<128x32xf32, #tpu.memory_space<vmem>>
    %dma_wait3A_2222 = arith.constant 512 : i32
    %dma_wait3A_2223 = tpu.memref_slice %arg6[%dma_wait3A_2222] : memref<3328xi32, #tpu.memory_space<vmem>> -> memref<128xi32, #tpu.memory_space<vmem>>
    %dma_wait3A_2224 = arith.constant 0 : i32
    %dma_wait3A_2225 = arith.constant 0 : i32
    %dma_wait3A_2226 = tpu.memref_slice %arg2[%dma_wait3A_2224, %dma_wait3A_2225] : memref<2600000x32xf32, #tpu.memory_space<hbm>> -> memref<2600000x32xf32, #tpu.memory_space<hbm>>
    tpu.wait_indirect_dma semaphore(%arg8 : memref<!tpu.dma_semaphore, #tpu.memory_space<semaphore_mem>>) src(%dma_wait3A_2226 : memref<2600000x32xf32, #tpu.memory_space<hbm>>) dst(%dma_wait3A_2221 : memref<128x32xf32, #tpu.memory_space<vmem>>)
    %dma_wait3A_2227 = arith.constant 640 : i32
    %dma_wait3A_2228 = arith.constant 0 : i32
    %dma_wait3A_2229 = tpu.memref_slice %arg7[%dma_wait3A_2227, %dma_wait3A_2228] : memref<3328x32xf32, #tpu.memory_space<vmem>> -> memref<128x32xf32, #tpu.memory_space<vmem>>
    %dma_wait3A_2230 = arith.constant 640 : i32
    %dma_wait3A_2231 = tpu.memref_slice %arg6[%dma_wait3A_2230] : memref<3328xi32, #tpu.memory_space<vmem>> -> memref<128xi32, #tpu.memory_space<vmem>>
    %dma_wait3A_2232 = arith.constant 0 : i32
    %dma_wait3A_2233 = arith.constant 0 : i32
    %dma_wait3A_2234 = tpu.memref_slice %arg2[%dma_wait3A_2232, %dma_wait3A_2233] : memref<2600000x32xf32, #tpu.memory_space<hbm>> -> memref<2600000x32xf32, #tpu.memory_space<hbm>>
    tpu.wait_indirect_dma semaphore(%arg8 : memref<!tpu.dma_semaphore, #tpu.memory_space<semaphore_mem>>) src(%dma_wait3A_2234 : memref<2600000x32xf32, #tpu.memory_space<hbm>>) dst(%dma_wait3A_2229 : memref<128x32xf32, #tpu.memory_space<vmem>>)
    %dma_wait3A_2235 = arith.constant 768 : i32
    %dma_wait3A_2236 = arith.constant 0 : i32
    %dma_wait3A_2237 = tpu.memref_slice %arg7[%dma_wait3A_2235, %dma_wait3A_2236] : memref<3328x32xf32, #tpu.memory_space<vmem>> -> memref<128x32xf32, #tpu.memory_space<vmem>>
    %dma_wait3A_2238 = arith.constant 768 : i32
    %dma_wait3A_2239 = tpu.memref_slice %arg6[%dma_wait3A_2238] : memref<3328xi32, #tpu.memory_space<vmem>> -> memref<128xi32, #tpu.memory_space<vmem>>
    %dma_wait3A_2240 = arith.constant 0 : i32
    %dma_wait3A_2241 = arith.constant 0 : i32
    %dma_wait3A_2242 = tpu.memref_slice %arg2[%dma_wait3A_2240, %dma_wait3A_2241] : memref<2600000x32xf32, #tpu.memory_space<hbm>> -> memref<2600000x32xf32, #tpu.memory_space<hbm>>
    tpu.wait_indirect_dma semaphore(%arg8 : memref<!tpu.dma_semaphore, #tpu.memory_space<semaphore_mem>>) src(%dma_wait3A_2242 : memref<2600000x32xf32, #tpu.memory_space<hbm>>) dst(%dma_wait3A_2237 : memref<128x32xf32, #tpu.memory_space<vmem>>)
    %dma_wait3A_2243 = arith.constant 896 : i32
    %dma_wait3A_2244 = arith.constant 0 : i32
    %dma_wait3A_2245 = tpu.memref_slice %arg7[%dma_wait3A_2243, %dma_wait3A_2244] : memref<3328x32xf32, #tpu.memory_space<vmem>> -> memref<128x32xf32, #tpu.memory_space<vmem>>
    %dma_wait3A_2246 = arith.constant 896 : i32
    %dma_wait3A_2247 = tpu.memref_slice %arg6[%dma_wait3A_2246] : memref<3328xi32, #tpu.memory_space<vmem>> -> memref<128xi32, #tpu.memory_space<vmem>>
    %dma_wait3A_2248 = arith.constant 0 : i32
    %dma_wait3A_2249 = arith.constant 0 : i32
    %dma_wait3A_2250 = tpu.memref_slice %arg2[%dma_wait3A_2248, %dma_wait3A_2249] : memref<2600000x32xf32, #tpu.memory_space<hbm>> -> memref<2600000x32xf32, #tpu.memory_space<hbm>>
    tpu.wait_indirect_dma semaphore(%arg8 : memref<!tpu.dma_semaphore, #tpu.memory_space<semaphore_mem>>) src(%dma_wait3A_2250 : memref<2600000x32xf32, #tpu.memory_space<hbm>>) dst(%dma_wait3A_2245 : memref<128x32xf32, #tpu.memory_space<vmem>>)
    %dma_wait3A_2251 = arith.constant 1024 : i32
    %dma_wait3A_2252 = arith.constant 0 : i32
    %dma_wait3A_2253 = tpu.memref_slice %arg7[%dma_wait3A_2251, %dma_wait3A_2252] : memref<3328x32xf32, #tpu.memory_space<vmem>> -> memref<128x32xf32, #tpu.memory_space<vmem>>
    %dma_wait3A_2254 = arith.constant 1024 : i32
    %dma_wait3A_2255 = tpu.memref_slice %arg6[%dma_wait3A_2254] : memref<3328xi32, #tpu.memory_space<vmem>> -> memref<128xi32, #tpu.memory_space<vmem>>
    %dma_wait3A_2256 = arith.constant 0 : i32
    %dma_wait3A_2257 = arith.constant 0 : i32
    %dma_wait3A_2258 = tpu.memref_slice %arg2[%dma_wait3A_2256, %dma_wait3A_2257] : memref<2600000x32xf32, #tpu.memory_space<hbm>> -> memref<2600000x32xf32, #tpu.memory_space<hbm>>
    tpu.wait_indirect_dma semaphore(%arg8 : memref<!tpu.dma_semaphore, #tpu.memory_space<semaphore_mem>>) src(%dma_wait3A_2258 : memref<2600000x32xf32, #tpu.memory_space<hbm>>) dst(%dma_wait3A_2253 : memref<128x32xf32, #tpu.memory_space<vmem>>)
    %dma_wait3A_2259 = arith.constant 1152 : i32
    %dma_wait3A_2260 = arith.constant 0 : i32
    %dma_wait3A_2261 = tpu.memref_slice %arg7[%dma_wait3A_2259, %dma_wait3A_2260] : memref<3328x32xf32, #tpu.memory_space<vmem>> -> memref<128x32xf32, #tpu.memory_space<vmem>>
    %dma_wait3A_2262 = arith.constant 1152 : i32
    %dma_wait3A_2263 = tpu.memref_slice %arg6[%dma_wait3A_2262] : memref<3328xi32, #tpu.memory_space<vmem>> -> memref<128xi32, #tpu.memory_space<vmem>>
    %dma_wait3A_2264 = arith.constant 0 : i32
    %dma_wait3A_2265 = arith.constant 0 : i32
    %dma_wait3A_2266 = tpu.memref_slice %arg2[%dma_wait3A_2264, %dma_wait3A_2265] : memref<2600000x32xf32, #tpu.memory_space<hbm>> -> memref<2600000x32xf32, #tpu.memory_space<hbm>>
    tpu.wait_indirect_dma semaphore(%arg8 : memref<!tpu.dma_semaphore, #tpu.memory_space<semaphore_mem>>) src(%dma_wait3A_2266 : memref<2600000x32xf32, #tpu.memory_space<hbm>>) dst(%dma_wait3A_2261 : memref<128x32xf32, #tpu.memory_space<vmem>>)
    %dma_wait3A_2267 = arith.constant 1280 : i32
    %dma_wait3A_2268 = arith.constant 0 : i32
    %dma_wait3A_2269 = tpu.memref_slice %arg7[%dma_wait3A_2267, %dma_wait3A_2268] : memref<3328x32xf32, #tpu.memory_space<vmem>> -> memref<128x32xf32, #tpu.memory_space<vmem>>
    %dma_wait3A_2270 = arith.constant 1280 : i32
    %dma_wait3A_2271 = tpu.memref_slice %arg6[%dma_wait3A_2270] : memref<3328xi32, #tpu.memory_space<vmem>> -> memref<128xi32, #tpu.memory_space<vmem>>
    %dma_wait3A_2272 = arith.constant 0 : i32
    %dma_wait3A_2273 = arith.constant 0 : i32
    %dma_wait3A_2274 = tpu.memref_slice %arg2[%dma_wait3A_2272, %dma_wait3A_2273] : memref<2600000x32xf32, #tpu.memory_space<hbm>> -> memref<2600000x32xf32, #tpu.memory_space<hbm>>
    tpu.wait_indirect_dma semaphore(%arg8 : memref<!tpu.dma_semaphore, #tpu.memory_space<semaphore_mem>>) src(%dma_wait3A_2274 : memref<2600000x32xf32, #tpu.memory_space<hbm>>) dst(%dma_wait3A_2269 : memref<128x32xf32, #tpu.memory_space<vmem>>)
    %dma_wait3A_2275 = arith.constant 1408 : i32
    %dma_wait3A_2276 = arith.constant 0 : i32
    %dma_wait3A_2277 = tpu.memref_slice %arg7[%dma_wait3A_2275, %dma_wait3A_2276] : memref<3328x32xf32, #tpu.memory_space<vmem>> -> memref<128x32xf32, #tpu.memory_space<vmem>>
    %dma_wait3A_2278 = arith.constant 1408 : i32
    %dma_wait3A_2279 = tpu.memref_slice %arg6[%dma_wait3A_2278] : memref<3328xi32, #tpu.memory_space<vmem>> -> memref<128xi32, #tpu.memory_space<vmem>>
    %dma_wait3A_2280 = arith.constant 0 : i32
    %dma_wait3A_2281 = arith.constant 0 : i32
    %dma_wait3A_2282 = tpu.memref_slice %arg2[%dma_wait3A_2280, %dma_wait3A_2281] : memref<2600000x32xf32, #tpu.memory_space<hbm>> -> memref<2600000x32xf32, #tpu.memory_space<hbm>>
    tpu.wait_indirect_dma semaphore(%arg8 : memref<!tpu.dma_semaphore, #tpu.memory_space<semaphore_mem>>) src(%dma_wait3A_2282 : memref<2600000x32xf32, #tpu.memory_space<hbm>>) dst(%dma_wait3A_2277 : memref<128x32xf32, #tpu.memory_space<vmem>>)
    %dma_wait3A_2283 = arith.constant 1536 : i32
    %dma_wait3A_2284 = arith.constant 0 : i32
    %dma_wait3A_2285 = tpu.memref_slice %arg7[%dma_wait3A_2283, %dma_wait3A_2284] : memref<3328x32xf32, #tpu.memory_space<vmem>> -> memref<128x32xf32, #tpu.memory_space<vmem>>
    %dma_wait3A_2286 = arith.constant 1536 : i32
    %dma_wait3A_2287 = tpu.memref_slice %arg6[%dma_wait3A_2286] : memref<3328xi32, #tpu.memory_space<vmem>> -> memref<128xi32, #tpu.memory_space<vmem>>
    %dma_wait3A_2288 = arith.constant 0 : i32
    %dma_wait3A_2289 = arith.constant 0 : i32
    %dma_wait3A_2290 = tpu.memref_slice %arg2[%dma_wait3A_2288, %dma_wait3A_2289] : memref<2600000x32xf32, #tpu.memory_space<hbm>> -> memref<2600000x32xf32, #tpu.memory_space<hbm>>
    tpu.wait_indirect_dma semaphore(%arg8 : memref<!tpu.dma_semaphore, #tpu.memory_space<semaphore_mem>>) src(%dma_wait3A_2290 : memref<2600000x32xf32, #tpu.memory_space<hbm>>) dst(%dma_wait3A_2285 : memref<128x32xf32, #tpu.memory_space<vmem>>)
    %dma_start3A_2291 = arith.constant 1664 : i32
    %dma_start3A_2292 = arith.constant 0 : i32
    %dma_start3A_2293 = tpu.memref_slice %arg7[%dma_start3A_2291, %dma_start3A_2292] : memref<3328x32xf32, #tpu.memory_space<vmem>> -> memref<128x32xf32, #tpu.memory_space<vmem>>
    %dma_start3A_2294 = arith.constant 1664 : i32
    %dma_start3A_2295 = tpu.memref_slice %arg6[%dma_start3A_2294] : memref<3328xi32, #tpu.memory_space<vmem>> -> memref<128xi32, #tpu.memory_space<vmem>>
    %dma_start3A_2296 = arith.constant 0 : i32
    %dma_start3A_2297 = arith.constant 0 : i32
    %dma_start3A_2298 = tpu.memref_slice %arg2[%dma_start3A_2296, %dma_start3A_2297] : memref<2600000x32xf32, #tpu.memory_space<hbm>> -> memref<2600000x32xf32, #tpu.memory_space<hbm>>
    tpu.enqueue_indirect_dma source(%dma_start3A_2298 : memref<2600000x32xf32, #tpu.memory_space<hbm>>) target(%dma_start3A_2293 : memref<128x32xf32, #tpu.memory_space<vmem>>) offsets(%dma_start3A_2295 : memref<128xi32, #tpu.memory_space<vmem>>) semaphore(%arg8 : memref<!tpu.dma_semaphore, #tpu.memory_space<semaphore_mem>>)
    %dma_start3A_2299 = arith.constant 1792 : i32
    %dma_start3A_2300 = arith.constant 0 : i32
    %dma_start3A_2301 = tpu.memref_slice %arg7[%dma_start3A_2299, %dma_start3A_2300] : memref<3328x32xf32, #tpu.memory_space<vmem>> -> memref<128x32xf32, #tpu.memory_space<vmem>>
    %dma_start3A_2302 = arith.constant 1792 : i32
    %dma_start3A_2303 = tpu.memref_slice %arg6[%dma_start3A_2302] : memref<3328xi32, #tpu.memory_space<vmem>> -> memref<128xi32, #tpu.memory_space<vmem>>
    %dma_start3A_2304 = arith.constant 0 : i32
    %dma_start3A_2305 = arith.constant 0 : i32
    %dma_start3A_2306 = tpu.memref_slice %arg2[%dma_start3A_2304, %dma_start3A_2305] : memref<2600000x32xf32, #tpu.memory_space<hbm>> -> memref<2600000x32xf32, #tpu.memory_space<hbm>>
    tpu.enqueue_indirect_dma source(%dma_start3A_2306 : memref<2600000x32xf32, #tpu.memory_space<hbm>>) target(%dma_start3A_2301 : memref<128x32xf32, #tpu.memory_space<vmem>>) offsets(%dma_start3A_2303 : memref<128xi32, #tpu.memory_space<vmem>>) semaphore(%arg8 : memref<!tpu.dma_semaphore, #tpu.memory_space<semaphore_mem>>)
    %dma_start3A_2307 = arith.constant 1920 : i32
    %dma_start3A_2308 = arith.constant 0 : i32
    %dma_start3A_2309 = tpu.memref_slice %arg7[%dma_start3A_2307, %dma_start3A_2308] : memref<3328x32xf32, #tpu.memory_space<vmem>> -> memref<128x32xf32, #tpu.memory_space<vmem>>
    %dma_start3A_2310 = arith.constant 1920 : i32
    %dma_start3A_2311 = tpu.memref_slice %arg6[%dma_start3A_2310] : memref<3328xi32, #tpu.memory_space<vmem>> -> memref<128xi32, #tpu.memory_space<vmem>>
    %dma_start3A_2312 = arith.constant 0 : i32
    %dma_start3A_2313 = arith.constant 0 : i32
    %dma_start3A_2314 = tpu.memref_slice %arg2[%dma_start3A_2312, %dma_start3A_2313] : memref<2600000x32xf32, #tpu.memory_space<hbm>> -> memref<2600000x32xf32, #tpu.memory_space<hbm>>
    tpu.enqueue_indirect_dma source(%dma_start3A_2314 : memref<2600000x32xf32, #tpu.memory_space<hbm>>) target(%dma_start3A_2309 : memref<128x32xf32, #tpu.memory_space<vmem>>) offsets(%dma_start3A_2311 : memref<128xi32, #tpu.memory_space<vmem>>) semaphore(%arg8 : memref<!tpu.dma_semaphore, #tpu.memory_space<semaphore_mem>>)
    %dma_start3A_2315 = arith.constant 2048 : i32
    %dma_start3A_2316 = arith.constant 0 : i32
    %dma_start3A_2317 = tpu.memref_slice %arg7[%dma_start3A_2315, %dma_start3A_2316] : memref<3328x32xf32, #tpu.memory_space<vmem>> -> memref<128x32xf32, #tpu.memory_space<vmem>>
    %dma_start3A_2318 = arith.constant 2048 : i32
    %dma_start3A_2319 = tpu.memref_slice %arg6[%dma_start3A_2318] : memref<3328xi32, #tpu.memory_space<vmem>> -> memref<128xi32, #tpu.memory_space<vmem>>
    %dma_start3A_2320 = arith.constant 0 : i32
    %dma_start3A_2321 = arith.constant 0 : i32
    %dma_start3A_2322 = tpu.memref_slice %arg2[%dma_start3A_2320, %dma_start3A_2321] : memref<2600000x32xf32, #tpu.memory_space<hbm>> -> memref<2600000x32xf32, #tpu.memory_space<hbm>>
    tpu.enqueue_indirect_dma source(%dma_start3A_2322 : memref<2600000x32xf32, #tpu.memory_space<hbm>>) target(%dma_start3A_2317 : memref<128x32xf32, #tpu.memory_space<vmem>>) offsets(%dma_start3A_2319 : memref<128xi32, #tpu.memory_space<vmem>>) semaphore(%arg8 : memref<!tpu.dma_semaphore, #tpu.memory_space<semaphore_mem>>)
    %dma_start3A_2323 = arith.constant 2176 : i32
    %dma_start3A_2324 = arith.constant 0 : i32
    %dma_start3A_2325 = tpu.memref_slice %arg7[%dma_start3A_2323, %dma_start3A_2324] : memref<3328x32xf32, #tpu.memory_space<vmem>> -> memref<128x32xf32, #tpu.memory_space<vmem>>
    %dma_start3A_2326 = arith.constant 2176 : i32
    %dma_start3A_2327 = tpu.memref_slice %arg6[%dma_start3A_2326] : memref<3328xi32, #tpu.memory_space<vmem>> -> memref<128xi32, #tpu.memory_space<vmem>>
    %dma_start3A_2328 = arith.constant 0 : i32
    %dma_start3A_2329 = arith.constant 0 : i32
    %dma_start3A_2330 = tpu.memref_slice %arg2[%dma_start3A_2328, %dma_start3A_2329] : memref<2600000x32xf32, #tpu.memory_space<hbm>> -> memref<2600000x32xf32, #tpu.memory_space<hbm>>
    tpu.enqueue_indirect_dma source(%dma_start3A_2330 : memref<2600000x32xf32, #tpu.memory_space<hbm>>) target(%dma_start3A_2325 : memref<128x32xf32, #tpu.memory_space<vmem>>) offsets(%dma_start3A_2327 : memref<128xi32, #tpu.memory_space<vmem>>) semaphore(%arg8 : memref<!tpu.dma_semaphore, #tpu.memory_space<semaphore_mem>>)
    %dma_start3A_2331 = arith.constant 2304 : i32
    %dma_start3A_2332 = arith.constant 0 : i32
    %dma_start3A_2333 = tpu.memref_slice %arg7[%dma_start3A_2331, %dma_start3A_2332] : memref<3328x32xf32, #tpu.memory_space<vmem>> -> memref<128x32xf32, #tpu.memory_space<vmem>>
    %dma_start3A_2334 = arith.constant 2304 : i32
    %dma_start3A_2335 = tpu.memref_slice %arg6[%dma_start3A_2334] : memref<3328xi32, #tpu.memory_space<vmem>> -> memref<128xi32, #tpu.memory_space<vmem>>
    %dma_start3A_2336 = arith.constant 0 : i32
    %dma_start3A_2337 = arith.constant 0 : i32
    %dma_start3A_2338 = tpu.memref_slice %arg2[%dma_start3A_2336, %dma_start3A_2337] : memref<2600000x32xf32, #tpu.memory_space<hbm>> -> memref<2600000x32xf32, #tpu.memory_space<hbm>>
    tpu.enqueue_indirect_dma source(%dma_start3A_2338 : memref<2600000x32xf32, #tpu.memory_space<hbm>>) target(%dma_start3A_2333 : memref<128x32xf32, #tpu.memory_space<vmem>>) offsets(%dma_start3A_2335 : memref<128xi32, #tpu.memory_space<vmem>>) semaphore(%arg8 : memref<!tpu.dma_semaphore, #tpu.memory_space<semaphore_mem>>)
    %dma_start3A_2339 = arith.constant 2432 : i32
    %dma_start3A_2340 = arith.constant 0 : i32
    %dma_start3A_2341 = tpu.memref_slice %arg7[%dma_start3A_2339, %dma_start3A_2340] : memref<3328x32xf32, #tpu.memory_space<vmem>> -> memref<128x32xf32, #tpu.memory_space<vmem>>
    %dma_start3A_2342 = arith.constant 2432 : i32
    %dma_start3A_2343 = tpu.memref_slice %arg6[%dma_start3A_2342] : memref<3328xi32, #tpu.memory_space<vmem>> -> memref<128xi32, #tpu.memory_space<vmem>>
    %dma_start3A_2344 = arith.constant 0 : i32
    %dma_start3A_2345 = arith.constant 0 : i32
    %dma_start3A_2346 = tpu.memref_slice %arg2[%dma_start3A_2344, %dma_start3A_2345] : memref<2600000x32xf32, #tpu.memory_space<hbm>> -> memref<2600000x32xf32, #tpu.memory_space<hbm>>
    tpu.enqueue_indirect_dma source(%dma_start3A_2346 : memref<2600000x32xf32, #tpu.memory_space<hbm>>) target(%dma_start3A_2341 : memref<128x32xf32, #tpu.memory_space<vmem>>) offsets(%dma_start3A_2343 : memref<128xi32, #tpu.memory_space<vmem>>) semaphore(%arg8 : memref<!tpu.dma_semaphore, #tpu.memory_space<semaphore_mem>>)
    %dma_start3A_2347 = arith.constant 2560 : i32
    %dma_start3A_2348 = arith.constant 0 : i32
    %dma_start3A_2349 = tpu.memref_slice %arg7[%dma_start3A_2347, %dma_start3A_2348] : memref<3328x32xf32, #tpu.memory_space<vmem>> -> memref<128x32xf32, #tpu.memory_space<vmem>>
    %dma_start3A_2350 = arith.constant 2560 : i32
    %dma_start3A_2351 = tpu.memref_slice %arg6[%dma_start3A_2350] : memref<3328xi32, #tpu.memory_space<vmem>> -> memref<128xi32, #tpu.memory_space<vmem>>
    %dma_start3A_2352 = arith.constant 0 : i32
    %dma_start3A_2353 = arith.constant 0 : i32
    %dma_start3A_2354 = tpu.memref_slice %arg2[%dma_start3A_2352, %dma_start3A_2353] : memref<2600000x32xf32, #tpu.memory_space<hbm>> -> memref<2600000x32xf32, #tpu.memory_space<hbm>>
    tpu.enqueue_indirect_dma source(%dma_start3A_2354 : memref<2600000x32xf32, #tpu.memory_space<hbm>>) target(%dma_start3A_2349 : memref<128x32xf32, #tpu.memory_space<vmem>>) offsets(%dma_start3A_2351 : memref<128xi32, #tpu.memory_space<vmem>>) semaphore(%arg8 : memref<!tpu.dma_semaphore, #tpu.memory_space<semaphore_mem>>)
    %dma_start3A_2355 = arith.constant 2688 : i32
    %dma_start3A_2356 = arith.constant 0 : i32
    %dma_start3A_2357 = tpu.memref_slice %arg7[%dma_start3A_2355, %dma_start3A_2356] : memref<3328x32xf32, #tpu.memory_space<vmem>> -> memref<128x32xf32, #tpu.memory_space<vmem>>
    %dma_start3A_2358 = arith.constant 2688 : i32
    %dma_start3A_2359 = tpu.memref_slice %arg6[%dma_start3A_2358] : memref<3328xi32, #tpu.memory_space<vmem>> -> memref<128xi32, #tpu.memory_space<vmem>>
    %dma_start3A_2360 = arith.constant 0 : i32
    %dma_start3A_2361 = arith.constant 0 : i32
    %dma_start3A_2362 = tpu.memref_slice %arg2[%dma_start3A_2360, %dma_start3A_2361] : memref<2600000x32xf32, #tpu.memory_space<hbm>> -> memref<2600000x32xf32, #tpu.memory_space<hbm>>
    tpu.enqueue_indirect_dma source(%dma_start3A_2362 : memref<2600000x32xf32, #tpu.memory_space<hbm>>) target(%dma_start3A_2357 : memref<128x32xf32, #tpu.memory_space<vmem>>) offsets(%dma_start3A_2359 : memref<128xi32, #tpu.memory_space<vmem>>) semaphore(%arg8 : memref<!tpu.dma_semaphore, #tpu.memory_space<semaphore_mem>>)
    %dma_start3A_2363 = arith.constant 2816 : i32
    %dma_start3A_2364 = arith.constant 0 : i32
    %dma_start3A_2365 = tpu.memref_slice %arg7[%dma_start3A_2363, %dma_start3A_2364] : memref<3328x32xf32, #tpu.memory_space<vmem>> -> memref<128x32xf32, #tpu.memory_space<vmem>>
    %dma_start3A_2366 = arith.constant 2816 : i32
    %dma_start3A_2367 = tpu.memref_slice %arg6[%dma_start3A_2366] : memref<3328xi32, #tpu.memory_space<vmem>> -> memref<128xi32, #tpu.memory_space<vmem>>
    %dma_start3A_2368 = arith.constant 0 : i32
    %dma_start3A_2369 = arith.constant 0 : i32
    %dma_start3A_2370 = tpu.memref_slice %arg2[%dma_start3A_2368, %dma_start3A_2369] : memref<2600000x32xf32, #tpu.memory_space<hbm>> -> memref<2600000x32xf32, #tpu.memory_space<hbm>>
    tpu.enqueue_indirect_dma source(%dma_start3A_2370 : memref<2600000x32xf32, #tpu.memory_space<hbm>>) target(%dma_start3A_2365 : memref<128x32xf32, #tpu.memory_space<vmem>>) offsets(%dma_start3A_2367 : memref<128xi32, #tpu.memory_space<vmem>>) semaphore(%arg8 : memref<!tpu.dma_semaphore, #tpu.memory_space<semaphore_mem>>)
    %dma_start3A_2371 = arith.constant 2944 : i32
    %dma_start3A_2372 = arith.constant 0 : i32
    %dma_start3A_2373 = tpu.memref_slice %arg7[%dma_start3A_2371, %dma_start3A_2372] : memref<3328x32xf32, #tpu.memory_space<vmem>> -> memref<128x32xf32, #tpu.memory_space<vmem>>
    %dma_start3A_2374 = arith.constant 2944 : i32
    %dma_start3A_2375 = tpu.memref_slice %arg6[%dma_start3A_2374] : memref<3328xi32, #tpu.memory_space<vmem>> -> memref<128xi32, #tpu.memory_space<vmem>>
    %dma_start3A_2376 = arith.constant 0 : i32
    %dma_start3A_2377 = arith.constant 0 : i32
    %dma_start3A_2378 = tpu.memref_slice %arg2[%dma_start3A_2376, %dma_start3A_2377] : memref<2600000x32xf32, #tpu.memory_space<hbm>> -> memref<2600000x32xf32, #tpu.memory_space<hbm>>
    tpu.enqueue_indirect_dma source(%dma_start3A_2378 : memref<2600000x32xf32, #tpu.memory_space<hbm>>) target(%dma_start3A_2373 : memref<128x32xf32, #tpu.memory_space<vmem>>) offsets(%dma_start3A_2375 : memref<128xi32, #tpu.memory_space<vmem>>) semaphore(%arg8 : memref<!tpu.dma_semaphore, #tpu.memory_space<semaphore_mem>>)
    %dma_start3A_2379 = arith.constant 3072 : i32
    %dma_start3A_2380 = arith.constant 0 : i32
    %dma_start3A_2381 = tpu.memref_slice %arg7[%dma_start3A_2379, %dma_start3A_2380] : memref<3328x32xf32, #tpu.memory_space<vmem>> -> memref<128x32xf32, #tpu.memory_space<vmem>>
    %dma_start3A_2382 = arith.constant 3072 : i32
    %dma_start3A_2383 = tpu.memref_slice %arg6[%dma_start3A_2382] : memref<3328xi32, #tpu.memory_space<vmem>> -> memref<128xi32, #tpu.memory_space<vmem>>
    %dma_start3A_2384 = arith.constant 0 : i32
    %dma_start3A_2385 = arith.constant 0 : i32
    %dma_start3A_2386 = tpu.memref_slice %arg2[%dma_start3A_2384, %dma_start3A_2385] : memref<2600000x32xf32, #tpu.memory_space<hbm>> -> memref<2600000x32xf32, #tpu.memory_space<hbm>>
    tpu.enqueue_indirect_dma source(%dma_start3A_2386 : memref<2600000x32xf32, #tpu.memory_space<hbm>>) target(%dma_start3A_2381 : memref<128x32xf32, #tpu.memory_space<vmem>>) offsets(%dma_start3A_2383 : memref<128xi32, #tpu.memory_space<vmem>>) semaphore(%arg8 : memref<!tpu.dma_semaphore, #tpu.memory_space<semaphore_mem>>)
    %dma_start3A_2387 = arith.constant 3200 : i32
    %dma_start3A_2388 = arith.constant 0 : i32
    %dma_start3A_2389 = tpu.memref_slice %arg7[%dma_start3A_2387, %dma_start3A_2388] : memref<3328x32xf32, #tpu.memory_space<vmem>> -> memref<128x32xf32, #tpu.memory_space<vmem>>
    %dma_start3A_2390 = arith.constant 3200 : i32
    %dma_start3A_2391 = tpu.memref_slice %arg6[%dma_start3A_2390] : memref<3328xi32, #tpu.memory_space<vmem>> -> memref<128xi32, #tpu.memory_space<vmem>>
    %dma_start3A_2392 = arith.constant 0 : i32
    %dma_start3A_2393 = arith.constant 0 : i32
    %dma_start3A_2394 = tpu.memref_slice %arg2[%dma_start3A_2392, %dma_start3A_2393] : memref<2600000x32xf32, #tpu.memory_space<hbm>> -> memref<2600000x32xf32, #tpu.memory_space<hbm>>
    tpu.enqueue_indirect_dma source(%dma_start3A_2394 : memref<2600000x32xf32, #tpu.memory_space<hbm>>) target(%dma_start3A_2389 : memref<128x32xf32, #tpu.memory_space<vmem>>) offsets(%dma_start3A_2391 : memref<128xi32, #tpu.memory_space<vmem>>) semaphore(%arg8 : memref<!tpu.dma_semaphore, #tpu.memory_space<semaphore_mem>>)
    %dma_wait3A_2395 = arith.constant 1664 : i32
    %dma_wait3A_2396 = arith.constant 0 : i32
    %dma_wait3A_2397 = tpu.memref_slice %arg7[%dma_wait3A_2395, %dma_wait3A_2396] : memref<3328x32xf32, #tpu.memory_space<vmem>> -> memref<128x32xf32, #tpu.memory_space<vmem>>
    %dma_wait3A_2398 = arith.constant 1664 : i32
    %dma_wait3A_2399 = tpu.memref_slice %arg6[%dma_wait3A_2398] : memref<3328xi32, #tpu.memory_space<vmem>> -> memref<128xi32, #tpu.memory_space<vmem>>
    %dma_wait3A_2400 = arith.constant 0 : i32
    %dma_wait3A_2401 = arith.constant 0 : i32
    %dma_wait3A_2402 = tpu.memref_slice %arg2[%dma_wait3A_2400, %dma_wait3A_2401] : memref<2600000x32xf32, #tpu.memory_space<hbm>> -> memref<2600000x32xf32, #tpu.memory_space<hbm>>
    tpu.wait_indirect_dma semaphore(%arg8 : memref<!tpu.dma_semaphore, #tpu.memory_space<semaphore_mem>>) src(%dma_wait3A_2402 : memref<2600000x32xf32, #tpu.memory_space<hbm>>) dst(%dma_wait3A_2397 : memref<128x32xf32, #tpu.memory_space<vmem>>)
    %dma_wait3A_2403 = arith.constant 1792 : i32
    %dma_wait3A_2404 = arith.constant 0 : i32
    %dma_wait3A_2405 = tpu.memref_slice %arg7[%dma_wait3A_2403, %dma_wait3A_2404] : memref<3328x32xf32, #tpu.memory_space<vmem>> -> memref<128x32xf32, #tpu.memory_space<vmem>>
    %dma_wait3A_2406 = arith.constant 1792 : i32
    %dma_wait3A_2407 = tpu.memref_slice %arg6[%dma_wait3A_2406] : memref<3328xi32, #tpu.memory_space<vmem>> -> memref<128xi32, #tpu.memory_space<vmem>>
    %dma_wait3A_2408 = arith.constant 0 : i32
    %dma_wait3A_2409 = arith.constant 0 : i32
    %dma_wait3A_2410 = tpu.memref_slice %arg2[%dma_wait3A_2408, %dma_wait3A_2409] : memref<2600000x32xf32, #tpu.memory_space<hbm>> -> memref<2600000x32xf32, #tpu.memory_space<hbm>>
    tpu.wait_indirect_dma semaphore(%arg8 : memref<!tpu.dma_semaphore, #tpu.memory_space<semaphore_mem>>) src(%dma_wait3A_2410 : memref<2600000x32xf32, #tpu.memory_space<hbm>>) dst(%dma_wait3A_2405 : memref<128x32xf32, #tpu.memory_space<vmem>>)
    %dma_wait3A_2411 = arith.constant 1920 : i32
    %dma_wait3A_2412 = arith.constant 0 : i32
    %dma_wait3A_2413 = tpu.memref_slice %arg7[%dma_wait3A_2411, %dma_wait3A_2412] : memref<3328x32xf32, #tpu.memory_space<vmem>> -> memref<128x32xf32, #tpu.memory_space<vmem>>
    %dma_wait3A_2414 = arith.constant 1920 : i32
    %dma_wait3A_2415 = tpu.memref_slice %arg6[%dma_wait3A_2414] : memref<3328xi32, #tpu.memory_space<vmem>> -> memref<128xi32, #tpu.memory_space<vmem>>
    %dma_wait3A_2416 = arith.constant 0 : i32
    %dma_wait3A_2417 = arith.constant 0 : i32
    %dma_wait3A_2418 = tpu.memref_slice %arg2[%dma_wait3A_2416, %dma_wait3A_2417] : memref<2600000x32xf32, #tpu.memory_space<hbm>> -> memref<2600000x32xf32, #tpu.memory_space<hbm>>
    tpu.wait_indirect_dma semaphore(%arg8 : memref<!tpu.dma_semaphore, #tpu.memory_space<semaphore_mem>>) src(%dma_wait3A_2418 : memref<2600000x32xf32, #tpu.memory_space<hbm>>) dst(%dma_wait3A_2413 : memref<128x32xf32, #tpu.memory_space<vmem>>)
    %dma_wait3A_2419 = arith.constant 2048 : i32
    %dma_wait3A_2420 = arith.constant 0 : i32
    %dma_wait3A_2421 = tpu.memref_slice %arg7[%dma_wait3A_2419, %dma_wait3A_2420] : memref<3328x32xf32, #tpu.memory_space<vmem>> -> memref<128x32xf32, #tpu.memory_space<vmem>>
    %dma_wait3A_2422 = arith.constant 2048 : i32
    %dma_wait3A_2423 = tpu.memref_slice %arg6[%dma_wait3A_2422] : memref<3328xi32, #tpu.memory_space<vmem>> -> memref<128xi32, #tpu.memory_space<vmem>>
    %dma_wait3A_2424 = arith.constant 0 : i32
    %dma_wait3A_2425 = arith.constant 0 : i32
    %dma_wait3A_2426 = tpu.memref_slice %arg2[%dma_wait3A_2424, %dma_wait3A_2425] : memref<2600000x32xf32, #tpu.memory_space<hbm>> -> memref<2600000x32xf32, #tpu.memory_space<hbm>>
    tpu.wait_indirect_dma semaphore(%arg8 : memref<!tpu.dma_semaphore, #tpu.memory_space<semaphore_mem>>) src(%dma_wait3A_2426 : memref<2600000x32xf32, #tpu.memory_space<hbm>>) dst(%dma_wait3A_2421 : memref<128x32xf32, #tpu.memory_space<vmem>>)
    %dma_wait3A_2427 = arith.constant 2176 : i32
    %dma_wait3A_2428 = arith.constant 0 : i32
    %dma_wait3A_2429 = tpu.memref_slice %arg7[%dma_wait3A_2427, %dma_wait3A_2428] : memref<3328x32xf32, #tpu.memory_space<vmem>> -> memref<128x32xf32, #tpu.memory_space<vmem>>
    %dma_wait3A_2430 = arith.constant 2176 : i32
    %dma_wait3A_2431 = tpu.memref_slice %arg6[%dma_wait3A_2430] : memref<3328xi32, #tpu.memory_space<vmem>> -> memref<128xi32, #tpu.memory_space<vmem>>
    %dma_wait3A_2432 = arith.constant 0 : i32
    %dma_wait3A_2433 = arith.constant 0 : i32
    %dma_wait3A_2434 = tpu.memref_slice %arg2[%dma_wait3A_2432, %dma_wait3A_2433] : memref<2600000x32xf32, #tpu.memory_space<hbm>> -> memref<2600000x32xf32, #tpu.memory_space<hbm>>
    tpu.wait_indirect_dma semaphore(%arg8 : memref<!tpu.dma_semaphore, #tpu.memory_space<semaphore_mem>>) src(%dma_wait3A_2434 : memref<2600000x32xf32, #tpu.memory_space<hbm>>) dst(%dma_wait3A_2429 : memref<128x32xf32, #tpu.memory_space<vmem>>)
    %dma_wait3A_2435 = arith.constant 2304 : i32
    %dma_wait3A_2436 = arith.constant 0 : i32
    %dma_wait3A_2437 = tpu.memref_slice %arg7[%dma_wait3A_2435, %dma_wait3A_2436] : memref<3328x32xf32, #tpu.memory_space<vmem>> -> memref<128x32xf32, #tpu.memory_space<vmem>>
    %dma_wait3A_2438 = arith.constant 2304 : i32
    %dma_wait3A_2439 = tpu.memref_slice %arg6[%dma_wait3A_2438] : memref<3328xi32, #tpu.memory_space<vmem>> -> memref<128xi32, #tpu.memory_space<vmem>>
    %dma_wait3A_2440 = arith.constant 0 : i32
    %dma_wait3A_2441 = arith.constant 0 : i32
    %dma_wait3A_2442 = tpu.memref_slice %arg2[%dma_wait3A_2440, %dma_wait3A_2441] : memref<2600000x32xf32, #tpu.memory_space<hbm>> -> memref<2600000x32xf32, #tpu.memory_space<hbm>>
    tpu.wait_indirect_dma semaphore(%arg8 : memref<!tpu.dma_semaphore, #tpu.memory_space<semaphore_mem>>) src(%dma_wait3A_2442 : memref<2600000x32xf32, #tpu.memory_space<hbm>>) dst(%dma_wait3A_2437 : memref<128x32xf32, #tpu.memory_space<vmem>>)
    %dma_wait3A_2443 = arith.constant 2432 : i32
    %dma_wait3A_2444 = arith.constant 0 : i32
    %dma_wait3A_2445 = tpu.memref_slice %arg7[%dma_wait3A_2443, %dma_wait3A_2444] : memref<3328x32xf32, #tpu.memory_space<vmem>> -> memref<128x32xf32, #tpu.memory_space<vmem>>
    %dma_wait3A_2446 = arith.constant 2432 : i32
    %dma_wait3A_2447 = tpu.memref_slice %arg6[%dma_wait3A_2446] : memref<3328xi32, #tpu.memory_space<vmem>> -> memref<128xi32, #tpu.memory_space<vmem>>
    %dma_wait3A_2448 = arith.constant 0 : i32
    %dma_wait3A_2449 = arith.constant 0 : i32
    %dma_wait3A_2450 = tpu.memref_slice %arg2[%dma_wait3A_2448, %dma_wait3A_2449] : memref<2600000x32xf32, #tpu.memory_space<hbm>> -> memref<2600000x32xf32, #tpu.memory_space<hbm>>
    tpu.wait_indirect_dma semaphore(%arg8 : memref<!tpu.dma_semaphore, #tpu.memory_space<semaphore_mem>>) src(%dma_wait3A_2450 : memref<2600000x32xf32, #tpu.memory_space<hbm>>) dst(%dma_wait3A_2445 : memref<128x32xf32, #tpu.memory_space<vmem>>)
    %dma_wait3A_2451 = arith.constant 2560 : i32
    %dma_wait3A_2452 = arith.constant 0 : i32
    %dma_wait3A_2453 = tpu.memref_slice %arg7[%dma_wait3A_2451, %dma_wait3A_2452] : memref<3328x32xf32, #tpu.memory_space<vmem>> -> memref<128x32xf32, #tpu.memory_space<vmem>>
    %dma_wait3A_2454 = arith.constant 2560 : i32
    %dma_wait3A_2455 = tpu.memref_slice %arg6[%dma_wait3A_2454] : memref<3328xi32, #tpu.memory_space<vmem>> -> memref<128xi32, #tpu.memory_space<vmem>>
    %dma_wait3A_2456 = arith.constant 0 : i32
    %dma_wait3A_2457 = arith.constant 0 : i32
    %dma_wait3A_2458 = tpu.memref_slice %arg2[%dma_wait3A_2456, %dma_wait3A_2457] : memref<2600000x32xf32, #tpu.memory_space<hbm>> -> memref<2600000x32xf32, #tpu.memory_space<hbm>>
    tpu.wait_indirect_dma semaphore(%arg8 : memref<!tpu.dma_semaphore, #tpu.memory_space<semaphore_mem>>) src(%dma_wait3A_2458 : memref<2600000x32xf32, #tpu.memory_space<hbm>>) dst(%dma_wait3A_2453 : memref<128x32xf32, #tpu.memory_space<vmem>>)
    %dma_wait3A_2459 = arith.constant 2688 : i32
    %dma_wait3A_2460 = arith.constant 0 : i32
    %dma_wait3A_2461 = tpu.memref_slice %arg7[%dma_wait3A_2459, %dma_wait3A_2460] : memref<3328x32xf32, #tpu.memory_space<vmem>> -> memref<128x32xf32, #tpu.memory_space<vmem>>
    %dma_wait3A_2462 = arith.constant 2688 : i32
    %dma_wait3A_2463 = tpu.memref_slice %arg6[%dma_wait3A_2462] : memref<3328xi32, #tpu.memory_space<vmem>> -> memref<128xi32, #tpu.memory_space<vmem>>
    %dma_wait3A_2464 = arith.constant 0 : i32
    %dma_wait3A_2465 = arith.constant 0 : i32
    %dma_wait3A_2466 = tpu.memref_slice %arg2[%dma_wait3A_2464, %dma_wait3A_2465] : memref<2600000x32xf32, #tpu.memory_space<hbm>> -> memref<2600000x32xf32, #tpu.memory_space<hbm>>
    tpu.wait_indirect_dma semaphore(%arg8 : memref<!tpu.dma_semaphore, #tpu.memory_space<semaphore_mem>>) src(%dma_wait3A_2466 : memref<2600000x32xf32, #tpu.memory_space<hbm>>) dst(%dma_wait3A_2461 : memref<128x32xf32, #tpu.memory_space<vmem>>)
    %dma_wait3A_2467 = arith.constant 2816 : i32
    %dma_wait3A_2468 = arith.constant 0 : i32
    %dma_wait3A_2469 = tpu.memref_slice %arg7[%dma_wait3A_2467, %dma_wait3A_2468] : memref<3328x32xf32, #tpu.memory_space<vmem>> -> memref<128x32xf32, #tpu.memory_space<vmem>>
    %dma_wait3A_2470 = arith.constant 2816 : i32
    %dma_wait3A_2471 = tpu.memref_slice %arg6[%dma_wait3A_2470] : memref<3328xi32, #tpu.memory_space<vmem>> -> memref<128xi32, #tpu.memory_space<vmem>>
    %dma_wait3A_2472 = arith.constant 0 : i32
    %dma_wait3A_2473 = arith.constant 0 : i32
    %dma_wait3A_2474 = tpu.memref_slice %arg2[%dma_wait3A_2472, %dma_wait3A_2473] : memref<2600000x32xf32, #tpu.memory_space<hbm>> -> memref<2600000x32xf32, #tpu.memory_space<hbm>>
    tpu.wait_indirect_dma semaphore(%arg8 : memref<!tpu.dma_semaphore, #tpu.memory_space<semaphore_mem>>) src(%dma_wait3A_2474 : memref<2600000x32xf32, #tpu.memory_space<hbm>>) dst(%dma_wait3A_2469 : memref<128x32xf32, #tpu.memory_space<vmem>>)
    %dma_wait3A_2475 = arith.constant 2944 : i32
    %dma_wait3A_2476 = arith.constant 0 : i32
    %dma_wait3A_2477 = tpu.memref_slice %arg7[%dma_wait3A_2475, %dma_wait3A_2476] : memref<3328x32xf32, #tpu.memory_space<vmem>> -> memref<128x32xf32, #tpu.memory_space<vmem>>
    %dma_wait3A_2478 = arith.constant 2944 : i32
    %dma_wait3A_2479 = tpu.memref_slice %arg6[%dma_wait3A_2478] : memref<3328xi32, #tpu.memory_space<vmem>> -> memref<128xi32, #tpu.memory_space<vmem>>
    %dma_wait3A_2480 = arith.constant 0 : i32
    %dma_wait3A_2481 = arith.constant 0 : i32
    %dma_wait3A_2482 = tpu.memref_slice %arg2[%dma_wait3A_2480, %dma_wait3A_2481] : memref<2600000x32xf32, #tpu.memory_space<hbm>> -> memref<2600000x32xf32, #tpu.memory_space<hbm>>
    tpu.wait_indirect_dma semaphore(%arg8 : memref<!tpu.dma_semaphore, #tpu.memory_space<semaphore_mem>>) src(%dma_wait3A_2482 : memref<2600000x32xf32, #tpu.memory_space<hbm>>) dst(%dma_wait3A_2477 : memref<128x32xf32, #tpu.memory_space<vmem>>)
    %dma_wait3A_2483 = arith.constant 3072 : i32
    %dma_wait3A_2484 = arith.constant 0 : i32
    %dma_wait3A_2485 = tpu.memref_slice %arg7[%dma_wait3A_2483, %dma_wait3A_2484] : memref<3328x32xf32, #tpu.memory_space<vmem>> -> memref<128x32xf32, #tpu.memory_space<vmem>>
    %dma_wait3A_2486 = arith.constant 3072 : i32
    %dma_wait3A_2487 = tpu.memref_slice %arg6[%dma_wait3A_2486] : memref<3328xi32, #tpu.memory_space<vmem>> -> memref<128xi32, #tpu.memory_space<vmem>>
    %dma_wait3A_2488 = arith.constant 0 : i32
    %dma_wait3A_2489 = arith.constant 0 : i32
    %dma_wait3A_2490 = tpu.memref_slice %arg2[%dma_wait3A_2488, %dma_wait3A_2489] : memref<2600000x32xf32, #tpu.memory_space<hbm>> -> memref<2600000x32xf32, #tpu.memory_space<hbm>>
    tpu.wait_indirect_dma semaphore(%arg8 : memref<!tpu.dma_semaphore, #tpu.memory_space<semaphore_mem>>) src(%dma_wait3A_2490 : memref<2600000x32xf32, #tpu.memory_space<hbm>>) dst(%dma_wait3A_2485 : memref<128x32xf32, #tpu.memory_space<vmem>>)
    %dma_wait3A_2491 = arith.constant 3200 : i32
    %dma_wait3A_2492 = arith.constant 0 : i32
    %dma_wait3A_2493 = tpu.memref_slice %arg7[%dma_wait3A_2491, %dma_wait3A_2492] : memref<3328x32xf32, #tpu.memory_space<vmem>> -> memref<128x32xf32, #tpu.memory_space<vmem>>
    %dma_wait3A_2494 = arith.constant 3200 : i32
    %dma_wait3A_2495 = tpu.memref_slice %arg6[%dma_wait3A_2494] : memref<3328xi32, #tpu.memory_space<vmem>> -> memref<128xi32, #tpu.memory_space<vmem>>
    %dma_wait3A_2496 = arith.constant 0 : i32
    %dma_wait3A_2497 = arith.constant 0 : i32
    %dma_wait3A_2498 = tpu.memref_slice %arg2[%dma_wait3A_2496, %dma_wait3A_2497] : memref<2600000x32xf32, #tpu.memory_space<hbm>> -> memref<2600000x32xf32, #tpu.memory_space<hbm>>
    tpu.wait_indirect_dma semaphore(%arg8 : memref<!tpu.dma_semaphore, #tpu.memory_space<semaphore_mem>>) src(%dma_wait3A_2498 : memref<2600000x32xf32, #tpu.memory_space<hbm>>) dst(%dma_wait3A_2493 : memref<128x32xf32, #tpu.memory_space<vmem>>)
    %mul3A_2499 = arith.constant 3328 : i32
    %mul3A_2500 = arith.muli %add3A, %mul3A_2499 : i32
    "tpu.region"() ({
      %run_scoped3A = tpu.sem_alloc : memref<!tpu.dma_semaphore, #tpu.memory_space<semaphore_mem>>
      %dma_start3A_2501 = arith.constant 0 : i32
      %dma_start3A_2502 = tpu.memref_slice %arg4[%mul3A_2500, %dma_start3A_2501] : memref<106496x32xf32, #tpu.memory_space<hbm>> -> memref<3328x32xf32, #tpu.memory_space<hbm>>
      %dma_start3A_2503 = arith.constant 0 : i32
      %dma_start3A_2504 = tpu.memref_slice %arg4[%mul3A_2500, %dma_start3A_2503] : memref<106496x32xf32, #tpu.memory_space<hbm>> -> memref<3328x32xf32, #tpu.memory_space<hbm>>
      tpu.enqueue_dma source(%arg7 : memref<3328x32xf32, #tpu.memory_space<vmem>>) target(%dma_start3A_2504 : memref<3328x32xf32, #tpu.memory_space<hbm>>) target_semaphore(%run_scoped3A : memref<!tpu.dma_semaphore, #tpu.memory_space<semaphore_mem>>)
      %dma_wait3A_2505 = arith.constant 0 : i32
      %dma_wait3A_2506 = tpu.memref_slice %arg4[%mul3A_2500, %dma_wait3A_2505] : memref<106496x32xf32, #tpu.memory_space<hbm>> -> memref<3328x32xf32, #tpu.memory_space<hbm>>
      %dma_wait3A_2507 = arith.constant 0 : i32
      %dma_wait3A_2508 = tpu.memref_slice %arg4[%mul3A_2500, %dma_wait3A_2507] : memref<106496x32xf32, #tpu.memory_space<hbm>> -> memref<3328x32xf32, #tpu.memory_space<hbm>>
      tpu.wait_dma2 semaphore(%run_scoped3A : memref<!tpu.dma_semaphore, #tpu.memory_space<semaphore_mem>>) src(%arg7 : memref<3328x32xf32, #tpu.memory_space<vmem>>) dst(%dma_wait3A_2508 : memref<3328x32xf32, #tpu.memory_space<hbm>>)
      tpu.yield
    }) : () -> ()
    return
  }
}

module attributes {stable_mosaic.version = 14 : i64} {
  func.func @_tc_body(%arg0: i32, %arg1: memref<512x13xf32, #tpu.memory_space<vmem>>, %arg2: memref<512x832xbf16, #tpu.memory_space<vmem>>, %arg3: memref<13x256xf32, #tpu.memory_space<vmem>>, %arg4: memref<1x256xf32, #tpu.memory_space<vmem>>, %arg5: memref<256x64xbf16, #tpu.memory_space<vmem>>, %arg6: memref<1x64xf32, #tpu.memory_space<vmem>>, %arg7: memref<64x32xbf16, #tpu.memory_space<vmem>>, %arg8: memref<1x32xf32, #tpu.memory_space<vmem>>, %arg9: memref<864x27xbf16, #tpu.memory_space<vmem>>, %arg10: memref<734x512xbf16, #tpu.memory_space<vmem>>, %arg11: memref<1x512xf32, #tpu.memory_space<vmem>>, %arg12: memref<512x256xbf16, #tpu.memory_space<vmem>>, %arg13: memref<1x256xf32, #tpu.memory_space<vmem>>, %arg14: memref<256x1xbf16, #tpu.memory_space<vmem>>, %arg15: memref<1x1xf32, #tpu.memory_space<vmem>>, %arg16: memref<512x1xf32, #tpu.memory_space<vmem>>) attributes {dimension_semantics = [#tpu.dimension_semantics<arbitrary>], iteration_bounds = array<i64: 8>, scalar_prefetch = 0 : i64, scratch_operands = 0 : i64, tpu.core_type = #tpu.core_type<tc>, window_params = [{transform_indices = @transform_0, window_bounds = array<i64: 512, 13>}, {transform_indices = @transform_1, window_bounds = array<i64: 512, 832>}, {pipeline_mode = #tpu.pipeline_mode<synchronous>, transform_indices = @transform_2, window_bounds = array<i64: 13, 256>}, {pipeline_mode = #tpu.pipeline_mode<synchronous>, transform_indices = @transform_3, window_bounds = array<i64: 1, 256>}, {pipeline_mode = #tpu.pipeline_mode<synchronous>, transform_indices = @transform_4, window_bounds = array<i64: 256, 64>}, {pipeline_mode = #tpu.pipeline_mode<synchronous>, transform_indices = @transform_5, window_bounds = array<i64: 1, 64>}, {pipeline_mode = #tpu.pipeline_mode<synchronous>, transform_indices = @transform_6, window_bounds = array<i64: 64, 32>}, {pipeline_mode = #tpu.pipeline_mode<synchronous>, transform_indices = @transform_7, window_bounds = array<i64: 1, 32>}, {pipeline_mode = #tpu.pipeline_mode<synchronous>, transform_indices = @transform_8, window_bounds = array<i64: 864, 27>}, {pipeline_mode = #tpu.pipeline_mode<synchronous>, transform_indices = @transform_9, window_bounds = array<i64: 734, 512>}, {pipeline_mode = #tpu.pipeline_mode<synchronous>, transform_indices = @transform_10, window_bounds = array<i64: 1, 512>}, {pipeline_mode = #tpu.pipeline_mode<synchronous>, transform_indices = @transform_11, window_bounds = array<i64: 512, 256>}, {pipeline_mode = #tpu.pipeline_mode<synchronous>, transform_indices = @transform_12, window_bounds = array<i64: 1, 256>}, {pipeline_mode = #tpu.pipeline_mode<synchronous>, transform_indices = @transform_13, window_bounds = array<i64: 256, 1>}, {pipeline_mode = #tpu.pipeline_mode<synchronous>, transform_indices = @transform_14, window_bounds = array<i64: 1, 1>}, {transform_indices = @transform_15, window_bounds = array<i64: 512, 1>}]} {
    %get3A = arith.constant 0 : index
    %get3A_0 = arith.constant 0 : index
    %get3A_1 = vector.load %arg1[%get3A, %get3A_0] : memref<512x13xf32, #tpu.memory_space<vmem>>, vector<512x13xf32>
    %get3A_2 = arith.constant 0 : index
    %get3A_3 = arith.constant 0 : index
    %get3A_4 = vector.load %arg3[%get3A_2, %get3A_3] : memref<13x256xf32, #tpu.memory_space<vmem>>, vector<13x256xf32>
    %dot_general3A = arith.constant dense<0.000000e+00> : vector<512x256xf32>
    %dot_general3A_5 = tpu.matmul %get3A_1, %get3A_4, %dot_general3A {dimension_numbers = #tpu.dot_dimension_numbers<[1], [0], [0], [1], [0, 0, 1, 1], [], []>, transpose_lhs_hint = false} : vector<512x13xf32>, vector<13x256xf32>, vector<512x256xf32> -> vector<512x256xf32>
    %get3A_6 = arith.constant 0 : index
    %get3A_7 = arith.constant 0 : index
    %get3A_8 = vector.load %arg4[%get3A_6, %get3A_7] : memref<1x256xf32, #tpu.memory_space<vmem>>, vector<1x256xf32>
    %add3A = vector.broadcast %get3A_8 : vector<1x256xf32> to vector<512x256xf32>
    %add3A_9 = arith.addf %dot_general3A_5, %add3A : vector<512x256xf32>
    %max3A = arith.constant 0.000000e+00 : f32
    %max3A_10 = vector.broadcast %max3A : f32 to vector<512x256xf32>
    %max3A_11 = arith.maximumf %add3A_9, %max3A_10 : vector<512x256xf32>
    %convert_element_type3A = arith.truncf %max3A_11 : vector<512x256xf32> to vector<512x256xbf16>
    %get3A_12 = arith.constant 0 : index
    %get3A_13 = arith.constant 0 : index
    %get3A_14 = vector.load %arg5[%get3A_12, %get3A_13] : memref<256x64xbf16, #tpu.memory_space<vmem>>, vector<256x64xbf16>
    %dot_general3A_15 = arith.constant dense<0.000000e+00> : vector<512x64xf32>
    %dot_general3A_16 = tpu.matmul %convert_element_type3A, %get3A_14, %dot_general3A_15 {dimension_numbers = #tpu.dot_dimension_numbers<[1], [0], [0], [1], [0, 0, 1, 1], [], []>, transpose_lhs_hint = false} : vector<512x256xbf16>, vector<256x64xbf16>, vector<512x64xf32> -> vector<512x64xf32>
    %get3A_17 = arith.constant 0 : index
    %get3A_18 = arith.constant 0 : index
    %get3A_19 = vector.load %arg6[%get3A_17, %get3A_18] : memref<1x64xf32, #tpu.memory_space<vmem>>, vector<1x64xf32>
    %add3A_20 = vector.broadcast %get3A_19 : vector<1x64xf32> to vector<512x64xf32>
    %add3A_21 = arith.addf %dot_general3A_16, %add3A_20 : vector<512x64xf32>
    %max3A_22 = arith.constant 0.000000e+00 : f32
    %max3A_23 = vector.broadcast %max3A_22 : f32 to vector<512x64xf32>
    %max3A_24 = arith.maximumf %add3A_21, %max3A_23 : vector<512x64xf32>
    %convert_element_type3A_25 = arith.truncf %max3A_24 : vector<512x64xf32> to vector<512x64xbf16>
    %get3A_26 = arith.constant 0 : index
    %get3A_27 = arith.constant 0 : index
    %get3A_28 = vector.load %arg7[%get3A_26, %get3A_27] : memref<64x32xbf16, #tpu.memory_space<vmem>>, vector<64x32xbf16>
    %dot_general3A_29 = arith.constant dense<0.000000e+00> : vector<512x32xf32>
    %dot_general3A_30 = tpu.matmul %convert_element_type3A_25, %get3A_28, %dot_general3A_29 {dimension_numbers = #tpu.dot_dimension_numbers<[1], [0], [0], [1], [0, 0, 1, 1], [], []>, transpose_lhs_hint = false} : vector<512x64xbf16>, vector<64x32xbf16>, vector<512x32xf32> -> vector<512x32xf32>
    %get3A_31 = arith.constant 0 : index
    %get3A_32 = arith.constant 0 : index
    %get3A_33 = vector.load %arg8[%get3A_31, %get3A_32] : memref<1x32xf32, #tpu.memory_space<vmem>>, vector<1x32xf32>
    %add3A_34 = vector.broadcast %get3A_33 : vector<1x32xf32> to vector<512x32xf32>
    %add3A_35 = arith.addf %dot_general3A_30, %add3A_34 : vector<512x32xf32>
    %max3A_36 = arith.constant 0.000000e+00 : f32
    %max3A_37 = vector.broadcast %max3A_36 : f32 to vector<512x32xf32>
    %max3A_38 = arith.maximumf %add3A_35, %max3A_37 : vector<512x32xf32>
    %convert_element_type3A_39 = arith.truncf %max3A_38 : vector<512x32xf32> to vector<512x32xbf16>
    %get3A_40 = arith.constant 0 : index
    %get3A_41 = arith.constant 0 : index
    %get3A_42 = vector.load %arg2[%get3A_40, %get3A_41] : memref<512x832xbf16, #tpu.memory_space<vmem>>, vector<512x832xbf16>
    %concatenate3A = tpu.concatenate %convert_element_type3A_39, %get3A_42 in 1 : vector<512x32xbf16>, vector<512x832xbf16> -> vector<512x864xbf16>
    %get3A_43 = arith.constant 0 : index
    %get3A_44 = arith.constant 0 : index
    %get3A_45 = vector.load %arg9[%get3A_43, %get3A_44] : memref<864x27xbf16, #tpu.memory_space<vmem>>, vector<864x27xbf16>
    %slice3A = vector.extract_strided_slice %concatenate3A {offsets = [0, 832], sizes = [512, 32], strides = [1, 1]} : vector<512x864xbf16> to vector<512x32xbf16>
    %slice3A_46 = vector.extract_strided_slice %concatenate3A {offsets = [0, 0], sizes = [512, 832], strides = [1, 1]} : vector<512x864xbf16> to vector<512x832xbf16>
    %concatenate3A_47 = tpu.concatenate %slice3A, %slice3A_46 in 1 : vector<512x32xbf16>, vector<512x832xbf16> -> vector<512x864xbf16>
    %mul3A = arith.mulf %concatenate3A, %concatenate3A_47 : vector<512x864xbf16>
    %dot_general3A_48 = arith.constant dense<0.000000e+00> : vector<512x27xf32>
    %dot_general3A_49 = tpu.matmul %mul3A, %get3A_45, %dot_general3A_48 {dimension_numbers = #tpu.dot_dimension_numbers<[1], [0], [0], [1], [0, 0, 1, 1], [], []>, transpose_lhs_hint = false} : vector<512x864xbf16>, vector<864x27xbf16>, vector<512x27xf32> -> vector<512x27xf32>
    %convert_element_type3A_50 = arith.truncf %dot_general3A_49 : vector<512x27xf32> to vector<512x27xbf16>
    %slice3A_51 = vector.extract_strided_slice %concatenate3A {offsets = [0, 800], sizes = [512, 64], strides = [1, 1]} : vector<512x864xbf16> to vector<512x64xbf16>
    %slice3A_52 = vector.extract_strided_slice %concatenate3A {offsets = [0, 0], sizes = [512, 800], strides = [1, 1]} : vector<512x864xbf16> to vector<512x800xbf16>
    %concatenate3A_53 = tpu.concatenate %slice3A_51, %slice3A_52 in 1 : vector<512x64xbf16>, vector<512x800xbf16> -> vector<512x864xbf16>
    %mul3A_54 = arith.mulf %concatenate3A, %concatenate3A_53 : vector<512x864xbf16>
    %dot_general3A_55 = arith.constant dense<0.000000e+00> : vector<512x27xf32>
    %dot_general3A_56 = tpu.matmul %mul3A_54, %get3A_45, %dot_general3A_55 {dimension_numbers = #tpu.dot_dimension_numbers<[1], [0], [0], [1], [0, 0, 1, 1], [], []>, transpose_lhs_hint = false} : vector<512x864xbf16>, vector<864x27xbf16>, vector<512x27xf32> -> vector<512x27xf32>
    %convert_element_type3A_57 = arith.truncf %dot_general3A_56 : vector<512x27xf32> to vector<512x27xbf16>
    %slice3A_58 = vector.extract_strided_slice %concatenate3A {offsets = [0, 768], sizes = [512, 96], strides = [1, 1]} : vector<512x864xbf16> to vector<512x96xbf16>
    %slice3A_59 = vector.extract_strided_slice %concatenate3A {offsets = [0, 0], sizes = [512, 768], strides = [1, 1]} : vector<512x864xbf16> to vector<512x768xbf16>
    %concatenate3A_60 = tpu.concatenate %slice3A_58, %slice3A_59 in 1 : vector<512x96xbf16>, vector<512x768xbf16> -> vector<512x864xbf16>
    %mul3A_61 = arith.mulf %concatenate3A, %concatenate3A_60 : vector<512x864xbf16>
    %dot_general3A_62 = arith.constant dense<0.000000e+00> : vector<512x27xf32>
    %dot_general3A_63 = tpu.matmul %mul3A_61, %get3A_45, %dot_general3A_62 {dimension_numbers = #tpu.dot_dimension_numbers<[1], [0], [0], [1], [0, 0, 1, 1], [], []>, transpose_lhs_hint = false} : vector<512x864xbf16>, vector<864x27xbf16>, vector<512x27xf32> -> vector<512x27xf32>
    %convert_element_type3A_64 = arith.truncf %dot_general3A_63 : vector<512x27xf32> to vector<512x27xbf16>
    %slice3A_65 = vector.extract_strided_slice %concatenate3A {offsets = [0, 736], sizes = [512, 128], strides = [1, 1]} : vector<512x864xbf16> to vector<512x128xbf16>
    %slice3A_66 = vector.extract_strided_slice %concatenate3A {offsets = [0, 0], sizes = [512, 736], strides = [1, 1]} : vector<512x864xbf16> to vector<512x736xbf16>
    %concatenate3A_67 = tpu.concatenate %slice3A_65, %slice3A_66 in 1 : vector<512x128xbf16>, vector<512x736xbf16> -> vector<512x864xbf16>
    %mul3A_68 = arith.mulf %concatenate3A, %concatenate3A_67 : vector<512x864xbf16>
    %dot_general3A_69 = arith.constant dense<0.000000e+00> : vector<512x27xf32>
    %dot_general3A_70 = tpu.matmul %mul3A_68, %get3A_45, %dot_general3A_69 {dimension_numbers = #tpu.dot_dimension_numbers<[1], [0], [0], [1], [0, 0, 1, 1], [], []>, transpose_lhs_hint = false} : vector<512x864xbf16>, vector<864x27xbf16>, vector<512x27xf32> -> vector<512x27xf32>
    %convert_element_type3A_71 = arith.truncf %dot_general3A_70 : vector<512x27xf32> to vector<512x27xbf16>
    %slice3A_72 = vector.extract_strided_slice %concatenate3A {offsets = [0, 704], sizes = [512, 160], strides = [1, 1]} : vector<512x864xbf16> to vector<512x160xbf16>
    %slice3A_73 = vector.extract_strided_slice %concatenate3A {offsets = [0, 0], sizes = [512, 704], strides = [1, 1]} : vector<512x864xbf16> to vector<512x704xbf16>
    %concatenate3A_74 = tpu.concatenate %slice3A_72, %slice3A_73 in 1 : vector<512x160xbf16>, vector<512x704xbf16> -> vector<512x864xbf16>
    %mul3A_75 = arith.mulf %concatenate3A, %concatenate3A_74 : vector<512x864xbf16>
    %dot_general3A_76 = arith.constant dense<0.000000e+00> : vector<512x27xf32>
    %dot_general3A_77 = tpu.matmul %mul3A_75, %get3A_45, %dot_general3A_76 {dimension_numbers = #tpu.dot_dimension_numbers<[1], [0], [0], [1], [0, 0, 1, 1], [], []>, transpose_lhs_hint = false} : vector<512x864xbf16>, vector<864x27xbf16>, vector<512x27xf32> -> vector<512x27xf32>
    %convert_element_type3A_78 = arith.truncf %dot_general3A_77 : vector<512x27xf32> to vector<512x27xbf16>
    %slice3A_79 = vector.extract_strided_slice %concatenate3A {offsets = [0, 672], sizes = [512, 192], strides = [1, 1]} : vector<512x864xbf16> to vector<512x192xbf16>
    %slice3A_80 = vector.extract_strided_slice %concatenate3A {offsets = [0, 0], sizes = [512, 672], strides = [1, 1]} : vector<512x864xbf16> to vector<512x672xbf16>
    %concatenate3A_81 = tpu.concatenate %slice3A_79, %slice3A_80 in 1 : vector<512x192xbf16>, vector<512x672xbf16> -> vector<512x864xbf16>
    %mul3A_82 = arith.mulf %concatenate3A, %concatenate3A_81 : vector<512x864xbf16>
    %dot_general3A_83 = arith.constant dense<0.000000e+00> : vector<512x27xf32>
    %dot_general3A_84 = tpu.matmul %mul3A_82, %get3A_45, %dot_general3A_83 {dimension_numbers = #tpu.dot_dimension_numbers<[1], [0], [0], [1], [0, 0, 1, 1], [], []>, transpose_lhs_hint = false} : vector<512x864xbf16>, vector<864x27xbf16>, vector<512x27xf32> -> vector<512x27xf32>
    %convert_element_type3A_85 = arith.truncf %dot_general3A_84 : vector<512x27xf32> to vector<512x27xbf16>
    %slice3A_86 = vector.extract_strided_slice %concatenate3A {offsets = [0, 640], sizes = [512, 224], strides = [1, 1]} : vector<512x864xbf16> to vector<512x224xbf16>
    %slice3A_87 = vector.extract_strided_slice %concatenate3A {offsets = [0, 0], sizes = [512, 640], strides = [1, 1]} : vector<512x864xbf16> to vector<512x640xbf16>
    %concatenate3A_88 = tpu.concatenate %slice3A_86, %slice3A_87 in 1 : vector<512x224xbf16>, vector<512x640xbf16> -> vector<512x864xbf16>
    %mul3A_89 = arith.mulf %concatenate3A, %concatenate3A_88 : vector<512x864xbf16>
    %dot_general3A_90 = arith.constant dense<0.000000e+00> : vector<512x27xf32>
    %dot_general3A_91 = tpu.matmul %mul3A_89, %get3A_45, %dot_general3A_90 {dimension_numbers = #tpu.dot_dimension_numbers<[1], [0], [0], [1], [0, 0, 1, 1], [], []>, transpose_lhs_hint = false} : vector<512x864xbf16>, vector<864x27xbf16>, vector<512x27xf32> -> vector<512x27xf32>
    %convert_element_type3A_92 = arith.truncf %dot_general3A_91 : vector<512x27xf32> to vector<512x27xbf16>
    %slice3A_93 = vector.extract_strided_slice %concatenate3A {offsets = [0, 608], sizes = [512, 256], strides = [1, 1]} : vector<512x864xbf16> to vector<512x256xbf16>
    %slice3A_94 = vector.extract_strided_slice %concatenate3A {offsets = [0, 0], sizes = [512, 608], strides = [1, 1]} : vector<512x864xbf16> to vector<512x608xbf16>
    %concatenate3A_95 = tpu.concatenate %slice3A_93, %slice3A_94 in 1 : vector<512x256xbf16>, vector<512x608xbf16> -> vector<512x864xbf16>
    %mul3A_96 = arith.mulf %concatenate3A, %concatenate3A_95 : vector<512x864xbf16>
    %dot_general3A_97 = arith.constant dense<0.000000e+00> : vector<512x27xf32>
    %dot_general3A_98 = tpu.matmul %mul3A_96, %get3A_45, %dot_general3A_97 {dimension_numbers = #tpu.dot_dimension_numbers<[1], [0], [0], [1], [0, 0, 1, 1], [], []>, transpose_lhs_hint = false} : vector<512x864xbf16>, vector<864x27xbf16>, vector<512x27xf32> -> vector<512x27xf32>
    %convert_element_type3A_99 = arith.truncf %dot_general3A_98 : vector<512x27xf32> to vector<512x27xbf16>
    %slice3A_100 = vector.extract_strided_slice %concatenate3A {offsets = [0, 576], sizes = [512, 288], strides = [1, 1]} : vector<512x864xbf16> to vector<512x288xbf16>
    %slice3A_101 = vector.extract_strided_slice %concatenate3A {offsets = [0, 0], sizes = [512, 576], strides = [1, 1]} : vector<512x864xbf16> to vector<512x576xbf16>
    %concatenate3A_102 = tpu.concatenate %slice3A_100, %slice3A_101 in 1 : vector<512x288xbf16>, vector<512x576xbf16> -> vector<512x864xbf16>
    %mul3A_103 = arith.mulf %concatenate3A, %concatenate3A_102 : vector<512x864xbf16>
    %dot_general3A_104 = arith.constant dense<0.000000e+00> : vector<512x27xf32>
    %dot_general3A_105 = tpu.matmul %mul3A_103, %get3A_45, %dot_general3A_104 {dimension_numbers = #tpu.dot_dimension_numbers<[1], [0], [0], [1], [0, 0, 1, 1], [], []>, transpose_lhs_hint = false} : vector<512x864xbf16>, vector<864x27xbf16>, vector<512x27xf32> -> vector<512x27xf32>
    %convert_element_type3A_106 = arith.truncf %dot_general3A_105 : vector<512x27xf32> to vector<512x27xbf16>
    %slice3A_107 = vector.extract_strided_slice %concatenate3A {offsets = [0, 544], sizes = [512, 320], strides = [1, 1]} : vector<512x864xbf16> to vector<512x320xbf16>
    %slice3A_108 = vector.extract_strided_slice %concatenate3A {offsets = [0, 0], sizes = [512, 544], strides = [1, 1]} : vector<512x864xbf16> to vector<512x544xbf16>
    %concatenate3A_109 = tpu.concatenate %slice3A_107, %slice3A_108 in 1 : vector<512x320xbf16>, vector<512x544xbf16> -> vector<512x864xbf16>
    %mul3A_110 = arith.mulf %concatenate3A, %concatenate3A_109 : vector<512x864xbf16>
    %dot_general3A_111 = arith.constant dense<0.000000e+00> : vector<512x27xf32>
    %dot_general3A_112 = tpu.matmul %mul3A_110, %get3A_45, %dot_general3A_111 {dimension_numbers = #tpu.dot_dimension_numbers<[1], [0], [0], [1], [0, 0, 1, 1], [], []>, transpose_lhs_hint = false} : vector<512x864xbf16>, vector<864x27xbf16>, vector<512x27xf32> -> vector<512x27xf32>
    %convert_element_type3A_113 = arith.truncf %dot_general3A_112 : vector<512x27xf32> to vector<512x27xbf16>
    %slice3A_114 = vector.extract_strided_slice %concatenate3A {offsets = [0, 512], sizes = [512, 352], strides = [1, 1]} : vector<512x864xbf16> to vector<512x352xbf16>
    %slice3A_115 = vector.extract_strided_slice %concatenate3A {offsets = [0, 0], sizes = [512, 512], strides = [1, 1]} : vector<512x864xbf16> to vector<512x512xbf16>
    %concatenate3A_116 = tpu.concatenate %slice3A_114, %slice3A_115 in 1 : vector<512x352xbf16>, vector<512x512xbf16> -> vector<512x864xbf16>
    %mul3A_117 = arith.mulf %concatenate3A, %concatenate3A_116 : vector<512x864xbf16>
    %dot_general3A_118 = arith.constant dense<0.000000e+00> : vector<512x27xf32>
    %dot_general3A_119 = tpu.matmul %mul3A_117, %get3A_45, %dot_general3A_118 {dimension_numbers = #tpu.dot_dimension_numbers<[1], [0], [0], [1], [0, 0, 1, 1], [], []>, transpose_lhs_hint = false} : vector<512x864xbf16>, vector<864x27xbf16>, vector<512x27xf32> -> vector<512x27xf32>
    %convert_element_type3A_120 = arith.truncf %dot_general3A_119 : vector<512x27xf32> to vector<512x27xbf16>
    %slice3A_121 = vector.extract_strided_slice %concatenate3A {offsets = [0, 480], sizes = [512, 384], strides = [1, 1]} : vector<512x864xbf16> to vector<512x384xbf16>
    %slice3A_122 = vector.extract_strided_slice %concatenate3A {offsets = [0, 0], sizes = [512, 480], strides = [1, 1]} : vector<512x864xbf16> to vector<512x480xbf16>
    %concatenate3A_123 = tpu.concatenate %slice3A_121, %slice3A_122 in 1 : vector<512x384xbf16>, vector<512x480xbf16> -> vector<512x864xbf16>
    %mul3A_124 = arith.mulf %concatenate3A, %concatenate3A_123 : vector<512x864xbf16>
    %dot_general3A_125 = arith.constant dense<0.000000e+00> : vector<512x27xf32>
    %dot_general3A_126 = tpu.matmul %mul3A_124, %get3A_45, %dot_general3A_125 {dimension_numbers = #tpu.dot_dimension_numbers<[1], [0], [0], [1], [0, 0, 1, 1], [], []>, transpose_lhs_hint = false} : vector<512x864xbf16>, vector<864x27xbf16>, vector<512x27xf32> -> vector<512x27xf32>
    %convert_element_type3A_127 = arith.truncf %dot_general3A_126 : vector<512x27xf32> to vector<512x27xbf16>
    %slice3A_128 = vector.extract_strided_slice %concatenate3A {offsets = [0, 448], sizes = [512, 416], strides = [1, 1]} : vector<512x864xbf16> to vector<512x416xbf16>
    %slice3A_129 = vector.extract_strided_slice %concatenate3A {offsets = [0, 0], sizes = [512, 448], strides = [1, 1]} : vector<512x864xbf16> to vector<512x448xbf16>
    %concatenate3A_130 = tpu.concatenate %slice3A_128, %slice3A_129 in 1 : vector<512x416xbf16>, vector<512x448xbf16> -> vector<512x864xbf16>
    %mul3A_131 = arith.mulf %concatenate3A, %concatenate3A_130 : vector<512x864xbf16>
    %dot_general3A_132 = arith.constant dense<0.000000e+00> : vector<512x27xf32>
    %dot_general3A_133 = tpu.matmul %mul3A_131, %get3A_45, %dot_general3A_132 {dimension_numbers = #tpu.dot_dimension_numbers<[1], [0], [0], [1], [0, 0, 1, 1], [], []>, transpose_lhs_hint = false} : vector<512x864xbf16>, vector<864x27xbf16>, vector<512x27xf32> -> vector<512x27xf32>
    %convert_element_type3A_134 = arith.truncf %dot_general3A_133 : vector<512x27xf32> to vector<512x27xbf16>
    %slice3A_135 = vector.extract_strided_slice %concatenate3A {offsets = [0, 416], sizes = [512, 448], strides = [1, 1]} : vector<512x864xbf16> to vector<512x448xbf16>
    %slice3A_136 = vector.extract_strided_slice %concatenate3A {offsets = [0, 0], sizes = [512, 416], strides = [1, 1]} : vector<512x864xbf16> to vector<512x416xbf16>
    %concatenate3A_137 = tpu.concatenate %slice3A_135, %slice3A_136 in 1 : vector<512x448xbf16>, vector<512x416xbf16> -> vector<512x864xbf16>
    %mul3A_138 = arith.mulf %concatenate3A, %concatenate3A_137 : vector<512x864xbf16>
    %dot_general3A_139 = arith.constant dense<0.000000e+00> : vector<512x27xf32>
    %dot_general3A_140 = tpu.matmul %mul3A_138, %get3A_45, %dot_general3A_139 {dimension_numbers = #tpu.dot_dimension_numbers<[1], [0], [0], [1], [0, 0, 1, 1], [], []>, transpose_lhs_hint = false} : vector<512x864xbf16>, vector<864x27xbf16>, vector<512x27xf32> -> vector<512x27xf32>
    %convert_element_type3A_141 = arith.truncf %dot_general3A_140 : vector<512x27xf32> to vector<512x27xbf16>
    %slice3A_142 = vector.extract_strided_slice %concatenate3A {offsets = [0, 384], sizes = [512, 480], strides = [1, 1]} : vector<512x864xbf16> to vector<512x480xbf16>
    %slice3A_143 = vector.extract_strided_slice %concatenate3A {offsets = [0, 0], sizes = [512, 384], strides = [1, 1]} : vector<512x864xbf16> to vector<512x384xbf16>
    %concatenate3A_144 = tpu.concatenate %slice3A_142, %slice3A_143 in 1 : vector<512x480xbf16>, vector<512x384xbf16> -> vector<512x864xbf16>
    %mul3A_145 = arith.mulf %concatenate3A, %concatenate3A_144 : vector<512x864xbf16>
    %dot_general3A_146 = arith.constant dense<0.000000e+00> : vector<512x27xf32>
    %dot_general3A_147 = tpu.matmul %mul3A_145, %get3A_45, %dot_general3A_146 {dimension_numbers = #tpu.dot_dimension_numbers<[1], [0], [0], [1], [0, 0, 1, 1], [], []>, transpose_lhs_hint = false} : vector<512x864xbf16>, vector<864x27xbf16>, vector<512x27xf32> -> vector<512x27xf32>
    %convert_element_type3A_148 = arith.truncf %dot_general3A_147 : vector<512x27xf32> to vector<512x27xbf16>
    %slice3A_149 = vector.extract_strided_slice %concatenate3A {offsets = [0, 352], sizes = [512, 512], strides = [1, 1]} : vector<512x864xbf16> to vector<512x512xbf16>
    %slice3A_150 = vector.extract_strided_slice %concatenate3A {offsets = [0, 0], sizes = [512, 352], strides = [1, 1]} : vector<512x864xbf16> to vector<512x352xbf16>
    %concatenate3A_151 = tpu.concatenate %slice3A_149, %slice3A_150 in 1 : vector<512x512xbf16>, vector<512x352xbf16> -> vector<512x864xbf16>
    %mul3A_152 = arith.mulf %concatenate3A, %concatenate3A_151 : vector<512x864xbf16>
    %dot_general3A_153 = arith.constant dense<0.000000e+00> : vector<512x27xf32>
    %dot_general3A_154 = tpu.matmul %mul3A_152, %get3A_45, %dot_general3A_153 {dimension_numbers = #tpu.dot_dimension_numbers<[1], [0], [0], [1], [0, 0, 1, 1], [], []>, transpose_lhs_hint = false} : vector<512x864xbf16>, vector<864x27xbf16>, vector<512x27xf32> -> vector<512x27xf32>
    %convert_element_type3A_155 = arith.truncf %dot_general3A_154 : vector<512x27xf32> to vector<512x27xbf16>
    %slice3A_156 = vector.extract_strided_slice %concatenate3A {offsets = [0, 320], sizes = [512, 544], strides = [1, 1]} : vector<512x864xbf16> to vector<512x544xbf16>
    %slice3A_157 = vector.extract_strided_slice %concatenate3A {offsets = [0, 0], sizes = [512, 320], strides = [1, 1]} : vector<512x864xbf16> to vector<512x320xbf16>
    %concatenate3A_158 = tpu.concatenate %slice3A_156, %slice3A_157 in 1 : vector<512x544xbf16>, vector<512x320xbf16> -> vector<512x864xbf16>
    %mul3A_159 = arith.mulf %concatenate3A, %concatenate3A_158 : vector<512x864xbf16>
    %dot_general3A_160 = arith.constant dense<0.000000e+00> : vector<512x27xf32>
    %dot_general3A_161 = tpu.matmul %mul3A_159, %get3A_45, %dot_general3A_160 {dimension_numbers = #tpu.dot_dimension_numbers<[1], [0], [0], [1], [0, 0, 1, 1], [], []>, transpose_lhs_hint = false} : vector<512x864xbf16>, vector<864x27xbf16>, vector<512x27xf32> -> vector<512x27xf32>
    %convert_element_type3A_162 = arith.truncf %dot_general3A_161 : vector<512x27xf32> to vector<512x27xbf16>
    %slice3A_163 = vector.extract_strided_slice %concatenate3A {offsets = [0, 288], sizes = [512, 576], strides = [1, 1]} : vector<512x864xbf16> to vector<512x576xbf16>
    %slice3A_164 = vector.extract_strided_slice %concatenate3A {offsets = [0, 0], sizes = [512, 288], strides = [1, 1]} : vector<512x864xbf16> to vector<512x288xbf16>
    %concatenate3A_165 = tpu.concatenate %slice3A_163, %slice3A_164 in 1 : vector<512x576xbf16>, vector<512x288xbf16> -> vector<512x864xbf16>
    %mul3A_166 = arith.mulf %concatenate3A, %concatenate3A_165 : vector<512x864xbf16>
    %dot_general3A_167 = arith.constant dense<0.000000e+00> : vector<512x27xf32>
    %dot_general3A_168 = tpu.matmul %mul3A_166, %get3A_45, %dot_general3A_167 {dimension_numbers = #tpu.dot_dimension_numbers<[1], [0], [0], [1], [0, 0, 1, 1], [], []>, transpose_lhs_hint = false} : vector<512x864xbf16>, vector<864x27xbf16>, vector<512x27xf32> -> vector<512x27xf32>
    %convert_element_type3A_169 = arith.truncf %dot_general3A_168 : vector<512x27xf32> to vector<512x27xbf16>
    %slice3A_170 = vector.extract_strided_slice %concatenate3A {offsets = [0, 256], sizes = [512, 608], strides = [1, 1]} : vector<512x864xbf16> to vector<512x608xbf16>
    %slice3A_171 = vector.extract_strided_slice %concatenate3A {offsets = [0, 0], sizes = [512, 256], strides = [1, 1]} : vector<512x864xbf16> to vector<512x256xbf16>
    %concatenate3A_172 = tpu.concatenate %slice3A_170, %slice3A_171 in 1 : vector<512x608xbf16>, vector<512x256xbf16> -> vector<512x864xbf16>
    %mul3A_173 = arith.mulf %concatenate3A, %concatenate3A_172 : vector<512x864xbf16>
    %dot_general3A_174 = arith.constant dense<0.000000e+00> : vector<512x27xf32>
    %dot_general3A_175 = tpu.matmul %mul3A_173, %get3A_45, %dot_general3A_174 {dimension_numbers = #tpu.dot_dimension_numbers<[1], [0], [0], [1], [0, 0, 1, 1], [], []>, transpose_lhs_hint = false} : vector<512x864xbf16>, vector<864x27xbf16>, vector<512x27xf32> -> vector<512x27xf32>
    %convert_element_type3A_176 = arith.truncf %dot_general3A_175 : vector<512x27xf32> to vector<512x27xbf16>
    %slice3A_177 = vector.extract_strided_slice %concatenate3A {offsets = [0, 224], sizes = [512, 640], strides = [1, 1]} : vector<512x864xbf16> to vector<512x640xbf16>
    %slice3A_178 = vector.extract_strided_slice %concatenate3A {offsets = [0, 0], sizes = [512, 224], strides = [1, 1]} : vector<512x864xbf16> to vector<512x224xbf16>
    %concatenate3A_179 = tpu.concatenate %slice3A_177, %slice3A_178 in 1 : vector<512x640xbf16>, vector<512x224xbf16> -> vector<512x864xbf16>
    %mul3A_180 = arith.mulf %concatenate3A, %concatenate3A_179 : vector<512x864xbf16>
    %dot_general3A_181 = arith.constant dense<0.000000e+00> : vector<512x27xf32>
    %dot_general3A_182 = tpu.matmul %mul3A_180, %get3A_45, %dot_general3A_181 {dimension_numbers = #tpu.dot_dimension_numbers<[1], [0], [0], [1], [0, 0, 1, 1], [], []>, transpose_lhs_hint = false} : vector<512x864xbf16>, vector<864x27xbf16>, vector<512x27xf32> -> vector<512x27xf32>
    %convert_element_type3A_183 = arith.truncf %dot_general3A_182 : vector<512x27xf32> to vector<512x27xbf16>
    %slice3A_184 = vector.extract_strided_slice %concatenate3A {offsets = [0, 192], sizes = [512, 672], strides = [1, 1]} : vector<512x864xbf16> to vector<512x672xbf16>
    %slice3A_185 = vector.extract_strided_slice %concatenate3A {offsets = [0, 0], sizes = [512, 192], strides = [1, 1]} : vector<512x864xbf16> to vector<512x192xbf16>
    %concatenate3A_186 = tpu.concatenate %slice3A_184, %slice3A_185 in 1 : vector<512x672xbf16>, vector<512x192xbf16> -> vector<512x864xbf16>
    %mul3A_187 = arith.mulf %concatenate3A, %concatenate3A_186 : vector<512x864xbf16>
    %dot_general3A_188 = arith.constant dense<0.000000e+00> : vector<512x27xf32>
    %dot_general3A_189 = tpu.matmul %mul3A_187, %get3A_45, %dot_general3A_188 {dimension_numbers = #tpu.dot_dimension_numbers<[1], [0], [0], [1], [0, 0, 1, 1], [], []>, transpose_lhs_hint = false} : vector<512x864xbf16>, vector<864x27xbf16>, vector<512x27xf32> -> vector<512x27xf32>
    %convert_element_type3A_190 = arith.truncf %dot_general3A_189 : vector<512x27xf32> to vector<512x27xbf16>
    %slice3A_191 = vector.extract_strided_slice %concatenate3A {offsets = [0, 160], sizes = [512, 704], strides = [1, 1]} : vector<512x864xbf16> to vector<512x704xbf16>
    %slice3A_192 = vector.extract_strided_slice %concatenate3A {offsets = [0, 0], sizes = [512, 160], strides = [1, 1]} : vector<512x864xbf16> to vector<512x160xbf16>
    %concatenate3A_193 = tpu.concatenate %slice3A_191, %slice3A_192 in 1 : vector<512x704xbf16>, vector<512x160xbf16> -> vector<512x864xbf16>
    %mul3A_194 = arith.mulf %concatenate3A, %concatenate3A_193 : vector<512x864xbf16>
    %dot_general3A_195 = arith.constant dense<0.000000e+00> : vector<512x27xf32>
    %dot_general3A_196 = tpu.matmul %mul3A_194, %get3A_45, %dot_general3A_195 {dimension_numbers = #tpu.dot_dimension_numbers<[1], [0], [0], [1], [0, 0, 1, 1], [], []>, transpose_lhs_hint = false} : vector<512x864xbf16>, vector<864x27xbf16>, vector<512x27xf32> -> vector<512x27xf32>
    %convert_element_type3A_197 = arith.truncf %dot_general3A_196 : vector<512x27xf32> to vector<512x27xbf16>
    %slice3A_198 = vector.extract_strided_slice %concatenate3A {offsets = [0, 128], sizes = [512, 736], strides = [1, 1]} : vector<512x864xbf16> to vector<512x736xbf16>
    %slice3A_199 = vector.extract_strided_slice %concatenate3A {offsets = [0, 0], sizes = [512, 128], strides = [1, 1]} : vector<512x864xbf16> to vector<512x128xbf16>
    %concatenate3A_200 = tpu.concatenate %slice3A_198, %slice3A_199 in 1 : vector<512x736xbf16>, vector<512x128xbf16> -> vector<512x864xbf16>
    %mul3A_201 = arith.mulf %concatenate3A, %concatenate3A_200 : vector<512x864xbf16>
    %dot_general3A_202 = arith.constant dense<0.000000e+00> : vector<512x27xf32>
    %dot_general3A_203 = tpu.matmul %mul3A_201, %get3A_45, %dot_general3A_202 {dimension_numbers = #tpu.dot_dimension_numbers<[1], [0], [0], [1], [0, 0, 1, 1], [], []>, transpose_lhs_hint = false} : vector<512x864xbf16>, vector<864x27xbf16>, vector<512x27xf32> -> vector<512x27xf32>
    %convert_element_type3A_204 = arith.truncf %dot_general3A_203 : vector<512x27xf32> to vector<512x27xbf16>
    %slice3A_205 = vector.extract_strided_slice %concatenate3A {offsets = [0, 96], sizes = [512, 768], strides = [1, 1]} : vector<512x864xbf16> to vector<512x768xbf16>
    %slice3A_206 = vector.extract_strided_slice %concatenate3A {offsets = [0, 0], sizes = [512, 96], strides = [1, 1]} : vector<512x864xbf16> to vector<512x96xbf16>
    %concatenate3A_207 = tpu.concatenate %slice3A_205, %slice3A_206 in 1 : vector<512x768xbf16>, vector<512x96xbf16> -> vector<512x864xbf16>
    %mul3A_208 = arith.mulf %concatenate3A, %concatenate3A_207 : vector<512x864xbf16>
    %dot_general3A_209 = arith.constant dense<0.000000e+00> : vector<512x27xf32>
    %dot_general3A_210 = tpu.matmul %mul3A_208, %get3A_45, %dot_general3A_209 {dimension_numbers = #tpu.dot_dimension_numbers<[1], [0], [0], [1], [0, 0, 1, 1], [], []>, transpose_lhs_hint = false} : vector<512x864xbf16>, vector<864x27xbf16>, vector<512x27xf32> -> vector<512x27xf32>
    %convert_element_type3A_211 = arith.truncf %dot_general3A_210 : vector<512x27xf32> to vector<512x27xbf16>
    %slice3A_212 = vector.extract_strided_slice %concatenate3A {offsets = [0, 64], sizes = [512, 800], strides = [1, 1]} : vector<512x864xbf16> to vector<512x800xbf16>
    %slice3A_213 = vector.extract_strided_slice %concatenate3A {offsets = [0, 0], sizes = [512, 64], strides = [1, 1]} : vector<512x864xbf16> to vector<512x64xbf16>
    %concatenate3A_214 = tpu.concatenate %slice3A_212, %slice3A_213 in 1 : vector<512x800xbf16>, vector<512x64xbf16> -> vector<512x864xbf16>
    %mul3A_215 = arith.mulf %concatenate3A, %concatenate3A_214 : vector<512x864xbf16>
    %dot_general3A_216 = arith.constant dense<0.000000e+00> : vector<512x27xf32>
    %dot_general3A_217 = tpu.matmul %mul3A_215, %get3A_45, %dot_general3A_216 {dimension_numbers = #tpu.dot_dimension_numbers<[1], [0], [0], [1], [0, 0, 1, 1], [], []>, transpose_lhs_hint = false} : vector<512x864xbf16>, vector<864x27xbf16>, vector<512x27xf32> -> vector<512x27xf32>
    %convert_element_type3A_218 = arith.truncf %dot_general3A_217 : vector<512x27xf32> to vector<512x27xbf16>
    %slice3A_219 = vector.extract_strided_slice %concatenate3A {offsets = [0, 32], sizes = [512, 832], strides = [1, 1]} : vector<512x864xbf16> to vector<512x832xbf16>
    %slice3A_220 = vector.extract_strided_slice %concatenate3A {offsets = [0, 0], sizes = [512, 32], strides = [1, 1]} : vector<512x864xbf16> to vector<512x32xbf16>
    %concatenate3A_221 = tpu.concatenate %slice3A_219, %slice3A_220 in 1 : vector<512x832xbf16>, vector<512x32xbf16> -> vector<512x864xbf16>
    %mul3A_222 = arith.mulf %concatenate3A, %concatenate3A_221 : vector<512x864xbf16>
    %dot_general3A_223 = arith.constant dense<0.000000e+00> : vector<512x27xf32>
    %dot_general3A_224 = tpu.matmul %mul3A_222, %get3A_45, %dot_general3A_223 {dimension_numbers = #tpu.dot_dimension_numbers<[1], [0], [0], [1], [0, 0, 1, 1], [], []>, transpose_lhs_hint = false} : vector<512x864xbf16>, vector<864x27xbf16>, vector<512x27xf32> -> vector<512x27xf32>
    %convert_element_type3A_225 = arith.truncf %dot_general3A_224 : vector<512x27xf32> to vector<512x27xbf16>
    %concatenate3A_226 = tpu.concatenate %convert_element_type3A_39, %convert_element_type3A_50, %convert_element_type3A_57, %convert_element_type3A_64, %convert_element_type3A_71, %convert_element_type3A_78, %convert_element_type3A_85, %convert_element_type3A_92, %convert_element_type3A_99, %convert_element_type3A_106, %convert_element_type3A_113, %convert_element_type3A_120, %convert_element_type3A_127, %convert_element_type3A_134, %convert_element_type3A_141, %convert_element_type3A_148, %convert_element_type3A_155, %convert_element_type3A_162, %convert_element_type3A_169, %convert_element_type3A_176, %convert_element_type3A_183, %convert_element_type3A_190, %convert_element_type3A_197, %convert_element_type3A_204, %convert_element_type3A_211, %convert_element_type3A_218, %convert_element_type3A_225 in 1 : vector<512x32xbf16>, vector<512x27xbf16>, vector<512x27xbf16>, vector<512x27xbf16>, vector<512x27xbf16>, vector<512x27xbf16>, vector<512x27xbf16>, vector<512x27xbf16>, vector<512x27xbf16>, vector<512x27xbf16>, vector<512x27xbf16>, vector<512x27xbf16>, vector<512x27xbf16>, vector<512x27xbf16>, vector<512x27xbf16>, vector<512x27xbf16>, vector<512x27xbf16>, vector<512x27xbf16>, vector<512x27xbf16>, vector<512x27xbf16>, vector<512x27xbf16>, vector<512x27xbf16>, vector<512x27xbf16>, vector<512x27xbf16>, vector<512x27xbf16>, vector<512x27xbf16>, vector<512x27xbf16> -> vector<512x734xbf16>
    %get3A_227 = arith.constant 0 : index
    %get3A_228 = arith.constant 0 : index
    %get3A_229 = vector.load %arg10[%get3A_227, %get3A_228] : memref<734x512xbf16, #tpu.memory_space<vmem>>, vector<734x512xbf16>
    %dot_general3A_230 = arith.constant dense<0.000000e+00> : vector<512x512xf32>
    %dot_general3A_231 = tpu.matmul %concatenate3A_226, %get3A_229, %dot_general3A_230 {dimension_numbers = #tpu.dot_dimension_numbers<[1], [0], [0], [1], [0, 0, 1, 1], [], []>, transpose_lhs_hint = false} : vector<512x734xbf16>, vector<734x512xbf16>, vector<512x512xf32> -> vector<512x512xf32>
    %get3A_232 = arith.constant 0 : index
    %get3A_233 = arith.constant 0 : index
    %get3A_234 = vector.load %arg11[%get3A_232, %get3A_233] : memref<1x512xf32, #tpu.memory_space<vmem>>, vector<1x512xf32>
    %add3A_235 = vector.broadcast %get3A_234 : vector<1x512xf32> to vector<512x512xf32>
    %add3A_236 = arith.addf %dot_general3A_231, %add3A_235 : vector<512x512xf32>
    %max3A_237 = arith.constant 0.000000e+00 : f32
    %max3A_238 = vector.broadcast %max3A_237 : f32 to vector<512x512xf32>
    %max3A_239 = arith.maximumf %add3A_236, %max3A_238 : vector<512x512xf32>
    %convert_element_type3A_240 = arith.truncf %max3A_239 : vector<512x512xf32> to vector<512x512xbf16>
    %get3A_241 = arith.constant 0 : index
    %get3A_242 = arith.constant 0 : index
    %get3A_243 = vector.load %arg12[%get3A_241, %get3A_242] : memref<512x256xbf16, #tpu.memory_space<vmem>>, vector<512x256xbf16>
    %dot_general3A_244 = arith.constant dense<0.000000e+00> : vector<512x256xf32>
    %dot_general3A_245 = tpu.matmul %convert_element_type3A_240, %get3A_243, %dot_general3A_244 {dimension_numbers = #tpu.dot_dimension_numbers<[1], [0], [0], [1], [0, 0, 1, 1], [], []>, transpose_lhs_hint = false} : vector<512x512xbf16>, vector<512x256xbf16>, vector<512x256xf32> -> vector<512x256xf32>
    %get3A_246 = arith.constant 0 : index
    %get3A_247 = arith.constant 0 : index
    %get3A_248 = vector.load %arg13[%get3A_246, %get3A_247] : memref<1x256xf32, #tpu.memory_space<vmem>>, vector<1x256xf32>
    %add3A_249 = vector.broadcast %get3A_248 : vector<1x256xf32> to vector<512x256xf32>
    %add3A_250 = arith.addf %dot_general3A_245, %add3A_249 : vector<512x256xf32>
    %max3A_251 = arith.constant 0.000000e+00 : f32
    %max3A_252 = vector.broadcast %max3A_251 : f32 to vector<512x256xf32>
    %max3A_253 = arith.maximumf %add3A_250, %max3A_252 : vector<512x256xf32>
    %convert_element_type3A_254 = arith.truncf %max3A_253 : vector<512x256xf32> to vector<512x256xbf16>
    %get3A_255 = arith.constant 0 : index
    %get3A_256 = arith.constant 0 : index
    %get3A_257 = vector.load %arg14[%get3A_255, %get3A_256] : memref<256x1xbf16, #tpu.memory_space<vmem>>, vector<256x1xbf16>
    %dot_general3A_258 = arith.constant dense<0.000000e+00> : vector<512x1xf32>
    %dot_general3A_259 = tpu.matmul %convert_element_type3A_254, %get3A_257, %dot_general3A_258 {dimension_numbers = #tpu.dot_dimension_numbers<[1], [0], [0], [1], [0, 0, 1, 1], [], []>, transpose_lhs_hint = false} : vector<512x256xbf16>, vector<256x1xbf16>, vector<512x1xf32> -> vector<512x1xf32>
    %get3A_260 = arith.constant 0 : index
    %get3A_261 = arith.constant 0 : index
    %get3A_262 = vector.load %arg15[%get3A_260, %get3A_261] : memref<1x1xf32, #tpu.memory_space<vmem>>, vector<1x1xf32>
    %add3A_263 = vector.broadcast %get3A_262 : vector<1x1xf32> to vector<512x1xf32>
    %add3A_264 = arith.addf %dot_general3A_259, %add3A_263 : vector<512x1xf32>
    %neg3A = arith.constant 0.000000e+00 : f32
    %neg3A_265 = vector.broadcast %neg3A : f32 to vector<512x1xf32>
    %neg3A_266 = arith.subf %neg3A_265, %add3A_264 : vector<512x1xf32>
    %exp3A = math.exp %neg3A_266 : vector<512x1xf32>
    %add3A_267 = arith.constant 1.000000e+00 : f32
    %add3A_268 = vector.broadcast %add3A_267 : f32 to vector<512x1xf32>
    %add3A_269 = arith.addf %add3A_268, %exp3A : vector<512x1xf32>
    %div3A = arith.constant 1.000000e+00 : f32
    %div3A_270 = vector.broadcast %div3A : f32 to vector<512x1xf32>
    %div3A_271 = arith.divf %div3A_270, %add3A_269 : vector<512x1xf32>
    %swap3A = arith.constant 0 : index
    %swap3A_272 = arith.constant 0 : index
    %swap3A_273 = vector.load %arg16[%swap3A, %swap3A_272] : memref<512x1xf32, #tpu.memory_space<vmem>>, vector<512x1xf32>
    tpu.vector_store %arg16[%swap3A, %swap3A_272], %div3A_271 {strides = array<i32>} : memref<512x1xf32, #tpu.memory_space<vmem>>, vector<512x1xf32>,
    return
  }
  func.func @transform_0(%arg0: i32) -> (i32, i32) {
    %c0_i32 = arith.constant 0 : i32
    %c0_i32_0 = arith.constant 0 : i32
    return %arg0, %c0_i32 : i32, i32
  }
  func.func @transform_1(%arg0: i32) -> (i32, i32) {
    %c0_i32 = arith.constant 0 : i32
    %c0_i32_0 = arith.constant 0 : i32
    return %arg0, %c0_i32 : i32, i32
  }
  func.func @transform_2(%arg0: i32) -> (i32, i32) {
    %c0_i32 = arith.constant 0 : i32
    %c0_i32_0 = arith.constant 0 : i32
    %c0_i32_1 = arith.constant 0 : i32
    return %c0_i32, %c0_i32_0 : i32, i32
  }
  func.func @transform_3(%arg0: i32) -> (i32, i32) {
    %c0_i32 = arith.constant 0 : i32
    %c0_i32_0 = arith.constant 0 : i32
    %c0_i32_1 = arith.constant 0 : i32
    return %c0_i32, %c0_i32_0 : i32, i32
  }
  func.func @transform_4(%arg0: i32) -> (i32, i32) {
    %c0_i32 = arith.constant 0 : i32
    %c0_i32_0 = arith.constant 0 : i32
    %c0_i32_1 = arith.constant 0 : i32
    return %c0_i32, %c0_i32_0 : i32, i32
  }
  func.func @transform_5(%arg0: i32) -> (i32, i32) {
    %c0_i32 = arith.constant 0 : i32
    %c0_i32_0 = arith.constant 0 : i32
    %c0_i32_1 = arith.constant 0 : i32
    return %c0_i32, %c0_i32_0 : i32, i32
  }
  func.func @transform_6(%arg0: i32) -> (i32, i32) {
    %c0_i32 = arith.constant 0 : i32
    %c0_i32_0 = arith.constant 0 : i32
    %c0_i32_1 = arith.constant 0 : i32
    return %c0_i32, %c0_i32_0 : i32, i32
  }
  func.func @transform_7(%arg0: i32) -> (i32, i32) {
    %c0_i32 = arith.constant 0 : i32
    %c0_i32_0 = arith.constant 0 : i32
    %c0_i32_1 = arith.constant 0 : i32
    return %c0_i32, %c0_i32_0 : i32, i32
  }
  func.func @transform_8(%arg0: i32) -> (i32, i32) {
    %c0_i32 = arith.constant 0 : i32
    %c0_i32_0 = arith.constant 0 : i32
    %c0_i32_1 = arith.constant 0 : i32
    return %c0_i32, %c0_i32_0 : i32, i32
  }
  func.func @transform_9(%arg0: i32) -> (i32, i32) {
    %c0_i32 = arith.constant 0 : i32
    %c0_i32_0 = arith.constant 0 : i32
    %c0_i32_1 = arith.constant 0 : i32
    return %c0_i32, %c0_i32_0 : i32, i32
  }
  func.func @transform_10(%arg0: i32) -> (i32, i32) {
    %c0_i32 = arith.constant 0 : i32
    %c0_i32_0 = arith.constant 0 : i32
    %c0_i32_1 = arith.constant 0 : i32
    return %c0_i32, %c0_i32_0 : i32, i32
  }
  func.func @transform_11(%arg0: i32) -> (i32, i32) {
    %c0_i32 = arith.constant 0 : i32
    %c0_i32_0 = arith.constant 0 : i32
    %c0_i32_1 = arith.constant 0 : i32
    return %c0_i32, %c0_i32_0 : i32, i32
  }
  func.func @transform_12(%arg0: i32) -> (i32, i32) {
    %c0_i32 = arith.constant 0 : i32
    %c0_i32_0 = arith.constant 0 : i32
    %c0_i32_1 = arith.constant 0 : i32
    return %c0_i32, %c0_i32_0 : i32, i32
  }
  func.func @transform_13(%arg0: i32) -> (i32, i32) {
    %c0_i32 = arith.constant 0 : i32
    %c0_i32_0 = arith.constant 0 : i32
    %c0_i32_1 = arith.constant 0 : i32
    return %c0_i32, %c0_i32_0 : i32, i32
  }
  func.func @transform_14(%arg0: i32) -> (i32, i32) {
    %c0_i32 = arith.constant 0 : i32
    %c0_i32_0 = arith.constant 0 : i32
    %c0_i32_1 = arith.constant 0 : i32
    return %c0_i32, %c0_i32_0 : i32, i32
  }
  func.func @transform_15(%arg0: i32) -> (i32, i32) {
    %c0_i32 = arith.constant 0 : i32
    %c0_i32_0 = arith.constant 0 : i32
    return %arg0, %c0_i32 : i32, i32
  }
}

</mosaic_0001>

<sc_bundles>
// kernel: kernel.4.cloned.1.call-start
scs
__scs_entry_jumppad:
0x0: {  	(pc) =	sbr.rel $0x88, $3  }
0x1: {  	(tag) =	ssettag $0x0;
	lr =	simm.s32 $0x1  }
0x2: {  	[smem:$0x3F92] =	sst lr;
	_ =	strace $0xD0000000  }
0x3: {  	_ = 	snop  }
0x4: {  	_ = 	snop  }
0x5: {  	_ = 	snop  }
0x6: {  	_ = 	snop  }
0x7: {  	_ = 	snop  }
__scs_overlays_trampoline_lowered:
0x8: {  	[smem:$0x3FA1] =	sst s0  }
0x9: {  	[smem:$0x3FA2] =	sst s1  }
0xa: {  	[smem:$0x3FA3] =	sst s2  }
0xb: {  	[smem:$0x3FA4] =	sst s3  }
0xc: {  	[smem:$0x3FA5] =	sst s4  }
0xd: {  	[smem:$0x3FA6] =	sst s5  }
0xe: {  	[smem:$0x3FA7] =	sst s6  }
0xf: {  	[smem:$0x3FA8] =	sst s7  }
0x10: {  	[smem:$0x3FA9] =	sst s8  }
0x11: {  	[smem:$0x3FAA] =	sst s9;
	s0 =	simm.s32 @!p0 $0x0  }
0x12: {  	s1 =	sld [smem:$0x3F90];
	s0 =	simm.s32 @p0 $0x1  }
0x13: {  	[smem:$0x3FAB] =	sst s0;
	s0 =	simm.s32 @!p1 $0x0  }
0x14: {  	s2 =	sld [smem:$0x3F8F];
	s0 =	simm.s32 @p1 $0x1  }
0x15: {  	[smem:$0x3FAC] =	sst s0;
	s0 =	simm.s32 @!p2 $0x0  }
0x16: {  	s3 =	sld [smem:$0x3FDB];
	s0 =	simm.s32 @p2 $0x1  }
0x17: {  	s4 =	simm.s32 $0x1BF5;
	[smem:$0x3FAE] =	sst s0  }
0x18: {  	s0 =	sld [smem:$0x3F91];
	_ =	swait.ge [sflag:s4], $0x0  }
0x19: {  	s7 =	sld [smem:$0x3F92]  }
0x1a: {  	s8 =	sadd.s32 $0xFFFFE003, lr  }
0x1b: {  	s9 =	sadd.s32 $0xFFFFFEF7, lr;
	s5 =	simm.s32 $0xFFFFFFFF;
	p2 =	slt.u32 s8, $0xFFFFF086  }
0x1c: {  	p1 =	slt.u32 s9, $0xF7A;
	s5 =	simm.s32 @!p2 $0x0  }
0x1d: {  	s5 =	simm.s32 @p1 $0x1;
	p0 =	seq.s32 s7, s2  }
0x1e: {  	s7 =	smul.u32 @!p0 $0xF7A, s2;
	p2 =	seq.s32 @!p0 s5, $0x0  }
0x1f: {  	s9 =	smul.u32 $0xF7A, s1;
	s8 =	simm.s32 @!p0 $0x1BF5;
	p2 =	por !p2, p0  }
0x20: {  	[sflag:s8] =	ssyncset.s32 @!p0 $0xFFFFF086;
	s6 =	sadd.s32 @!p0 s3, s7;
	s7 =	simm.s32 @!p0 $0x108  }
0x21: {  	s3 =	sadd.s32 s3, s9;
	s6 =	sadd.s32 @!p0 $0x88, s6;
	s7 =	simm.s32 @p2 $0x1082  }
0x22: {  	[simem:s7], [sflag:s8] =	dma.local @!p0 [hbm:s6], $0xF7A  }
0x23: {  	s9 =	sor.u32 $0xD0000000, s2;
	s6 =	simm.s32 $0x108;
	_ =	swait.ge @!p0 [sflag:s8], $0x0  }
0x24: {  	s3 =	sadd.s32 $0x88, s3;
	s6 =	simm.s32 @!p1 $0x1082;
	[sflag:s4] =	ssyncset.s32 $0xFFFFF086  }
0x25: {  	[simem:s6], [sflag:s4] =	dma.local [hbm:s3], $0xF7A  }
0x26: {  	[smem:$0x3F92] =	sst s1;
	(tag) =	ssettag s2;
	_ =	strace s9  }
0x27: {  	s1 =	sld [smem:$0x3FA2]  }
0x28: {  	s2 =	sld [smem:$0x3FA3]  }
0x29: {  	s4 =	sld [smem:$0x3FA5]  }
0x2a: {  	p0 =	seq.s32 s5, $0x0;
	s5 =	sld [smem:$0x3FA6]  }
0x2b: {  	s6 =	sld [smem:$0x3FA7]  }
0x2c: {  	s7 =	sld [smem:$0x3FA8]  }
0x2d: {  	s3 =	simm.s32 $0x108;
	s8 =	sld [smem:$0x3FA9]  }
0x2e: {  	s3 =	simm.s32 @!p0 $0x1082;
	s9 =	sld [smem:$0x3FAA]  }
0x2f: {  	lr =	sadd.s32 s0, s3;
	s0 =	sld [smem:$0x3FA1]  }
0x30: {  	s3 =	sld [smem:$0x3FA4]  }
0x31: {  	[smem:$0x3FAD] =	sst s10  }
0x32: {  	s10 =	sld [smem:$0x3FAB];
	_ =	sdelay $0x3  }
0x33: {  	p0 =	seq.s32 s10, $0x1;
	s10 =	sld [smem:$0x3FAD];
	_ =	sdelay $0x3  }
0x34: {  	[smem:$0x3FAD] =	sst s10  }
0x35: {  	s10 =	sld [smem:$0x3FAC];
	_ =	sdelay $0x3  }
0x36: {  	p1 =	seq.s32 s10, $0x1;
	s10 =	sld [smem:$0x3FAD];
	_ =	sdelay $0x3  }
0x37: {  	[smem:$0x3FAD] =	sst s10  }
0x38: {  	s10 =	sld [smem:$0x3FAE]  }
0x39: {  	_ = 	snop;
	(pc) =	sbr.ind lr, $3  }
0x3a: {  	_ = 	snop  }
0x3b: {  	_ = 	snop  }
0x3c: {  	p2 =	seq.s32 s10, $0x1;
	s10 =	sld [smem:$0x3FAD]  }
0x3d: {  	_ =	shalt  }
0x3e: {  	_ =	shalt  }
0x3f: {  	_ =	shalt  }
0x40: {  	_ =	shalt  }
0x41: {  	_ =	shalt  }
0x42: {  	_ =	shalt  }
0x43: {  	_ =	shalt  }
0x44: {  	_ =	shalt  }
0x45: {  	_ =	shalt  }
0x46: {  	_ =	shalt  }
0x47: {  	_ =	shalt  }
0x48: {  	_ =	shalt  }
0x49: {  	_ =	shalt  }
0x4a: {  	_ =	shalt  }
0x4b: {  	_ =	shalt  }
0x4c: {  	_ =	shalt  }
0x4d: {  	_ =	shalt  }
0x4e: {  	_ =	shalt  }
0x4f: {  	_ =	shalt  }
0x50: {  	_ =	shalt  }
0x51: {  	_ =	shalt  }
0x52: {  	_ =	shalt  }
0x53: {  	_ =	shalt  }
0x54: {  	_ =	shalt  }
0x55: {  	_ =	shalt  }
0x56: {  	_ =	shalt  }
0x57: {  	_ =	shalt  }
0x58: {  	_ =	shalt  }
0x59: {  	_ =	shalt  }
0x5a: {  	_ =	shalt  }
0x5b: {  	_ =	shalt  }
0x5c: {  	_ =	shalt  }
0x5d: {  	_ =	shalt  }
0x5e: {  	_ =	shalt  }
0x5f: {  	_ =	shalt  }
0x60: {  	_ =	shalt  }
0x61: {  	_ =	shalt  }
0x62: {  	_ =	shalt  }
0x63: {  	_ =	shalt  }
0x64: {  	_ =	shalt  }
0x65: {  	_ =	shalt  }
0x66: {  	_ =	shalt  }
0x67: {  	_ =	shalt  }
0x68: {  	_ =	shalt  }
0x69: {  	_ =	shalt  }
0x6a: {  	_ =	shalt  }
0x6b: {  	_ =	shalt  }
0x6c: {  	_ =	shalt  }
0x6d: {  	_ =	shalt  }
0x6e: {  	_ =	shalt  }
0x6f: {  	_ =	shalt  }
0x70: {  	_ =	shalt  }
0x71: {  	_ =	shalt  }
0x72: {  	_ =	shalt  }
0x73: {  	_ =	shalt  }
0x74: {  	_ =	shalt  }
0x75: {  	_ =	shalt  }
0x76: {  	_ =	shalt  }
0x77: {  	_ =	shalt  }
0x78: {  	_ =	shalt  }
0x79: {  	_ =	shalt  }
0x7a: {  	_ =	shalt  }
0x7b: {  	_ =	shalt  }
0x7c: {  	_ =	shalt  }
0x7d: {  	_ =	shalt  }
0x7e: {  	_ =	shalt  }
0x7f: {  	_ =	shalt  }
0x80: {  	_ =	shalt  }
0x81: {  	_ =	shalt  }
0x82: {  	_ =	shalt  }
0x83: {  	_ =	shalt  }
0x84: {  	_ =	shalt  }
0x85: {  	_ =	shalt  }
0x86: {  	_ =	shalt  }
0x87: {  	_ =	shalt  }
.Lfunc_end0:
.L_simem_size_0:
called_computation_lowered:
.L_overlay_start_0:
0x88: {  	s2 =	sld [smem:$0x3FD9]  }
0x89: {  	s3 =	sld [smem:$0x3FFE];
	_ =	sdelay $0x1  }
0x8a: {  	s1 =	srdreg.scid  }
0x8b: {  	s0 =	sand.u32 $0x1, s1  }
0x8c: {  	s16 =	sshll.u32 s0, $0xA;
	s2 =	sadd.s32 s3, s2  }
0x8d: {  	s2 =	sadd.s32 s2, s16  }
0x8e: {  	[smem:$0x3FB9] =	sst s2  }
0x8f: {  	_ = 	snop  }
0x90: {  	(tm) =	ssettm $0x1  }
0x91: {  	s17 =	sld [smem:$0x3FFB];
	_ =	sdelay $0x3  }
0x92: {  	_ =	strace s17  }
0x93: {  	s2 =	sld [smem:$0x3FFC];
	_ =	sdelay $0x3  }
0x94: {  	_ =	strace s2  }
0x95: {  	s2 =	sld [smem:$0x3FFD];
	_ =	sdelay $0x3  }
0x96: {  	_ =	strace s2  }
0x97: {  	_ =	strace $0x8FFFFFFF  }
0x98: {  	s18 =	sld [smem:$0x3FDB];
	_ =	sdelay $0x1  }
0x99: {  	s19 =	simm.s32 $_scs_section_size  }
0x9a: {  	s4 =	simm.s32 $_size__tile_overlayer_lowered;
	s5 =	simm.s32 $_tile_overlayer_lowered  }
0x9b: {  	s22 =	simm.s32 $0x1BFF;
	s21 =	sshll.u32 s5, $0x1;
	s2 =	sadd.s32 s19, s18  }
0x9c: {  	s6 =	simm.s32 $0x0;
	s20 =	sshll.u32 s4, $0x1;
	s4 =	sadd.s32 s21, s2  }
0x9d: {  	[timem:s6], [sflag:s22] =	dma.local [hbm:s4], s20  }
0x9e: {  	_ =	swait.ge [sflag:s22], s20  }
0x9f: {  	s3 =	ssub.s32 $0x0, s20;
	[sflag:s22] =	ssyncset.done $0x0  }
0xa0: {  	[sflag:s22] =	ssyncadd.s32 s3;
	_ =	sdelay $0x1  }
0xa1: {  	s23 =	simm.s32 $0x1B8B  }
0xa2: {  	_ =	swait.ge [sflag:s23], $0x1  }
0xa3: {  	[sflag:s23] =	ssyncset.done $0x0  }
0xa4: {  	s25 =	simm.s32 $0x1B8E;
	s24 =	sld [smem:$0x3FFE];
	[sflag:s23] =	ssyncadd.s32 $0xFFFFFFFF  }
0xa5: {  	s26 =	simm.s32 $execute0_lowered;
	[smem:$0x3FD2] =	sst s25  }
0xa6: {  	s4 =	sshll.u32 s26, $0x1;
	_ =	strace $0x80000046;
	[dreg:$0x1] =	wrdreg $0xFFFFFFFF  }
0xa7: {  	s28 =	simm.s32 $_size_execute0_lowered;
	s2 =	sadd.s32 s2, s4;
	[dreg:$0x0] =	wrdreg $0x0  }
0xa8: {  	s4 =	sshll.u32 s28, $0x1;
	[dreg:$0x2] =	wrdreg s2  }
0xa9: {  	[dreg:$0x3] =	wrdreg s4  }
0xaa: {  	[dreg:$0x4] =	wrdreg $0xC0  }
0xab: {  	_ =	task [dreg:s6], $0x5FFFF  }
0xac: {  	[dreg:$0x1] =	wrdreg $0xFFFFFFFF  }
0xad: {  	[dreg:$0x0] =	wrdreg $0x60  }
0xae: {  	[dreg:$0x2] =	wrdreg s24  }
0xaf: {  	[dreg:$0x3] =	wrdreg $0x9  }
0xb0: {  	_ =	task.clear_ibuf [dreg:s6], $0x4FFFF;
	_ =	strace $0x90000046  }
0xb1: {  	s29 =	simm.s32 $0x9;
	_ =	strace $0x80000048  }
0xb2: {  	_ =	swait.ge [sflag:s29], $0x1  }
0xb3: {  	[sflag:s29] =	ssyncadd.s32 $0xFFFFFFFF  }
0xb4: {  	_ =	strace $0x90000048  }
0xb5: {  	_ =	sfence  }
0xb6: {  	s30 =	sld [smem:$0x0];
	_ =	sdelay $0x2  }
0xb7: {  	s31 =	sshll.u32 s1, $0xD;
	s1 =	sshrl.u32 s1, $0x2  }
0xb8: {  	s3 =	sand.u32 $0x4000, s31;
	s1 =	sadd.s32 s1, s30  }
0xb9: {  	s0 =	sor.u32 s3, s0;
	s1 =	sshll.u32 s1, $0x11  }
0xba: {  	s0 =	sor.u32 s1, s0  }
0xbb: {  	s0 =	sadd.s32 $0x8F2B, s0  }
0xbc: {  	[sflag:s0] =	ssyncadd.remote.s32 $0x1  }
0xbd: {  	_ =	sfence.sel $0xFFFF  }
0xbe: {  	[dreg:$0x0] =	wrdreg $0xFFFFFFFF;
	(pc) =	sbr.abs _section_cstart, $3  }
0xbf: {  	[dreg:$0x1] =	wrdreg $0xFFFFFFFF  }
0xc0: {  	_ =	task.clear_ibuf [dreg:s6], $0x2FFFF;
	_ =	strace $0x9FFFFFFF  }
0xc1: {  	(tm) =	ssettm $0x7FFFFFFF  }
tec
execute0_lowered:
.L_overlay_start_1:
0x0: {  	(tag) =	ssettag $0x1  }
0x1: {  	s1 =	srdreg.scid;
	s0 =	stileid.u32  }
0x2: {  	s1 =	sand.u32 $0x1, s1;
	s2 =	sshll.u32 s0, $0x1  }
0x3: {  	s3 =	rddreg [dreg:$0x0];
	s4 =	sor.u32 s1, s2;
	s2 =	simm.s32 $0x0  }
0x4: {  	s21 =	simm.s32 $0xD80;
	[smem:$0x7FF] =	sst s2  }
0x5: {  	s22 =	simm.s32 $0x2A00;
	_ =	strace $0x80000047;
	[dreg:$0x4] =	wrdreg s21  }
0x6: {  	s23 =	simm.s32 $0xE00;
	[dreg:$0x5] =	wrdreg s22  }
0x7: {  	s24 =	simm.s32 $0x3A00;
	[dreg:$0x6] =	wrdreg s23  }
0x8: {  	s25 =	simm.s32 $0xE80;
	[dreg:$0x7] =	wrdreg s24  }
0x9: {  	s26 =	simm.s32 $0x4A00;
	[dreg:$0x8] =	wrdreg s25  }
0xa: {  	s0 =	simm.s32 $0xF00;
	[dreg:$0x9] =	wrdreg s26  }
0xb: {  	s6 =	simm.s32 $0xF80;
	[dreg:$0xa] =	wrdreg s0  }
0xc: {  	s7 =	simm.s32 $0x6A00;
	[dreg:$0xc] =	wrdreg s6  }
0xd: {  	s8 =	simm.s32 $0x7A00;
	[dreg:$0xd] =	wrdreg s7  }
0xe: {  	s9 =	simm.s32 $0x1080;
	[dreg:$0xe] =	wrdreg s8  }
0xf: {  	v0 =	vlaneseq.u32;
	s10 =	simm.s32 $0x8A00;
	s11 =	simm.s32 $0x1100;
	[dreg:$0xf] =	wrdreg s9  }
0x10: {  	s12 =	simm.s32 $0x9A00;
	s13 =	simm.s32 $0x1180;
	v0 =	vmul.u32 $0x1A, v0;
	[dreg:$0x10] =	wrdreg s10  }
0x11: {  	s14 =	simm.s32 $0xAA00;
	s15 =	simm.s32 $0x1200;
	[dreg:$0x11] =	wrdreg s11  }
0x12: {  	s16 =	simm.s32 $0xBA00;
	s17 =	simm.s32 $0x1280;
	v1 =	vadd.s32 $0x1A0, v0;
	v3 =	vadd.s32 $0x4E0, v0;
	v4 =	vadd.s32 $0x680, v0;
	[dreg:$0x12] =	wrdreg s12  }
0x13: {  	s18 =	simm.s32 $0xCA00;
	s20 =	simm.s32 $0x1300;
	v5 =	vadd.s32 $0x820, v0;
	v6 =	vadd.s32 $0x9C0, v0;
	v7 =	vadd.s32 $0xB60, v0;
	[dreg:$0x13] =	wrdreg s13  }
0x14: {  	s28 =	simm.s32 $0x18A00;
	s29 =	simm.s32 $0x1900;
	v8 =	vor.u32 $0x1, v0;
	v9 =	vadd.s32 $0x1A1, v0;
	v10 =	vadd.s32 $0x341, v0;
	[dreg:$0x14] =	wrdreg s14  }
0x15: {  	s30 =	simm.s32 $0x19A00;
	s31 =	simm.s32 $0x1980;
	v11 =	vadd.s32 $0x4E1, v0;
	v12 =	vadd.s32 $0x681, v0;
	v13 =	vadd.s32 $0x821, v0;
	[dreg:$0x15] =	wrdreg s15  }
0x16: {  	s1 =	ssub.s32 $0x2, s1;
	s5 =	sshll.u32 s4, $0x4;
	v14 =	vadd.s32 $0x9C1, v0;
	v15 =	vadd.s32 $0xB61, v0;
	v16 =	vadd.s32 $0x2, v0;
	[dreg:$0x16] =	wrdreg s16  }
0x17: {  	s4 =	smul.u32 $0x3400, s4;
	v17 =	vadd.s32 $0x1A2, v0;
	v18 =	vadd.s32 $0x342, v0;
	s19 =	sshrl.u32 s1, $0x1;
	v19 =	vadd.s32 $0x4E2, v0;
	[dreg:$0x17] =	wrdreg s17  }
0x18: {  	v20 =	vadd.s32 $0x682, v0;
	v21 =	vadd.s32 $0x822, v0;
	v22 =	vadd.s32 $0x9C2, v0;
	s5 =	sadd.s32 s5, s3;
	[dreg:$0x18] =	wrdreg s18;
	s1 =	ssub.s32 s1, s19  }
0x19: {  	v23 =	vadd.s32 $0xB62, v0;
	v24 =	vadd.s32 $0x3, v0;
	v25 =	vadd.s32 $0x1A3, v0;
	[dreg:$0x19] =	wrdreg s20;
	s21 =	simm.s32 $0xDA00;
	s22 =	simm.s32 $0x1380  }
0x1a: {  	v26 =	vadd.s32 $0x343, v0;
	v27 =	vadd.s32 $0x4E3, v0;
	v28 =	vadd.s32 $0x683, v0;
	s23 =	simm.s32 $0xEA00;
	s6 =	simm.s32 $0x1000;
	s24 =	simm.s32 $0x1400  }
0x1b: {  	v29 =	vadd.s32 $0x823, v0;
	v30 =	vadd.s32 $0x9C3, v0;
	v31 =	vadd.s32 $0xB63, v0;
	s7 =	simm.s32 $0x2;
	s25 =	simm.s32 $0xFA00;
	s8 =	simm.s32 $0xD00  }
0x1c: {  	v32 =	vadd.s32 $0x4, v0;
	v33 =	vadd.s32 $0x1A4, v0;
	v34 =	vadd.s32 $0x344, v0;
	s26 =	simm.s32 $0x1480;
	s9 =	simm.s32 $0x1A00;
	s10 =	simm.s32 $0x1  }
0x1d: {  	v35 =	vadd.s32 $0x4E4, v0;
	v36 =	vadd.s32 $0x684, v0;
	v37 =	vadd.s32 $0x824, v0;
	s14 =	simm.s32 $0x1580;
	s15 =	simm.s32 $0x12A00;
	[dreg:$0x1a] =	wrdreg s21  }
0x1e: {  	v38 =	vadd.s32 $0x9C4, v0;
	v39 =	vadd.s32 $0xB64, v0;
	v40 =	vadd.s32 $0x5, v0;
	s16 =	simm.s32 $0x1600;
	s17 =	simm.s32 $0x13A00;
	[dreg:$0x1b] =	wrdreg s22  }
0x1f: {  	v41 =	vadd.s32 $0x1A5, v0;
	v42 =	vadd.s32 $0x345, v0;
	v43 =	vadd.s32 $0x4E5, v0;
	s18 =	simm.s32 $0x1680;
	s19 =	simm.s32 $0x14A00;
	[dreg:$0x1c] =	wrdreg s23  }
0x20: {  	v44 =	vadd.s32 $0x685, v0;
	v45 =	vadd.s32 $0x825, v0;
	v46 =	vadd.s32 $0x9C5, v0;
	s20 =	simm.s32 $0x1700;
	s4 =	sadd.s32 s4, s3;
	[dreg:$0x1d] =	wrdreg s24  }
0x21: {  	v47 =	vadd.s32 $0xB65, v0;
	v48 =	vadd.s32 $0x6, v0;
	v49 =	vadd.s32 $0x1A6, v0;
	s5 =	sadd.s32 $0x2200, s5;
	s3 =	sadd.s32 $0x27AE600, s3;
	[dreg:$0x1e] =	wrdreg s25  }
0x22: {  	v50 =	vadd.s32 $0x346, v0;
	v51 =	vadd.s32 $0x4E6, v0;
	v52 =	vadd.s32 $0x686, v0;
	[dreg:$0x1f] =	wrdreg s26;
	s21 =	simm.s32 $0x15A00;
	s22 =	simm.s32 $0x1780  }
0x23: {  	v53 =	vadd.s32 $0x826, v0;
	v54 =	vadd.s32 $0x9C6, v0;
	v55 =	vadd.s32 $0xB66, v0;
	s23 =	simm.s32 $0x16A00;
	[dreg:$0x2] =	wrdreg s5;
	s4 =	sadd.s32 $0x5600, s4  }
0x24: {  	v56 =	vadd.s32 $0x7, v0;
	v57 =	vadd.s32 $0x1A7, v0;
	v58 =	vadd.s32 $0x347, v0;
	s24 =	simm.s32 $0x1800;
	s5 =	simm.s32 $0x5A00;
	[dreg:$0x3] =	wrdreg s4  }
0x25: {  	v59 =	vadd.s32 $0x4E7, v0;
	v60 =	vadd.s32 $0x687, v0;
	[tilespmem:$0x1FFE0] =	vst v1;
	v1 =	vadd.s32 $0x340, v0;
	s25 =	simm.s32 $0x17A00;
	s26 =	simm.s32 $0x1880;
	[dreg:$0xb] =	wrdreg s5  }
0x26: {  	v61 =	vadd.s32 $0x827, v0;
	v62 =	vadd.s32 $0x9C7, v0;
	v63 =	vadd.s32 $0xB67, v0;
	[tilespmem:$0x1FFF0] =	vst v1;
	s4 =	smax.u32 s1, $0x1;
	s5 =	simm.s32 $0x80;
	s1 =	simm.s32 $0x1AA00  }
.LBB2_1:
0x27: {  	s0 =	rddreg [dreg:$0x2]  }
0x28: {  	[tilespmem:s2], [sflag:$0x2] =	stream.strided.gather [hbm4b:s0+s5], $0xD00, s6, s5, $0x38;
	[tilespmem:$0x1BA00] =	vst v63  }
0x29: {  	_ =	swait.ge [sflag:s7], $0xD00  }
0x2a: {  	[sflag:s7] =	ssyncset.done $0x0  }
0x2b: {  	[sflag:s7] =	ssyncadd.s32 $0xFFFFF300  }
0x2c: {  	v1 =	vld [tilespmem:$0x0];
	_ =	sdelay $0x2  }
0x2d: {  	v2 =	vld [tilespmem:$0x1FFE0];
	_ =	sdelay $0x1  }
0x2e: {  	[tilespmem:v0+s8+$0x0] =	vst.idx.msk $0xffff, v1  }
0x2f: {  	v1 =	vld [tilespmem:$0x10];
	_ =	sdelay $0x4  }
0x30: {  	[tilespmem:v2+s8+$0x0] =	vst.idx.msk $0xffff, v1;
	v2 =	vld [tilespmem:$0x1FFF0];
	_ =	sdelay $0x2  }
0x31: {  	v1 =	vld [tilespmem:$0x20];
	_ =	sdelay $0x4  }
0x32: {  	[tilespmem:v2+s8+$0x0] =	vst.idx.msk $0xffff, v1  }
0x33: {  	v1 =	vld [tilespmem:$0x30];
	_ =	sdelay $0x4  }
0x34: {  	[tilespmem:v3+s8+$0x0] =	vst.idx.msk $0xffff, v1  }
0x35: {  	v1 =	vld [tilespmem:$0x40];
	_ =	sdelay $0x4  }
0x36: {  	[tilespmem:v4+s8+$0x0] =	vst.idx.msk $0xffff, v1  }
0x37: {  	v1 =	vld [tilespmem:$0x50];
	_ =	sdelay $0x4  }
0x38: {  	[tilespmem:v5+s8+$0x0] =	vst.idx.msk $0xffff, v1  }
0x39: {  	v1 =	vld [tilespmem:$0x60];
	_ =	sdelay $0x4  }
0x3a: {  	[tilespmem:v6+s8+$0x0] =	vst.idx.msk $0xffff, v1  }
0x3b: {  	v1 =	vld [tilespmem:$0x70];
	_ =	sdelay $0x4  }
0x3c: {  	[tilespmem:v7+s8+$0x0] =	vst.idx.msk $0xffff, v1  }
0x3d: {  	v1 =	vld [tilespmem:$0x80];
	_ =	sdelay $0x4  }
0x3e: {  	v1 =	vadd.s32 $0x186A0, v1  }
0x3f: {  	[tilespmem:v8+s8+$0x0] =	vst.idx.msk $0xffff, v1  }
0x40: {  	v1 =	vld [tilespmem:$0x90];
	_ =	sdelay $0x4  }
0x41: {  	v1 =	vadd.s32 $0x186A0, v1  }
0x42: {  	[tilespmem:v9+s8+$0x0] =	vst.idx.msk $0xffff, v1  }
0x43: {  	v1 =	vld [tilespmem:$0xA0];
	_ =	sdelay $0x4  }
0x44: {  	v1 =	vadd.s32 $0x186A0, v1  }
0x45: {  	[tilespmem:v10+s8+$0x0] =	vst.idx.msk $0xffff, v1  }
0x46: {  	v1 =	vld [tilespmem:$0xB0];
	_ =	sdelay $0x4  }
0x47: {  	v1 =	vadd.s32 $0x186A0, v1  }
0x48: {  	[tilespmem:v11+s8+$0x0] =	vst.idx.msk $0xffff, v1  }
0x49: {  	v1 =	vld [tilespmem:$0xC0];
	_ =	sdelay $0x4  }
0x4a: {  	v1 =	vadd.s32 $0x186A0, v1  }
0x4b: {  	[tilespmem:v12+s8+$0x0] =	vst.idx.msk $0xffff, v1  }
0x4c: {  	v1 =	vld [tilespmem:$0xD0];
	_ =	sdelay $0x4  }
0x4d: {  	v1 =	vadd.s32 $0x186A0, v1  }
0x4e: {  	[tilespmem:v13+s8+$0x0] =	vst.idx.msk $0xffff, v1  }
0x4f: {  	v1 =	vld [tilespmem:$0xE0];
	_ =	sdelay $0x4  }
0x50: {  	v1 =	vadd.s32 $0x186A0, v1  }
0x51: {  	[tilespmem:v14+s8+$0x0] =	vst.idx.msk $0xffff, v1  }
0x52: {  	v1 =	vld [tilespmem:$0xF0];
	_ =	sdelay $0x4  }
0x53: {  	v1 =	vadd.s32 $0x186A0, v1  }
0x54: {  	[tilespmem:v15+s8+$0x0] =	vst.idx.msk $0xffff, v1  }
0x55: {  	v1 =	vld [tilespmem:$0x100];
	_ =	sdelay $0x4  }
0x56: {  	v1 =	vadd.s32 $0x30D40, v1  }
0x57: {  	[tilespmem:v16+s8+$0x0] =	vst.idx.msk $0xffff, v1  }
0x58: {  	v1 =	vld [tilespmem:$0x110];
	_ =	sdelay $0x4  }
0x59: {  	v1 =	vadd.s32 $0x30D40, v1  }
0x5a: {  	[tilespmem:v17+s8+$0x0] =	vst.idx.msk $0xffff, v1  }
0x5b: {  	v1 =	vld [tilespmem:$0x120];
	_ =	sdelay $0x4  }
0x5c: {  	v1 =	vadd.s32 $0x30D40, v1  }
0x5d: {  	[tilespmem:v18+s8+$0x0] =	vst.idx.msk $0xffff, v1  }
0x5e: {  	v1 =	vld [tilespmem:$0x130];
	_ =	sdelay $0x4  }
0x5f: {  	v1 =	vadd.s32 $0x30D40, v1  }
0x60: {  	[tilespmem:v19+s8+$0x0] =	vst.idx.msk $0xffff, v1  }
0x61: {  	v1 =	vld [tilespmem:$0x140];
	_ =	sdelay $0x4  }
0x62: {  	v1 =	vadd.s32 $0x30D40, v1  }
0x63: {  	[tilespmem:v20+s8+$0x0] =	vst.idx.msk $0xffff, v1  }
0x64: {  	v1 =	vld [tilespmem:$0x150];
	_ =	sdelay $0x4  }
0x65: {  	v1 =	vadd.s32 $0x30D40, v1  }
0x66: {  	[tilespmem:v21+s8+$0x0] =	vst.idx.msk $0xffff, v1  }
0x67: {  	v1 =	vld [tilespmem:$0x160];
	_ =	sdelay $0x4  }
0x68: {  	v1 =	vadd.s32 $0x30D40, v1  }
0x69: {  	[tilespmem:v22+s8+$0x0] =	vst.idx.msk $0xffff, v1  }
0x6a: {  	v1 =	vld [tilespmem:$0x170];
	_ =	sdelay $0x4  }
0x6b: {  	v1 =	vadd.s32 $0x30D40, v1  }
0x6c: {  	[tilespmem:v23+s8+$0x0] =	vst.idx.msk $0xffff, v1  }
0x6d: {  	v1 =	vld [tilespmem:$0x180];
	_ =	sdelay $0x4  }
0x6e: {  	v1 =	vadd.s32 $0x493E0, v1  }
0x6f: {  	[tilespmem:v24+s8+$0x0] =	vst.idx.msk $0xffff, v1  }
0x70: {  	v1 =	vld [tilespmem:$0x190];
	_ =	sdelay $0x4  }
0x71: {  	v1 =	vadd.s32 $0x493E0, v1  }
0x72: {  	[tilespmem:v25+s8+$0x0] =	vst.idx.msk $0xffff, v1  }
0x73: {  	v1 =	vld [tilespmem:$0x1A0];
	_ =	sdelay $0x4  }
0x74: {  	v1 =	vadd.s32 $0x493E0, v1  }
0x75: {  	[tilespmem:v26+s8+$0x0] =	vst.idx.msk $0xffff, v1  }
0x76: {  	v1 =	vld [tilespmem:$0x1B0];
	_ =	sdelay $0x4  }
0x77: {  	v1 =	vadd.s32 $0x493E0, v1  }
0x78: {  	[tilespmem:v27+s8+$0x0] =	vst.idx.msk $0xffff, v1  }
0x79: {  	v1 =	vld [tilespmem:$0x1C0];
	_ =	sdelay $0x4  }
0x7a: {  	v1 =	vadd.s32 $0x493E0, v1  }
0x7b: {  	[tilespmem:v28+s8+$0x0] =	vst.idx.msk $0xffff, v1  }
0x7c: {  	v1 =	vld [tilespmem:$0x1D0];
	_ =	sdelay $0x4  }
0x7d: {  	v1 =	vadd.s32 $0x493E0, v1  }
0x7e: {  	[tilespmem:v29+s8+$0x0] =	vst.idx.msk $0xffff, v1  }
0x7f: {  	v1 =	vld [tilespmem:$0x1E0];
	_ =	sdelay $0x4  }
0x80: {  	v1 =	vadd.s32 $0x493E0, v1  }
0x81: {  	[tilespmem:v30+s8+$0x0] =	vst.idx.msk $0xffff, v1  }
0x82: {  	v1 =	vld [tilespmem:$0x1F0];
	_ =	sdelay $0x4  }
0x83: {  	v1 =	vadd.s32 $0x493E0, v1  }
0x84: {  	[tilespmem:v31+s8+$0x0] =	vst.idx.msk $0xffff, v1  }
0x85: {  	v1 =	vld [tilespmem:$0x200];
	_ =	sdelay $0x4  }
0x86: {  	v1 =	vadd.s32 $0x61A80, v1  }
0x87: {  	[tilespmem:v32+s8+$0x0] =	vst.idx.msk $0xffff, v1  }
0x88: {  	v1 =	vld [tilespmem:$0x210];
	_ =	sdelay $0x4  }
0x89: {  	v1 =	vadd.s32 $0x61A80, v1  }
0x8a: {  	[tilespmem:v33+s8+$0x0] =	vst.idx.msk $0xffff, v1  }
0x8b: {  	v1 =	vld [tilespmem:$0x220];
	_ =	sdelay $0x4  }
0x8c: {  	v1 =	vadd.s32 $0x61A80, v1  }
0x8d: {  	[tilespmem:v34+s8+$0x0] =	vst.idx.msk $0xffff, v1  }
0x8e: {  	v1 =	vld [tilespmem:$0x230];
	_ =	sdelay $0x4  }
0x8f: {  	v1 =	vadd.s32 $0x61A80, v1  }
0x90: {  	[tilespmem:v35+s8+$0x0] =	vst.idx.msk $0xffff, v1  }
0x91: {  	v1 =	vld [tilespmem:$0x240];
	_ =	sdelay $0x4  }
0x92: {  	v1 =	vadd.s32 $0x61A80, v1  }
0x93: {  	[tilespmem:v36+s8+$0x0] =	vst.idx.msk $0xffff, v1  }
0x94: {  	v1 =	vld [tilespmem:$0x250];
	_ =	sdelay $0x4  }
0x95: {  	v1 =	vadd.s32 $0x61A80, v1  }
0x96: {  	[tilespmem:v37+s8+$0x0] =	vst.idx.msk $0xffff, v1  }
0x97: {  	v1 =	vld [tilespmem:$0x260];
	_ =	sdelay $0x4  }
0x98: {  	v1 =	vadd.s32 $0x61A80, v1  }
0x99: {  	[tilespmem:v38+s8+$0x0] =	vst.idx.msk $0xffff, v1  }
0x9a: {  	v1 =	vld [tilespmem:$0x270];
	_ =	sdelay $0x4  }
0x9b: {  	v1 =	vadd.s32 $0x61A80, v1  }
0x9c: {  	[tilespmem:v39+s8+$0x0] =	vst.idx.msk $0xffff, v1  }
0x9d: {  	v1 =	vld [tilespmem:$0x280];
	_ =	sdelay $0x4  }
0x9e: {  	v1 =	vadd.s32 $0x7A120, v1  }
0x9f: {  	[tilespmem:v40+s8+$0x0] =	vst.idx.msk $0xffff, v1  }
0xa0: {  	v1 =	vld [tilespmem:$0x290];
	_ =	sdelay $0x4  }
0xa1: {  	v1 =	vadd.s32 $0x7A120, v1  }
0xa2: {  	[tilespmem:v41+s8+$0x0] =	vst.idx.msk $0xffff, v1  }
0xa3: {  	v1 =	vld [tilespmem:$0x2A0];
	_ =	sdelay $0x4  }
0xa4: {  	v1 =	vadd.s32 $0x7A120, v1  }
0xa5: {  	[tilespmem:v42+s8+$0x0] =	vst.idx.msk $0xffff, v1  }
0xa6: {  	v1 =	vld [tilespmem:$0x2B0];
	_ =	sdelay $0x4  }
0xa7: {  	v1 =	vadd.s32 $0x7A120, v1  }
0xa8: {  	[tilespmem:v43+s8+$0x0] =	vst.idx.msk $0xffff, v1  }
0xa9: {  	v1 =	vld [tilespmem:$0x2C0];
	_ =	sdelay $0x4  }
0xaa: {  	v1 =	vadd.s32 $0x7A120, v1  }
0xab: {  	[tilespmem:v44+s8+$0x0] =	vst.idx.msk $0xffff, v1  }
0xac: {  	v1 =	vld [tilespmem:$0x2D0];
	_ =	sdelay $0x4  }
0xad: {  	v1 =	vadd.s32 $0x7A120, v1  }
0xae: {  	[tilespmem:v45+s8+$0x0] =	vst.idx.msk $0xffff, v1  }
0xaf: {  	v1 =	vld [tilespmem:$0x2E0];
	_ =	sdelay $0x4  }
0xb0: {  	v1 =	vadd.s32 $0x7A120, v1  }
0xb1: {  	[tilespmem:v46+s8+$0x0] =	vst.idx.msk $0xffff, v1  }
0xb2: {  	v1 =	vld [tilespmem:$0x2F0];
	_ =	sdelay $0x4  }
0xb3: {  	v1 =	vadd.s32 $0x7A120, v1  }
0xb4: {  	[tilespmem:v47+s8+$0x0] =	vst.idx.msk $0xffff, v1  }
0xb5: {  	v1 =	vld [tilespmem:$0x300];
	_ =	sdelay $0x4  }
0xb6: {  	v1 =	vadd.s32 $0x927C0, v1  }
0xb7: {  	[tilespmem:v48+s8+$0x0] =	vst.idx.msk $0xffff, v1  }
0xb8: {  	v1 =	vld [tilespmem:$0x310];
	_ =	sdelay $0x4  }
0xb9: {  	v1 =	vadd.s32 $0x927C0, v1  }
0xba: {  	[tilespmem:v49+s8+$0x0] =	vst.idx.msk $0xffff, v1  }
0xbb: {  	v1 =	vld [tilespmem:$0x320];
	_ =	sdelay $0x4  }
0xbc: {  	v1 =	vadd.s32 $0x927C0, v1  }
0xbd: {  	[tilespmem:v50+s8+$0x0] =	vst.idx.msk $0xffff, v1  }
0xbe: {  	v1 =	vld [tilespmem:$0x330];
	_ =	sdelay $0x4  }
0xbf: {  	v1 =	vadd.s32 $0x927C0, v1  }
0xc0: {  	[tilespmem:v51+s8+$0x0] =	vst.idx.msk $0xffff, v1  }
0xc1: {  	v1 =	vld [tilespmem:$0x340];
	_ =	sdelay $0x4  }
0xc2: {  	v1 =	vadd.s32 $0x927C0, v1  }
0xc3: {  	[tilespmem:v52+s8+$0x0] =	vst.idx.msk $0xffff, v1  }
0xc4: {  	v1 =	vld [tilespmem:$0x350];
	_ =	sdelay $0x4  }
0xc5: {  	v1 =	vadd.s32 $0x927C0, v1  }
0xc6: {  	[tilespmem:v53+s8+$0x0] =	vst.idx.msk $0xffff, v1  }
0xc7: {  	v1 =	vld [tilespmem:$0x360];
	_ =	sdelay $0x4  }
0xc8: {  	v1 =	vadd.s32 $0x927C0, v1  }
0xc9: {  	[tilespmem:v54+s8+$0x0] =	vst.idx.msk $0xffff, v1  }
0xca: {  	v1 =	vld [tilespmem:$0x370];
	_ =	sdelay $0x4  }
0xcb: {  	v1 =	vadd.s32 $0x927C0, v1  }
0xcc: {  	[tilespmem:v55+s8+$0x0] =	vst.idx.msk $0xffff, v1  }
0xcd: {  	v1 =	vld [tilespmem:$0x380];
	_ =	sdelay $0x4  }
0xce: {  	v1 =	vadd.s32 $0xAAE60, v1  }
0xcf: {  	[tilespmem:v56+s8+$0x0] =	vst.idx.msk $0xffff, v1  }
0xd0: {  	v1 =	vld [tilespmem:$0x390];
	_ =	sdelay $0x4  }
0xd1: {  	v1 =	vadd.s32 $0xAAE60, v1  }
0xd2: {  	[tilespmem:v57+s8+$0x0] =	vst.idx.msk $0xffff, v1  }
0xd3: {  	v1 =	vld [tilespmem:$0x3A0];
	_ =	sdelay $0x4  }
0xd4: {  	v1 =	vadd.s32 $0xAAE60, v1  }
0xd5: {  	[tilespmem:v58+s8+$0x0] =	vst.idx.msk $0xffff, v1  }
0xd6: {  	v1 =	vld [tilespmem:$0x3B0];
	_ =	sdelay $0x4  }
0xd7: {  	v1 =	vadd.s32 $0xAAE60, v1  }
0xd8: {  	[tilespmem:v59+s8+$0x0] =	vst.idx.msk $0xffff, v1  }
0xd9: {  	v1 =	vld [tilespmem:$0x3C0];
	_ =	sdelay $0x4  }
0xda: {  	v1 =	vadd.s32 $0xAAE60, v1  }
0xdb: {  	[tilespmem:v60+s8+$0x0] =	vst.idx.msk $0xffff, v1  }
0xdc: {  	v1 =	vld [tilespmem:$0x3D0];
	_ =	sdelay $0x4  }
0xdd: {  	v1 =	vadd.s32 $0xAAE60, v1  }
0xde: {  	[tilespmem:v61+s8+$0x0] =	vst.idx.msk $0xffff, v1  }
0xdf: {  	v1 =	vld [tilespmem:$0x3E0];
	_ =	sdelay $0x4  }
0xe0: {  	v1 =	vadd.s32 $0xAAE60, v1  }
0xe1: {  	[tilespmem:v62+s8+$0x0] =	vst.idx.msk $0xffff, v1  }
0xe2: {  	v1 =	vld [tilespmem:$0x3F0];
	_ =	sdelay $0x4  }
0xe3: {  	v1 =	vadd.s32 $0xAAE60, v1  }
0xe4: {  	[tilespmem:v63+s8+$0x0] =	vst.idx.msk $0xffff, v1  }
0xe5: {  	v1 =	vld [tilespmem:$0x400]  }
0xe6: {  	v2 =	vadd.s32 $0x8, v0;
	_ =	sdelay $0x3  }
0xe7: {  	v1 =	vadd.s32 $0xC3500, v1  }
0xe8: {  	[tilespmem:v2+s8+$0x0] =	vst.idx.msk $0xffff, v1  }
0xe9: {  	v1 =	vld [tilespmem:$0x410]  }
0xea: {  	v2 =	vadd.s32 $0x1A8, v0;
	_ =	sdelay $0x3  }
0xeb: {  	v1 =	vadd.s32 $0xC3500, v1  }
0xec: {  	[tilespmem:v2+s8+$0x0] =	vst.idx.msk $0xffff, v1  }
0xed: {  	v1 =	vld [tilespmem:$0x420]  }
0xee: {  	v2 =	vadd.s32 $0x348, v0;
	_ =	sdelay $0x3  }
0xef: {  	v1 =	vadd.s32 $0xC3500, v1  }
0xf0: {  	[tilespmem:v2+s8+$0x0] =	vst.idx.msk $0xffff, v1  }
0xf1: {  	v1 =	vld [tilespmem:$0x430]  }
0xf2: {  	v2 =	vadd.s32 $0x4E8, v0;
	_ =	sdelay $0x3  }
0xf3: {  	v1 =	vadd.s32 $0xC3500, v1  }
0xf4: {  	[tilespmem:v2+s8+$0x0] =	vst.idx.msk $0xffff, v1  }
0xf5: {  	v1 =	vld [tilespmem:$0x440]  }
0xf6: {  	v2 =	vadd.s32 $0x688, v0;
	_ =	sdelay $0x3  }
0xf7: {  	v1 =	vadd.s32 $0xC3500, v1  }
0xf8: {  	[tilespmem:v2+s8+$0x0] =	vst.idx.msk $0xffff, v1  }
0xf9: {  	v1 =	vld [tilespmem:$0x450]  }
0xfa: {  	v2 =	vadd.s32 $0x828, v0;
	_ =	sdelay $0x3  }
0xfb: {  	v1 =	vadd.s32 $0xC3500, v1  }
0xfc: {  	[tilespmem:v2+s8+$0x0] =	vst.idx.msk $0xffff, v1  }
0xfd: {  	v1 =	vld [tilespmem:$0x460]  }
0xfe: {  	v2 =	vadd.s32 $0x9C8, v0;
	_ =	sdelay $0x3  }
0xff: {  	v1 =	vadd.s32 $0xC3500, v1  }
0x100: {  	[tilespmem:v2+s8+$0x0] =	vst.idx.msk $0xffff, v1  }
0x101: {  	v1 =	vld [tilespmem:$0x470]  }
0x102: {  	v2 =	vadd.s32 $0xB68, v0;
	_ =	sdelay $0x3  }
0x103: {  	v1 =	vadd.s32 $0xC3500, v1  }
0x104: {  	[tilespmem:v2+s8+$0x0] =	vst.idx.msk $0xffff, v1  }
0x105: {  	v1 =	vld [tilespmem:$0x480]  }
0x106: {  	v2 =	vadd.s32 $0x9, v0;
	_ =	sdelay $0x3  }
0x107: {  	v1 =	vadd.s32 $0xDBBA0, v1  }
0x108: {  	[tilespmem:v2+s8+$0x0] =	vst.idx.msk $0xffff, v1  }
0x109: {  	v1 =	vld [tilespmem:$0x490]  }
0x10a: {  	v2 =	vadd.s32 $0x1A9, v0;
	_ =	sdelay $0x3  }
0x10b: {  	v1 =	vadd.s32 $0xDBBA0, v1  }
0x10c: {  	[tilespmem:v2+s8+$0x0] =	vst.idx.msk $0xffff, v1  }
0x10d: {  	v1 =	vld [tilespmem:$0x4A0]  }
0x10e: {  	v2 =	vadd.s32 $0x349, v0;
	_ =	sdelay $0x3  }
0x10f: {  	v1 =	vadd.s32 $0xDBBA0, v1  }
0x110: {  	[tilespmem:v2+s8+$0x0] =	vst.idx.msk $0xffff, v1  }
0x111: {  	v1 =	vld [tilespmem:$0x4B0]  }
0x112: {  	v2 =	vadd.s32 $0x4E9, v0;
	_ =	sdelay $0x3  }
0x113: {  	v1 =	vadd.s32 $0xDBBA0, v1  }
0x114: {  	[tilespmem:v2+s8+$0x0] =	vst.idx.msk $0xffff, v1  }
0x115: {  	v1 =	vld [tilespmem:$0x4C0]  }
0x116: {  	v2 =	vadd.s32 $0x689, v0;
	_ =	sdelay $0x3  }
0x117: {  	v1 =	vadd.s32 $0xDBBA0, v1  }
0x118: {  	[tilespmem:v2+s8+$0x0] =	vst.idx.msk $0xffff, v1  }
0x119: {  	v1 =	vld [tilespmem:$0x4D0]  }
0x11a: {  	v2 =	vadd.s32 $0x829, v0;
	_ =	sdelay $0x3  }
0x11b: {  	v1 =	vadd.s32 $0xDBBA0, v1  }
0x11c: {  	[tilespmem:v2+s8+$0x0] =	vst.idx.msk $0xffff, v1  }
0x11d: {  	v1 =	vld [tilespmem:$0x4E0]  }
0x11e: {  	v2 =	vadd.s32 $0x9C9, v0;
	_ =	sdelay $0x3  }
0x11f: {  	v1 =	vadd.s32 $0xDBBA0, v1  }
0x120: {  	[tilespmem:v2+s8+$0x0] =	vst.idx.msk $0xffff, v1  }
0x121: {  	v1 =	vld [tilespmem:$0x4F0]  }
0x122: {  	v2 =	vadd.s32 $0xB69, v0;
	_ =	sdelay $0x3  }
0x123: {  	v1 =	vadd.s32 $0xDBBA0, v1  }
0x124: {  	[tilespmem:v2+s8+$0x0] =	vst.idx.msk $0xffff, v1  }
0x125: {  	v1 =	vld [tilespmem:$0x500]  }
0x126: {  	v2 =	vadd.s32 $0xA, v0;
	_ =	sdelay $0x3  }
0x127: {  	v1 =	vadd.s32 $0xF4240, v1  }
0x128: {  	[tilespmem:v2+s8+$0x0] =	vst.idx.msk $0xffff, v1  }
0x129: {  	v1 =	vld [tilespmem:$0x510]  }
0x12a: {  	v2 =	vadd.s32 $0x1AA, v0;
	_ =	sdelay $0x3  }
0x12b: {  	v1 =	vadd.s32 $0xF4240, v1  }
0x12c: {  	[tilespmem:v2+s8+$0x0] =	vst.idx.msk $0xffff, v1  }
0x12d: {  	v1 =	vld [tilespmem:$0x520]  }
0x12e: {  	v2 =	vadd.s32 $0x34A, v0;
	_ =	sdelay $0x3  }
0x12f: {  	v1 =	vadd.s32 $0xF4240, v1  }
0x130: {  	[tilespmem:v2+s8+$0x0] =	vst.idx.msk $0xffff, v1  }
0x131: {  	v1 =	vld [tilespmem:$0x530]  }
0x132: {  	v2 =	vadd.s32 $0x4EA, v0;
	_ =	sdelay $0x3  }
0x133: {  	v1 =	vadd.s32 $0xF4240, v1  }
0x134: {  	[tilespmem:v2+s8+$0x0] =	vst.idx.msk $0xffff, v1  }
0x135: {  	v1 =	vld [tilespmem:$0x540]  }
0x136: {  	v2 =	vadd.s32 $0x68A, v0;
	_ =	sdelay $0x3  }
0x137: {  	v1 =	vadd.s32 $0xF4240, v1  }
0x138: {  	[tilespmem:v2+s8+$0x0] =	vst.idx.msk $0xffff, v1  }
0x139: {  	v1 =	vld [tilespmem:$0x550]  }
0x13a: {  	v2 =	vadd.s32 $0x82A, v0;
	_ =	sdelay $0x3  }
0x13b: {  	v1 =	vadd.s32 $0xF4240, v1  }
0x13c: {  	[tilespmem:v2+s8+$0x0] =	vst.idx.msk $0xffff, v1  }
0x13d: {  	v1 =	vld [tilespmem:$0x560]  }
0x13e: {  	v2 =	vadd.s32 $0x9CA, v0;
	_ =	sdelay $0x3  }
0x13f: {  	v1 =	vadd.s32 $0xF4240, v1  }
0x140: {  	[tilespmem:v2+s8+$0x0] =	vst.idx.msk $0xffff, v1  }
0x141: {  	v1 =	vld [tilespmem:$0x570]  }
0x142: {  	v2 =	vadd.s32 $0xB6A, v0;
	_ =	sdelay $0x3  }
0x143: {  	v1 =	vadd.s32 $0xF4240, v1  }
0x144: {  	[tilespmem:v2+s8+$0x0] =	vst.idx.msk $0xffff, v1  }
0x145: {  	v1 =	vld [tilespmem:$0x580]  }
0x146: {  	v2 =	vadd.s32 $0xB, v0;
	_ =	sdelay $0x3  }
0x147: {  	v1 =	vadd.s32 $0x10C8E0, v1  }
0x148: {  	[tilespmem:v2+s8+$0x0] =	vst.idx.msk $0xffff, v1  }
0x149: {  	v1 =	vld [tilespmem:$0x590]  }
0x14a: {  	v2 =	vadd.s32 $0x1AB, v0;
	_ =	sdelay $0x3  }
0x14b: {  	v1 =	vadd.s32 $0x10C8E0, v1  }
0x14c: {  	[tilespmem:v2+s8+$0x0] =	vst.idx.msk $0xffff, v1  }
0x14d: {  	v1 =	vld [tilespmem:$0x5A0]  }
0x14e: {  	v2 =	vadd.s32 $0x34B, v0;
	_ =	sdelay $0x3  }
0x14f: {  	v1 =	vadd.s32 $0x10C8E0, v1  }
0x150: {  	[tilespmem:v2+s8+$0x0] =	vst.idx.msk $0xffff, v1  }
0x151: {  	v1 =	vld [tilespmem:$0x5B0]  }
0x152: {  	v2 =	vadd.s32 $0x4EB, v0;
	_ =	sdelay $0x3  }
0x153: {  	v1 =	vadd.s32 $0x10C8E0, v1  }
0x154: {  	[tilespmem:v2+s8+$0x0] =	vst.idx.msk $0xffff, v1  }
0x155: {  	v1 =	vld [tilespmem:$0x5C0]  }
0x156: {  	v2 =	vadd.s32 $0x68B, v0;
	_ =	sdelay $0x3  }
0x157: {  	v1 =	vadd.s32 $0x10C8E0, v1  }
0x158: {  	[tilespmem:v2+s8+$0x0] =	vst.idx.msk $0xffff, v1  }
0x159: {  	v1 =	vld [tilespmem:$0x5D0]  }
0x15a: {  	v2 =	vadd.s32 $0x82B, v0;
	_ =	sdelay $0x3  }
0x15b: {  	v1 =	vadd.s32 $0x10C8E0, v1  }
0x15c: {  	[tilespmem:v2+s8+$0x0] =	vst.idx.msk $0xffff, v1  }
0x15d: {  	v1 =	vld [tilespmem:$0x5E0]  }
0x15e: {  	v2 =	vadd.s32 $0x9CB, v0;
	_ =	sdelay $0x3  }
0x15f: {  	v1 =	vadd.s32 $0x10C8E0, v1  }
0x160: {  	[tilespmem:v2+s8+$0x0] =	vst.idx.msk $0xffff, v1  }
0x161: {  	v1 =	vld [tilespmem:$0x5F0]  }
0x162: {  	v2 =	vadd.s32 $0xB6B, v0;
	_ =	sdelay $0x3  }
0x163: {  	v1 =	vadd.s32 $0x10C8E0, v1  }
0x164: {  	[tilespmem:v2+s8+$0x0] =	vst.idx.msk $0xffff, v1  }
0x165: {  	v1 =	vld [tilespmem:$0x600]  }
0x166: {  	v2 =	vadd.s32 $0xC, v0;
	_ =	sdelay $0x3  }
0x167: {  	v1 =	vadd.s32 $0x124F80, v1  }
0x168: {  	[tilespmem:v2+s8+$0x0] =	vst.idx.msk $0xffff, v1  }
0x169: {  	v1 =	vld [tilespmem:$0x610]  }
0x16a: {  	v2 =	vadd.s32 $0x1AC, v0;
	_ =	sdelay $0x3  }
0x16b: {  	v1 =	vadd.s32 $0x124F80, v1  }
0x16c: {  	[tilespmem:v2+s8+$0x0] =	vst.idx.msk $0xffff, v1  }
0x16d: {  	v1 =	vld [tilespmem:$0x620]  }
0x16e: {  	v2 =	vadd.s32 $0x34C, v0;
	_ =	sdelay $0x3  }
0x16f: {  	v1 =	vadd.s32 $0x124F80, v1  }
0x170: {  	[tilespmem:v2+s8+$0x0] =	vst.idx.msk $0xffff, v1  }
0x171: {  	v1 =	vld [tilespmem:$0x630]  }
0x172: {  	v2 =	vadd.s32 $0x4EC, v0;
	_ =	sdelay $0x3  }
0x173: {  	v1 =	vadd.s32 $0x124F80, v1  }
0x174: {  	[tilespmem:v2+s8+$0x0] =	vst.idx.msk $0xffff, v1  }
0x175: {  	v1 =	vld [tilespmem:$0x640]  }
0x176: {  	v2 =	vadd.s32 $0x68C, v0;
	_ =	sdelay $0x3  }
0x177: {  	v1 =	vadd.s32 $0x124F80, v1  }
0x178: {  	[tilespmem:v2+s8+$0x0] =	vst.idx.msk $0xffff, v1  }
0x179: {  	v1 =	vld [tilespmem:$0x650]  }
0x17a: {  	v2 =	vadd.s32 $0x82C, v0;
	_ =	sdelay $0x3  }
0x17b: {  	v1 =	vadd.s32 $0x124F80, v1  }
0x17c: {  	[tilespmem:v2+s8+$0x0] =	vst.idx.msk $0xffff, v1  }
0x17d: {  	v1 =	vld [tilespmem:$0x660]  }
0x17e: {  	v2 =	vadd.s32 $0x9CC, v0;
	_ =	sdelay $0x3  }
0x17f: {  	v1 =	vadd.s32 $0x124F80, v1  }
0x180: {  	[tilespmem:v2+s8+$0x0] =	vst.idx.msk $0xffff, v1  }
0x181: {  	v1 =	vld [tilespmem:$0x670]  }
0x182: {  	v2 =	vadd.s32 $0xB6C, v0;
	_ =	sdelay $0x3  }
0x183: {  	v1 =	vadd.s32 $0x124F80, v1  }
0x184: {  	[tilespmem:v2+s8+$0x0] =	vst.idx.msk $0xffff, v1  }
0x185: {  	v1 =	vld [tilespmem:$0x680]  }
0x186: {  	v2 =	vadd.s32 $0xD, v0;
	_ =	sdelay $0x3  }
0x187: {  	v1 =	vadd.s32 $0x13D620, v1  }
0x188: {  	[tilespmem:v2+s8+$0x0] =	vst.idx.msk $0xffff, v1  }
0x189: {  	v1 =	vld [tilespmem:$0x690]  }
0x18a: {  	v2 =	vadd.s32 $0x1AD, v0;
	_ =	sdelay $0x3  }
0x18b: {  	v1 =	vadd.s32 $0x13D620, v1  }
0x18c: {  	[tilespmem:v2+s8+$0x0] =	vst.idx.msk $0xffff, v1  }
0x18d: {  	v1 =	vld [tilespmem:$0x6A0]  }
0x18e: {  	v2 =	vadd.s32 $0x34D, v0;
	_ =	sdelay $0x3  }
0x18f: {  	v1 =	vadd.s32 $0x13D620, v1  }
0x190: {  	[tilespmem:v2+s8+$0x0] =	vst.idx.msk $0xffff, v1  }
0x191: {  	v1 =	vld [tilespmem:$0x6B0]  }
0x192: {  	v2 =	vadd.s32 $0x4ED, v0;
	_ =	sdelay $0x3  }
0x193: {  	v1 =	vadd.s32 $0x13D620, v1  }
0x194: {  	[tilespmem:v2+s8+$0x0] =	vst.idx.msk $0xffff, v1  }
0x195: {  	v1 =	vld [tilespmem:$0x6C0]  }
0x196: {  	v2 =	vadd.s32 $0x68D, v0;
	_ =	sdelay $0x3  }
0x197: {  	v1 =	vadd.s32 $0x13D620, v1  }
0x198: {  	[tilespmem:v2+s8+$0x0] =	vst.idx.msk $0xffff, v1  }
0x199: {  	v1 =	vld [tilespmem:$0x6D0]  }
0x19a: {  	v2 =	vadd.s32 $0x82D, v0;
	_ =	sdelay $0x3  }
0x19b: {  	v1 =	vadd.s32 $0x13D620, v1  }
0x19c: {  	[tilespmem:v2+s8+$0x0] =	vst.idx.msk $0xffff, v1  }
0x19d: {  	v1 =	vld [tilespmem:$0x6E0]  }
0x19e: {  	v2 =	vadd.s32 $0x9CD, v0;
	_ =	sdelay $0x3  }
0x19f: {  	v1 =	vadd.s32 $0x13D620, v1  }
0x1a0: {  	[tilespmem:v2+s8+$0x0] =	vst.idx.msk $0xffff, v1  }
0x1a1: {  	v1 =	vld [tilespmem:$0x6F0]  }
0x1a2: {  	v2 =	vadd.s32 $0xB6D, v0;
	_ =	sdelay $0x3  }
0x1a3: {  	v1 =	vadd.s32 $0x13D620, v1  }
0x1a4: {  	[tilespmem:v2+s8+$0x0] =	vst.idx.msk $0xffff, v1  }
0x1a5: {  	v1 =	vld [tilespmem:$0x700]  }
0x1a6: {  	v2 =	vadd.s32 $0xE, v0;
	_ =	sdelay $0x3  }
0x1a7: {  	v1 =	vadd.s32 $0x155CC0, v1  }
0x1a8: {  	[tilespmem:v2+s8+$0x0] =	vst.idx.msk $0xffff, v1  }
0x1a9: {  	v1 =	vld [tilespmem:$0x710]  }
0x1aa: {  	v2 =	vadd.s32 $0x1AE, v0;
	_ =	sdelay $0x3  }
0x1ab: {  	v1 =	vadd.s32 $0x155CC0, v1  }
0x1ac: {  	[tilespmem:v2+s8+$0x0] =	vst.idx.msk $0xffff, v1  }
0x1ad: {  	v1 =	vld [tilespmem:$0x720]  }
0x1ae: {  	v2 =	vadd.s32 $0x34E, v0;
	_ =	sdelay $0x3  }
0x1af: {  	v1 =	vadd.s32 $0x155CC0, v1  }
0x1b0: {  	[tilespmem:v2+s8+$0x0] =	vst.idx.msk $0xffff, v1  }
0x1b1: {  	v1 =	vld [tilespmem:$0x730]  }
0x1b2: {  	v2 =	vadd.s32 $0x4EE, v0;
	_ =	sdelay $0x3  }
0x1b3: {  	v1 =	vadd.s32 $0x155CC0, v1  }
0x1b4: {  	[tilespmem:v2+s8+$0x0] =	vst.idx.msk $0xffff, v1  }
0x1b5: {  	v1 =	vld [tilespmem:$0x740]  }
0x1b6: {  	v2 =	vadd.s32 $0x68E, v0;
	_ =	sdelay $0x3  }
0x1b7: {  	v1 =	vadd.s32 $0x155CC0, v1  }
0x1b8: {  	[tilespmem:v2+s8+$0x0] =	vst.idx.msk $0xffff, v1  }
0x1b9: {  	v1 =	vld [tilespmem:$0x750]  }
0x1ba: {  	v2 =	vadd.s32 $0x82E, v0;
	_ =	sdelay $0x3  }
0x1bb: {  	v1 =	vadd.s32 $0x155CC0, v1  }
0x1bc: {  	[tilespmem:v2+s8+$0x0] =	vst.idx.msk $0xffff, v1  }
0x1bd: {  	v1 =	vld [tilespmem:$0x760]  }
0x1be: {  	v2 =	vadd.s32 $0x9CE, v0;
	_ =	sdelay $0x3  }
0x1bf: {  	v1 =	vadd.s32 $0x155CC0, v1  }
0x1c0: {  	[tilespmem:v2+s8+$0x0] =	vst.idx.msk $0xffff, v1  }
0x1c1: {  	v1 =	vld [tilespmem:$0x770]  }
0x1c2: {  	v2 =	vadd.s32 $0xB6E, v0;
	_ =	sdelay $0x3  }
0x1c3: {  	v1 =	vadd.s32 $0x155CC0, v1  }
0x1c4: {  	[tilespmem:v2+s8+$0x0] =	vst.idx.msk $0xffff, v1  }
0x1c5: {  	v1 =	vld [tilespmem:$0x780]  }
0x1c6: {  	v2 =	vadd.s32 $0xF, v0;
	_ =	sdelay $0x3  }
0x1c7: {  	v1 =	vadd.s32 $0x16E360, v1  }
0x1c8: {  	[tilespmem:v2+s8+$0x0] =	vst.idx.msk $0xffff, v1  }
0x1c9: {  	v1 =	vld [tilespmem:$0x790]  }
0x1ca: {  	v2 =	vadd.s32 $0x1AF, v0;
	_ =	sdelay $0x3  }
0x1cb: {  	v1 =	vadd.s32 $0x16E360, v1  }
0x1cc: {  	[tilespmem:v2+s8+$0x0] =	vst.idx.msk $0xffff, v1  }
0x1cd: {  	v1 =	vld [tilespmem:$0x7A0]  }
0x1ce: {  	v2 =	vadd.s32 $0x34F, v0;
	_ =	sdelay $0x3  }
0x1cf: {  	v1 =	vadd.s32 $0x16E360, v1  }
0x1d0: {  	[tilespmem:v2+s8+$0x0] =	vst.idx.msk $0xffff, v1  }
0x1d1: {  	v1 =	vld [tilespmem:$0x7B0]  }
0x1d2: {  	v2 =	vadd.s32 $0x4EF, v0;
	_ =	sdelay $0x3  }
0x1d3: {  	v1 =	vadd.s32 $0x16E360, v1  }
0x1d4: {  	[tilespmem:v2+s8+$0x0] =	vst.idx.msk $0xffff, v1  }
0x1d5: {  	v1 =	vld [tilespmem:$0x7C0]  }
0x1d6: {  	v2 =	vadd.s32 $0x68F, v0;
	_ =	sdelay $0x3  }
0x1d7: {  	v1 =	vadd.s32 $0x16E360, v1  }
0x1d8: {  	[tilespmem:v2+s8+$0x0] =	vst.idx.msk $0xffff, v1  }
0x1d9: {  	v1 =	vld [tilespmem:$0x7D0]  }
0x1da: {  	v2 =	vadd.s32 $0x82F, v0;
	_ =	sdelay $0x3  }
0x1db: {  	v1 =	vadd.s32 $0x16E360, v1  }
0x1dc: {  	[tilespmem:v2+s8+$0x0] =	vst.idx.msk $0xffff, v1  }
0x1dd: {  	v1 =	vld [tilespmem:$0x7E0]  }
0x1de: {  	v2 =	vadd.s32 $0x9CF, v0;
	_ =	sdelay $0x3  }
0x1df: {  	v1 =	vadd.s32 $0x16E360, v1  }
0x1e0: {  	[tilespmem:v2+s8+$0x0] =	vst.idx.msk $0xffff, v1  }
0x1e1: {  	v1 =	vld [tilespmem:$0x7F0]  }
0x1e2: {  	v2 =	vadd.s32 $0xB6F, v0;
	_ =	sdelay $0x3  }
0x1e3: {  	v1 =	vadd.s32 $0x16E360, v1  }
0x1e4: {  	[tilespmem:v2+s8+$0x0] =	vst.idx.msk $0xffff, v1  }
0x1e5: {  	v1 =	vld [tilespmem:$0x800]  }
0x1e6: {  	v2 =	vadd.s32 $0x10, v0;
	_ =	sdelay $0x3  }
0x1e7: {  	v1 =	vadd.s32 $0x186A00, v1  }
0x1e8: {  	[tilespmem:v2+s8+$0x0] =	vst.idx.msk $0xffff, v1  }
0x1e9: {  	v1 =	vld [tilespmem:$0x810]  }
0x1ea: {  	v2 =	vadd.s32 $0x1B0, v0;
	_ =	sdelay $0x3  }
0x1eb: {  	v1 =	vadd.s32 $0x186A00, v1  }
0x1ec: {  	[tilespmem:v2+s8+$0x0] =	vst.idx.msk $0xffff, v1  }
0x1ed: {  	v1 =	vld [tilespmem:$0x820]  }
0x1ee: {  	v2 =	vadd.s32 $0x350, v0;
	_ =	sdelay $0x3  }
0x1ef: {  	v1 =	vadd.s32 $0x186A00, v1  }
0x1f0: {  	[tilespmem:v2+s8+$0x0] =	vst.idx.msk $0xffff, v1  }
0x1f1: {  	v1 =	vld [tilespmem:$0x830]  }
0x1f2: {  	v2 =	vadd.s32 $0x4F0, v0;
	_ =	sdelay $0x3  }
0x1f3: {  	v1 =	vadd.s32 $0x186A00, v1  }
0x1f4: {  	[tilespmem:v2+s8+$0x0] =	vst.idx.msk $0xffff, v1  }
0x1f5: {  	v1 =	vld [tilespmem:$0x840]  }
0x1f6: {  	v2 =	vadd.s32 $0x690, v0;
	_ =	sdelay $0x3  }
0x1f7: {  	v1 =	vadd.s32 $0x186A00, v1  }
0x1f8: {  	[tilespmem:v2+s8+$0x0] =	vst.idx.msk $0xffff, v1  }
0x1f9: {  	v1 =	vld [tilespmem:$0x850]  }
0x1fa: {  	v2 =	vadd.s32 $0x830, v0;
	_ =	sdelay $0x3  }
0x1fb: {  	v1 =	vadd.s32 $0x186A00, v1  }
0x1fc: {  	[tilespmem:v2+s8+$0x0] =	vst.idx.msk $0xffff, v1  }
0x1fd: {  	v1 =	vld [tilespmem:$0x860]  }
0x1fe: {  	v2 =	vadd.s32 $0x9D0, v0;
	_ =	sdelay $0x3  }
0x1ff: {  	v1 =	vadd.s32 $0x186A00, v1  }
0x200: {  	[tilespmem:v2+s8+$0x0] =	vst.idx.msk $0xffff, v1  }
0x201: {  	v1 =	vld [tilespmem:$0x870]  }
0x202: {  	v2 =	vadd.s32 $0xB70, v0;
	_ =	sdelay $0x3  }
0x203: {  	v1 =	vadd.s32 $0x186A00, v1  }
0x204: {  	[tilespmem:v2+s8+$0x0] =	vst.idx.msk $0xffff, v1  }
0x205: {  	v1 =	vld [tilespmem:$0x880]  }
0x206: {  	v2 =	vadd.s32 $0x11, v0;
	_ =	sdelay $0x3  }
0x207: {  	v1 =	vadd.s32 $0x19F0A0, v1  }
0x208: {  	[tilespmem:v2+s8+$0x0] =	vst.idx.msk $0xffff, v1  }
0x209: {  	v1 =	vld [tilespmem:$0x890]  }
0x20a: {  	v2 =	vadd.s32 $0x1B1, v0;
	_ =	sdelay $0x3  }
0x20b: {  	v1 =	vadd.s32 $0x19F0A0, v1  }
0x20c: {  	[tilespmem:v2+s8+$0x0] =	vst.idx.msk $0xffff, v1  }
0x20d: {  	v1 =	vld [tilespmem:$0x8A0]  }
0x20e: {  	v2 =	vadd.s32 $0x351, v0;
	_ =	sdelay $0x3  }
0x20f: {  	v1 =	vadd.s32 $0x19F0A0, v1  }
0x210: {  	[tilespmem:v2+s8+$0x0] =	vst.idx.msk $0xffff, v1  }
0x211: {  	v1 =	vld [tilespmem:$0x8B0]  }
0x212: {  	v2 =	vadd.s32 $0x4F1, v0;
	_ =	sdelay $0x3  }
0x213: {  	v1 =	vadd.s32 $0x19F0A0, v1  }
0x214: {  	[tilespmem:v2+s8+$0x0] =	vst.idx.msk $0xffff, v1  }
0x215: {  	v1 =	vld [tilespmem:$0x8C0]  }
0x216: {  	v2 =	vadd.s32 $0x691, v0;
	_ =	sdelay $0x3  }
0x217: {  	v1 =	vadd.s32 $0x19F0A0, v1  }
0x218: {  	[tilespmem:v2+s8+$0x0] =	vst.idx.msk $0xffff, v1  }
0x219: {  	v1 =	vld [tilespmem:$0x8D0]  }
0x21a: {  	v2 =	vadd.s32 $0x831, v0;
	_ =	sdelay $0x3  }
0x21b: {  	v1 =	vadd.s32 $0x19F0A0, v1  }
0x21c: {  	[tilespmem:v2+s8+$0x0] =	vst.idx.msk $0xffff, v1  }
0x21d: {  	v1 =	vld [tilespmem:$0x8E0]  }
0x21e: {  	v2 =	vadd.s32 $0x9D1, v0;
	_ =	sdelay $0x3  }
0x21f: {  	v1 =	vadd.s32 $0x19F0A0, v1  }
0x220: {  	[tilespmem:v2+s8+$0x0] =	vst.idx.msk $0xffff, v1  }
0x221: {  	v1 =	vld [tilespmem:$0x8F0]  }
0x222: {  	v2 =	vadd.s32 $0xB71, v0;
	_ =	sdelay $0x3  }
0x223: {  	v1 =	vadd.s32 $0x19F0A0, v1  }
0x224: {  	[tilespmem:v2+s8+$0x0] =	vst.idx.msk $0xffff, v1  }
0x225: {  	v1 =	vld [tilespmem:$0x900]  }
0x226: {  	v2 =	vadd.s32 $0x12, v0;
	_ =	sdelay $0x3  }
0x227: {  	v1 =	vadd.s32 $0x1B7740, v1  }
0x228: {  	[tilespmem:v2+s8+$0x0] =	vst.idx.msk $0xffff, v1  }
0x229: {  	v1 =	vld [tilespmem:$0x910]  }
0x22a: {  	v2 =	vadd.s32 $0x1B2, v0;
	_ =	sdelay $0x3  }
0x22b: {  	v1 =	vadd.s32 $0x1B7740, v1  }
0x22c: {  	[tilespmem:v2+s8+$0x0] =	vst.idx.msk $0xffff, v1  }
0x22d: {  	v1 =	vld [tilespmem:$0x920]  }
0x22e: {  	v2 =	vadd.s32 $0x352, v0;
	_ =	sdelay $0x3  }
0x22f: {  	v1 =	vadd.s32 $0x1B7740, v1  }
0x230: {  	[tilespmem:v2+s8+$0x0] =	vst.idx.msk $0xffff, v1  }
0x231: {  	v1 =	vld [tilespmem:$0x930]  }
0x232: {  	v2 =	vadd.s32 $0x4F2, v0;
	_ =	sdelay $0x3  }
0x233: {  	v1 =	vadd.s32 $0x1B7740, v1  }
0x234: {  	[tilespmem:v2+s8+$0x0] =	vst.idx.msk $0xffff, v1  }
0x235: {  	v1 =	vld [tilespmem:$0x940]  }
0x236: {  	v2 =	vadd.s32 $0x692, v0;
	_ =	sdelay $0x3  }
0x237: {  	v1 =	vadd.s32 $0x1B7740, v1  }
0x238: {  	[tilespmem:v2+s8+$0x0] =	vst.idx.msk $0xffff, v1  }
0x239: {  	v1 =	vld [tilespmem:$0x950]  }
0x23a: {  	v2 =	vadd.s32 $0x832, v0;
	_ =	sdelay $0x3  }
0x23b: {  	v1 =	vadd.s32 $0x1B7740, v1  }
0x23c: {  	[tilespmem:v2+s8+$0x0] =	vst.idx.msk $0xffff, v1  }
0x23d: {  	v1 =	vld [tilespmem:$0x960]  }
0x23e: {  	v2 =	vadd.s32 $0x9D2, v0;
	_ =	sdelay $0x3  }
0x23f: {  	v1 =	vadd.s32 $0x1B7740, v1  }
0x240: {  	[tilespmem:v2+s8+$0x0] =	vst.idx.msk $0xffff, v1  }
0x241: {  	v1 =	vld [tilespmem:$0x970]  }
0x242: {  	v2 =	vadd.s32 $0xB72, v0;
	_ =	sdelay $0x3  }
0x243: {  	v1 =	vadd.s32 $0x1B7740, v1  }
0x244: {  	[tilespmem:v2+s8+$0x0] =	vst.idx.msk $0xffff, v1  }
0x245: {  	v1 =	vld [tilespmem:$0x980]  }
0x246: {  	v2 =	vadd.s32 $0x13, v0;
	_ =	sdelay $0x3  }
0x247: {  	v1 =	vadd.s32 $0x1CFDE0, v1  }
0x248: {  	[tilespmem:v2+s8+$0x0] =	vst.idx.msk $0xffff, v1  }
0x249: {  	v1 =	vld [tilespmem:$0x990]  }
0x24a: {  	v2 =	vadd.s32 $0x1B3, v0;
	_ =	sdelay $0x3  }
0x24b: {  	v1 =	vadd.s32 $0x1CFDE0, v1  }
0x24c: {  	[tilespmem:v2+s8+$0x0] =	vst.idx.msk $0xffff, v1  }
0x24d: {  	v1 =	vld [tilespmem:$0x9A0]  }
0x24e: {  	v2 =	vadd.s32 $0x353, v0;
	_ =	sdelay $0x3  }
0x24f: {  	v1 =	vadd.s32 $0x1CFDE0, v1  }
0x250: {  	[tilespmem:v2+s8+$0x0] =	vst.idx.msk $0xffff, v1  }
0x251: {  	v1 =	vld [tilespmem:$0x9B0]  }
0x252: {  	v2 =	vadd.s32 $0x4F3, v0;
	_ =	sdelay $0x3  }
0x253: {  	v1 =	vadd.s32 $0x1CFDE0, v1  }
0x254: {  	[tilespmem:v2+s8+$0x0] =	vst.idx.msk $0xffff, v1  }
0x255: {  	v1 =	vld [tilespmem:$0x9C0]  }
0x256: {  	v2 =	vadd.s32 $0x693, v0;
	_ =	sdelay $0x3  }
0x257: {  	v1 =	vadd.s32 $0x1CFDE0, v1  }
0x258: {  	[tilespmem:v2+s8+$0x0] =	vst.idx.msk $0xffff, v1  }
0x259: {  	v1 =	vld [tilespmem:$0x9D0]  }
0x25a: {  	v2 =	vadd.s32 $0x833, v0;
	_ =	sdelay $0x3  }
0x25b: {  	v1 =	vadd.s32 $0x1CFDE0, v1  }
0x25c: {  	[tilespmem:v2+s8+$0x0] =	vst.idx.msk $0xffff, v1  }
0x25d: {  	v1 =	vld [tilespmem:$0x9E0]  }
0x25e: {  	v2 =	vadd.s32 $0x9D3, v0;
	_ =	sdelay $0x3  }
0x25f: {  	v1 =	vadd.s32 $0x1CFDE0, v1  }
0x260: {  	[tilespmem:v2+s8+$0x0] =	vst.idx.msk $0xffff, v1  }
0x261: {  	v1 =	vld [tilespmem:$0x9F0]  }
0x262: {  	v2 =	vadd.s32 $0xB73, v0;
	_ =	sdelay $0x3  }
0x263: {  	v1 =	vadd.s32 $0x1CFDE0, v1  }
0x264: {  	[tilespmem:v2+s8+$0x0] =	vst.idx.msk $0xffff, v1  }
0x265: {  	v1 =	vld [tilespmem:$0xA00]  }
0x266: {  	v2 =	vadd.s32 $0x14, v0;
	_ =	sdelay $0x3  }
0x267: {  	v1 =	vadd.s32 $0x1E8480, v1  }
0x268: {  	[tilespmem:v2+s8+$0x0] =	vst.idx.msk $0xffff, v1  }
0x269: {  	v1 =	vld [tilespmem:$0xA10]  }
0x26a: {  	v2 =	vadd.s32 $0x1B4, v0;
	_ =	sdelay $0x3  }
0x26b: {  	v1 =	vadd.s32 $0x1E8480, v1  }
0x26c: {  	[tilespmem:v2+s8+$0x0] =	vst.idx.msk $0xffff, v1  }
0x26d: {  	v1 =	vld [tilespmem:$0xA20]  }
0x26e: {  	v2 =	vadd.s32 $0x354, v0;
	_ =	sdelay $0x3  }
0x26f: {  	v1 =	vadd.s32 $0x1E8480, v1  }
0x270: {  	[tilespmem:v2+s8+$0x0] =	vst.idx.msk $0xffff, v1  }
0x271: {  	v1 =	vld [tilespmem:$0xA30]  }
0x272: {  	v2 =	vadd.s32 $0x4F4, v0;
	_ =	sdelay $0x3  }
0x273: {  	v1 =	vadd.s32 $0x1E8480, v1  }
0x274: {  	[tilespmem:v2+s8+$0x0] =	vst.idx.msk $0xffff, v1  }
0x275: {  	v1 =	vld [tilespmem:$0xA40]  }
0x276: {  	v2 =	vadd.s32 $0x694, v0;
	_ =	sdelay $0x3  }
0x277: {  	v1 =	vadd.s32 $0x1E8480, v1  }
0x278: {  	[tilespmem:v2+s8+$0x0] =	vst.idx.msk $0xffff, v1  }
0x279: {  	v1 =	vld [tilespmem:$0xA50]  }
0x27a: {  	v2 =	vadd.s32 $0x834, v0;
	_ =	sdelay $0x3  }
0x27b: {  	v1 =	vadd.s32 $0x1E8480, v1  }
0x27c: {  	[tilespmem:v2+s8+$0x0] =	vst.idx.msk $0xffff, v1  }
0x27d: {  	v1 =	vld [tilespmem:$0xA60]  }
0x27e: {  	v2 =	vadd.s32 $0x9D4, v0;
	_ =	sdelay $0x3  }
0x27f: {  	v1 =	vadd.s32 $0x1E8480, v1  }
0x280: {  	[tilespmem:v2+s8+$0x0] =	vst.idx.msk $0xffff, v1  }
0x281: {  	v1 =	vld [tilespmem:$0xA70]  }
0x282: {  	v2 =	vadd.s32 $0xB74, v0;
	_ =	sdelay $0x3  }
0x283: {  	v1 =	vadd.s32 $0x1E8480, v1  }
0x284: {  	[tilespmem:v2+s8+$0x0] =	vst.idx.msk $0xffff, v1  }
0x285: {  	v1 =	vld [tilespmem:$0xA80]  }
0x286: {  	v2 =	vadd.s32 $0x15, v0;
	_ =	sdelay $0x3  }
0x287: {  	v1 =	vadd.s32 $0x200B20, v1  }
0x288: {  	[tilespmem:v2+s8+$0x0] =	vst.idx.msk $0xffff, v1  }
0x289: {  	v1 =	vld [tilespmem:$0xA90]  }
0x28a: {  	v2 =	vadd.s32 $0x1B5, v0;
	_ =	sdelay $0x3  }
0x28b: {  	v1 =	vadd.s32 $0x200B20, v1  }
0x28c: {  	[tilespmem:v2+s8+$0x0] =	vst.idx.msk $0xffff, v1  }
0x28d: {  	v1 =	vld [tilespmem:$0xAA0]  }
0x28e: {  	v2 =	vadd.s32 $0x355, v0;
	_ =	sdelay $0x3  }
0x28f: {  	v1 =	vadd.s32 $0x200B20, v1  }
0x290: {  	[tilespmem:v2+s8+$0x0] =	vst.idx.msk $0xffff, v1  }
0x291: {  	v1 =	vld [tilespmem:$0xAB0]  }
0x292: {  	v2 =	vadd.s32 $0x4F5, v0;
	_ =	sdelay $0x3  }
0x293: {  	v1 =	vadd.s32 $0x200B20, v1  }
0x294: {  	[tilespmem:v2+s8+$0x0] =	vst.idx.msk $0xffff, v1  }
0x295: {  	v1 =	vld [tilespmem:$0xAC0]  }
0x296: {  	v2 =	vadd.s32 $0x695, v0;
	_ =	sdelay $0x3  }
0x297: {  	v1 =	vadd.s32 $0x200B20, v1  }
0x298: {  	[tilespmem:v2+s8+$0x0] =	vst.idx.msk $0xffff, v1  }
0x299: {  	v1 =	vld [tilespmem:$0xAD0]  }
0x29a: {  	v2 =	vadd.s32 $0x835, v0;
	_ =	sdelay $0x3  }
0x29b: {  	v1 =	vadd.s32 $0x200B20, v1  }
0x29c: {  	[tilespmem:v2+s8+$0x0] =	vst.idx.msk $0xffff, v1  }
0x29d: {  	v1 =	vld [tilespmem:$0xAE0]  }
0x29e: {  	v2 =	vadd.s32 $0x9D5, v0;
	_ =	sdelay $0x3  }
0x29f: {  	v1 =	vadd.s32 $0x200B20, v1  }
0x2a0: {  	[tilespmem:v2+s8+$0x0] =	vst.idx.msk $0xffff, v1  }
0x2a1: {  	v1 =	vld [tilespmem:$0xAF0]  }
0x2a2: {  	v2 =	vadd.s32 $0xB75, v0;
	_ =	sdelay $0x3  }
0x2a3: {  	v1 =	vadd.s32 $0x200B20, v1  }
0x2a4: {  	[tilespmem:v2+s8+$0x0] =	vst.idx.msk $0xffff, v1  }
0x2a5: {  	v1 =	vld [tilespmem:$0xB00]  }
0x2a6: {  	v2 =	vadd.s32 $0x16, v0;
	_ =	sdelay $0x3  }
0x2a7: {  	v1 =	vadd.s32 $0x2191C0, v1  }
0x2a8: {  	[tilespmem:v2+s8+$0x0] =	vst.idx.msk $0xffff, v1  }
0x2a9: {  	v1 =	vld [tilespmem:$0xB10]  }
0x2aa: {  	v2 =	vadd.s32 $0x1B6, v0;
	_ =	sdelay $0x3  }
0x2ab: {  	v1 =	vadd.s32 $0x2191C0, v1  }
0x2ac: {  	[tilespmem:v2+s8+$0x0] =	vst.idx.msk $0xffff, v1  }
0x2ad: {  	v1 =	vld [tilespmem:$0xB20]  }
0x2ae: {  	v2 =	vadd.s32 $0x356, v0;
	_ =	sdelay $0x3  }
0x2af: {  	v1 =	vadd.s32 $0x2191C0, v1  }
0x2b0: {  	[tilespmem:v2+s8+$0x0] =	vst.idx.msk $0xffff, v1  }
0x2b1: {  	v1 =	vld [tilespmem:$0xB30]  }
0x2b2: {  	v2 =	vadd.s32 $0x4F6, v0;
	_ =	sdelay $0x3  }
0x2b3: {  	v1 =	vadd.s32 $0x2191C0, v1  }
0x2b4: {  	[tilespmem:v2+s8+$0x0] =	vst.idx.msk $0xffff, v1  }
0x2b5: {  	v1 =	vld [tilespmem:$0xB40]  }
0x2b6: {  	v2 =	vadd.s32 $0x696, v0;
	_ =	sdelay $0x3  }
0x2b7: {  	v1 =	vadd.s32 $0x2191C0, v1  }
0x2b8: {  	[tilespmem:v2+s8+$0x0] =	vst.idx.msk $0xffff, v1  }
0x2b9: {  	v1 =	vld [tilespmem:$0xB50]  }
0x2ba: {  	v2 =	vadd.s32 $0x836, v0;
	_ =	sdelay $0x3  }
0x2bb: {  	v1 =	vadd.s32 $0x2191C0, v1  }
0x2bc: {  	[tilespmem:v2+s8+$0x0] =	vst.idx.msk $0xffff, v1  }
0x2bd: {  	v1 =	vld [tilespmem:$0xB60]  }
0x2be: {  	v2 =	vadd.s32 $0x9D6, v0;
	_ =	sdelay $0x3  }
0x2bf: {  	v1 =	vadd.s32 $0x2191C0, v1  }
0x2c0: {  	[tilespmem:v2+s8+$0x0] =	vst.idx.msk $0xffff, v1  }
0x2c1: {  	v1 =	vld [tilespmem:$0xB70]  }
0x2c2: {  	v2 =	vadd.s32 $0xB76, v0;
	_ =	sdelay $0x3  }
0x2c3: {  	v1 =	vadd.s32 $0x2191C0, v1  }
0x2c4: {  	[tilespmem:v2+s8+$0x0] =	vst.idx.msk $0xffff, v1  }
0x2c5: {  	v1 =	vld [tilespmem:$0xB80]  }
0x2c6: {  	v2 =	vadd.s32 $0x17, v0;
	_ =	sdelay $0x3  }
0x2c7: {  	v1 =	vadd.s32 $0x231860, v1  }
0x2c8: {  	[tilespmem:v2+s8+$0x0] =	vst.idx.msk $0xffff, v1  }
0x2c9: {  	v1 =	vld [tilespmem:$0xB90]  }
0x2ca: {  	v2 =	vadd.s32 $0x1B7, v0;
	_ =	sdelay $0x3  }
0x2cb: {  	v1 =	vadd.s32 $0x231860, v1  }
0x2cc: {  	[tilespmem:v2+s8+$0x0] =	vst.idx.msk $0xffff, v1  }
0x2cd: {  	v1 =	vld [tilespmem:$0xBA0]  }
0x2ce: {  	v2 =	vadd.s32 $0x357, v0;
	_ =	sdelay $0x3  }
0x2cf: {  	v1 =	vadd.s32 $0x231860, v1  }
0x2d0: {  	[tilespmem:v2+s8+$0x0] =	vst.idx.msk $0xffff, v1  }
0x2d1: {  	v1 =	vld [tilespmem:$0xBB0]  }
0x2d2: {  	v2 =	vadd.s32 $0x4F7, v0;
	_ =	sdelay $0x3  }
0x2d3: {  	v1 =	vadd.s32 $0x231860, v1  }
0x2d4: {  	[tilespmem:v2+s8+$0x0] =	vst.idx.msk $0xffff, v1  }
0x2d5: {  	v1 =	vld [tilespmem:$0xBC0]  }
0x2d6: {  	v2 =	vadd.s32 $0x697, v0;
	_ =	sdelay $0x3  }
0x2d7: {  	v1 =	vadd.s32 $0x231860, v1  }
0x2d8: {  	[tilespmem:v2+s8+$0x0] =	vst.idx.msk $0xffff, v1  }
0x2d9: {  	v1 =	vld [tilespmem:$0xBD0]  }
0x2da: {  	v2 =	vadd.s32 $0x837, v0;
	_ =	sdelay $0x3  }
0x2db: {  	v1 =	vadd.s32 $0x231860, v1  }
0x2dc: {  	[tilespmem:v2+s8+$0x0] =	vst.idx.msk $0xffff, v1  }
0x2dd: {  	v1 =	vld [tilespmem:$0xBE0]  }
0x2de: {  	v2 =	vadd.s32 $0x9D7, v0;
	_ =	sdelay $0x3  }
0x2df: {  	v1 =	vadd.s32 $0x231860, v1  }
0x2e0: {  	[tilespmem:v2+s8+$0x0] =	vst.idx.msk $0xffff, v1  }
0x2e1: {  	v1 =	vld [tilespmem:$0xBF0]  }
0x2e2: {  	v2 =	vadd.s32 $0xB77, v0;
	_ =	sdelay $0x3  }
0x2e3: {  	v1 =	vadd.s32 $0x231860, v1  }
0x2e4: {  	[tilespmem:v2+s8+$0x0] =	vst.idx.msk $0xffff, v1  }
0x2e5: {  	v1 =	vld [tilespmem:$0xC00]  }
0x2e6: {  	v2 =	vadd.s32 $0x18, v0;
	_ =	sdelay $0x3  }
0x2e7: {  	v1 =	vadd.s32 $0x249F00, v1  }
0x2e8: {  	[tilespmem:v2+s8+$0x0] =	vst.idx.msk $0xffff, v1  }
0x2e9: {  	v1 =	vld [tilespmem:$0xC10]  }
0x2ea: {  	v2 =	vadd.s32 $0x1B8, v0;
	_ =	sdelay $0x3  }
0x2eb: {  	v1 =	vadd.s32 $0x249F00, v1  }
0x2ec: {  	[tilespmem:v2+s8+$0x0] =	vst.idx.msk $0xffff, v1  }
0x2ed: {  	v1 =	vld [tilespmem:$0xC20]  }
0x2ee: {  	v2 =	vadd.s32 $0x358, v0;
	_ =	sdelay $0x3  }
0x2ef: {  	v1 =	vadd.s32 $0x249F00, v1  }
0x2f0: {  	[tilespmem:v2+s8+$0x0] =	vst.idx.msk $0xffff, v1  }
0x2f1: {  	v1 =	vld [tilespmem:$0xC30]  }
0x2f2: {  	v2 =	vadd.s32 $0x4F8, v0;
	_ =	sdelay $0x3  }
0x2f3: {  	v1 =	vadd.s32 $0x249F00, v1  }
0x2f4: {  	[tilespmem:v2+s8+$0x0] =	vst.idx.msk $0xffff, v1  }
0x2f5: {  	v1 =	vld [tilespmem:$0xC40]  }
0x2f6: {  	v2 =	vadd.s32 $0x698, v0;
	_ =	sdelay $0x3  }
0x2f7: {  	v1 =	vadd.s32 $0x249F00, v1  }
0x2f8: {  	[tilespmem:v2+s8+$0x0] =	vst.idx.msk $0xffff, v1  }
0x2f9: {  	v1 =	vld [tilespmem:$0xC50]  }
0x2fa: {  	v2 =	vadd.s32 $0x838, v0;
	_ =	sdelay $0x3  }
0x2fb: {  	v1 =	vadd.s32 $0x249F00, v1  }
0x2fc: {  	[tilespmem:v2+s8+$0x0] =	vst.idx.msk $0xffff, v1  }
0x2fd: {  	v1 =	vld [tilespmem:$0xC60]  }
0x2fe: {  	v2 =	vadd.s32 $0x9D8, v0;
	_ =	sdelay $0x3  }
0x2ff: {  	v1 =	vadd.s32 $0x249F00, v1  }
0x300: {  	[tilespmem:v2+s8+$0x0] =	vst.idx.msk $0xffff, v1  }
0x301: {  	v1 =	vld [tilespmem:$0xC70]  }
0x302: {  	v2 =	vadd.s32 $0xB78, v0;
	_ =	sdelay $0x3  }
0x303: {  	v1 =	vadd.s32 $0x249F00, v1  }
0x304: {  	[tilespmem:v2+s8+$0x0] =	vst.idx.msk $0xffff, v1  }
0x305: {  	v1 =	vld [tilespmem:$0xC80]  }
0x306: {  	v2 =	vadd.s32 $0x19, v0;
	_ =	sdelay $0x3  }
0x307: {  	v1 =	vadd.s32 $0x2625A0, v1  }
0x308: {  	[tilespmem:v2+s8+$0x0] =	vst.idx.msk $0xffff, v1  }
0x309: {  	v1 =	vld [tilespmem:$0xC90]  }
0x30a: {  	v2 =	vadd.s32 $0x1B9, v0;
	_ =	sdelay $0x3  }
0x30b: {  	v1 =	vadd.s32 $0x2625A0, v1  }
0x30c: {  	[tilespmem:v2+s8+$0x0] =	vst.idx.msk $0xffff, v1  }
0x30d: {  	v1 =	vld [tilespmem:$0xCA0]  }
0x30e: {  	v2 =	vadd.s32 $0x359, v0;
	_ =	sdelay $0x3  }
0x30f: {  	v1 =	vadd.s32 $0x2625A0, v1  }
0x310: {  	[tilespmem:v2+s8+$0x0] =	vst.idx.msk $0xffff, v1  }
0x311: {  	v1 =	vld [tilespmem:$0xCB0]  }
0x312: {  	v2 =	vadd.s32 $0x4F9, v0;
	_ =	sdelay $0x3  }
0x313: {  	v1 =	vadd.s32 $0x2625A0, v1  }
0x314: {  	[tilespmem:v2+s8+$0x0] =	vst.idx.msk $0xffff, v1  }
0x315: {  	v1 =	vld [tilespmem:$0xCC0]  }
0x316: {  	v2 =	vadd.s32 $0x699, v0;
	_ =	sdelay $0x3  }
0x317: {  	v1 =	vadd.s32 $0x2625A0, v1  }
0x318: {  	[tilespmem:v2+s8+$0x0] =	vst.idx.msk $0xffff, v1  }
0x319: {  	v1 =	vld [tilespmem:$0xCD0]  }
0x31a: {  	v2 =	vadd.s32 $0x839, v0;
	_ =	sdelay $0x3  }
0x31b: {  	v1 =	vadd.s32 $0x2625A0, v1  }
0x31c: {  	[tilespmem:v2+s8+$0x0] =	vst.idx.msk $0xffff, v1  }
0x31d: {  	v1 =	vld [tilespmem:$0xCE0]  }
0x31e: {  	v2 =	vadd.s32 $0x9D9, v0;
	_ =	sdelay $0x3  }
0x31f: {  	v1 =	vadd.s32 $0x2625A0, v1  }
0x320: {  	[tilespmem:v2+s8+$0x0] =	vst.idx.msk $0xffff, v1  }
0x321: {  	v1 =	vld [tilespmem:$0xCF0]  }
0x322: {  	v2 =	vadd.s32 $0xB79, v0;
	_ =	sdelay $0x2  }
0x323: {  	s13 =	rddreg [dreg:$0x4]  }
0x324: {  	s11 =	rddreg [dreg:$0x5];
	v1 =	vadd.s32 $0x2625A0, v1  }
0x325: {  	s0 =	rddreg [dreg:$0x6];
	[tilespmem:v2+s8+$0x0] =	vst.idx.msk $0xffff, v1  }
0x326: {  	[tilespmem:s9], [sflag:$0x1] =	stream.indirect.gather [hbm4b:s3+s5], $0x20, s8, s5, $0xb8;
	[tilespmem:$0x1BA00] =	vst v63  }
0x327: {  	s12 =	rddreg [dreg:$0x8]  }
0x328: {  	[tilespmem:s11], [sflag:$0x1] =	stream.indirect.gather [hbm4b:s3+s5], $0x20, s13, s5, $0xb8;
	[tilespmem:$0x1BA00] =	vst v63  }
0x329: {  	s11 =	rddreg [dreg:$0x7]  }
0x32a: {  	s13 =	rddreg [dreg:$0x9]  }
0x32b: {  	[tilespmem:s11], [sflag:$0x1] =	stream.indirect.gather [hbm4b:s3+s5], $0x20, s0, s5, $0xb8;
	[tilespmem:$0x1BA00] =	vst v63  }
0x32c: {  	s0 =	rddreg [dreg:$0xa]  }
0x32d: {  	s11 =	rddreg [dreg:$0xb]  }
0x32e: {  	[tilespmem:s13], [sflag:$0x1] =	stream.indirect.gather [hbm4b:s3+s5], $0x20, s12, s5, $0xb8;
	[tilespmem:$0x1BA00] =	vst v63  }
0x32f: {  	s12 =	rddreg [dreg:$0xc]  }
0x330: {  	s13 =	rddreg [dreg:$0xd]  }
0x331: {  	[tilespmem:s11], [sflag:$0x1] =	stream.indirect.gather [hbm4b:s3+s5], $0x20, s0, s5, $0xb8;
	[tilespmem:$0x1BA00] =	vst v63  }
0x332: {  	s11 =	rddreg [dreg:$0xe]  }
0x333: {  	s0 =	rddreg [dreg:$0xf]  }
0x334: {  	[tilespmem:s13], [sflag:$0x1] =	stream.indirect.gather [hbm4b:s3+s5], $0x20, s12, s5, $0xb8;
	[tilespmem:$0x1BA00] =	vst v63  }
0x335: {  	s12 =	rddreg [dreg:$0x11]  }
0x336: {  	s13 =	rddreg [dreg:$0x12]  }
0x337: {  	[tilespmem:s11], [sflag:$0x1] =	stream.indirect.gather [hbm4b:s3+s5], $0x20, s6, s5, $0xb8;
	[tilespmem:$0x1BA00] =	vst v63  }
0x338: {  	s11 =	rddreg [dreg:$0x10]  }
0x339: {  	[tilespmem:s11], [sflag:$0x1] =	stream.indirect.gather [hbm4b:s3+s5], $0x20, s0, s5, $0xb8;
	[tilespmem:$0x1BA00] =	vst v63  }
0x33a: {  	s0 =	rddreg [dreg:$0x13]  }
0x33b: {  	s11 =	rddreg [dreg:$0x14]  }
0x33c: {  	[tilespmem:s13], [sflag:$0x1] =	stream.indirect.gather [hbm4b:s3+s5], $0x20, s12, s5, $0xb8;
	[tilespmem:$0x1BA00] =	vst v63  }
0x33d: {  	s12 =	rddreg [dreg:$0x15]  }
0x33e: {  	s13 =	rddreg [dreg:$0x16]  }
0x33f: {  	[tilespmem:s11], [sflag:$0x1] =	stream.indirect.gather [hbm4b:s3+s5], $0x20, s0, s5, $0xb8;
	[tilespmem:$0x1BA00] =	vst v63  }
0x340: {  	s0 =	rddreg [dreg:$0x17]  }
0x341: {  	s11 =	rddreg [dreg:$0x18]  }
0x342: {  	[tilespmem:s13], [sflag:$0x1] =	stream.indirect.gather [hbm4b:s3+s5], $0x20, s12, s5, $0xb8;
	[tilespmem:$0x1BA00] =	vst v63  }
0x343: {  	s12 =	rddreg [dreg:$0x19]  }
0x344: {  	[tilespmem:s11], [sflag:$0x1] =	stream.indirect.gather [hbm4b:s3+s5], $0x20, s0, s5, $0xb8;
	[tilespmem:$0x1BA00] =	vst v63  }
0x345: {  	s13 =	rddreg [dreg:$0x1a]  }
0x346: {  	[tilespmem:s13], [sflag:$0x1] =	stream.indirect.gather [hbm4b:s3+s5], $0x20, s12, s5, $0xb8;
	[tilespmem:$0x1BA00] =	vst v63  }
0x347: {  	_ =	swait.ge [sflag:s10], $0x1000  }
0x348: {  	[sflag:s10] =	ssyncset.done $0x0  }
0x349: {  	[sflag:s10] =	ssyncadd.s32 $0xFFFFF000  }
0x34a: {  	_ =	swait.ge [sflag:s10], $0x1000  }
0x34b: {  	[sflag:s10] =	ssyncset.done $0x0  }
0x34c: {  	[sflag:s10] =	ssyncadd.s32 $0xFFFFF000  }
0x34d: {  	_ =	swait.ge [sflag:s10], $0x1000  }
0x34e: {  	[sflag:s10] =	ssyncset.done $0x0  }
0x34f: {  	[sflag:s10] =	ssyncadd.s32 $0xFFFFF000  }
0x350: {  	_ =	swait.ge [sflag:s10], $0x1000  }
0x351: {  	[sflag:s10] =	ssyncset.done $0x0  }
0x352: {  	[sflag:s10] =	ssyncadd.s32 $0xFFFFF000  }
0x353: {  	_ =	swait.ge [sflag:s10], $0x1000  }
0x354: {  	[sflag:s10] =	ssyncset.done $0x0  }
0x355: {  	[sflag:s10] =	ssyncadd.s32 $0xFFFFF000  }
0x356: {  	_ =	swait.ge [sflag:s10], $0x1000  }
0x357: {  	[sflag:s10] =	ssyncset.done $0x0  }
0x358: {  	[sflag:s10] =	ssyncadd.s32 $0xFFFFF000  }
0x359: {  	_ =	swait.ge [sflag:s10], $0x1000  }
0x35a: {  	[sflag:s10] =	ssyncset.done $0x0  }
0x35b: {  	[sflag:s10] =	ssyncadd.s32 $0xFFFFF000  }
0x35c: {  	_ =	swait.ge [sflag:s10], $0x1000  }
0x35d: {  	[sflag:s10] =	ssyncset.done $0x0  }
0x35e: {  	[sflag:s10] =	ssyncadd.s32 $0xFFFFF000  }
0x35f: {  	_ =	swait.ge [sflag:s10], $0x1000  }
0x360: {  	[sflag:s10] =	ssyncset.done $0x0  }
0x361: {  	[sflag:s10] =	ssyncadd.s32 $0xFFFFF000  }
0x362: {  	_ =	swait.ge [sflag:s10], $0x1000  }
0x363: {  	[sflag:s10] =	ssyncset.done $0x0  }
0x364: {  	[sflag:s10] =	ssyncadd.s32 $0xFFFFF000  }
0x365: {  	_ =	swait.ge [sflag:s10], $0x1000  }
0x366: {  	[sflag:s10] =	ssyncset.done $0x0  }
0x367: {  	[sflag:s10] =	ssyncadd.s32 $0xFFFFF000  }
0x368: {  	_ =	swait.ge [sflag:s10], $0x1000  }
0x369: {  	[sflag:s10] =	ssyncset.done $0x0  }
0x36a: {  	[sflag:s10] =	ssyncadd.s32 $0xFFFFF000  }
0x36b: {  	_ =	swait.ge [sflag:s10], $0x1000  }
0x36c: {  	s0 =	rddreg [dreg:$0x1b]  }
0x36d: {  	s11 =	rddreg [dreg:$0x1c];
	[sflag:s10] =	ssyncset.done $0x0  }
0x36e: {  	s12 =	rddreg [dreg:$0x1d];
	[sflag:s10] =	ssyncadd.s32 $0xFFFFF000  }
0x36f: {  	[tilespmem:s11], [sflag:$0x1] =	stream.indirect.gather [hbm4b:s3+s5], $0x20, s0, s5, $0xb8;
	[tilespmem:$0x1BA00] =	vst v63  }
0x370: {  	s13 =	rddreg [dreg:$0x1e]  }
0x371: {  	[tilespmem:s13], [sflag:$0x1] =	stream.indirect.gather [hbm4b:s3+s5], $0x20, s12, s5, $0xb8;
	[tilespmem:$0x1BA00] =	vst v63  }
0x372: {  	s11 =	rddreg [dreg:$0x1f];
	s13 =	simm.s32 $0x10A00  }
0x373: {  	[tilespmem:s13], [sflag:$0x1] =	stream.indirect.gather [hbm4b:s3+s5], $0x20, s11, s5, $0xb8;
	[tilespmem:$0x1BA00] =	vst v63  }
0x374: {  	s12 =	simm.s32 $0x11A00;
	s11 =	simm.s32 $0x1500  }
0x375: {  	[tilespmem:s12], [sflag:$0x1] =	stream.indirect.gather [hbm4b:s3+s5], $0x20, s11, s5, $0xb8;
	[tilespmem:$0x1BA00] =	vst v63  }
0x376: {  	_ = 	snop  }
0x377: {  	[tilespmem:s15], [sflag:$0x1] =	stream.indirect.gather [hbm4b:s3+s5], $0x20, s14, s5, $0xb8;
	[tilespmem:$0x1BA00] =	vst v63  }
0x378: {  	_ = 	snop  }
0x379: {  	[tilespmem:s17], [sflag:$0x1] =	stream.indirect.gather [hbm4b:s3+s5], $0x20, s16, s5, $0xb8;
	[tilespmem:$0x1BA00] =	vst v63  }
0x37a: {  	_ = 	snop  }
0x37b: {  	[tilespmem:s19], [sflag:$0x1] =	stream.indirect.gather [hbm4b:s3+s5], $0x20, s18, s5, $0xb8;
	[tilespmem:$0x1BA00] =	vst v63  }
0x37c: {  	_ = 	snop  }
0x37d: {  	[tilespmem:s21], [sflag:$0x1] =	stream.indirect.gather [hbm4b:s3+s5], $0x20, s20, s5, $0xb8;
	[tilespmem:$0x1BA00] =	vst v63  }
0x37e: {  	_ = 	snop  }
0x37f: {  	[tilespmem:s23], [sflag:$0x1] =	stream.indirect.gather [hbm4b:s3+s5], $0x20, s22, s5, $0xb8;
	[tilespmem:$0x1BA00] =	vst v63  }
0x380: {  	_ = 	snop  }
0x381: {  	[tilespmem:s25], [sflag:$0x1] =	stream.indirect.gather [hbm4b:s3+s5], $0x20, s24, s5, $0xb8;
	[tilespmem:$0x1BA00] =	vst v63  }
0x382: {  	_ = 	snop  }
0x383: {  	[tilespmem:s28], [sflag:$0x1] =	stream.indirect.gather [hbm4b:s3+s5], $0x20, s26, s5, $0xb8;
	[tilespmem:$0x1BA00] =	vst v63  }
0x384: {  	_ = 	snop  }
0x385: {  	[tilespmem:s30], [sflag:$0x1] =	stream.indirect.gather [hbm4b:s3+s5], $0x20, s29, s5, $0xb8;
	[tilespmem:$0x1BA00] =	vst v63  }
0x386: {  	_ = 	snop  }
0x387: {  	[tilespmem:s1], [sflag:$0x1] =	stream.indirect.gather [hbm4b:s3+s5], $0x20, s31, s5, $0xb8;
	[tilespmem:$0x1BA00] =	vst v63  }
0x388: {  	_ =	swait.ge [sflag:s10], $0x1000  }
0x389: {  	[sflag:s10] =	ssyncset.done $0x0  }
0x38a: {  	[sflag:s10] =	ssyncadd.s32 $0xFFFFF000  }
0x38b: {  	_ =	swait.ge [sflag:s10], $0x1000  }
0x38c: {  	[sflag:s10] =	ssyncset.done $0x0  }
0x38d: {  	[sflag:s10] =	ssyncadd.s32 $0xFFFFF000  }
0x38e: {  	_ =	swait.ge [sflag:s10], $0x1000  }
0x38f: {  	[sflag:s10] =	ssyncset.done $0x0  }
0x390: {  	[sflag:s10] =	ssyncadd.s32 $0xFFFFF000  }
0x391: {  	_ =	swait.ge [sflag:s10], $0x1000  }
0x392: {  	[sflag:s10] =	ssyncset.done $0x0  }
0x393: {  	[sflag:s10] =	ssyncadd.s32 $0xFFFFF000  }
0x394: {  	_ =	swait.ge [sflag:s10], $0x1000  }
0x395: {  	[sflag:s10] =	ssyncset.done $0x0  }
0x396: {  	[sflag:s10] =	ssyncadd.s32 $0xFFFFF000  }
0x397: {  	_ =	swait.ge [sflag:s10], $0x1000  }
0x398: {  	[sflag:s10] =	ssyncset.done $0x0  }
0x399: {  	[sflag:s10] =	ssyncadd.s32 $0xFFFFF000  }
0x39a: {  	_ =	swait.ge [sflag:s10], $0x1000  }
0x39b: {  	[sflag:s10] =	ssyncset.done $0x0  }
0x39c: {  	[sflag:s10] =	ssyncadd.s32 $0xFFFFF000  }
0x39d: {  	_ =	swait.ge [sflag:s10], $0x1000  }
0x39e: {  	[sflag:s10] =	ssyncset.done $0x0  }
0x39f: {  	[sflag:s10] =	ssyncadd.s32 $0xFFFFF000  }
0x3a0: {  	_ =	swait.ge [sflag:s10], $0x1000  }
0x3a1: {  	[sflag:s10] =	ssyncset.done $0x0  }
0x3a2: {  	[sflag:s10] =	ssyncadd.s32 $0xFFFFF000  }
0x3a3: {  	_ =	swait.ge [sflag:s10], $0x1000  }
0x3a4: {  	[sflag:s10] =	ssyncset.done $0x0  }
0x3a5: {  	[sflag:s10] =	ssyncadd.s32 $0xFFFFF000  }
0x3a6: {  	_ =	swait.ge [sflag:s10], $0x1000  }
0x3a7: {  	[sflag:s10] =	ssyncset.done $0x0  }
0x3a8: {  	[sflag:s10] =	ssyncadd.s32 $0xFFFFF000  }
0x3a9: {  	_ =	swait.ge [sflag:s10], $0x1000  }
0x3aa: {  	[sflag:s10] =	ssyncset.done $0x0  }
0x3ab: {  	[sflag:s10] =	ssyncadd.s32 $0xFFFFF000  }
0x3ac: {  	_ =	swait.ge [sflag:s10], $0x1000  }
0x3ad: {  	p0 =	sne.s32 s4, $0x1;
	[sflag:s10] =	ssyncset.done $0x0  }
.Ltmp0:
0x3ae: {  	s13 =	rddreg [dreg:$0x3];
	[sflag:s10] =	ssyncadd.s32 $0xFFFFF000;
	(pc) =	sbr.rel @p0 .LBB2_1-.Ltmp0, $4  }
0x3af: {  	[hbm4b:s13+s2] =	stream.linear.scatter [tilespmem:s9], [sflag:$0x2], $0x1A000, $0x38;
	[tilespmem:$0x1BA00] =	vst v63  }
0x3b0: {  	_ =	swait.ge [sflag:s7], $0x1A000  }
0x3b1: {  	[sflag:s7] =	ssyncset.done $0x0  }
0x3b2: {  	s4 =	sadd.s32 $0xFFFFFFFF, s4;
	[sflag:s7] =	ssyncadd.s32 $0xFFFE6000  }
0x3b3: {  	_ =	sfence.sel $0x180000  }
0x3b4: {  	[bflag:$0x0] =	sbarrier.arrive $0xFFFF  }
0x3b5: {  	_ =	strace $0x90000047  }
0x3b6: {  	s0 =	stileid.u32;
	[bflag:$0x2] =	sbarrier.arrive $0xFFFF  }
0x3b7: {  	p0 =	sne.s32 s0, $0x0;
	s0 =	rddreg [dreg:$0x1]  }
0x3b8: {  	s0 =	sadd.s32 @!p0 $0x100000, s0  }
0x3b9: {  	[sflag:s0] =	ssyncadd.tile.s32 @!p0 $0x1;
	_ =	shalt  }
.Lfunc_end2:
_tile_overlayer_lowered:
.L_overlay_start_2:
0x3ba: {  	(tag) =	ssettag $0x2  }
0x3bb: {  	s0 =	rddreg [dreg:$0x0];
	s2 =	stileid.u32  }
0x3bc: {  	s1 =	rddreg [dreg:$0x1];
	p0 =	sne.s32 s2, $0x0  }
0x3bd: {  	s3 =	rddreg [dreg:$0x2];
	[bflag:$0x3] =	sbarrier.arrive $0xFFFF;
	s2 =	simm.s32 @!p0 $0x1C02  }
0x3be: {  	[timem:s3], [sflag:s2] =	dma.local @!p0 [hbm:s0], s1  }
0x3bf: {  	s0 =	simm.s32 @!p0 $0x2  }
0x3c0: {  	_ =	swait.ge @!p0 [sflag:s0], s1  }
0x3c1: {  	s1 =	ssub.s32 @!p0 $0x0, s1;
	[sflag:s0] =	ssyncset.done @!p0 $0x0  }
0x3c2: {  	[sflag:s0] =	ssyncadd.s32 @!p0 s1  }
0x3c3: {  	[bflag:$0x3] =	sbarrier.arrive $0xFFFF  }
0x3c4: {  	_ =	shalt  }

</sc_bundles>
